<compile_context>
chip_gen: v7x
topology: tpu7x:2x2x1
jax: 0.10.2.dev20260603
libtpu: 0.0.44.dev20260713+nightly
codegen_flags: <defaults>
</compile_context>

<pallas_src>
import functools

import jax
import jax.numpy as jnp
from jax import lax
from jax.experimental import pallas as pl
from jax.experimental.pallas import tpu as pltpu
from jax.experimental.pallas import tpu_sc as plsc

N = 10000
E = 320000
G = 256
A = 16
D = 128

NC = 2
NS = 16
NW = NC * NS

NP = 10240
CH = 128
CPW = -(-E // (NW * CH))
EP = NW * CPW * CH
CHP = 64
CPWP = EP // (NW * CHP)
NCHUNK = NW * CPWP
CHQ = 128
CPWQ = EP // (NW * CHQ)
NCHUNKQ = NW * CPWQ
RPT = NP // NS

_mesh = plsc.VectorSubcoreMesh(core_axis_name="c", subcore_axis_name="s")


def _zero16():
  return jnp.zeros((16,), jnp.float32)


@functools.partial(
    pl.kernel,
    out_type=[jax.ShapeDtypeStruct((EP,), jnp.float32),
              jax.ShapeDtypeStruct((2 * NP,), jnp.float32),
              jax.ShapeDtypeStruct((2 * NP,), jnp.float32)],
    mesh=_mesh,
    scratch_types=[
        pltpu.VMEM_SHARED((NP,), jnp.float32),
        pltpu.VMEM_SHARED((NP,), jnp.float32),
        pltpu.VMEM((CH,), jnp.int32),
        pltpu.VMEM((CH,), jnp.int32),
        pltpu.VMEM((CH,), jnp.float32),
        pltpu.VMEM((CH,), jnp.float32),
        pltpu.VMEM((CH,), jnp.float32),
        pltpu.VMEM((CH,), jnp.float32),
        pltpu.SemaphoreType.DMA,
        pltpu.SemaphoreType.DMA,
    ],
)
def _gat_scalar_pass(es_hbm, ed_hbm, src_hbm, dst_hbm,
                     ex_hbm, den_hbm, cnt_hbm,
                     dacc, cacc, sidx, didx, esb, edb, w_v, ones_v,
                     sem, sem2):
  cid = lax.axis_index("c")
  sid = lax.axis_index("s")
  wid = sid * NC + cid

  for j in range(CH // 16):
    ones_v[pl.ds(j * 16, 16)] = _zero16() + 1.0
    w_v[pl.ds(j * 16, 16)] = _zero16()
  for j in range(RPT // CH):
    pltpu.sync_copy(w_v, dacc.at[pl.ds(sid * RPT + j * CH, CH)])
    pltpu.sync_copy(w_v, cacc.at[pl.ds(sid * RPT + j * CH, CH)])
  plsc.subcore_barrier()

  @pl.loop(0, CPW)
  def _(ch):
    off = pl.multiple_of((wid * CPW + ch) * CH, CH)
    pltpu.sync_copy(src_hbm.at[pl.ds(off, CH)], sidx)
    pltpu.sync_copy(dst_hbm.at[pl.ds(off, CH)], didx)
    cp1 = pltpu.async_copy(es_hbm.at[sidx], esb, sem)
    cp2 = pltpu.async_copy(ed_hbm.at[didx], edb, sem2)
    cp1.wait()
    cp2.wait()

    for j in range(CH // 16):
      logit = esb[pl.ds(j * 16, 16)] + edb[pl.ds(j * 16, 16)]
      logit = jnp.maximum(logit, 0.2 * logit)
      w_v[pl.ds(j * 16, 16)] = jnp.exp(logit)

    pltpu.sync_copy(w_v, ex_hbm.at[pl.ds(off, CH)])
    pltpu.sync_copy(w_v, dacc.at[didx], add=True)
    pltpu.sync_copy(ones_v, cacc.at[didx], add=True)

  plsc.subcore_barrier()
  pltpu.sync_copy(dacc.at[pl.ds(sid * RPT, RPT)],
                  den_hbm.at[pl.ds(cid * NP + sid * RPT, RPT)])
  pltpu.sync_copy(cacc.at[pl.ds(sid * RPT, RPT)],
                  cnt_hbm.at[pl.ds(cid * NP + sid * RPT, RPT)])


@functools.partial(
    pl.kernel,
    out_type=jax.ShapeDtypeStruct((2 * NP, 128), jnp.float32),
    mesh=_mesh,
    scratch_types=[
        pltpu.VMEM_SHARED((NP, 128), jnp.float32),
        pltpu.VMEM((4, 2, CHP), jnp.int32),
        pltpu.VMEM((2, CHP, 16), jnp.float32),
        pltpu.VMEM((2, CHP, 128), jnp.float32),
        pltpu.SemaphoreType.DMA,
        pltpu.SemaphoreType.DMA,
        pltpu.SemaphoreType.DMA,
    ],
)
def _gat_row_pass(hw_hbm, exw_hbm, edata_hbm, part_hbm,
                  acc, eidx, wbuf, gath, gsem, isem, wsem):
  cid = lax.axis_index("c")
  sid = lax.axis_index("s")
  wid = sid * NC + cid
  cbase = wid * CPWP

  @pl.loop(0, CHP)
  def _(k):
    for c in range(8):
      gath[0, k, pl.ds(c * 16, 16)] = _zero16()

  for j in range(RPT // CHP):
    pltpu.sync_copy(gath.at[0], acc.at[pl.ds(sid * RPT + j * CHP, CHP)])
  plsc.subcore_barrier()

  pltpu.sync_copy(edata_hbm.at[cbase], eidx.at[0])
  pltpu.sync_copy(exw_hbm.at[pl.ds(cbase * CHP, CHP)], wbuf.at[0])
  pltpu.async_copy(edata_hbm.at[cbase + 1], eidx.at[1], isem)
  pltpu.async_copy(hw_hbm.at[eidx.at[0, 0]], gath.at[0], gsem)

  @pl.loop(0, CPWP)
  def _(i):
    b = lax.rem(i, 2)
    nb = lax.rem(i + 1, 2)
    q = lax.rem(i, 4)
    nq = lax.rem(i + 1, 4)
    pq = lax.rem(i + 2, 4)

    pltpu.make_async_copy(hw_hbm.at[eidx.at[q, 0]], gath.at[b], gsem).wait()

    @pl.when(i + 1 < CPWP)
    def _():
      pltpu.make_async_copy(
          edata_hbm.at[cbase + i + 1], eidx.at[nq], isem).wait()
      pltpu.async_copy(hw_hbm.at[eidx.at[nq, 0]], gath.at[nb], gsem)
      pltpu.async_copy(
          exw_hbm.at[pl.ds((cbase + i + 1) * CHP, CHP)], wbuf.at[nb], wsem)

    @pl.when(i + 2 < CPWP)
    def _():
      pltpu.async_copy(edata_hbm.at[cbase + i + 2], eidx.at[pq], isem)

    @pl.when(i >= 1)
    def _():
      pltpu.make_async_copy(
          exw_hbm.at[pl.ds(cbase * CHP, CHP)], wbuf.at[b], wsem).wait()

    @pl.loop(0, CHP // 2)
    def _(k2):
      for r in range(2):
        k = k2 * 2 + r
        wb = wbuf[b, k, pl.ds(0, 16)]
        for c in range(8):
          gath[b, k, pl.ds(c * 16, 16)] = wb * gath[b, k, pl.ds(c * 16, 16)]

    pltpu.sync_copy(gath.at[b], acc.at[eidx.at[q, 1]], add=True)

  plsc.subcore_barrier()
  pltpu.sync_copy(
      acc.at[pl.ds(sid * RPT, RPT)],
      part_hbm.at[pl.ds(cid * NP + sid * RPT, RPT)])


@functools.partial(
    pl.kernel,
    out_type=jax.ShapeDtypeStruct((2 * NP, 128), jnp.float32),
    mesh=_mesh,
    scratch_types=[
        pltpu.VMEM_SHARED((NP, 128), jnp.float32),
        pltpu.VMEM((CHQ,), jnp.int32),
        pltpu.VMEM((CHQ,), jnp.int32),
        pltpu.VMEM((CHQ,), jnp.int32),
        pltpu.VMEM((CHQ,), jnp.int32),
        pltpu.VMEM((CHQ, 128), jnp.float32),
        pltpu.VMEM((CHQ, 128), jnp.float32),
        pltpu.SemaphoreType.DMA,
        pltpu.SemaphoreType.DMA,
    ],
)
def _prop_pass(g_hbm, src_hbm, dst_hbm, part_hbm, acc,
               sidx0, didx0, sidx1, didx1, gath0, gath1, gsem, isem):
  cid = lax.axis_index("c")
  sid = lax.axis_index("s")
  wid = sid * NC + cid
  cbase = wid * CPWQ

  @pl.loop(0, CHQ)
  def _(k):
    for c in range(8):
      gath0[k, pl.ds(c * 16, 16)] = _zero16()

  for j in range(RPT // CHQ):
    pltpu.sync_copy(gath0, acc.at[pl.ds(sid * RPT + j * CHQ, CHQ)])
  plsc.subcore_barrier()

  off0 = pl.multiple_of(cbase * CHQ, CHQ)
  pltpu.sync_copy(src_hbm.at[pl.ds(off0, CHQ)], sidx0)
  pltpu.sync_copy(dst_hbm.at[pl.ds(off0, CHQ)], didx0)
  pltpu.async_copy(src_hbm.at[pl.ds(off0 + CHQ, CHQ)], sidx1, isem)
  pltpu.async_copy(dst_hbm.at[pl.ds(off0 + CHQ, CHQ)], didx1, isem)
  pltpu.async_copy(g_hbm.at[sidx0], gath0, gsem)

  def _halfstep(i, sidx_a, didx_a, gath_a, sidx_b, didx_b, gath_b):
    off = pl.multiple_of((cbase + i) * CHQ, CHQ)
    pltpu.make_async_copy(g_hbm.at[sidx_a], gath_a, gsem).wait()

    @pl.when(i + 1 < CPWQ)
    def _():
      pltpu.make_async_copy(
          src_hbm.at[pl.ds(off, CHQ)], sidx_b, isem).wait()
      pltpu.make_async_copy(
          dst_hbm.at[pl.ds(off, CHQ)], didx_b, isem).wait()
      pltpu.async_copy(g_hbm.at[sidx_b], gath_b, gsem)

    pltpu.sync_copy(gath_a, acc.at[didx_a], add=True)

    @pl.when(i + 2 < CPWQ)
    def _():
      pltpu.async_copy(src_hbm.at[pl.ds(off + 2 * CHQ, CHQ)], sidx_a, isem)
      pltpu.async_copy(dst_hbm.at[pl.ds(off + 2 * CHQ, CHQ)], didx_a, isem)

  @pl.loop(0, CPWQ // 2)
  def _(g2):
    i = g2 * 2
    _halfstep(i, sidx0, didx0, gath0, sidx1, didx1, gath1)
    _halfstep(i + 1, sidx1, didx1, gath1, sidx0, didx0, gath0)

  if CPWQ % 2 == 1:
    _halfstep(CPWQ - 1, sidx0, didx0, gath0, sidx1, didx1, gath1)

  plsc.subcore_barrier()
  pltpu.sync_copy(
      acc.at[pl.ds(sid * RPT, RPT)],
      part_hbm.at[pl.ds(cid * NP + sid * RPT, RPT)])


BN = 1024
GRID = NP // BN


def _tc1_body(x_ref, w_ref, asrc_ref, adst_ref, hw_ref, es_ref, ed_ref):
  hw = jnp.dot(x_ref[...], w_ref[...], preferred_element_type=jnp.float32)
  hw_ref[...] = hw
  es_ref[...] = jnp.sum(hw * asrc_ref[...], axis=1, keepdims=True)
  ed_ref[...] = jnp.sum(hw * adst_ref[...], axis=1, keepdims=True)


def _tcb_body(ex_ref, exw_ref):
  exw_ref[...] = jnp.broadcast_to(ex_ref[...], exw_ref.shape)


def _tc2_body(part_ref, den_ref, cnt_ref, g_ref, nrm_ref):
  num = part_ref[0] + part_ref[1]
  den = den_ref[0] + den_ref[1]
  cnt = cnt_ref[0] + cnt_ref[1]
  o = num / (den + 1e-16)
  h = jnp.where(o > 0, o, jnp.exp(jnp.minimum(o, 0.0)) - 1.0)
  nrm = lax.rsqrt(cnt + 1.0)
  g_ref[...] = h * nrm
  nrm_ref[...] = nrm


def _tc3_body(part_ref, g_ref, nrm_ref, w_ref, b_ref, out_ref):
  s = part_ref[0] + part_ref[1] + g_ref[...]
  agg = nrm_ref[...] * s
  h = jnp.maximum(
      jnp.dot(agg, w_ref[...], preferred_element_type=jnp.float32)
      + b_ref[...], 0.0)
  out_ref[...] = h * nrm_ref[...]


def _tc4_body(part_ref, g_ref, nrm_ref, w2_ref, b2_ref, wn0_ref, bn0_ref,
              wn1_ref, bn1_ref, wn2_ref, bn2_ref, batch_ref, pooled_ref):
  s = part_ref[0] + part_ref[1] + g_ref[...]
  agg = nrm_ref[...] * s
  h = jnp.maximum(
      jnp.dot(agg, w2_ref[...], preferred_element_type=jnp.float32)
      + b2_ref[...], 0.0)
  for w_ref, b_ref in ((wn0_ref, bn0_ref), (wn1_ref, bn1_ref),
                       (wn2_ref, bn2_ref)):
    h = jnp.maximum(
        jnp.dot(h, w_ref[...], preferred_element_type=jnp.float32)
        + b_ref[...], 0.0)
  iot = lax.broadcasted_iota(jnp.int32, (BN, G), 1)
  oh = (batch_ref[...] == iot).astype(jnp.float32)
  pb = lax.dot_general(oh, h, (((0,), (0,)), ((), ())),
                       preferred_element_type=jnp.float32)

  @pl.when(pl.program_id(0) == 0)
  def _():
    pooled_ref[...] = jnp.zeros_like(pooled_ref)

  pooled_ref[...] += pb


def _tc5_body(pooled_ref, w_ref, b_ref, out_ref):
  out_ref[...] = (
      jnp.dot(pooled_ref[...], w_ref[...], preferred_element_type=jnp.float32)
      + b_ref[...])


def _row_spec(width):
  return pl.BlockSpec((BN, width), lambda i: (i, 0))


def _full_spec(shape):
  nd = len(shape)
  return pl.BlockSpec(shape, lambda i, _nd=nd: (0,) * _nd)


_tc1 = pl.pallas_call(
    _tc1_body,
    grid=(GRID,),
    in_specs=[_row_spec(A), _full_spec((A, D)), _full_spec((1, D)),
              _full_spec((1, D))],
    out_specs=[_row_spec(D), _row_spec(1), _row_spec(1)],
    out_shape=[jax.ShapeDtypeStruct((NP, D), jnp.float32),
               jax.ShapeDtypeStruct((NP, 1), jnp.float32),
               jax.ShapeDtypeStruct((NP, 1), jnp.float32)],
)

BNE = 4096
_tcb = pl.pallas_call(
    _tcb_body,
    grid=(EP // BNE,),
    in_specs=[pl.BlockSpec((BNE, 1), lambda i: (i, 0))],
    out_specs=[pl.BlockSpec((BNE, 16), lambda i: (i, 0))],
    out_shape=[jax.ShapeDtypeStruct((EP, 16), jnp.float32)],
)

_tc2 = pl.pallas_call(
    _tc2_body,
    grid=(GRID,),
    in_specs=[pl.BlockSpec((2, BN, D), lambda i: (0, i, 0)),
              pl.BlockSpec((2, BN, 1), lambda i: (0, i, 0)),
              pl.BlockSpec((2, BN, 1), lambda i: (0, i, 0))],
    out_specs=[_row_spec(D), _row_spec(1)],
    out_shape=[jax.ShapeDtypeStruct((NP, D), jnp.float32),
               jax.ShapeDtypeStruct((NP, 1), jnp.float32)],
)

_tc3 = pl.pallas_call(
    _tc3_body,
    grid=(GRID,),
    in_specs=[pl.BlockSpec((2, BN, D), lambda i: (0, i, 0)), _row_spec(D),
              _row_spec(1), _full_spec((D, D)), _full_spec((1, D))],
    out_specs=[_row_spec(D)],
    out_shape=[jax.ShapeDtypeStruct((NP, D), jnp.float32)],
)

_tc4 = pl.pallas_call(
    _tc4_body,
    grid=(GRID,),
    in_specs=[pl.BlockSpec((2, BN, D), lambda i: (0, i, 0)), _row_spec(D),
              _row_spec(1)]
    + [_full_spec((D, D)), _full_spec((1, D))] * 4
    + [_row_spec(1)],
    out_specs=[pl.BlockSpec((G, D), lambda i: (0, 0))],
    out_shape=[jax.ShapeDtypeStruct((G, D), jnp.float32)],
)

_tc5 = pl.pallas_call(
    _tc5_body,
    grid=(1,),
    in_specs=[_full_spec((G, D)), _full_spec((D, 1)), _full_spec((1, 1))],
    out_specs=[_full_spec((G, 1))],
    out_shape=[jax.ShapeDtypeStruct((G, 1), jnp.float32)],
)


def kernel(x, edge_index, batch, W_gat, a_src, a_dst,
           W_gcn0, b_gcn0, W_gcn1, b_gcn1, W_gcn2, b_gcn2,
           W_no0, b_no0, W_no1, b_no1, W_no2, b_no2,
           W_out, b_out):
  x_p = jnp.zeros((NP, A), jnp.float32).at[:N].set(x)
  src_p = jnp.full((EP,), N, jnp.int32).at[:E].set(edge_index[0])
  dst_p = jnp.full((EP,), N, jnp.int32).at[:E].set(edge_index[1])
  batch_p = jnp.full((NP, 1), G, jnp.int32).at[:N, 0].set(batch)
  edata = jnp.stack([src_p.reshape(NCHUNK, CHP),
                     dst_p.reshape(NCHUNK, CHP)], axis=1)

  hw, es, ed = _tc1(x_p, W_gat, a_src.reshape(1, D), a_dst.reshape(1, D))

  ex, den_part, cnt_part = _gat_scalar_pass(es.reshape(NP), ed.reshape(NP),
                                            src_p, dst_p)
  (exw,) = _tcb(ex.reshape(EP, 1))
  part_g = _gat_row_pass(hw, exw, edata)
  g, nrm = _tc2(part_g.reshape(2, NP, D), den_part.reshape(2, NP, 1),
                cnt_part.reshape(2, NP, 1))

  for W, b in ((W_gcn0, b_gcn0), (W_gcn1, b_gcn1)):
    part = _prop_pass(g, src_p, dst_p)
    (g,) = _tc3(part.reshape(2, NP, D), g, nrm, W, b.reshape(1, D))

  part = _prop_pass(g, src_p, dst_p)
  (pooled,) = _tc4(part.reshape(2, NP, D), g, nrm,
                   W_gcn2, b_gcn2.reshape(1, D),
                   W_no0, b_no0.reshape(1, D),
                   W_no1, b_no1.reshape(1, D),
                   W_no2, b_no2.reshape(1, D),
                   batch_p)
  (out,) = _tc5(pooled, W_out, b_out.reshape(1, 1))
  return out

# --- scband reference (transcript-rebuilt; emitter-appended) ---
"""Pipeline reference for scband-global-local-interaction-model-74337293959556 (READ-ONLY COPY).

The authoritative reference and input builder live on the scoring server;
editing this copy changes nothing except your own understanding.
"""

import jax, jax.numpy as jnp
import numpy as np

N = 10000
E = 320000
G = 256
A = 16
D = 128


def setup_inputs(seed: int = 0) -> dict:
    key = jax.random.key(seed)
    ks = jax.random.split(key, 24)
    s = 0.1
    inp = {}
    inp['x'] = jax.random.normal(ks[0], (N, A), dtype=jnp.float32)
    inp['edge_index'] = jax.random.randint(ks[1], (2, E), 0, N, dtype=jnp.int32)
    inp['batch'] = jnp.sort(jax.random.randint(ks[2], (N,), 0, G, dtype=jnp.int32))
    # GAT layer (gat_depth=1): atom_channels -> out_features
    inp['W_gat'] = jax.random.normal(ks[3], (A, D), dtype=jnp.float32) * s
    inp['a_src'] = jax.random.normal(ks[4], (D,), dtype=jnp.float32) * s
    inp['a_dst'] = jax.random.normal(ks[5], (D,), dtype=jnp.float32) * s
    # GCN layers (gcn_depth=3): out_features -> out_features
    for i in range(3):
        inp['W_gcn%d' % i] = jax.random.normal(ks[6 + 2 * i], (D, D), dtype=jnp.float32) * s
        inp['b_gcn%d' % i] = jnp.zeros((D,), dtype=jnp.float32)
    # chem_info_node_out: out_depth=3 Linear(D,D)+ReLU
    for i in range(3):
        inp['W_no%d' % i] = jax.random.normal(ks[12 + 2 * i], (D, D), dtype=jnp.float32) * s
        inp['b_no%d' % i] = jnp.zeros((D,), dtype=jnp.float32)
    # chem_info_out: Linear(D, 1)
    inp['W_out'] = jax.random.normal(ks[18], (D, 1), dtype=jnp.float32) * s
    inp['b_out'] = jnp.zeros((1,), dtype=jnp.float32)
    return inp


def _gat_layer(h, src, dst, W, a_src, a_dst):
    hW = h @ W                               # [N, D]
    e_src = (hW * a_src).sum(-1)             # [N]
    e_dst = (hW * a_dst).sum(-1)             # [N]
    logits = jax.nn.leaky_relu(e_src[src] + e_dst[dst], negative_slope=0.2)  # [E]
    # segment softmax over incoming edges of each dst node
    lmax = jax.ops.segment_max(logits, dst, num_segments=N)
    lmax = jnp.where(jnp.isfinite(lmax), lmax, 0.0)
    ex = jnp.exp(logits - lmax[dst])
    denom = jax.ops.segment_sum(ex, dst, num_segments=N)
    alpha = ex / (denom[dst] + 1e-16)        # [E]
    out = jax.ops.segment_sum(alpha[:, None] * hW[src], dst, num_segments=N)
    return jax.nn.elu(out)


def _gcn_layer(h, src, dst, W, b):
    deg = jax.ops.segment_sum(jnp.ones((src.shape[0],), jnp.float32), dst, num_segments=N) + 1.0
    norm = deg ** -0.5
    msg = h[src] * (norm[src] * norm[dst])[:, None]
    agg = jax.ops.segment_sum(msg, dst, num_segments=N) + h * (norm * norm)[:, None]
    return jax.nn.relu(agg @ W + b)


def reference(x, edge_index, batch, W_gat, a_src, a_dst,
              W_gcn0, b_gcn0, W_gcn1, b_gcn1, W_gcn2, b_gcn2,
              W_no0, b_no0, W_no1, b_no1, W_no2, b_no2,
              W_out, b_out):
    src = edge_index[0]
    dst = edge_index[1]
    # Baseline_Models('gat_gcn'): gat_depth=1 then gcn_depth=3
    h = _gat_layer(x, src, dst, W_gat, a_src, a_dst)
    h = _gcn_layer(h, src, dst, W_gcn0, b_gcn0)
    h = _gcn_layer(h, src, dst, W_gcn1, b_gcn1)
    h = _gcn_layer(h, src, dst, W_gcn2, b_gcn2)
    # chem_info_node_out MLP
    h = jax.nn.relu(h @ W_no0 + b_no0)
    h = jax.nn.relu(h @ W_no1 + b_no1)
    h = jax.nn.relu(h @ W_no2 + b_no2)
    # global_add_pool over graph ids, then final linear
    pooled = jax.ops.segment_sum(h, batch, num_segments=G)   # [G, D]
    result = pooled @ W_out + b_out                          # [G, 1]
    return result

if __name__ == "__main__":
    import jax
    _d = setup_inputs()
    print(jax.jit(kernel)(*tuple(_d.values())))

</pallas_src>

<mosaic_0001>
#map = affine_map<(d0, d1) -> (0, 0)>
#map1 = affine_map<(d0, d1) -> (0, 0, 0)>
module attributes {stable_mosaic.version = 14 : i64} {
  func.func @_gat_row_pass(%arg0: i32, %arg1: i32, %arg2: memref<10240x128xf32, #tpu.memory_space<hbm>>, %arg3: memref<323584x16xf32, #tpu.memory_space<hbm>>, %arg4: memref<5056x2x64xi32, #tpu.memory_space<hbm>>, %arg5: memref<20480x128xf32, #tpu.memory_space<hbm>>, %arg6: memref<10240x128xf32, #tpu.memory_space<vmem_shared>>, %arg7: memref<4x2x64xi32, #tpu.memory_space<vmem>>, %arg8: memref<2x64x16xf32, #tpu.memory_space<vmem>>, %arg9: memref<2x64x128xf32, #tpu.memory_space<vmem>>, %arg10: memref<!tpu.dma_semaphore, #tpu.memory_space<semaphore_mem>>, %arg11: memref<!tpu.dma_semaphore, #tpu.memory_space<semaphore_mem>>, %arg12: memref<!tpu.dma_semaphore, #tpu.memory_space<semaphore_mem>>) attributes {dimension_semantics = [#tpu.dimension_semantics<core_parallel>, #tpu.dimension_semantics<subcore_parallel>], iteration_bounds = array<i64: 2, 16>, scalar_prefetch = 0 : i64, scratch_operands = 7 : i64, tpu.core_type = #tpu.core_type<sc_vector_subcore>, window_params = [{transform_indices = #map}, {transform_indices = #map}, {transform_indices = #map1}, {transform_indices = #map}]} {
    %mul3A = arith.constant 2 : i32
    %mul3A_0 = arith.muli %arg1, %mul3A : i32
    %add3A = arith.addi %mul3A_0, %arg0 : i32
    %mul3A_1 = arith.constant 158 : i32
    %mul3A_2 = arith.muli %add3A, %mul3A_1 : i32
    %scan3A = arith.constant 0 : i32
    %scan3A_3 = arith.constant 64 : i32
    %scan3A_4 = arith.addi %scan3A, %scan3A_3 : i32
    %scan3A_5 = arith.constant 1 : i32
    scf.for %scan3A_104 = %scan3A to %scan3A_4 step %scan3A_5  : i32 {
      %mul3A_105 = arith.constant 1 : i32
      %mul3A_106 = arith.muli %scan3A_104, %mul3A_105 : i32
      %add3A_107 = arith.constant 0 : i32
      %add3A_108 = arith.addi %add3A_107, %mul3A_106 : i32
      %broadcast_in_dim3A = arith.constant 0.000000e+00 : f32
      %broadcast_in_dim3A_109 = vector.broadcast %broadcast_in_dim3A : f32 to vector<16xf32>
      %swap3A = arith.constant 0 : i32
      %swap3A_110 = arith.index_cast %swap3A : i32 to index
      %swap3A_111 = arith.index_cast %add3A_108 : i32 to index
      %swap3A_112 = arith.constant 0 : index
      %swap3A_113 = tpu.vector_load %arg9[%swap3A_110, %swap3A_111, %swap3A_112] {strides = array<i32>} : memref<2x64x128xf32, #tpu.memory_space<vmem>>, vector<1x1x16xf32>,
      %swap3A_114 = vector.shape_cast %swap3A_113 : vector<1x1x16xf32> to vector<16xf32>
      %swap3A_115 = vector.shape_cast %broadcast_in_dim3A_109 : vector<16xf32> to vector<1x1x16xf32>
      tpu.vector_store %arg9[%swap3A_110, %swap3A_111, %swap3A_112], %swap3A_115 {strides = array<i32>} : memref<2x64x128xf32, #tpu.memory_space<vmem>>, vector<1x1x16xf32>,
      %broadcast_in_dim3A_116 = arith.constant 0.000000e+00 : f32
      %broadcast_in_dim3A_117 = vector.broadcast %broadcast_in_dim3A_116 : f32 to vector<16xf32>
      %swap3A_118 = arith.constant 0 : i32
      %swap3A_119 = arith.index_cast %swap3A_118 : i32 to index
      %swap3A_120 = arith.index_cast %add3A_108 : i32 to index
      %swap3A_121 = arith.constant 16 : index
      %swap3A_122 = tpu.vector_load %arg9[%swap3A_119, %swap3A_120, %swap3A_121] {strides = array<i32>} : memref<2x64x128xf32, #tpu.memory_space<vmem>>, vector<1x1x16xf32>,
      %swap3A_123 = vector.shape_cast %swap3A_122 : vector<1x1x16xf32> to vector<16xf32>
      %swap3A_124 = vector.shape_cast %broadcast_in_dim3A_117 : vector<16xf32> to vector<1x1x16xf32>
      tpu.vector_store %arg9[%swap3A_119, %swap3A_120, %swap3A_121], %swap3A_124 {strides = array<i32>} : memref<2x64x128xf32, #tpu.memory_space<vmem>>, vector<1x1x16xf32>,
      %broadcast_in_dim3A_125 = arith.constant 0.000000e+00 : f32
      %broadcast_in_dim3A_126 = vector.broadcast %broadcast_in_dim3A_125 : f32 to vector<16xf32>
      %swap3A_127 = arith.constant 0 : i32
      %swap3A_128 = arith.index_cast %swap3A_127 : i32 to index
      %swap3A_129 = arith.index_cast %add3A_108 : i32 to index
      %swap3A_130 = arith.constant 32 : index
      %swap3A_131 = tpu.vector_load %arg9[%swap3A_128, %swap3A_129, %swap3A_130] {strides = array<i32>} : memref<2x64x128xf32, #tpu.memory_space<vmem>>, vector<1x1x16xf32>,
      %swap3A_132 = vector.shape_cast %swap3A_131 : vector<1x1x16xf32> to vector<16xf32>
      %swap3A_133 = vector.shape_cast %broadcast_in_dim3A_126 : vector<16xf32> to vector<1x1x16xf32>
      tpu.vector_store %arg9[%swap3A_128, %swap3A_129, %swap3A_130], %swap3A_133 {strides = array<i32>} : memref<2x64x128xf32, #tpu.memory_space<vmem>>, vector<1x1x16xf32>,
      %broadcast_in_dim3A_134 = arith.constant 0.000000e+00 : f32
      %broadcast_in_dim3A_135 = vector.broadcast %broadcast_in_dim3A_134 : f32 to vector<16xf32>
      %swap3A_136 = arith.constant 0 : i32
      %swap3A_137 = arith.index_cast %swap3A_136 : i32 to index
      %swap3A_138 = arith.index_cast %add3A_108 : i32 to index
      %swap3A_139 = arith.constant 48 : index
      %swap3A_140 = tpu.vector_load %arg9[%swap3A_137, %swap3A_138, %swap3A_139] {strides = array<i32>} : memref<2x64x128xf32, #tpu.memory_space<vmem>>, vector<1x1x16xf32>,
      %swap3A_141 = vector.shape_cast %swap3A_140 : vector<1x1x16xf32> to vector<16xf32>
      %swap3A_142 = vector.shape_cast %broadcast_in_dim3A_135 : vector<16xf32> to vector<1x1x16xf32>
      tpu.vector_store %arg9[%swap3A_137, %swap3A_138, %swap3A_139], %swap3A_142 {strides = array<i32>} : memref<2x64x128xf32, #tpu.memory_space<vmem>>, vector<1x1x16xf32>,
      %broadcast_in_dim3A_143 = arith.constant 0.000000e+00 : f32
      %broadcast_in_dim3A_144 = vector.broadcast %broadcast_in_dim3A_143 : f32 to vector<16xf32>
      %swap3A_145 = arith.constant 0 : i32
      %swap3A_146 = arith.index_cast %swap3A_145 : i32 to index
      %swap3A_147 = arith.index_cast %add3A_108 : i32 to index
      %swap3A_148 = arith.constant 64 : index
      %swap3A_149 = tpu.vector_load %arg9[%swap3A_146, %swap3A_147, %swap3A_148] {strides = array<i32>} : memref<2x64x128xf32, #tpu.memory_space<vmem>>, vector<1x1x16xf32>,
      %swap3A_150 = vector.shape_cast %swap3A_149 : vector<1x1x16xf32> to vector<16xf32>
      %swap3A_151 = vector.shape_cast %broadcast_in_dim3A_144 : vector<16xf32> to vector<1x1x16xf32>
      tpu.vector_store %arg9[%swap3A_146, %swap3A_147, %swap3A_148], %swap3A_151 {strides = array<i32>} : memref<2x64x128xf32, #tpu.memory_space<vmem>>, vector<1x1x16xf32>,
      %broadcast_in_dim3A_152 = arith.constant 0.000000e+00 : f32
      %broadcast_in_dim3A_153 = vector.broadcast %broadcast_in_dim3A_152 : f32 to vector<16xf32>
      %swap3A_154 = arith.constant 0 : i32
      %swap3A_155 = arith.index_cast %swap3A_154 : i32 to index
      %swap3A_156 = arith.index_cast %add3A_108 : i32 to index
      %swap3A_157 = arith.constant 80 : index
      %swap3A_158 = tpu.vector_load %arg9[%swap3A_155, %swap3A_156, %swap3A_157] {strides = array<i32>} : memref<2x64x128xf32, #tpu.memory_space<vmem>>, vector<1x1x16xf32>,
      %swap3A_159 = vector.shape_cast %swap3A_158 : vector<1x1x16xf32> to vector<16xf32>
      %swap3A_160 = vector.shape_cast %broadcast_in_dim3A_153 : vector<16xf32> to vector<1x1x16xf32>
      tpu.vector_store %arg9[%swap3A_155, %swap3A_156, %swap3A_157], %swap3A_160 {strides = array<i32>} : memref<2x64x128xf32, #tpu.memory_space<vmem>>, vector<1x1x16xf32>,
      %broadcast_in_dim3A_161 = arith.constant 0.000000e+00 : f32
      %broadcast_in_dim3A_162 = vector.broadcast %broadcast_in_dim3A_161 : f32 to vector<16xf32>
      %swap3A_163 = arith.constant 0 : i32
      %swap3A_164 = arith.index_cast %swap3A_163 : i32 to index
      %swap3A_165 = arith.index_cast %add3A_108 : i32 to index
      %swap3A_166 = arith.constant 96 : index
      %swap3A_167 = tpu.vector_load %arg9[%swap3A_164, %swap3A_165, %swap3A_166] {strides = array<i32>} : memref<2x64x128xf32, #tpu.memory_space<vmem>>, vector<1x1x16xf32>,
      %swap3A_168 = vector.shape_cast %swap3A_167 : vector<1x1x16xf32> to vector<16xf32>
      %swap3A_169 = vector.shape_cast %broadcast_in_dim3A_162 : vector<16xf32> to vector<1x1x16xf32>
      tpu.vector_store %arg9[%swap3A_164, %swap3A_165, %swap3A_166], %swap3A_169 {strides = array<i32>} : memref<2x64x128xf32, #tpu.memory_space<vmem>>, vector<1x1x16xf32>,
      %broadcast_in_dim3A_170 = arith.constant 0.000000e+00 : f32
      %broadcast_in_dim3A_171 = vector.broadcast %broadcast_in_dim3A_170 : f32 to vector<16xf32>
      %swap3A_172 = arith.constant 0 : i32
      %swap3A_173 = arith.index_cast %swap3A_172 : i32 to index
      %swap3A_174 = arith.index_cast %add3A_108 : i32 to index
      %swap3A_175 = arith.constant 112 : index
      %swap3A_176 = tpu.vector_load %arg9[%swap3A_173, %swap3A_174, %swap3A_175] {strides = array<i32>} : memref<2x64x128xf32, #tpu.memory_space<vmem>>, vector<1x1x16xf32>,
      %swap3A_177 = vector.shape_cast %swap3A_176 : vector<1x1x16xf32> to vector<16xf32>
      %swap3A_178 = vector.shape_cast %broadcast_in_dim3A_171 : vector<16xf32> to vector<1x1x16xf32>
      tpu.vector_store %arg9[%swap3A_173, %swap3A_174, %swap3A_175], %swap3A_178 {strides = array<i32>} : memref<2x64x128xf32, #tpu.memory_space<vmem>>, vector<1x1x16xf32>,
    }
    %scan3A_6 = arith.constant 64 : i32
    %mul3A_7 = arith.constant 640 : i32
    %mul3A_8 = arith.muli %arg1, %mul3A_7 : i32
    %add3A_9 = arith.constant 0 : i32
    %add3A_10 = arith.addi %mul3A_8, %add3A_9 : i32
    %run_scoped3A = arith.constant 0 : i32
    "tpu.region"() ({
      %run_scoped3A_104 = tpu.sem_alloc : memref<!tpu.dma_semaphore, #tpu.memory_space<semaphore_mem>>
      %dma_start3A_105 = arith.constant 0 : i32
      %dma_start3A_106 = arith.constant 0 : i32
      %dma_start3A_107 = tpu.memref_slice %arg9[%run_scoped3A, %dma_start3A_105, %dma_start3A_106] : memref<2x64x128xf32, #tpu.memory_space<vmem>> -> memref<1x64x128xf32, #tpu.memory_space<vmem>>
      %dma_start3A_108 = tpu.memref_squeeze %dma_start3A_107 : memref<1x64x128xf32, #tpu.memory_space<vmem>> -> memref<64x128xf32, #tpu.memory_space<vmem>>
      %dma_start3A_109 = arith.constant 0 : i32
      %dma_start3A_110 = tpu.memref_slice %arg6[%add3A_10, %dma_start3A_109] : memref<10240x128xf32, #tpu.memory_space<vmem_shared>> -> memref<64x128xf32, #tpu.memory_space<vmem_shared>>
      %dma_start3A_111 = arith.constant 0 : i32
      %dma_start3A_112 = tpu.memref_slice %arg6[%add3A_10, %dma_start3A_111] : memref<10240x128xf32, #tpu.memory_space<vmem_shared>> -> memref<64x128xf32, #tpu.memory_space<vmem_shared>>
      %dma_start3A_113 = arith.constant 0 : i32
      %dma_start3A_114 = arith.constant 0 : i32
      %dma_start3A_115 = tpu.memref_slice %arg9[%run_scoped3A, %dma_start3A_113, %dma_start3A_114] : memref<2x64x128xf32, #tpu.memory_space<vmem>> -> memref<1x64x128xf32, #tpu.memory_space<vmem>>
      %dma_start3A_116 = tpu.memref_squeeze %dma_start3A_115 : memref<1x64x128xf32, #tpu.memory_space<vmem>> -> memref<64x128xf32, #tpu.memory_space<vmem>>
      tpu.enqueue_dma source(%dma_start3A_116 : memref<64x128xf32, #tpu.memory_space<vmem>>) target(%dma_start3A_112 : memref<64x128xf32, #tpu.memory_space<vmem_shared>>) target_semaphore(%run_scoped3A_104 : memref<!tpu.dma_semaphore, #tpu.memory_space<semaphore_mem>>)
      %dma_wait3A = arith.constant 0 : i32
      %dma_wait3A_117 = arith.constant 0 : i32
      %dma_wait3A_118 = tpu.memref_slice %arg9[%run_scoped3A, %dma_wait3A, %dma_wait3A_117] : memref<2x64x128xf32, #tpu.memory_space<vmem>> -> memref<1x64x128xf32, #tpu.memory_space<vmem>>
      %dma_wait3A_119 = tpu.memref_squeeze %dma_wait3A_118 : memref<1x64x128xf32, #tpu.memory_space<vmem>> -> memref<64x128xf32, #tpu.memory_space<vmem>>
      %dma_wait3A_120 = arith.constant 0 : i32
      %dma_wait3A_121 = tpu.memref_slice %arg6[%add3A_10, %dma_wait3A_120] : memref<10240x128xf32, #tpu.memory_space<vmem_shared>> -> memref<64x128xf32, #tpu.memory_space<vmem_shared>>
      %dma_wait3A_122 = arith.constant 0 : i32
      %dma_wait3A_123 = tpu.memref_slice %arg6[%add3A_10, %dma_wait3A_122] : memref<10240x128xf32, #tpu.memory_space<vmem_shared>> -> memref<64x128xf32, #tpu.memory_space<vmem_shared>>
      %dma_wait3A_124 = arith.constant 0 : i32
      %dma_wait3A_125 = arith.constant 0 : i32
      %dma_wait3A_126 = tpu.memref_slice %arg9[%run_scoped3A, %dma_wait3A_124, %dma_wait3A_125] : memref<2x64x128xf32, #tpu.memory_space<vmem>> -> memref<1x64x128xf32, #tpu.memory_space<vmem>>
      %dma_wait3A_127 = tpu.memref_squeeze %dma_wait3A_126 : memref<1x64x128xf32, #tpu.memory_space<vmem>> -> memref<64x128xf32, #tpu.memory_space<vmem>>
      tpu.wait_dma2 semaphore(%run_scoped3A_104 : memref<!tpu.dma_semaphore, #tpu.memory_space<semaphore_mem>>) src(%dma_wait3A_127 : memref<64x128xf32, #tpu.memory_space<vmem>>) dst(%dma_wait3A_123 : memref<64x128xf32, #tpu.memory_space<vmem_shared>>)
      tpu.yield
    }) : () -> ()
    %mul3A_11 = arith.constant 640 : i32
    %mul3A_12 = arith.muli %arg1, %mul3A_11 : i32
    %add3A_13 = arith.constant 64 : i32
    %add3A_14 = arith.addi %mul3A_12, %add3A_13 : i32
    %run_scoped3A_15 = arith.constant 0 : i32
    "tpu.region"() ({
      %run_scoped3A_104 = tpu.sem_alloc : memref<!tpu.dma_semaphore, #tpu.memory_space<semaphore_mem>>
      %dma_start3A_105 = arith.constant 0 : i32
      %dma_start3A_106 = arith.constant 0 : i32
      %dma_start3A_107 = tpu.memref_slice %arg9[%run_scoped3A_15, %dma_start3A_105, %dma_start3A_106] : memref<2x64x128xf32, #tpu.memory_space<vmem>> -> memref<1x64x128xf32, #tpu.memory_space<vmem>>
      %dma_start3A_108 = tpu.memref_squeeze %dma_start3A_107 : memref<1x64x128xf32, #tpu.memory_space<vmem>> -> memref<64x128xf32, #tpu.memory_space<vmem>>
      %dma_start3A_109 = arith.constant 0 : i32
      %dma_start3A_110 = tpu.memref_slice %arg6[%add3A_14, %dma_start3A_109] : memref<10240x128xf32, #tpu.memory_space<vmem_shared>> -> memref<64x128xf32, #tpu.memory_space<vmem_shared>>
      %dma_start3A_111 = arith.constant 0 : i32
      %dma_start3A_112 = tpu.memref_slice %arg6[%add3A_14, %dma_start3A_111] : memref<10240x128xf32, #tpu.memory_space<vmem_shared>> -> memref<64x128xf32, #tpu.memory_space<vmem_shared>>
      %dma_start3A_113 = arith.constant 0 : i32
      %dma_start3A_114 = arith.constant 0 : i32
      %dma_start3A_115 = tpu.memref_slice %arg9[%run_scoped3A_15, %dma_start3A_113, %dma_start3A_114] : memref<2x64x128xf32, #tpu.memory_space<vmem>> -> memref<1x64x128xf32, #tpu.memory_space<vmem>>
      %dma_start3A_116 = tpu.memref_squeeze %dma_start3A_115 : memref<1x64x128xf32, #tpu.memory_space<vmem>> -> memref<64x128xf32, #tpu.memory_space<vmem>>
      tpu.enqueue_dma source(%dma_start3A_116 : memref<64x128xf32, #tpu.memory_space<vmem>>) target(%dma_start3A_112 : memref<64x128xf32, #tpu.memory_space<vmem_shared>>) target_semaphore(%run_scoped3A_104 : memref<!tpu.dma_semaphore, #tpu.memory_space<semaphore_mem>>)
      %dma_wait3A = arith.constant 0 : i32
      %dma_wait3A_117 = arith.constant 0 : i32
      %dma_wait3A_118 = tpu.memref_slice %arg9[%run_scoped3A_15, %dma_wait3A, %dma_wait3A_117] : memref<2x64x128xf32, #tpu.memory_space<vmem>> -> memref<1x64x128xf32, #tpu.memory_space<vmem>>
      %dma_wait3A_119 = tpu.memref_squeeze %dma_wait3A_118 : memref<1x64x128xf32, #tpu.memory_space<vmem>> -> memref<64x128xf32, #tpu.memory_space<vmem>>
      %dma_wait3A_120 = arith.constant 0 : i32
      %dma_wait3A_121 = tpu.memref_slice %arg6[%add3A_14, %dma_wait3A_120] : memref<10240x128xf32, #tpu.memory_space<vmem_shared>> -> memref<64x128xf32, #tpu.memory_space<vmem_shared>>
      %dma_wait3A_122 = arith.constant 0 : i32
      %dma_wait3A_123 = tpu.memref_slice %arg6[%add3A_14, %dma_wait3A_122] : memref<10240x128xf32, #tpu.memory_space<vmem_shared>> -> memref<64x128xf32, #tpu.memory_space<vmem_shared>>
      %dma_wait3A_124 = arith.constant 0 : i32
      %dma_wait3A_125 = arith.constant 0 : i32
      %dma_wait3A_126 = tpu.memref_slice %arg9[%run_scoped3A_15, %dma_wait3A_124, %dma_wait3A_125] : memref<2x64x128xf32, #tpu.memory_space<vmem>> -> memref<1x64x128xf32, #tpu.memory_space<vmem>>
      %dma_wait3A_127 = tpu.memref_squeeze %dma_wait3A_126 : memref<1x64x128xf32, #tpu.memory_space<vmem>> -> memref<64x128xf32, #tpu.memory_space<vmem>>
      tpu.wait_dma2 semaphore(%run_scoped3A_104 : memref<!tpu.dma_semaphore, #tpu.memory_space<semaphore_mem>>) src(%dma_wait3A_127 : memref<64x128xf32, #tpu.memory_space<vmem>>) dst(%dma_wait3A_123 : memref<64x128xf32, #tpu.memory_space<vmem_shared>>)
      tpu.yield
    }) : () -> ()
    %mul3A_16 = arith.constant 640 : i32
    %mul3A_17 = arith.muli %arg1, %mul3A_16 : i32
    %add3A_18 = arith.constant 128 : i32
    %add3A_19 = arith.addi %mul3A_17, %add3A_18 : i32
    %run_scoped3A_20 = arith.constant 0 : i32
    "tpu.region"() ({
      %run_scoped3A_104 = tpu.sem_alloc : memref<!tpu.dma_semaphore, #tpu.memory_space<semaphore_mem>>
      %dma_start3A_105 = arith.constant 0 : i32
      %dma_start3A_106 = arith.constant 0 : i32
      %dma_start3A_107 = tpu.memref_slice %arg9[%run_scoped3A_20, %dma_start3A_105, %dma_start3A_106] : memref<2x64x128xf32, #tpu.memory_space<vmem>> -> memref<1x64x128xf32, #tpu.memory_space<vmem>>
      %dma_start3A_108 = tpu.memref_squeeze %dma_start3A_107 : memref<1x64x128xf32, #tpu.memory_space<vmem>> -> memref<64x128xf32, #tpu.memory_space<vmem>>
      %dma_start3A_109 = arith.constant 0 : i32
      %dma_start3A_110 = tpu.memref_slice %arg6[%add3A_19, %dma_start3A_109] : memref<10240x128xf32, #tpu.memory_space<vmem_shared>> -> memref<64x128xf32, #tpu.memory_space<vmem_shared>>
      %dma_start3A_111 = arith.constant 0 : i32
      %dma_start3A_112 = tpu.memref_slice %arg6[%add3A_19, %dma_start3A_111] : memref<10240x128xf32, #tpu.memory_space<vmem_shared>> -> memref<64x128xf32, #tpu.memory_space<vmem_shared>>
      %dma_start3A_113 = arith.constant 0 : i32
      %dma_start3A_114 = arith.constant 0 : i32
      %dma_start3A_115 = tpu.memref_slice %arg9[%run_scoped3A_20, %dma_start3A_113, %dma_start3A_114] : memref<2x64x128xf32, #tpu.memory_space<vmem>> -> memref<1x64x128xf32, #tpu.memory_space<vmem>>
      %dma_start3A_116 = tpu.memref_squeeze %dma_start3A_115 : memref<1x64x128xf32, #tpu.memory_space<vmem>> -> memref<64x128xf32, #tpu.memory_space<vmem>>
      tpu.enqueue_dma source(%dma_start3A_116 : memref<64x128xf32, #tpu.memory_space<vmem>>) target(%dma_start3A_112 : memref<64x128xf32, #tpu.memory_space<vmem_shared>>) target_semaphore(%run_scoped3A_104 : memref<!tpu.dma_semaphore, #tpu.memory_space<semaphore_mem>>)
      %dma_wait3A = arith.constant 0 : i32
      %dma_wait3A_117 = arith.constant 0 : i32
      %dma_wait3A_118 = tpu.memref_slice %arg9[%run_scoped3A_20, %dma_wait3A, %dma_wait3A_117] : memref<2x64x128xf32, #tpu.memory_space<vmem>> -> memref<1x64x128xf32, #tpu.memory_space<vmem>>
      %dma_wait3A_119 = tpu.memref_squeeze %dma_wait3A_118 : memref<1x64x128xf32, #tpu.memory_space<vmem>> -> memref<64x128xf32, #tpu.memory_space<vmem>>
      %dma_wait3A_120 = arith.constant 0 : i32
      %dma_wait3A_121 = tpu.memref_slice %arg6[%add3A_19, %dma_wait3A_120] : memref<10240x128xf32, #tpu.memory_space<vmem_shared>> -> memref<64x128xf32, #tpu.memory_space<vmem_shared>>
      %dma_wait3A_122 = arith.constant 0 : i32
      %dma_wait3A_123 = tpu.memref_slice %arg6[%add3A_19, %dma_wait3A_122] : memref<10240x128xf32, #tpu.memory_space<vmem_shared>> -> memref<64x128xf32, #tpu.memory_space<vmem_shared>>
      %dma_wait3A_124 = arith.constant 0 : i32
      %dma_wait3A_125 = arith.constant 0 : i32
      %dma_wait3A_126 = tpu.memref_slice %arg9[%run_scoped3A_20, %dma_wait3A_124, %dma_wait3A_125] : memref<2x64x128xf32, #tpu.memory_space<vmem>> -> memref<1x64x128xf32, #tpu.memory_space<vmem>>
      %dma_wait3A_127 = tpu.memref_squeeze %dma_wait3A_126 : memref<1x64x128xf32, #tpu.memory_space<vmem>> -> memref<64x128xf32, #tpu.memory_space<vmem>>
      tpu.wait_dma2 semaphore(%run_scoped3A_104 : memref<!tpu.dma_semaphore, #tpu.memory_space<semaphore_mem>>) src(%dma_wait3A_127 : memref<64x128xf32, #tpu.memory_space<vmem>>) dst(%dma_wait3A_123 : memref<64x128xf32, #tpu.memory_space<vmem_shared>>)
      tpu.yield
    }) : () -> ()
    %mul3A_21 = arith.constant 640 : i32
    %mul3A_22 = arith.muli %arg1, %mul3A_21 : i32
    %add3A_23 = arith.constant 192 : i32
    %add3A_24 = arith.addi %mul3A_22, %add3A_23 : i32
    %run_scoped3A_25 = arith.constant 0 : i32
    "tpu.region"() ({
      %run_scoped3A_104 = tpu.sem_alloc : memref<!tpu.dma_semaphore, #tpu.memory_space<semaphore_mem>>
      %dma_start3A_105 = arith.constant 0 : i32
      %dma_start3A_106 = arith.constant 0 : i32
      %dma_start3A_107 = tpu.memref_slice %arg9[%run_scoped3A_25, %dma_start3A_105, %dma_start3A_106] : memref<2x64x128xf32, #tpu.memory_space<vmem>> -> memref<1x64x128xf32, #tpu.memory_space<vmem>>
      %dma_start3A_108 = tpu.memref_squeeze %dma_start3A_107 : memref<1x64x128xf32, #tpu.memory_space<vmem>> -> memref<64x128xf32, #tpu.memory_space<vmem>>
      %dma_start3A_109 = arith.constant 0 : i32
      %dma_start3A_110 = tpu.memref_slice %arg6[%add3A_24, %dma_start3A_109] : memref<10240x128xf32, #tpu.memory_space<vmem_shared>> -> memref<64x128xf32, #tpu.memory_space<vmem_shared>>
      %dma_start3A_111 = arith.constant 0 : i32
      %dma_start3A_112 = tpu.memref_slice %arg6[%add3A_24, %dma_start3A_111] : memref<10240x128xf32, #tpu.memory_space<vmem_shared>> -> memref<64x128xf32, #tpu.memory_space<vmem_shared>>
      %dma_start3A_113 = arith.constant 0 : i32
      %dma_start3A_114 = arith.constant 0 : i32
      %dma_start3A_115 = tpu.memref_slice %arg9[%run_scoped3A_25, %dma_start3A_113, %dma_start3A_114] : memref<2x64x128xf32, #tpu.memory_space<vmem>> -> memref<1x64x128xf32, #tpu.memory_space<vmem>>
      %dma_start3A_116 = tpu.memref_squeeze %dma_start3A_115 : memref<1x64x128xf32, #tpu.memory_space<vmem>> -> memref<64x128xf32, #tpu.memory_space<vmem>>
      tpu.enqueue_dma source(%dma_start3A_116 : memref<64x128xf32, #tpu.memory_space<vmem>>) target(%dma_start3A_112 : memref<64x128xf32, #tpu.memory_space<vmem_shared>>) target_semaphore(%run_scoped3A_104 : memref<!tpu.dma_semaphore, #tpu.memory_space<semaphore_mem>>)
      %dma_wait3A = arith.constant 0 : i32
      %dma_wait3A_117 = arith.constant 0 : i32
      %dma_wait3A_118 = tpu.memref_slice %arg9[%run_scoped3A_25, %dma_wait3A, %dma_wait3A_117] : memref<2x64x128xf32, #tpu.memory_space<vmem>> -> memref<1x64x128xf32, #tpu.memory_space<vmem>>
      %dma_wait3A_119 = tpu.memref_squeeze %dma_wait3A_118 : memref<1x64x128xf32, #tpu.memory_space<vmem>> -> memref<64x128xf32, #tpu.memory_space<vmem>>
      %dma_wait3A_120 = arith.constant 0 : i32
      %dma_wait3A_121 = tpu.memref_slice %arg6[%add3A_24, %dma_wait3A_120] : memref<10240x128xf32, #tpu.memory_space<vmem_shared>> -> memref<64x128xf32, #tpu.memory_space<vmem_shared>>
      %dma_wait3A_122 = arith.constant 0 : i32
      %dma_wait3A_123 = tpu.memref_slice %arg6[%add3A_24, %dma_wait3A_122] : memref<10240x128xf32, #tpu.memory_space<vmem_shared>> -> memref<64x128xf32, #tpu.memory_space<vmem_shared>>
      %dma_wait3A_124 = arith.constant 0 : i32
      %dma_wait3A_125 = arith.constant 0 : i32
      %dma_wait3A_126 = tpu.memref_slice %arg9[%run_scoped3A_25, %dma_wait3A_124, %dma_wait3A_125] : memref<2x64x128xf32, #tpu.memory_space<vmem>> -> memref<1x64x128xf32, #tpu.memory_space<vmem>>
      %dma_wait3A_127 = tpu.memref_squeeze %dma_wait3A_126 : memref<1x64x128xf32, #tpu.memory_space<vmem>> -> memref<64x128xf32, #tpu.memory_space<vmem>>
      tpu.wait_dma2 semaphore(%run_scoped3A_104 : memref<!tpu.dma_semaphore, #tpu.memory_space<semaphore_mem>>) src(%dma_wait3A_127 : memref<64x128xf32, #tpu.memory_space<vmem>>) dst(%dma_wait3A_123 : memref<64x128xf32, #tpu.memory_space<vmem_shared>>)
      tpu.yield
    }) : () -> ()
    %mul3A_26 = arith.constant 640 : i32
    %mul3A_27 = arith.muli %arg1, %mul3A_26 : i32
    %add3A_28 = arith.constant 256 : i32
    %add3A_29 = arith.addi %mul3A_27, %add3A_28 : i32
    %run_scoped3A_30 = arith.constant 0 : i32
    "tpu.region"() ({
      %run_scoped3A_104 = tpu.sem_alloc : memref<!tpu.dma_semaphore, #tpu.memory_space<semaphore_mem>>
      %dma_start3A_105 = arith.constant 0 : i32
      %dma_start3A_106 = arith.constant 0 : i32
      %dma_start3A_107 = tpu.memref_slice %arg9[%run_scoped3A_30, %dma_start3A_105, %dma_start3A_106] : memref<2x64x128xf32, #tpu.memory_space<vmem>> -> memref<1x64x128xf32, #tpu.memory_space<vmem>>
      %dma_start3A_108 = tpu.memref_squeeze %dma_start3A_107 : memref<1x64x128xf32, #tpu.memory_space<vmem>> -> memref<64x128xf32, #tpu.memory_space<vmem>>
      %dma_start3A_109 = arith.constant 0 : i32
      %dma_start3A_110 = tpu.memref_slice %arg6[%add3A_29, %dma_start3A_109] : memref<10240x128xf32, #tpu.memory_space<vmem_shared>> -> memref<64x128xf32, #tpu.memory_space<vmem_shared>>
      %dma_start3A_111 = arith.constant 0 : i32
      %dma_start3A_112 = tpu.memref_slice %arg6[%add3A_29, %dma_start3A_111] : memref<10240x128xf32, #tpu.memory_space<vmem_shared>> -> memref<64x128xf32, #tpu.memory_space<vmem_shared>>
      %dma_start3A_113 = arith.constant 0 : i32
      %dma_start3A_114 = arith.constant 0 : i32
      %dma_start3A_115 = tpu.memref_slice %arg9[%run_scoped3A_30, %dma_start3A_113, %dma_start3A_114] : memref<2x64x128xf32, #tpu.memory_space<vmem>> -> memref<1x64x128xf32, #tpu.memory_space<vmem>>
      %dma_start3A_116 = tpu.memref_squeeze %dma_start3A_115 : memref<1x64x128xf32, #tpu.memory_space<vmem>> -> memref<64x128xf32, #tpu.memory_space<vmem>>
      tpu.enqueue_dma source(%dma_start3A_116 : memref<64x128xf32, #tpu.memory_space<vmem>>) target(%dma_start3A_112 : memref<64x128xf32, #tpu.memory_space<vmem_shared>>) target_semaphore(%run_scoped3A_104 : memref<!tpu.dma_semaphore, #tpu.memory_space<semaphore_mem>>)
      %dma_wait3A = arith.constant 0 : i32
      %dma_wait3A_117 = arith.constant 0 : i32
      %dma_wait3A_118 = tpu.memref_slice %arg9[%run_scoped3A_30, %dma_wait3A, %dma_wait3A_117] : memref<2x64x128xf32, #tpu.memory_space<vmem>> -> memref<1x64x128xf32, #tpu.memory_space<vmem>>
      %dma_wait3A_119 = tpu.memref_squeeze %dma_wait3A_118 : memref<1x64x128xf32, #tpu.memory_space<vmem>> -> memref<64x128xf32, #tpu.memory_space<vmem>>
      %dma_wait3A_120 = arith.constant 0 : i32
      %dma_wait3A_121 = tpu.memref_slice %arg6[%add3A_29, %dma_wait3A_120] : memref<10240x128xf32, #tpu.memory_space<vmem_shared>> -> memref<64x128xf32, #tpu.memory_space<vmem_shared>>
      %dma_wait3A_122 = arith.constant 0 : i32
      %dma_wait3A_123 = tpu.memref_slice %arg6[%add3A_29, %dma_wait3A_122] : memref<10240x128xf32, #tpu.memory_space<vmem_shared>> -> memref<64x128xf32, #tpu.memory_space<vmem_shared>>
      %dma_wait3A_124 = arith.constant 0 : i32
      %dma_wait3A_125 = arith.constant 0 : i32
      %dma_wait3A_126 = tpu.memref_slice %arg9[%run_scoped3A_30, %dma_wait3A_124, %dma_wait3A_125] : memref<2x64x128xf32, #tpu.memory_space<vmem>> -> memref<1x64x128xf32, #tpu.memory_space<vmem>>
      %dma_wait3A_127 = tpu.memref_squeeze %dma_wait3A_126 : memref<1x64x128xf32, #tpu.memory_space<vmem>> -> memref<64x128xf32, #tpu.memory_space<vmem>>
      tpu.wait_dma2 semaphore(%run_scoped3A_104 : memref<!tpu.dma_semaphore, #tpu.memory_space<semaphore_mem>>) src(%dma_wait3A_127 : memref<64x128xf32, #tpu.memory_space<vmem>>) dst(%dma_wait3A_123 : memref<64x128xf32, #tpu.memory_space<vmem_shared>>)
      tpu.yield
    }) : () -> ()
    %mul3A_31 = arith.constant 640 : i32
    %mul3A_32 = arith.muli %arg1, %mul3A_31 : i32
    %add3A_33 = arith.constant 320 : i32
    %add3A_34 = arith.addi %mul3A_32, %add3A_33 : i32
    %run_scoped3A_35 = arith.constant 0 : i32
    "tpu.region"() ({
      %run_scoped3A_104 = tpu.sem_alloc : memref<!tpu.dma_semaphore, #tpu.memory_space<semaphore_mem>>
      %dma_start3A_105 = arith.constant 0 : i32
      %dma_start3A_106 = arith.constant 0 : i32
      %dma_start3A_107 = tpu.memref_slice %arg9[%run_scoped3A_35, %dma_start3A_105, %dma_start3A_106] : memref<2x64x128xf32, #tpu.memory_space<vmem>> -> memref<1x64x128xf32, #tpu.memory_space<vmem>>
      %dma_start3A_108 = tpu.memref_squeeze %dma_start3A_107 : memref<1x64x128xf32, #tpu.memory_space<vmem>> -> memref<64x128xf32, #tpu.memory_space<vmem>>
      %dma_start3A_109 = arith.constant 0 : i32
      %dma_start3A_110 = tpu.memref_slice %arg6[%add3A_34, %dma_start3A_109] : memref<10240x128xf32, #tpu.memory_space<vmem_shared>> -> memref<64x128xf32, #tpu.memory_space<vmem_shared>>
      %dma_start3A_111 = arith.constant 0 : i32
      %dma_start3A_112 = tpu.memref_slice %arg6[%add3A_34, %dma_start3A_111] : memref<10240x128xf32, #tpu.memory_space<vmem_shared>> -> memref<64x128xf32, #tpu.memory_space<vmem_shared>>
      %dma_start3A_113 = arith.constant 0 : i32
      %dma_start3A_114 = arith.constant 0 : i32
      %dma_start3A_115 = tpu.memref_slice %arg9[%run_scoped3A_35, %dma_start3A_113, %dma_start3A_114] : memref<2x64x128xf32, #tpu.memory_space<vmem>> -> memref<1x64x128xf32, #tpu.memory_space<vmem>>
      %dma_start3A_116 = tpu.memref_squeeze %dma_start3A_115 : memref<1x64x128xf32, #tpu.memory_space<vmem>> -> memref<64x128xf32, #tpu.memory_space<vmem>>
      tpu.enqueue_dma source(%dma_start3A_116 : memref<64x128xf32, #tpu.memory_space<vmem>>) target(%dma_start3A_112 : memref<64x128xf32, #tpu.memory_space<vmem_shared>>) target_semaphore(%run_scoped3A_104 : memref<!tpu.dma_semaphore, #tpu.memory_space<semaphore_mem>>)
      %dma_wait3A = arith.constant 0 : i32
      %dma_wait3A_117 = arith.constant 0 : i32
      %dma_wait3A_118 = tpu.memref_slice %arg9[%run_scoped3A_35, %dma_wait3A, %dma_wait3A_117] : memref<2x64x128xf32, #tpu.memory_space<vmem>> -> memref<1x64x128xf32, #tpu.memory_space<vmem>>
      %dma_wait3A_119 = tpu.memref_squeeze %dma_wait3A_118 : memref<1x64x128xf32, #tpu.memory_space<vmem>> -> memref<64x128xf32, #tpu.memory_space<vmem>>
      %dma_wait3A_120 = arith.constant 0 : i32
      %dma_wait3A_121 = tpu.memref_slice %arg6[%add3A_34, %dma_wait3A_120] : memref<10240x128xf32, #tpu.memory_space<vmem_shared>> -> memref<64x128xf32, #tpu.memory_space<vmem_shared>>
      %dma_wait3A_122 = arith.constant 0 : i32
      %dma_wait3A_123 = tpu.memref_slice %arg6[%add3A_34, %dma_wait3A_122] : memref<10240x128xf32, #tpu.memory_space<vmem_shared>> -> memref<64x128xf32, #tpu.memory_space<vmem_shared>>
      %dma_wait3A_124 = arith.constant 0 : i32
      %dma_wait3A_125 = arith.constant 0 : i32
      %dma_wait3A_126 = tpu.memref_slice %arg9[%run_scoped3A_35, %dma_wait3A_124, %dma_wait3A_125] : memref<2x64x128xf32, #tpu.memory_space<vmem>> -> memref<1x64x128xf32, #tpu.memory_space<vmem>>
      %dma_wait3A_127 = tpu.memref_squeeze %dma_wait3A_126 : memref<1x64x128xf32, #tpu.memory_space<vmem>> -> memref<64x128xf32, #tpu.memory_space<vmem>>
      tpu.wait_dma2 semaphore(%run_scoped3A_104 : memref<!tpu.dma_semaphore, #tpu.memory_space<semaphore_mem>>) src(%dma_wait3A_127 : memref<64x128xf32, #tpu.memory_space<vmem>>) dst(%dma_wait3A_123 : memref<64x128xf32, #tpu.memory_space<vmem_shared>>)
      tpu.yield
    }) : () -> ()
    %mul3A_36 = arith.constant 640 : i32
    %mul3A_37 = arith.muli %arg1, %mul3A_36 : i32
    %add3A_38 = arith.constant 384 : i32
    %add3A_39 = arith.addi %mul3A_37, %add3A_38 : i32
    %run_scoped3A_40 = arith.constant 0 : i32
    "tpu.region"() ({
      %run_scoped3A_104 = tpu.sem_alloc : memref<!tpu.dma_semaphore, #tpu.memory_space<semaphore_mem>>
      %dma_start3A_105 = arith.constant 0 : i32
      %dma_start3A_106 = arith.constant 0 : i32
      %dma_start3A_107 = tpu.memref_slice %arg9[%run_scoped3A_40, %dma_start3A_105, %dma_start3A_106] : memref<2x64x128xf32, #tpu.memory_space<vmem>> -> memref<1x64x128xf32, #tpu.memory_space<vmem>>
      %dma_start3A_108 = tpu.memref_squeeze %dma_start3A_107 : memref<1x64x128xf32, #tpu.memory_space<vmem>> -> memref<64x128xf32, #tpu.memory_space<vmem>>
      %dma_start3A_109 = arith.constant 0 : i32
      %dma_start3A_110 = tpu.memref_slice %arg6[%add3A_39, %dma_start3A_109] : memref<10240x128xf32, #tpu.memory_space<vmem_shared>> -> memref<64x128xf32, #tpu.memory_space<vmem_shared>>
      %dma_start3A_111 = arith.constant 0 : i32
      %dma_start3A_112 = tpu.memref_slice %arg6[%add3A_39, %dma_start3A_111] : memref<10240x128xf32, #tpu.memory_space<vmem_shared>> -> memref<64x128xf32, #tpu.memory_space<vmem_shared>>
      %dma_start3A_113 = arith.constant 0 : i32
      %dma_start3A_114 = arith.constant 0 : i32
      %dma_start3A_115 = tpu.memref_slice %arg9[%run_scoped3A_40, %dma_start3A_113, %dma_start3A_114] : memref<2x64x128xf32, #tpu.memory_space<vmem>> -> memref<1x64x128xf32, #tpu.memory_space<vmem>>
      %dma_start3A_116 = tpu.memref_squeeze %dma_start3A_115 : memref<1x64x128xf32, #tpu.memory_space<vmem>> -> memref<64x128xf32, #tpu.memory_space<vmem>>
      tpu.enqueue_dma source(%dma_start3A_116 : memref<64x128xf32, #tpu.memory_space<vmem>>) target(%dma_start3A_112 : memref<64x128xf32, #tpu.memory_space<vmem_shared>>) target_semaphore(%run_scoped3A_104 : memref<!tpu.dma_semaphore, #tpu.memory_space<semaphore_mem>>)
      %dma_wait3A = arith.constant 0 : i32
      %dma_wait3A_117 = arith.constant 0 : i32
      %dma_wait3A_118 = tpu.memref_slice %arg9[%run_scoped3A_40, %dma_wait3A, %dma_wait3A_117] : memref<2x64x128xf32, #tpu.memory_space<vmem>> -> memref<1x64x128xf32, #tpu.memory_space<vmem>>
      %dma_wait3A_119 = tpu.memref_squeeze %dma_wait3A_118 : memref<1x64x128xf32, #tpu.memory_space<vmem>> -> memref<64x128xf32, #tpu.memory_space<vmem>>
      %dma_wait3A_120 = arith.constant 0 : i32
      %dma_wait3A_121 = tpu.memref_slice %arg6[%add3A_39, %dma_wait3A_120] : memref<10240x128xf32, #tpu.memory_space<vmem_shared>> -> memref<64x128xf32, #tpu.memory_space<vmem_shared>>
      %dma_wait3A_122 = arith.constant 0 : i32
      %dma_wait3A_123 = tpu.memref_slice %arg6[%add3A_39, %dma_wait3A_122] : memref<10240x128xf32, #tpu.memory_space<vmem_shared>> -> memref<64x128xf32, #tpu.memory_space<vmem_shared>>
      %dma_wait3A_124 = arith.constant 0 : i32
      %dma_wait3A_125 = arith.constant 0 : i32
      %dma_wait3A_126 = tpu.memref_slice %arg9[%run_scoped3A_40, %dma_wait3A_124, %dma_wait3A_125] : memref<2x64x128xf32, #tpu.memory_space<vmem>> -> memref<1x64x128xf32, #tpu.memory_space<vmem>>
      %dma_wait3A_127 = tpu.memref_squeeze %dma_wait3A_126 : memref<1x64x128xf32, #tpu.memory_space<vmem>> -> memref<64x128xf32, #tpu.memory_space<vmem>>
      tpu.wait_dma2 semaphore(%run_scoped3A_104 : memref<!tpu.dma_semaphore, #tpu.memory_space<semaphore_mem>>) src(%dma_wait3A_127 : memref<64x128xf32, #tpu.memory_space<vmem>>) dst(%dma_wait3A_123 : memref<64x128xf32, #tpu.memory_space<vmem_shared>>)
      tpu.yield
    }) : () -> ()
    %mul3A_41 = arith.constant 640 : i32
    %mul3A_42 = arith.muli %arg1, %mul3A_41 : i32
    %add3A_43 = arith.constant 448 : i32
    %add3A_44 = arith.addi %mul3A_42, %add3A_43 : i32
    %run_scoped3A_45 = arith.constant 0 : i32
    "tpu.region"() ({
      %run_scoped3A_104 = tpu.sem_alloc : memref<!tpu.dma_semaphore, #tpu.memory_space<semaphore_mem>>
      %dma_start3A_105 = arith.constant 0 : i32
      %dma_start3A_106 = arith.constant 0 : i32
      %dma_start3A_107 = tpu.memref_slice %arg9[%run_scoped3A_45, %dma_start3A_105, %dma_start3A_106] : memref<2x64x128xf32, #tpu.memory_space<vmem>> -> memref<1x64x128xf32, #tpu.memory_space<vmem>>
      %dma_start3A_108 = tpu.memref_squeeze %dma_start3A_107 : memref<1x64x128xf32, #tpu.memory_space<vmem>> -> memref<64x128xf32, #tpu.memory_space<vmem>>
      %dma_start3A_109 = arith.constant 0 : i32
      %dma_start3A_110 = tpu.memref_slice %arg6[%add3A_44, %dma_start3A_109] : memref<10240x128xf32, #tpu.memory_space<vmem_shared>> -> memref<64x128xf32, #tpu.memory_space<vmem_shared>>
      %dma_start3A_111 = arith.constant 0 : i32
      %dma_start3A_112 = tpu.memref_slice %arg6[%add3A_44, %dma_start3A_111] : memref<10240x128xf32, #tpu.memory_space<vmem_shared>> -> memref<64x128xf32, #tpu.memory_space<vmem_shared>>
      %dma_start3A_113 = arith.constant 0 : i32
      %dma_start3A_114 = arith.constant 0 : i32
      %dma_start3A_115 = tpu.memref_slice %arg9[%run_scoped3A_45, %dma_start3A_113, %dma_start3A_114] : memref<2x64x128xf32, #tpu.memory_space<vmem>> -> memref<1x64x128xf32, #tpu.memory_space<vmem>>
      %dma_start3A_116 = tpu.memref_squeeze %dma_start3A_115 : memref<1x64x128xf32, #tpu.memory_space<vmem>> -> memref<64x128xf32, #tpu.memory_space<vmem>>
      tpu.enqueue_dma source(%dma_start3A_116 : memref<64x128xf32, #tpu.memory_space<vmem>>) target(%dma_start3A_112 : memref<64x128xf32, #tpu.memory_space<vmem_shared>>) target_semaphore(%run_scoped3A_104 : memref<!tpu.dma_semaphore, #tpu.memory_space<semaphore_mem>>)
      %dma_wait3A = arith.constant 0 : i32
      %dma_wait3A_117 = arith.constant 0 : i32
      %dma_wait3A_118 = tpu.memref_slice %arg9[%run_scoped3A_45, %dma_wait3A, %dma_wait3A_117] : memref<2x64x128xf32, #tpu.memory_space<vmem>> -> memref<1x64x128xf32, #tpu.memory_space<vmem>>
      %dma_wait3A_119 = tpu.memref_squeeze %dma_wait3A_118 : memref<1x64x128xf32, #tpu.memory_space<vmem>> -> memref<64x128xf32, #tpu.memory_space<vmem>>
      %dma_wait3A_120 = arith.constant 0 : i32
      %dma_wait3A_121 = tpu.memref_slice %arg6[%add3A_44, %dma_wait3A_120] : memref<10240x128xf32, #tpu.memory_space<vmem_shared>> -> memref<64x128xf32, #tpu.memory_space<vmem_shared>>
      %dma_wait3A_122 = arith.constant 0 : i32
      %dma_wait3A_123 = tpu.memref_slice %arg6[%add3A_44, %dma_wait3A_122] : memref<10240x128xf32, #tpu.memory_space<vmem_shared>> -> memref<64x128xf32, #tpu.memory_space<vmem_shared>>
      %dma_wait3A_124 = arith.constant 0 : i32
      %dma_wait3A_125 = arith.constant 0 : i32
      %dma_wait3A_126 = tpu.memref_slice %arg9[%run_scoped3A_45, %dma_wait3A_124, %dma_wait3A_125] : memref<2x64x128xf32, #tpu.memory_space<vmem>> -> memref<1x64x128xf32, #tpu.memory_space<vmem>>
      %dma_wait3A_127 = tpu.memref_squeeze %dma_wait3A_126 : memref<1x64x128xf32, #tpu.memory_space<vmem>> -> memref<64x128xf32, #tpu.memory_space<vmem>>
      tpu.wait_dma2 semaphore(%run_scoped3A_104 : memref<!tpu.dma_semaphore, #tpu.memory_space<semaphore_mem>>) src(%dma_wait3A_127 : memref<64x128xf32, #tpu.memory_space<vmem>>) dst(%dma_wait3A_123 : memref<64x128xf32, #tpu.memory_space<vmem_shared>>)
      tpu.yield
    }) : () -> ()
    %mul3A_46 = arith.constant 640 : i32
    %mul3A_47 = arith.muli %arg1, %mul3A_46 : i32
    %add3A_48 = arith.constant 512 : i32
    %add3A_49 = arith.addi %mul3A_47, %add3A_48 : i32
    %run_scoped3A_50 = arith.constant 0 : i32
    "tpu.region"() ({
      %run_scoped3A_104 = tpu.sem_alloc : memref<!tpu.dma_semaphore, #tpu.memory_space<semaphore_mem>>
      %dma_start3A_105 = arith.constant 0 : i32
      %dma_start3A_106 = arith.constant 0 : i32
      %dma_start3A_107 = tpu.memref_slice %arg9[%run_scoped3A_50, %dma_start3A_105, %dma_start3A_106] : memref<2x64x128xf32, #tpu.memory_space<vmem>> -> memref<1x64x128xf32, #tpu.memory_space<vmem>>
      %dma_start3A_108 = tpu.memref_squeeze %dma_start3A_107 : memref<1x64x128xf32, #tpu.memory_space<vmem>> -> memref<64x128xf32, #tpu.memory_space<vmem>>
      %dma_start3A_109 = arith.constant 0 : i32
      %dma_start3A_110 = tpu.memref_slice %arg6[%add3A_49, %dma_start3A_109] : memref<10240x128xf32, #tpu.memory_space<vmem_shared>> -> memref<64x128xf32, #tpu.memory_space<vmem_shared>>
      %dma_start3A_111 = arith.constant 0 : i32
      %dma_start3A_112 = tpu.memref_slice %arg6[%add3A_49, %dma_start3A_111] : memref<10240x128xf32, #tpu.memory_space<vmem_shared>> -> memref<64x128xf32, #tpu.memory_space<vmem_shared>>
      %dma_start3A_113 = arith.constant 0 : i32
      %dma_start3A_114 = arith.constant 0 : i32
      %dma_start3A_115 = tpu.memref_slice %arg9[%run_scoped3A_50, %dma_start3A_113, %dma_start3A_114] : memref<2x64x128xf32, #tpu.memory_space<vmem>> -> memref<1x64x128xf32, #tpu.memory_space<vmem>>
      %dma_start3A_116 = tpu.memref_squeeze %dma_start3A_115 : memref<1x64x128xf32, #tpu.memory_space<vmem>> -> memref<64x128xf32, #tpu.memory_space<vmem>>
      tpu.enqueue_dma source(%dma_start3A_116 : memref<64x128xf32, #tpu.memory_space<vmem>>) target(%dma_start3A_112 : memref<64x128xf32, #tpu.memory_space<vmem_shared>>) target_semaphore(%run_scoped3A_104 : memref<!tpu.dma_semaphore, #tpu.memory_space<semaphore_mem>>)
      %dma_wait3A = arith.constant 0 : i32
      %dma_wait3A_117 = arith.constant 0 : i32
      %dma_wait3A_118 = tpu.memref_slice %arg9[%run_scoped3A_50, %dma_wait3A, %dma_wait3A_117] : memref<2x64x128xf32, #tpu.memory_space<vmem>> -> memref<1x64x128xf32, #tpu.memory_space<vmem>>
      %dma_wait3A_119 = tpu.memref_squeeze %dma_wait3A_118 : memref<1x64x128xf32, #tpu.memory_space<vmem>> -> memref<64x128xf32, #tpu.memory_space<vmem>>
      %dma_wait3A_120 = arith.constant 0 : i32
      %dma_wait3A_121 = tpu.memref_slice %arg6[%add3A_49, %dma_wait3A_120] : memref<10240x128xf32, #tpu.memory_space<vmem_shared>> -> memref<64x128xf32, #tpu.memory_space<vmem_shared>>
      %dma_wait3A_122 = arith.constant 0 : i32
      %dma_wait3A_123 = tpu.memref_slice %arg6[%add3A_49, %dma_wait3A_122] : memref<10240x128xf32, #tpu.memory_space<vmem_shared>> -> memref<64x128xf32, #tpu.memory_space<vmem_shared>>
      %dma_wait3A_124 = arith.constant 0 : i32
      %dma_wait3A_125 = arith.constant 0 : i32
      %dma_wait3A_126 = tpu.memref_slice %arg9[%run_scoped3A_50, %dma_wait3A_124, %dma_wait3A_125] : memref<2x64x128xf32, #tpu.memory_space<vmem>> -> memref<1x64x128xf32, #tpu.memory_space<vmem>>
      %dma_wait3A_127 = tpu.memref_squeeze %dma_wait3A_126 : memref<1x64x128xf32, #tpu.memory_space<vmem>> -> memref<64x128xf32, #tpu.memory_space<vmem>>
      tpu.wait_dma2 semaphore(%run_scoped3A_104 : memref<!tpu.dma_semaphore, #tpu.memory_space<semaphore_mem>>) src(%dma_wait3A_127 : memref<64x128xf32, #tpu.memory_space<vmem>>) dst(%dma_wait3A_123 : memref<64x128xf32, #tpu.memory_space<vmem_shared>>)
      tpu.yield
    }) : () -> ()
    %mul3A_51 = arith.constant 640 : i32
    %mul3A_52 = arith.muli %arg1, %mul3A_51 : i32
    %add3A_53 = arith.constant 576 : i32
    %add3A_54 = arith.addi %mul3A_52, %add3A_53 : i32
    %run_scoped3A_55 = arith.constant 0 : i32
    "tpu.region"() ({
      %run_scoped3A_104 = tpu.sem_alloc : memref<!tpu.dma_semaphore, #tpu.memory_space<semaphore_mem>>
      %dma_start3A_105 = arith.constant 0 : i32
      %dma_start3A_106 = arith.constant 0 : i32
      %dma_start3A_107 = tpu.memref_slice %arg9[%run_scoped3A_55, %dma_start3A_105, %dma_start3A_106] : memref<2x64x128xf32, #tpu.memory_space<vmem>> -> memref<1x64x128xf32, #tpu.memory_space<vmem>>
      %dma_start3A_108 = tpu.memref_squeeze %dma_start3A_107 : memref<1x64x128xf32, #tpu.memory_space<vmem>> -> memref<64x128xf32, #tpu.memory_space<vmem>>
      %dma_start3A_109 = arith.constant 0 : i32
      %dma_start3A_110 = tpu.memref_slice %arg6[%add3A_54, %dma_start3A_109] : memref<10240x128xf32, #tpu.memory_space<vmem_shared>> -> memref<64x128xf32, #tpu.memory_space<vmem_shared>>
      %dma_start3A_111 = arith.constant 0 : i32
      %dma_start3A_112 = tpu.memref_slice %arg6[%add3A_54, %dma_start3A_111] : memref<10240x128xf32, #tpu.memory_space<vmem_shared>> -> memref<64x128xf32, #tpu.memory_space<vmem_shared>>
      %dma_start3A_113 = arith.constant 0 : i32
      %dma_start3A_114 = arith.constant 0 : i32
      %dma_start3A_115 = tpu.memref_slice %arg9[%run_scoped3A_55, %dma_start3A_113, %dma_start3A_114] : memref<2x64x128xf32, #tpu.memory_space<vmem>> -> memref<1x64x128xf32, #tpu.memory_space<vmem>>
      %dma_start3A_116 = tpu.memref_squeeze %dma_start3A_115 : memref<1x64x128xf32, #tpu.memory_space<vmem>> -> memref<64x128xf32, #tpu.memory_space<vmem>>
      tpu.enqueue_dma source(%dma_start3A_116 : memref<64x128xf32, #tpu.memory_space<vmem>>) target(%dma_start3A_112 : memref<64x128xf32, #tpu.memory_space<vmem_shared>>) target_semaphore(%run_scoped3A_104 : memref<!tpu.dma_semaphore, #tpu.memory_space<semaphore_mem>>)
      %dma_wait3A = arith.constant 0 : i32
      %dma_wait3A_117 = arith.constant 0 : i32
      %dma_wait3A_118 = tpu.memref_slice %arg9[%run_scoped3A_55, %dma_wait3A, %dma_wait3A_117] : memref<2x64x128xf32, #tpu.memory_space<vmem>> -> memref<1x64x128xf32, #tpu.memory_space<vmem>>
      %dma_wait3A_119 = tpu.memref_squeeze %dma_wait3A_118 : memref<1x64x128xf32, #tpu.memory_space<vmem>> -> memref<64x128xf32, #tpu.memory_space<vmem>>
      %dma_wait3A_120 = arith.constant 0 : i32
      %dma_wait3A_121 = tpu.memref_slice %arg6[%add3A_54, %dma_wait3A_120] : memref<10240x128xf32, #tpu.memory_space<vmem_shared>> -> memref<64x128xf32, #tpu.memory_space<vmem_shared>>
      %dma_wait3A_122 = arith.constant 0 : i32
      %dma_wait3A_123 = tpu.memref_slice %arg6[%add3A_54, %dma_wait3A_122] : memref<10240x128xf32, #tpu.memory_space<vmem_shared>> -> memref<64x128xf32, #tpu.memory_space<vmem_shared>>
      %dma_wait3A_124 = arith.constant 0 : i32
      %dma_wait3A_125 = arith.constant 0 : i32
      %dma_wait3A_126 = tpu.memref_slice %arg9[%run_scoped3A_55, %dma_wait3A_124, %dma_wait3A_125] : memref<2x64x128xf32, #tpu.memory_space<vmem>> -> memref<1x64x128xf32, #tpu.memory_space<vmem>>
      %dma_wait3A_127 = tpu.memref_squeeze %dma_wait3A_126 : memref<1x64x128xf32, #tpu.memory_space<vmem>> -> memref<64x128xf32, #tpu.memory_space<vmem>>
      tpu.wait_dma2 semaphore(%run_scoped3A_104 : memref<!tpu.dma_semaphore, #tpu.memory_space<semaphore_mem>>) src(%dma_wait3A_127 : memref<64x128xf32, #tpu.memory_space<vmem>>) dst(%dma_wait3A_123 : memref<64x128xf32, #tpu.memory_space<vmem_shared>>)
      tpu.yield
    }) : () -> ()
    %barrier3A = arith.constant 0 : index
    tpu.barrier barrier_id(%barrier3A)
    %run_scoped3A_56 = arith.constant 0 : i32
    "tpu.region"() ({
      %run_scoped3A_104 = tpu.sem_alloc : memref<!tpu.dma_semaphore, #tpu.memory_space<semaphore_mem>>
      %dma_start3A_105 = arith.constant 0 : i32
      %dma_start3A_106 = arith.constant 0 : i32
      %dma_start3A_107 = tpu.memref_slice %arg7[%run_scoped3A_56, %dma_start3A_105, %dma_start3A_106] : memref<4x2x64xi32, #tpu.memory_space<vmem>> -> memref<1x2x64xi32, #tpu.memory_space<vmem>>
      %dma_start3A_108 = tpu.memref_squeeze %dma_start3A_107 : memref<1x2x64xi32, #tpu.memory_space<vmem>> -> memref<2x64xi32, #tpu.memory_space<vmem>>
      %dma_start3A_109 = arith.constant 0 : i32
      %dma_start3A_110 = arith.constant 0 : i32
      %dma_start3A_111 = tpu.memref_slice %arg4[%mul3A_2, %dma_start3A_109, %dma_start3A_110] : memref<5056x2x64xi32, #tpu.memory_space<hbm>> -> memref<1x2x64xi32, #tpu.memory_space<hbm>>
      %dma_start3A_112 = tpu.memref_squeeze %dma_start3A_111 : memref<1x2x64xi32, #tpu.memory_space<hbm>> -> memref<2x64xi32, #tpu.memory_space<hbm>>
      %dma_start3A_113 = arith.constant 0 : i32
      %dma_start3A_114 = arith.constant 0 : i32
      %dma_start3A_115 = tpu.memref_slice %arg7[%run_scoped3A_56, %dma_start3A_113, %dma_start3A_114] : memref<4x2x64xi32, #tpu.memory_space<vmem>> -> memref<1x2x64xi32, #tpu.memory_space<vmem>>
      %dma_start3A_116 = tpu.memref_squeeze %dma_start3A_115 : memref<1x2x64xi32, #tpu.memory_space<vmem>> -> memref<2x64xi32, #tpu.memory_space<vmem>>
      %dma_start3A_117 = arith.constant 0 : i32
      %dma_start3A_118 = arith.constant 0 : i32
      %dma_start3A_119 = tpu.memref_slice %arg4[%mul3A_2, %dma_start3A_117, %dma_start3A_118] : memref<5056x2x64xi32, #tpu.memory_space<hbm>> -> memref<1x2x64xi32, #tpu.memory_space<hbm>>
      %dma_start3A_120 = tpu.memref_squeeze %dma_start3A_119 : memref<1x2x64xi32, #tpu.memory_space<hbm>> -> memref<2x64xi32, #tpu.memory_space<hbm>>
      tpu.enqueue_dma source(%dma_start3A_120 : memref<2x64xi32, #tpu.memory_space<hbm>>) target(%dma_start3A_116 : memref<2x64xi32, #tpu.memory_space<vmem>>) target_semaphore(%run_scoped3A_104 : memref<!tpu.dma_semaphore, #tpu.memory_space<semaphore_mem>>)
      %dma_wait3A = arith.constant 0 : i32
      %dma_wait3A_121 = arith.constant 0 : i32
      %dma_wait3A_122 = tpu.memref_slice %arg7[%run_scoped3A_56, %dma_wait3A, %dma_wait3A_121] : memref<4x2x64xi32, #tpu.memory_space<vmem>> -> memref<1x2x64xi32, #tpu.memory_space<vmem>>
      %dma_wait3A_123 = tpu.memref_squeeze %dma_wait3A_122 : memref<1x2x64xi32, #tpu.memory_space<vmem>> -> memref<2x64xi32, #tpu.memory_space<vmem>>
      %dma_wait3A_124 = arith.constant 0 : i32
      %dma_wait3A_125 = arith.constant 0 : i32
      %dma_wait3A_126 = tpu.memref_slice %arg4[%mul3A_2, %dma_wait3A_124, %dma_wait3A_125] : memref<5056x2x64xi32, #tpu.memory_space<hbm>> -> memref<1x2x64xi32, #tpu.memory_space<hbm>>
      %dma_wait3A_127 = tpu.memref_squeeze %dma_wait3A_126 : memref<1x2x64xi32, #tpu.memory_space<hbm>> -> memref<2x64xi32, #tpu.memory_space<hbm>>
      %dma_wait3A_128 = arith.constant 0 : i32
      %dma_wait3A_129 = arith.constant 0 : i32
      %dma_wait3A_130 = tpu.memref_slice %arg7[%run_scoped3A_56, %dma_wait3A_128, %dma_wait3A_129] : memref<4x2x64xi32, #tpu.memory_space<vmem>> -> memref<1x2x64xi32, #tpu.memory_space<vmem>>
      %dma_wait3A_131 = tpu.memref_squeeze %dma_wait3A_130 : memref<1x2x64xi32, #tpu.memory_space<vmem>> -> memref<2x64xi32, #tpu.memory_space<vmem>>
      %dma_wait3A_132 = arith.constant 0 : i32
      %dma_wait3A_133 = arith.constant 0 : i32
      %dma_wait3A_134 = tpu.memref_slice %arg4[%mul3A_2, %dma_wait3A_132, %dma_wait3A_133] : memref<5056x2x64xi32, #tpu.memory_space<hbm>> -> memref<1x2x64xi32, #tpu.memory_space<hbm>>
      %dma_wait3A_135 = tpu.memref_squeeze %dma_wait3A_134 : memref<1x2x64xi32, #tpu.memory_space<hbm>> -> memref<2x64xi32, #tpu.memory_space<hbm>>
      tpu.wait_dma2 semaphore(%run_scoped3A_104 : memref<!tpu.dma_semaphore, #tpu.memory_space<semaphore_mem>>) src(%dma_wait3A_135 : memref<2x64xi32, #tpu.memory_space<hbm>>) dst(%dma_wait3A_131 : memref<2x64xi32, #tpu.memory_space<vmem>>)
      tpu.yield
    }) : () -> ()
    %mul3A_57 = arith.constant 64 : i32
    %mul3A_58 = arith.muli %mul3A_2, %mul3A_57 : i32
    %run_scoped3A_59 = arith.constant 0 : i32
    "tpu.region"() ({
      %run_scoped3A_104 = tpu.sem_alloc : memref<!tpu.dma_semaphore, #tpu.memory_space<semaphore_mem>>
      %dma_start3A_105 = arith.constant 0 : i32
      %dma_start3A_106 = arith.constant 0 : i32
      %dma_start3A_107 = tpu.memref_slice %arg8[%run_scoped3A_59, %dma_start3A_105, %dma_start3A_106] : memref<2x64x16xf32, #tpu.memory_space<vmem>> -> memref<1x64x16xf32, #tpu.memory_space<vmem>>
      %dma_start3A_108 = tpu.memref_squeeze %dma_start3A_107 : memref<1x64x16xf32, #tpu.memory_space<vmem>> -> memref<64x16xf32, #tpu.memory_space<vmem>>
      %dma_start3A_109 = arith.constant 0 : i32
      %dma_start3A_110 = tpu.memref_slice %arg3[%mul3A_58, %dma_start3A_109] : memref<323584x16xf32, #tpu.memory_space<hbm>> -> memref<64x16xf32, #tpu.memory_space<hbm>>
      %dma_start3A_111 = arith.constant 0 : i32
      %dma_start3A_112 = arith.constant 0 : i32
      %dma_start3A_113 = tpu.memref_slice %arg8[%run_scoped3A_59, %dma_start3A_111, %dma_start3A_112] : memref<2x64x16xf32, #tpu.memory_space<vmem>> -> memref<1x64x16xf32, #tpu.memory_space<vmem>>
      %dma_start3A_114 = tpu.memref_squeeze %dma_start3A_113 : memref<1x64x16xf32, #tpu.memory_space<vmem>> -> memref<64x16xf32, #tpu.memory_space<vmem>>
      %dma_start3A_115 = arith.constant 0 : i32
      %dma_start3A_116 = tpu.memref_slice %arg3[%mul3A_58, %dma_start3A_115] : memref<323584x16xf32, #tpu.memory_space<hbm>> -> memref<64x16xf32, #tpu.memory_space<hbm>>
      tpu.enqueue_dma source(%dma_start3A_116 : memref<64x16xf32, #tpu.memory_space<hbm>>) target(%dma_start3A_114 : memref<64x16xf32, #tpu.memory_space<vmem>>) target_semaphore(%run_scoped3A_104 : memref<!tpu.dma_semaphore, #tpu.memory_space<semaphore_mem>>)
      %dma_wait3A = arith.constant 0 : i32
      %dma_wait3A_117 = arith.constant 0 : i32
      %dma_wait3A_118 = tpu.memref_slice %arg8[%run_scoped3A_59, %dma_wait3A, %dma_wait3A_117] : memref<2x64x16xf32, #tpu.memory_space<vmem>> -> memref<1x64x16xf32, #tpu.memory_space<vmem>>
      %dma_wait3A_119 = tpu.memref_squeeze %dma_wait3A_118 : memref<1x64x16xf32, #tpu.memory_space<vmem>> -> memref<64x16xf32, #tpu.memory_space<vmem>>
      %dma_wait3A_120 = arith.constant 0 : i32
      %dma_wait3A_121 = tpu.memref_slice %arg3[%mul3A_58, %dma_wait3A_120] : memref<323584x16xf32, #tpu.memory_space<hbm>> -> memref<64x16xf32, #tpu.memory_space<hbm>>
      %dma_wait3A_122 = arith.constant 0 : i32
      %dma_wait3A_123 = arith.constant 0 : i32
      %dma_wait3A_124 = tpu.memref_slice %arg8[%run_scoped3A_59, %dma_wait3A_122, %dma_wait3A_123] : memref<2x64x16xf32, #tpu.memory_space<vmem>> -> memref<1x64x16xf32, #tpu.memory_space<vmem>>
      %dma_wait3A_125 = tpu.memref_squeeze %dma_wait3A_124 : memref<1x64x16xf32, #tpu.memory_space<vmem>> -> memref<64x16xf32, #tpu.memory_space<vmem>>
      %dma_wait3A_126 = arith.constant 0 : i32
      %dma_wait3A_127 = tpu.memref_slice %arg3[%mul3A_58, %dma_wait3A_126] : memref<323584x16xf32, #tpu.memory_space<hbm>> -> memref<64x16xf32, #tpu.memory_space<hbm>>
      tpu.wait_dma2 semaphore(%run_scoped3A_104 : memref<!tpu.dma_semaphore, #tpu.memory_space<semaphore_mem>>) src(%dma_wait3A_127 : memref<64x16xf32, #tpu.memory_space<hbm>>) dst(%dma_wait3A_125 : memref<64x16xf32, #tpu.memory_space<vmem>>)
      tpu.yield
    }) : () -> ()
    %add3A_60 = arith.constant 1 : i32
    %add3A_61 = arith.addi %mul3A_2, %add3A_60 : i32
    %dma_start3A = arith.constant 1 : i32
    %dma_start3A_62 = arith.constant 0 : i32
    %dma_start3A_63 = arith.constant 0 : i32
    %dma_start3A_64 = tpu.memref_slice %arg7[%dma_start3A, %dma_start3A_62, %dma_start3A_63] : memref<4x2x64xi32, #tpu.memory_space<vmem>> -> memref<1x2x64xi32, #tpu.memory_space<vmem>>
    %dma_start3A_65 = tpu.memref_squeeze %dma_start3A_64 : memref<1x2x64xi32, #tpu.memory_space<vmem>> -> memref<2x64xi32, #tpu.memory_space<vmem>>
    %dma_start3A_66 = arith.constant 0 : i32
    %dma_start3A_67 = arith.constant 0 : i32
    %dma_start3A_68 = tpu.memref_slice %arg4[%add3A_61, %dma_start3A_66, %dma_start3A_67] : memref<5056x2x64xi32, #tpu.memory_space<hbm>> -> memref<1x2x64xi32, #tpu.memory_space<hbm>>
    %dma_start3A_69 = tpu.memref_squeeze %dma_start3A_68 : memref<1x2x64xi32, #tpu.memory_space<hbm>> -> memref<2x64xi32, #tpu.memory_space<hbm>>
    %dma_start3A_70 = arith.constant 0 : i32
    %dma_start3A_71 = arith.constant 0 : i32
    %dma_start3A_72 = tpu.memref_slice %arg7[%dma_start3A, %dma_start3A_70, %dma_start3A_71] : memref<4x2x64xi32, #tpu.memory_space<vmem>> -> memref<1x2x64xi32, #tpu.memory_space<vmem>>
    %dma_start3A_73 = tpu.memref_squeeze %dma_start3A_72 : memref<1x2x64xi32, #tpu.memory_space<vmem>> -> memref<2x64xi32, #tpu.memory_space<vmem>>
    %dma_start3A_74 = arith.constant 0 : i32
    %dma_start3A_75 = arith.constant 0 : i32
    %dma_start3A_76 = tpu.memref_slice %arg4[%add3A_61, %dma_start3A_74, %dma_start3A_75] : memref<5056x2x64xi32, #tpu.memory_space<hbm>> -> memref<1x2x64xi32, #tpu.memory_space<hbm>>
    %dma_start3A_77 = tpu.memref_squeeze %dma_start3A_76 : memref<1x2x64xi32, #tpu.memory_space<hbm>> -> memref<2x64xi32, #tpu.memory_space<hbm>>
    tpu.enqueue_dma source(%dma_start3A_77 : memref<2x64xi32, #tpu.memory_space<hbm>>) target(%dma_start3A_73 : memref<2x64xi32, #tpu.memory_space<vmem>>) target_semaphore(%arg11 : memref<!tpu.dma_semaphore, #tpu.memory_space<semaphore_mem>>)
    %dma_start3A_78 = arith.constant 0 : i32
    %dma_start3A_79 = arith.constant 0 : i32
    %dma_start3A_80 = arith.constant 0 : i32
    %dma_start3A_81 = arith.constant 0 : i32
    %dma_start3A_82 = arith.constant 0 : i32
    %dma_start3A_83 = tpu.memref_slice %arg9[%dma_start3A_80, %dma_start3A_81, %dma_start3A_82] : memref<2x64x128xf32, #tpu.memory_space<vmem>> -> memref<1x64x128xf32, #tpu.memory_space<vmem>>
    %dma_start3A_84 = tpu.memref_squeeze %dma_start3A_83 : memref<1x64x128xf32, #tpu.memory_space<vmem>> -> memref<64x128xf32, #tpu.memory_space<vmem>>
    %dma_start3A_85 = arith.constant 0 : i32
    %dma_start3A_86 = tpu.memref_slice %arg7[%dma_start3A_78, %dma_start3A_79, %dma_start3A_85] : memref<4x2x64xi32, #tpu.memory_space<vmem>> -> memref<1x1x64xi32, #tpu.memory_space<vmem>>
    %dma_start3A_87 = tpu.memref_squeeze %dma_start3A_86 : memref<1x1x64xi32, #tpu.memory_space<vmem>> -> memref<64xi32, #tpu.memory_space<vmem>>
    %dma_start3A_88 = arith.constant 0 : i32
    %dma_start3A_89 = arith.constant 0 : i32
    %dma_start3A_90 = tpu.memref_slice %arg2[%dma_start3A_88, %dma_start3A_89] : memref<10240x128xf32, #tpu.memory_space<hbm>> -> memref<10240x128xf32, #tpu.memory_space<hbm>>
    tpu.enqueue_indirect_dma source(%dma_start3A_90 : memref<10240x128xf32, #tpu.memory_space<hbm>>) target(%dma_start3A_84 : memref<64x128xf32, #tpu.memory_space<vmem>>) offsets(%dma_start3A_87 : memref<64xi32, #tpu.memory_space<vmem>>) semaphore(%arg10 : memref<!tpu.dma_semaphore, #tpu.memory_space<semaphore_mem>>)
    %scan3A_91 = arith.constant 0 : i32
    %scan3A_92 = arith.constant 158 : i32
    %scan3A_93 = arith.addi %scan3A_91, %scan3A_92 : i32
    %scan3A_94 = arith.constant 1 : i32
    scf.for %scan3A_104 = %scan3A_91 to %scan3A_93 step %scan3A_94  : i32 {
      %mul3A_105 = arith.constant 1 : i32
      %mul3A_106 = arith.muli %scan3A_104, %mul3A_105 : i32
      %add3A_107 = arith.constant 0 : i32
      %add3A_108 = arith.addi %add3A_107, %mul3A_106 : i32
      %rem3A = arith.constant 2 : i32
      %rem3A_109 = arith.remsi %add3A_108, %rem3A : i32
      %add3A_110 = arith.constant 1 : i32
      %add3A_111 = arith.addi %add3A_108, %add3A_110 : i32
      %rem3A_112 = arith.constant 2 : i32
      %rem3A_113 = arith.remsi %add3A_111, %rem3A_112 : i32
      %rem3A_114 = arith.constant 4 : i32
      %rem3A_115 = arith.remsi %add3A_108, %rem3A_114 : i32
      %add3A_116 = arith.constant 1 : i32
      %add3A_117 = arith.addi %add3A_108, %add3A_116 : i32
      %rem3A_118 = arith.constant 4 : i32
      %rem3A_119 = arith.remsi %add3A_117, %rem3A_118 : i32
      %add3A_120 = arith.constant 2 : i32
      %add3A_121 = arith.addi %add3A_108, %add3A_120 : i32
      %rem3A_122 = arith.constant 4 : i32
      %rem3A_123 = arith.remsi %add3A_121, %rem3A_122 : i32
      %dma_wait3A = arith.constant 0 : i32
      %dma_wait3A_124 = arith.constant 0 : i32
      %dma_wait3A_125 = arith.constant 0 : i32
      %dma_wait3A_126 = tpu.memref_slice %arg9[%rem3A_109, %dma_wait3A_124, %dma_wait3A_125] : memref<2x64x128xf32, #tpu.memory_space<vmem>> -> memref<1x64x128xf32, #tpu.memory_space<vmem>>
      %dma_wait3A_127 = tpu.memref_squeeze %dma_wait3A_126 : memref<1x64x128xf32, #tpu.memory_space<vmem>> -> memref<64x128xf32, #tpu.memory_space<vmem>>
      %dma_wait3A_128 = arith.constant 0 : i32
      %dma_wait3A_129 = tpu.memref_slice %arg7[%rem3A_115, %dma_wait3A, %dma_wait3A_128] : memref<4x2x64xi32, #tpu.memory_space<vmem>> -> memref<1x1x64xi32, #tpu.memory_space<vmem>>
      %dma_wait3A_130 = tpu.memref_squeeze %dma_wait3A_129 : memref<1x1x64xi32, #tpu.memory_space<vmem>> -> memref<64xi32, #tpu.memory_space<vmem>>
      %dma_wait3A_131 = arith.constant 0 : i32
      %dma_wait3A_132 = arith.constant 0 : i32
      %dma_wait3A_133 = tpu.memref_slice %arg2[%dma_wait3A_131, %dma_wait3A_132] : memref<10240x128xf32, #tpu.memory_space<hbm>> -> memref<10240x128xf32, #tpu.memory_space<hbm>>
      tpu.wait_indirect_dma semaphore(%arg10 : memref<!tpu.dma_semaphore, #tpu.memory_space<semaphore_mem>>) src(%dma_wait3A_133 : memref<10240x128xf32, #tpu.memory_space<hbm>>) dst(%dma_wait3A_127 : memref<64x128xf32, #tpu.memory_space<vmem>>)
      %add3A_134 = arith.constant 1 : i32
      %add3A_135 = arith.addi %add3A_108, %add3A_134 : i32
      %lt3A = arith.constant 158 : i32
      %lt3A_136 = arith.cmpi slt, %add3A_135, %lt3A : i32
      %convert_element_type3A = arith.extui %lt3A_136 : i1 to i32
      %cond3A = arith.constant 0 : i32
      %cond3A_137 = arith.cmpi ne, %convert_element_type3A, %cond3A : i32
      scf.if %cond3A_137 {
        %add3A_155 = arith.addi %mul3A_2, %add3A_108 : i32
        %add3A_156 = arith.constant 1 : i32
        %add3A_157 = arith.addi %add3A_155, %add3A_156 : i32
        %dma_wait3A_158 = arith.constant 0 : i32
        %dma_wait3A_159 = arith.constant 0 : i32
        %dma_wait3A_160 = tpu.memref_slice %arg7[%rem3A_119, %dma_wait3A_158, %dma_wait3A_159] : memref<4x2x64xi32, #tpu.memory_space<vmem>> -> memref<1x2x64xi32, #tpu.memory_space<vmem>>
        %dma_wait3A_161 = tpu.memref_squeeze %dma_wait3A_160 : memref<1x2x64xi32, #tpu.memory_space<vmem>> -> memref<2x64xi32, #tpu.memory_space<vmem>>
        %dma_wait3A_162 = arith.constant 0 : i32
        %dma_wait3A_163 = arith.constant 0 : i32
        %dma_wait3A_164 = tpu.memref_slice %arg4[%add3A_157, %dma_wait3A_162, %dma_wait3A_163] : memref<5056x2x64xi32, #tpu.memory_space<hbm>> -> memref<1x2x64xi32, #tpu.memory_space<hbm>>
        %dma_wait3A_165 = tpu.memref_squeeze %dma_wait3A_164 : memref<1x2x64xi32, #tpu.memory_space<hbm>> -> memref<2x64xi32, #tpu.memory_space<hbm>>
        %dma_wait3A_166 = arith.constant 0 : i32
        %dma_wait3A_167 = arith.constant 0 : i32
        %dma_wait3A_168 = tpu.memref_slice %arg7[%rem3A_119, %dma_wait3A_166, %dma_wait3A_167] : memref<4x2x64xi32, #tpu.memory_space<vmem>> -> memref<1x2x64xi32, #tpu.memory_space<vmem>>
        %dma_wait3A_169 = tpu.memref_squeeze %dma_wait3A_168 : memref<1x2x64xi32, #tpu.memory_space<vmem>> -> memref<2x64xi32, #tpu.memory_space<vmem>>
        %dma_wait3A_170 = arith.constant 0 : i32
        %dma_wait3A_171 = arith.constant 0 : i32
        %dma_wait3A_172 = tpu.memref_slice %arg4[%add3A_157, %dma_wait3A_170, %dma_wait3A_171] : memref<5056x2x64xi32, #tpu.memory_space<hbm>> -> memref<1x2x64xi32, #tpu.memory_space<hbm>>
        %dma_wait3A_173 = tpu.memref_squeeze %dma_wait3A_172 : memref<1x2x64xi32, #tpu.memory_space<hbm>> -> memref<2x64xi32, #tpu.memory_space<hbm>>
        tpu.wait_dma2 semaphore(%arg11 : memref<!tpu.dma_semaphore, #tpu.memory_space<semaphore_mem>>) src(%dma_wait3A_173 : memref<2x64xi32, #tpu.memory_space<hbm>>) dst(%dma_wait3A_169 : memref<2x64xi32, #tpu.memory_space<vmem>>)
        %dma_start3A_174 = arith.constant 0 : i32
        %dma_start3A_175 = arith.constant 0 : i32
        %dma_start3A_176 = arith.constant 0 : i32
        %dma_start3A_177 = tpu.memref_slice %arg9[%rem3A_113, %dma_start3A_175, %dma_start3A_176] : memref<2x64x128xf32, #tpu.memory_space<vmem>> -> memref<1x64x128xf32, #tpu.memory_space<vmem>>
        %dma_start3A_178 = tpu.memref_squeeze %dma_start3A_177 : memref<1x64x128xf32, #tpu.memory_space<vmem>> -> memref<64x128xf32, #tpu.memory_space<vmem>>
        %dma_start3A_179 = arith.constant 0 : i32
        %dma_start3A_180 = tpu.memref_slice %arg7[%rem3A_119, %dma_start3A_174, %dma_start3A_179] : memref<4x2x64xi32, #tpu.memory_space<vmem>> -> memref<1x1x64xi32, #tpu.memory_space<vmem>>
        %dma_start3A_181 = tpu.memref_squeeze %dma_start3A_180 : memref<1x1x64xi32, #tpu.memory_space<vmem>> -> memref<64xi32, #tpu.memory_space<vmem>>
        %dma_start3A_182 = arith.constant 0 : i32
        %dma_start3A_183 = arith.constant 0 : i32
        %dma_start3A_184 = tpu.memref_slice %arg2[%dma_start3A_182, %dma_start3A_183] : memref<10240x128xf32, #tpu.memory_space<hbm>> -> memref<10240x128xf32, #tpu.memory_space<hbm>>
        tpu.enqueue_indirect_dma source(%dma_start3A_184 : memref<10240x128xf32, #tpu.memory_space<hbm>>) target(%dma_start3A_178 : memref<64x128xf32, #tpu.memory_space<vmem>>) offsets(%dma_start3A_181 : memref<64xi32, #tpu.memory_space<vmem>>) semaphore(%arg10 : memref<!tpu.dma_semaphore, #tpu.memory_space<semaphore_mem>>)
        %add3A_185 = arith.addi %mul3A_2, %add3A_108 : i32
        %add3A_186 = arith.constant 1 : i32
        %add3A_187 = arith.addi %add3A_185, %add3A_186 : i32
        %mul3A_188 = arith.constant 64 : i32
        %mul3A_189 = arith.muli %add3A_187, %mul3A_188 : i32
        %dma_start3A_190 = arith.constant 0 : i32
        %dma_start3A_191 = arith.constant 0 : i32
        %dma_start3A_192 = tpu.memref_slice %arg8[%rem3A_113, %dma_start3A_190, %dma_start3A_191] : memref<2x64x16xf32, #tpu.memory_space<vmem>> -> memref<1x64x16xf32, #tpu.memory_space<vmem>>
        %dma_start3A_193 = tpu.memref_squeeze %dma_start3A_192 : memref<1x64x16xf32, #tpu.memory_space<vmem>> -> memref<64x16xf32, #tpu.memory_space<vmem>>
        %dma_start3A_194 = arith.constant 0 : i32
        %dma_start3A_195 = tpu.memref_slice %arg3[%mul3A_189, %dma_start3A_194] : memref<323584x16xf32, #tpu.memory_space<hbm>> -> memref<64x16xf32, #tpu.memory_space<hbm>>
        %dma_start3A_196 = arith.constant 0 : i32
        %dma_start3A_197 = arith.constant 0 : i32
        %dma_start3A_198 = tpu.memref_slice %arg8[%rem3A_113, %dma_start3A_196, %dma_start3A_197] : memref<2x64x16xf32, #tpu.memory_space<vmem>> -> memref<1x64x16xf32, #tpu.memory_space<vmem>>
        %dma_start3A_199 = tpu.memref_squeeze %dma_start3A_198 : memref<1x64x16xf32, #tpu.memory_space<vmem>> -> memref<64x16xf32, #tpu.memory_space<vmem>>
        %dma_start3A_200 = arith.constant 0 : i32
        %dma_start3A_201 = tpu.memref_slice %arg3[%mul3A_189, %dma_start3A_200] : memref<323584x16xf32, #tpu.memory_space<hbm>> -> memref<64x16xf32, #tpu.memory_space<hbm>>
        tpu.enqueue_dma source(%dma_start3A_201 : memref<64x16xf32, #tpu.memory_space<hbm>>) target(%dma_start3A_199 : memref<64x16xf32, #tpu.memory_space<vmem>>) target_semaphore(%arg12 : memref<!tpu.dma_semaphore, #tpu.memory_space<semaphore_mem>>)
      } else {
      }
      %add3A_138 = arith.constant 2 : i32
      %add3A_139 = arith.addi %add3A_108, %add3A_138 : i32
      %lt3A_140 = arith.constant 158 : i32
      %lt3A_141 = arith.cmpi slt, %add3A_139, %lt3A_140 : i32
      %convert_element_type3A_142 = arith.extui %lt3A_141 : i1 to i32
      %cond3A_143 = arith.constant 0 : i32
      %cond3A_144 = arith.cmpi ne, %convert_element_type3A_142, %cond3A_143 : i32
      scf.if %cond3A_144 {
        %add3A_155 = arith.addi %mul3A_2, %add3A_108 : i32
        %add3A_156 = arith.constant 2 : i32
        %add3A_157 = arith.addi %add3A_155, %add3A_156 : i32
        %dma_start3A_158 = arith.constant 0 : i32
        %dma_start3A_159 = arith.constant 0 : i32
        %dma_start3A_160 = tpu.memref_slice %arg7[%rem3A_123, %dma_start3A_158, %dma_start3A_159] : memref<4x2x64xi32, #tpu.memory_space<vmem>> -> memref<1x2x64xi32, #tpu.memory_space<vmem>>
        %dma_start3A_161 = tpu.memref_squeeze %dma_start3A_160 : memref<1x2x64xi32, #tpu.memory_space<vmem>> -> memref<2x64xi32, #tpu.memory_space<vmem>>
        %dma_start3A_162 = arith.constant 0 : i32
        %dma_start3A_163 = arith.constant 0 : i32
        %dma_start3A_164 = tpu.memref_slice %arg4[%add3A_157, %dma_start3A_162, %dma_start3A_163] : memref<5056x2x64xi32, #tpu.memory_space<hbm>> -> memref<1x2x64xi32, #tpu.memory_space<hbm>>
        %dma_start3A_165 = tpu.memref_squeeze %dma_start3A_164 : memref<1x2x64xi32, #tpu.memory_space<hbm>> -> memref<2x64xi32, #tpu.memory_space<hbm>>
        %dma_start3A_166 = arith.constant 0 : i32
        %dma_start3A_167 = arith.constant 0 : i32
        %dma_start3A_168 = tpu.memref_slice %arg7[%rem3A_123, %dma_start3A_166, %dma_start3A_167] : memref<4x2x64xi32, #tpu.memory_space<vmem>> -> memref<1x2x64xi32, #tpu.memory_space<vmem>>
        %dma_start3A_169 = tpu.memref_squeeze %dma_start3A_168 : memref<1x2x64xi32, #tpu.memory_space<vmem>> -> memref<2x64xi32, #tpu.memory_space<vmem>>
        %dma_start3A_170 = arith.constant 0 : i32
        %dma_start3A_171 = arith.constant 0 : i32
        %dma_start3A_172 = tpu.memref_slice %arg4[%add3A_157, %dma_start3A_170, %dma_start3A_171] : memref<5056x2x64xi32, #tpu.memory_space<hbm>> -> memref<1x2x64xi32, #tpu.memory_space<hbm>>
        %dma_start3A_173 = tpu.memref_squeeze %dma_start3A_172 : memref<1x2x64xi32, #tpu.memory_space<hbm>> -> memref<2x64xi32, #tpu.memory_space<hbm>>
        tpu.enqueue_dma source(%dma_start3A_173 : memref<2x64xi32, #tpu.memory_space<hbm>>) target(%dma_start3A_169 : memref<2x64xi32, #tpu.memory_space<vmem>>) target_semaphore(%arg11 : memref<!tpu.dma_semaphore, #tpu.memory_space<semaphore_mem>>)
      } else {
      }
      %ge3A = arith.constant 1 : i32
      %ge3A_145 = arith.cmpi sge, %add3A_108, %ge3A : i32
      %convert_element_type3A_146 = arith.extui %ge3A_145 : i1 to i32
      %cond3A_147 = arith.constant 0 : i32
      %cond3A_148 = arith.cmpi ne, %convert_element_type3A_146, %cond3A_147 : i32
      scf.if %cond3A_148 {
        %mul3A_155 = arith.constant 64 : i32
        %mul3A_156 = arith.muli %mul3A_2, %mul3A_155 : i32
        %dma_wait3A_157 = arith.constant 0 : i32
        %dma_wait3A_158 = arith.constant 0 : i32
        %dma_wait3A_159 = tpu.memref_slice %arg8[%rem3A_109, %dma_wait3A_157, %dma_wait3A_158] : memref<2x64x16xf32, #tpu.memory_space<vmem>> -> memref<1x64x16xf32, #tpu.memory_space<vmem>>
        %dma_wait3A_160 = tpu.memref_squeeze %dma_wait3A_159 : memref<1x64x16xf32, #tpu.memory_space<vmem>> -> memref<64x16xf32, #tpu.memory_space<vmem>>
        %dma_wait3A_161 = arith.constant 0 : i32
        %dma_wait3A_162 = tpu.memref_slice %arg3[%mul3A_156, %dma_wait3A_161] : memref<323584x16xf32, #tpu.memory_space<hbm>> -> memref<64x16xf32, #tpu.memory_space<hbm>>
        %dma_wait3A_163 = arith.constant 0 : i32
        %dma_wait3A_164 = arith.constant 0 : i32
        %dma_wait3A_165 = tpu.memref_slice %arg8[%rem3A_109, %dma_wait3A_163, %dma_wait3A_164] : memref<2x64x16xf32, #tpu.memory_space<vmem>> -> memref<1x64x16xf32, #tpu.memory_space<vmem>>
        %dma_wait3A_166 = tpu.memref_squeeze %dma_wait3A_165 : memref<1x64x16xf32, #tpu.memory_space<vmem>> -> memref<64x16xf32, #tpu.memory_space<vmem>>
        %dma_wait3A_167 = arith.constant 0 : i32
        %dma_wait3A_168 = tpu.memref_slice %arg3[%mul3A_156, %dma_wait3A_167] : memref<323584x16xf32, #tpu.memory_space<hbm>> -> memref<64x16xf32, #tpu.memory_space<hbm>>
        tpu.wait_dma2 semaphore(%arg12 : memref<!tpu.dma_semaphore, #tpu.memory_space<semaphore_mem>>) src(%dma_wait3A_168 : memref<64x16xf32, #tpu.memory_space<hbm>>) dst(%dma_wait3A_166 : memref<64x16xf32, #tpu.memory_space<vmem>>)
      } else {
      }
      %scan3A_149 = arith.constant 0 : i32
      %scan3A_150 = arith.constant 32 : i32
      %scan3A_151 = arith.addi %scan3A_149, %scan3A_150 : i32
      %scan3A_152 = arith.constant 1 : i32
      scf.for %scan3A_155 = %scan3A_149 to %scan3A_151 step %scan3A_152  : i32 {
        %mul3A_156 = arith.constant 1 : i32
        %mul3A_157 = arith.muli %scan3A_155, %mul3A_156 : i32
        %add3A_158 = arith.constant 0 : i32
        %add3A_159 = arith.addi %add3A_158, %mul3A_157 : i32
        %mul3A_160 = arith.constant 2 : i32
        %mul3A_161 = arith.muli %add3A_159, %mul3A_160 : i32
        %add3A_162 = arith.constant 0 : i32
        %add3A_163 = arith.addi %mul3A_161, %add3A_162 : i32
        %get3A = arith.index_cast %rem3A_109 : i32 to index
        %get3A_164 = arith.index_cast %add3A_163 : i32 to index
        %get3A_165 = arith.constant 0 : index
        %get3A_166 = tpu.vector_load %arg8[%get3A, %get3A_164, %get3A_165] {strides = array<i32>} : memref<2x64x16xf32, #tpu.memory_space<vmem>>, vector<1x1x16xf32>,
        %get3A_167 = vector.shape_cast %get3A_166 : vector<1x1x16xf32> to vector<16xf32>
        %get3A_168 = arith.index_cast %rem3A_109 : i32 to index
        %get3A_169 = arith.index_cast %add3A_163 : i32 to index
        %get3A_170 = arith.constant 0 : index
        %get3A_171 = tpu.vector_load %arg9[%get3A_168, %get3A_169, %get3A_170] {strides = array<i32>} : memref<2x64x128xf32, #tpu.memory_space<vmem>>, vector<1x1x16xf32>,
        %get3A_172 = vector.shape_cast %get3A_171 : vector<1x1x16xf32> to vector<16xf32>
        %mul3A_173 = arith.mulf %get3A_167, %get3A_172 : vector<16xf32>
        %swap3A = arith.index_cast %rem3A_109 : i32 to index
        %swap3A_174 = arith.index_cast %add3A_163 : i32 to index
        %swap3A_175 = arith.constant 0 : index
        %swap3A_176 = tpu.vector_load %arg9[%swap3A, %swap3A_174, %swap3A_175] {strides = array<i32>} : memref<2x64x128xf32, #tpu.memory_space<vmem>>, vector<1x1x16xf32>,
        %swap3A_177 = vector.shape_cast %swap3A_176 : vector<1x1x16xf32> to vector<16xf32>
        %swap3A_178 = vector.shape_cast %mul3A_173 : vector<16xf32> to vector<1x1x16xf32>
        tpu.vector_store %arg9[%swap3A, %swap3A_174, %swap3A_175], %swap3A_178 {strides = array<i32>} : memref<2x64x128xf32, #tpu.memory_space<vmem>>, vector<1x1x16xf32>,
        %get3A_179 = arith.index_cast %rem3A_109 : i32 to index
        %get3A_180 = arith.index_cast %add3A_163 : i32 to index
        %get3A_181 = arith.constant 16 : index
        %get3A_182 = tpu.vector_load %arg9[%get3A_179, %get3A_180, %get3A_181] {strides = array<i32>} : memref<2x64x128xf32, #tpu.memory_space<vmem>>, vector<1x1x16xf32>,
        %get3A_183 = vector.shape_cast %get3A_182 : vector<1x1x16xf32> to vector<16xf32>
        %mul3A_184 = arith.mulf %get3A_167, %get3A_183 : vector<16xf32>
        %swap3A_185 = arith.index_cast %rem3A_109 : i32 to index
        %swap3A_186 = arith.index_cast %add3A_163 : i32 to index
        %swap3A_187 = arith.constant 16 : index
        %swap3A_188 = tpu.vector_load %arg9[%swap3A_185, %swap3A_186, %swap3A_187] {strides = array<i32>} : memref<2x64x128xf32, #tpu.memory_space<vmem>>, vector<1x1x16xf32>,
        %swap3A_189 = vector.shape_cast %swap3A_188 : vector<1x1x16xf32> to vector<16xf32>
        %swap3A_190 = vector.shape_cast %mul3A_184 : vector<16xf32> to vector<1x1x16xf32>
        tpu.vector_store %arg9[%swap3A_185, %swap3A_186, %swap3A_187], %swap3A_190 {strides = array<i32>} : memref<2x64x128xf32, #tpu.memory_space<vmem>>, vector<1x1x16xf32>,
        %get3A_191 = arith.index_cast %rem3A_109 : i32 to index
        %get3A_192 = arith.index_cast %add3A_163 : i32 to index
        %get3A_193 = arith.constant 32 : index
        %get3A_194 = tpu.vector_load %arg9[%get3A_191, %get3A_192, %get3A_193] {strides = array<i32>} : memref<2x64x128xf32, #tpu.memory_space<vmem>>, vector<1x1x16xf32>,
        %get3A_195 = vector.shape_cast %get3A_194 : vector<1x1x16xf32> to vector<16xf32>
        %mul3A_196 = arith.mulf %get3A_167, %get3A_195 : vector<16xf32>
        %swap3A_197 = arith.index_cast %rem3A_109 : i32 to index
        %swap3A_198 = arith.index_cast %add3A_163 : i32 to index
        %swap3A_199 = arith.constant 32 : index
        %swap3A_200 = tpu.vector_load %arg9[%swap3A_197, %swap3A_198, %swap3A_199] {strides = array<i32>} : memref<2x64x128xf32, #tpu.memory_space<vmem>>, vector<1x1x16xf32>,
        %swap3A_201 = vector.shape_cast %swap3A_200 : vector<1x1x16xf32> to vector<16xf32>
        %swap3A_202 = vector.shape_cast %mul3A_196 : vector<16xf32> to vector<1x1x16xf32>
        tpu.vector_store %arg9[%swap3A_197, %swap3A_198, %swap3A_199], %swap3A_202 {strides = array<i32>} : memref<2x64x128xf32, #tpu.memory_space<vmem>>, vector<1x1x16xf32>,
        %get3A_203 = arith.index_cast %rem3A_109 : i32 to index
        %get3A_204 = arith.index_cast %add3A_163 : i32 to index
        %get3A_205 = arith.constant 48 : index
        %get3A_206 = tpu.vector_load %arg9[%get3A_203, %get3A_204, %get3A_205] {strides = array<i32>} : memref<2x64x128xf32, #tpu.memory_space<vmem>>, vector<1x1x16xf32>,
        %get3A_207 = vector.shape_cast %get3A_206 : vector<1x1x16xf32> to vector<16xf32>
        %mul3A_208 = arith.mulf %get3A_167, %get3A_207 : vector<16xf32>
        %swap3A_209 = arith.index_cast %rem3A_109 : i32 to index
        %swap3A_210 = arith.index_cast %add3A_163 : i32 to index
        %swap3A_211 = arith.constant 48 : index
        %swap3A_212 = tpu.vector_load %arg9[%swap3A_209, %swap3A_210, %swap3A_211] {strides = array<i32>} : memref<2x64x128xf32, #tpu.memory_space<vmem>>, vector<1x1x16xf32>,
        %swap3A_213 = vector.shape_cast %swap3A_212 : vector<1x1x16xf32> to vector<16xf32>
        %swap3A_214 = vector.shape_cast %mul3A_208 : vector<16xf32> to vector<1x1x16xf32>
        tpu.vector_store %arg9[%swap3A_209, %swap3A_210, %swap3A_211], %swap3A_214 {strides = array<i32>} : memref<2x64x128xf32, #tpu.memory_space<vmem>>, vector<1x1x16xf32>,
        %get3A_215 = arith.index_cast %rem3A_109 : i32 to index
        %get3A_216 = arith.index_cast %add3A_163 : i32 to index
        %get3A_217 = arith.constant 64 : index
        %get3A_218 = tpu.vector_load %arg9[%get3A_215, %get3A_216, %get3A_217] {strides = array<i32>} : memref<2x64x128xf32, #tpu.memory_space<vmem>>, vector<1x1x16xf32>,
        %get3A_219 = vector.shape_cast %get3A_218 : vector<1x1x16xf32> to vector<16xf32>
        %mul3A_220 = arith.mulf %get3A_167, %get3A_219 : vector<16xf32>
        %swap3A_221 = arith.index_cast %rem3A_109 : i32 to index
        %swap3A_222 = arith.index_cast %add3A_163 : i32 to index
        %swap3A_223 = arith.constant 64 : index
        %swap3A_224 = tpu.vector_load %arg9[%swap3A_221, %swap3A_222, %swap3A_223] {strides = array<i32>} : memref<2x64x128xf32, #tpu.memory_space<vmem>>, vector<1x1x16xf32>,
        %swap3A_225 = vector.shape_cast %swap3A_224 : vector<1x1x16xf32> to vector<16xf32>
        %swap3A_226 = vector.shape_cast %mul3A_220 : vector<16xf32> to vector<1x1x16xf32>
        tpu.vector_store %arg9[%swap3A_221, %swap3A_222, %swap3A_223], %swap3A_226 {strides = array<i32>} : memref<2x64x128xf32, #tpu.memory_space<vmem>>, vector<1x1x16xf32>,
        %get3A_227 = arith.index_cast %rem3A_109 : i32 to index
        %get3A_228 = arith.index_cast %add3A_163 : i32 to index
        %get3A_229 = arith.constant 80 : index
        %get3A_230 = tpu.vector_load %arg9[%get3A_227, %get3A_228, %get3A_229] {strides = array<i32>} : memref<2x64x128xf32, #tpu.memory_space<vmem>>, vector<1x1x16xf32>,
        %get3A_231 = vector.shape_cast %get3A_230 : vector<1x1x16xf32> to vector<16xf32>
        %mul3A_232 = arith.mulf %get3A_167, %get3A_231 : vector<16xf32>
        %swap3A_233 = arith.index_cast %rem3A_109 : i32 to index
        %swap3A_234 = arith.index_cast %add3A_163 : i32 to index
        %swap3A_235 = arith.constant 80 : index
        %swap3A_236 = tpu.vector_load %arg9[%swap3A_233, %swap3A_234, %swap3A_235] {strides = array<i32>} : memref<2x64x128xf32, #tpu.memory_space<vmem>>, vector<1x1x16xf32>,
        %swap3A_237 = vector.shape_cast %swap3A_236 : vector<1x1x16xf32> to vector<16xf32>
        %swap3A_238 = vector.shape_cast %mul3A_232 : vector<16xf32> to vector<1x1x16xf32>
        tpu.vector_store %arg9[%swap3A_233, %swap3A_234, %swap3A_235], %swap3A_238 {strides = array<i32>} : memref<2x64x128xf32, #tpu.memory_space<vmem>>, vector<1x1x16xf32>,
        %get3A_239 = arith.index_cast %rem3A_109 : i32 to index
        %get3A_240 = arith.index_cast %add3A_163 : i32 to index
        %get3A_241 = arith.constant 96 : index
        %get3A_242 = tpu.vector_load %arg9[%get3A_239, %get3A_240, %get3A_241] {strides = array<i32>} : memref<2x64x128xf32, #tpu.memory_space<vmem>>, vector<1x1x16xf32>,
        %get3A_243 = vector.shape_cast %get3A_242 : vector<1x1x16xf32> to vector<16xf32>
        %mul3A_244 = arith.mulf %get3A_167, %get3A_243 : vector<16xf32>
        %swap3A_245 = arith.index_cast %rem3A_109 : i32 to index
        %swap3A_246 = arith.index_cast %add3A_163 : i32 to index
        %swap3A_247 = arith.constant 96 : index
        %swap3A_248 = tpu.vector_load %arg9[%swap3A_245, %swap3A_246, %swap3A_247] {strides = array<i32>} : memref<2x64x128xf32, #tpu.memory_space<vmem>>, vector<1x1x16xf32>,
        %swap3A_249 = vector.shape_cast %swap3A_248 : vector<1x1x16xf32> to vector<16xf32>
        %swap3A_250 = vector.shape_cast %mul3A_244 : vector<16xf32> to vector<1x1x16xf32>
        tpu.vector_store %arg9[%swap3A_245, %swap3A_246, %swap3A_247], %swap3A_250 {strides = array<i32>} : memref<2x64x128xf32, #tpu.memory_space<vmem>>, vector<1x1x16xf32>,
        %get3A_251 = arith.index_cast %rem3A_109 : i32 to index
        %get3A_252 = arith.index_cast %add3A_163 : i32 to index
        %get3A_253 = arith.constant 112 : index
        %get3A_254 = tpu.vector_load %arg9[%get3A_251, %get3A_252, %get3A_253] {strides = array<i32>} : memref<2x64x128xf32, #tpu.memory_space<vmem>>, vector<1x1x16xf32>,
        %get3A_255 = vector.shape_cast %get3A_254 : vector<1x1x16xf32> to vector<16xf32>
        %mul3A_256 = arith.mulf %get3A_167, %get3A_255 : vector<16xf32>
        %swap3A_257 = arith.index_cast %rem3A_109 : i32 to index
        %swap3A_258 = arith.index_cast %add3A_163 : i32 to index
        %swap3A_259 = arith.constant 112 : index
        %swap3A_260 = tpu.vector_load %arg9[%swap3A_257, %swap3A_258, %swap3A_259] {strides = array<i32>} : memref<2x64x128xf32, #tpu.memory_space<vmem>>, vector<1x1x16xf32>,
        %swap3A_261 = vector.shape_cast %swap3A_260 : vector<1x1x16xf32> to vector<16xf32>
        %swap3A_262 = vector.shape_cast %mul3A_256 : vector<16xf32> to vector<1x1x16xf32>
        tpu.vector_store %arg9[%swap3A_257, %swap3A_258, %swap3A_259], %swap3A_262 {strides = array<i32>} : memref<2x64x128xf32, #tpu.memory_space<vmem>>, vector<1x1x16xf32>,
        %mul3A_263 = arith.constant 2 : i32
        %mul3A_264 = arith.muli %add3A_159, %mul3A_263 : i32
        %add3A_265 = arith.constant 1 : i32
        %add3A_266 = arith.addi %mul3A_264, %add3A_265 : i32
        %get3A_267 = arith.index_cast %rem3A_109 : i32 to index
        %get3A_268 = arith.index_cast %add3A_266 : i32 to index
        %get3A_269 = arith.constant 0 : index
        %get3A_270 = tpu.vector_load %arg8[%get3A_267, %get3A_268, %get3A_269] {strides = array<i32>} : memref<2x64x16xf32, #tpu.memory_space<vmem>>, vector<1x1x16xf32>,
        %get3A_271 = vector.shape_cast %get3A_270 : vector<1x1x16xf32> to vector<16xf32>
        %get3A_272 = arith.index_cast %rem3A_109 : i32 to index
        %get3A_273 = arith.index_cast %add3A_266 : i32 to index
        %get3A_274 = arith.constant 0 : index
        %get3A_275 = tpu.vector_load %arg9[%get3A_272, %get3A_273, %get3A_274] {strides = array<i32>} : memref<2x64x128xf32, #tpu.memory_space<vmem>>, vector<1x1x16xf32>,
        %get3A_276 = vector.shape_cast %get3A_275 : vector<1x1x16xf32> to vector<16xf32>
        %mul3A_277 = arith.mulf %get3A_271, %get3A_276 : vector<16xf32>
        %swap3A_278 = arith.index_cast %rem3A_109 : i32 to index
        %swap3A_279 = arith.index_cast %add3A_266 : i32 to index
        %swap3A_280 = arith.constant 0 : index
        %swap3A_281 = tpu.vector_load %arg9[%swap3A_278, %swap3A_279, %swap3A_280] {strides = array<i32>} : memref<2x64x128xf32, #tpu.memory_space<vmem>>, vector<1x1x16xf32>,
        %swap3A_282 = vector.shape_cast %swap3A_281 : vector<1x1x16xf32> to vector<16xf32>
        %swap3A_283 = vector.shape_cast %mul3A_277 : vector<16xf32> to vector<1x1x16xf32>
        tpu.vector_store %arg9[%swap3A_278, %swap3A_279, %swap3A_280], %swap3A_283 {strides = array<i32>} : memref<2x64x128xf32, #tpu.memory_space<vmem>>, vector<1x1x16xf32>,
        %get3A_284 = arith.index_cast %rem3A_109 : i32 to index
        %get3A_285 = arith.index_cast %add3A_266 : i32 to index
        %get3A_286 = arith.constant 16 : index
        %get3A_287 = tpu.vector_load %arg9[%get3A_284, %get3A_285, %get3A_286] {strides = array<i32>} : memref<2x64x128xf32, #tpu.memory_space<vmem>>, vector<1x1x16xf32>,
        %get3A_288 = vector.shape_cast %get3A_287 : vector<1x1x16xf32> to vector<16xf32>
        %mul3A_289 = arith.mulf %get3A_271, %get3A_288 : vector<16xf32>
        %swap3A_290 = arith.index_cast %rem3A_109 : i32 to index
        %swap3A_291 = arith.index_cast %add3A_266 : i32 to index
        %swap3A_292 = arith.constant 16 : index
        %swap3A_293 = tpu.vector_load %arg9[%swap3A_290, %swap3A_291, %swap3A_292] {strides = array<i32>} : memref<2x64x128xf32, #tpu.memory_space<vmem>>, vector<1x1x16xf32>,
        %swap3A_294 = vector.shape_cast %swap3A_293 : vector<1x1x16xf32> to vector<16xf32>
        %swap3A_295 = vector.shape_cast %mul3A_289 : vector<16xf32> to vector<1x1x16xf32>
        tpu.vector_store %arg9[%swap3A_290, %swap3A_291, %swap3A_292], %swap3A_295 {strides = array<i32>} : memref<2x64x128xf32, #tpu.memory_space<vmem>>, vector<1x1x16xf32>,
        %get3A_296 = arith.index_cast %rem3A_109 : i32 to index
        %get3A_297 = arith.index_cast %add3A_266 : i32 to index
        %get3A_298 = arith.constant 32 : index
        %get3A_299 = tpu.vector_load %arg9[%get3A_296, %get3A_297, %get3A_298] {strides = array<i32>} : memref<2x64x128xf32, #tpu.memory_space<vmem>>, vector<1x1x16xf32>,
        %get3A_300 = vector.shape_cast %get3A_299 : vector<1x1x16xf32> to vector<16xf32>
        %mul3A_301 = arith.mulf %get3A_271, %get3A_300 : vector<16xf32>
        %swap3A_302 = arith.index_cast %rem3A_109 : i32 to index
        %swap3A_303 = arith.index_cast %add3A_266 : i32 to index
        %swap3A_304 = arith.constant 32 : index
        %swap3A_305 = tpu.vector_load %arg9[%swap3A_302, %swap3A_303, %swap3A_304] {strides = array<i32>} : memref<2x64x128xf32, #tpu.memory_space<vmem>>, vector<1x1x16xf32>,
        %swap3A_306 = vector.shape_cast %swap3A_305 : vector<1x1x16xf32> to vector<16xf32>
        %swap3A_307 = vector.shape_cast %mul3A_301 : vector<16xf32> to vector<1x1x16xf32>
        tpu.vector_store %arg9[%swap3A_302, %swap3A_303, %swap3A_304], %swap3A_307 {strides = array<i32>} : memref<2x64x128xf32, #tpu.memory_space<vmem>>, vector<1x1x16xf32>,
        %get3A_308 = arith.index_cast %rem3A_109 : i32 to index
        %get3A_309 = arith.index_cast %add3A_266 : i32 to index
        %get3A_310 = arith.constant 48 : index
        %get3A_311 = tpu.vector_load %arg9[%get3A_308, %get3A_309, %get3A_310] {strides = array<i32>} : memref<2x64x128xf32, #tpu.memory_space<vmem>>, vector<1x1x16xf32>,
        %get3A_312 = vector.shape_cast %get3A_311 : vector<1x1x16xf32> to vector<16xf32>
        %mul3A_313 = arith.mulf %get3A_271, %get3A_312 : vector<16xf32>
        %swap3A_314 = arith.index_cast %rem3A_109 : i32 to index
        %swap3A_315 = arith.index_cast %add3A_266 : i32 to index
        %swap3A_316 = arith.constant 48 : index
        %swap3A_317 = tpu.vector_load %arg9[%swap3A_314, %swap3A_315, %swap3A_316] {strides = array<i32>} : memref<2x64x128xf32, #tpu.memory_space<vmem>>, vector<1x1x16xf32>,
        %swap3A_318 = vector.shape_cast %swap3A_317 : vector<1x1x16xf32> to vector<16xf32>
        %swap3A_319 = vector.shape_cast %mul3A_313 : vector<16xf32> to vector<1x1x16xf32>
        tpu.vector_store %arg9[%swap3A_314, %swap3A_315, %swap3A_316], %swap3A_319 {strides = array<i32>} : memref<2x64x128xf32, #tpu.memory_space<vmem>>, vector<1x1x16xf32>,
        %get3A_320 = arith.index_cast %rem3A_109 : i32 to index
        %get3A_321 = arith.index_cast %add3A_266 : i32 to index
        %get3A_322 = arith.constant 64 : index
        %get3A_323 = tpu.vector_load %arg9[%get3A_320, %get3A_321, %get3A_322] {strides = array<i32>} : memref<2x64x128xf32, #tpu.memory_space<vmem>>, vector<1x1x16xf32>,
        %get3A_324 = vector.shape_cast %get3A_323 : vector<1x1x16xf32> to vector<16xf32>
        %mul3A_325 = arith.mulf %get3A_271, %get3A_324 : vector<16xf32>
        %swap3A_326 = arith.index_cast %rem3A_109 : i32 to index
        %swap3A_327 = arith.index_cast %add3A_266 : i32 to index
        %swap3A_328 = arith.constant 64 : index
        %swap3A_329 = tpu.vector_load %arg9[%swap3A_326, %swap3A_327, %swap3A_328] {strides = array<i32>} : memref<2x64x128xf32, #tpu.memory_space<vmem>>, vector<1x1x16xf32>,
        %swap3A_330 = vector.shape_cast %swap3A_329 : vector<1x1x16xf32> to vector<16xf32>
        %swap3A_331 = vector.shape_cast %mul3A_325 : vector<16xf32> to vector<1x1x16xf32>
        tpu.vector_store %arg9[%swap3A_326, %swap3A_327, %swap3A_328], %swap3A_331 {strides = array<i32>} : memref<2x64x128xf32, #tpu.memory_space<vmem>>, vector<1x1x16xf32>,
        %get3A_332 = arith.index_cast %rem3A_109 : i32 to index
        %get3A_333 = arith.index_cast %add3A_266 : i32 to index
        %get3A_334 = arith.constant 80 : index
        %get3A_335 = tpu.vector_load %arg9[%get3A_332, %get3A_333, %get3A_334] {strides = array<i32>} : memref<2x64x128xf32, #tpu.memory_space<vmem>>, vector<1x1x16xf32>,
        %get3A_336 = vector.shape_cast %get3A_335 : vector<1x1x16xf32> to vector<16xf32>
        %mul3A_337 = arith.mulf %get3A_271, %get3A_336 : vector<16xf32>
        %swap3A_338 = arith.index_cast %rem3A_109 : i32 to index
        %swap3A_339 = arith.index_cast %add3A_266 : i32 to index
        %swap3A_340 = arith.constant 80 : index
        %swap3A_341 = tpu.vector_load %arg9[%swap3A_338, %swap3A_339, %swap3A_340] {strides = array<i32>} : memref<2x64x128xf32, #tpu.memory_space<vmem>>, vector<1x1x16xf32>,
        %swap3A_342 = vector.shape_cast %swap3A_341 : vector<1x1x16xf32> to vector<16xf32>
        %swap3A_343 = vector.shape_cast %mul3A_337 : vector<16xf32> to vector<1x1x16xf32>
        tpu.vector_store %arg9[%swap3A_338, %swap3A_339, %swap3A_340], %swap3A_343 {strides = array<i32>} : memref<2x64x128xf32, #tpu.memory_space<vmem>>, vector<1x1x16xf32>,
        %get3A_344 = arith.index_cast %rem3A_109 : i32 to index
        %get3A_345 = arith.index_cast %add3A_266 : i32 to index
        %get3A_346 = arith.constant 96 : index
        %get3A_347 = tpu.vector_load %arg9[%get3A_344, %get3A_345, %get3A_346] {strides = array<i32>} : memref<2x64x128xf32, #tpu.memory_space<vmem>>, vector<1x1x16xf32>,
        %get3A_348 = vector.shape_cast %get3A_347 : vector<1x1x16xf32> to vector<16xf32>
        %mul3A_349 = arith.mulf %get3A_271, %get3A_348 : vector<16xf32>
        %swap3A_350 = arith.index_cast %rem3A_109 : i32 to index
        %swap3A_351 = arith.index_cast %add3A_266 : i32 to index
        %swap3A_352 = arith.constant 96 : index
        %swap3A_353 = tpu.vector_load %arg9[%swap3A_350, %swap3A_351, %swap3A_352] {strides = array<i32>} : memref<2x64x128xf32, #tpu.memory_space<vmem>>, vector<1x1x16xf32>,
        %swap3A_354 = vector.shape_cast %swap3A_353 : vector<1x1x16xf32> to vector<16xf32>
        %swap3A_355 = vector.shape_cast %mul3A_349 : vector<16xf32> to vector<1x1x16xf32>
        tpu.vector_store %arg9[%swap3A_350, %swap3A_351, %swap3A_352], %swap3A_355 {strides = array<i32>} : memref<2x64x128xf32, #tpu.memory_space<vmem>>, vector<1x1x16xf32>,
        %get3A_356 = arith.index_cast %rem3A_109 : i32 to index
        %get3A_357 = arith.index_cast %add3A_266 : i32 to index
        %get3A_358 = arith.constant 112 : index
        %get3A_359 = tpu.vector_load %arg9[%get3A_356, %get3A_357, %get3A_358] {strides = array<i32>} : memref<2x64x128xf32, #tpu.memory_space<vmem>>, vector<1x1x16xf32>,
        %get3A_360 = vector.shape_cast %get3A_359 : vector<1x1x16xf32> to vector<16xf32>
        %mul3A_361 = arith.mulf %get3A_271, %get3A_360 : vector<16xf32>
        %swap3A_362 = arith.index_cast %rem3A_109 : i32 to index
        %swap3A_363 = arith.index_cast %add3A_266 : i32 to index
        %swap3A_364 = arith.constant 112 : index
        %swap3A_365 = tpu.vector_load %arg9[%swap3A_362, %swap3A_363, %swap3A_364] {strides = array<i32>} : memref<2x64x128xf32, #tpu.memory_space<vmem>>, vector<1x1x16xf32>,
        %swap3A_366 = vector.shape_cast %swap3A_365 : vector<1x1x16xf32> to vector<16xf32>
        %swap3A_367 = vector.shape_cast %mul3A_361 : vector<16xf32> to vector<1x1x16xf32>
        tpu.vector_store %arg9[%swap3A_362, %swap3A_363, %swap3A_364], %swap3A_367 {strides = array<i32>} : memref<2x64x128xf32, #tpu.memory_space<vmem>>, vector<1x1x16xf32>,
      }
      %scan3A_153 = arith.constant 32 : i32
      %run_scoped3A_154 = arith.constant 1 : i32
      "tpu.region"() ({
        %run_scoped3A_155 = tpu.sem_alloc : memref<!tpu.dma_semaphore, #tpu.memory_space<semaphore_mem>>
        %dma_start3A_156 = arith.constant 0 : i32
        %dma_start3A_157 = arith.constant 0 : i32
        %dma_start3A_158 = tpu.memref_slice %arg9[%rem3A_109, %dma_start3A_156, %dma_start3A_157] : memref<2x64x128xf32, #tpu.memory_space<vmem>> -> memref<1x64x128xf32, #tpu.memory_space<vmem>>
        %dma_start3A_159 = tpu.memref_squeeze %dma_start3A_158 : memref<1x64x128xf32, #tpu.memory_space<vmem>> -> memref<64x128xf32, #tpu.memory_space<vmem>>
        %dma_start3A_160 = arith.constant 0 : i32
        %dma_start3A_161 = tpu.memref_slice %arg7[%rem3A_115, %run_scoped3A_154, %dma_start3A_160] : memref<4x2x64xi32, #tpu.memory_space<vmem>> -> memref<1x1x64xi32, #tpu.memory_space<vmem>>
        %dma_start3A_162 = tpu.memref_squeeze %dma_start3A_161 : memref<1x1x64xi32, #tpu.memory_space<vmem>> -> memref<64xi32, #tpu.memory_space<vmem>>
        %dma_start3A_163 = arith.constant 0 : i32
        %dma_start3A_164 = arith.constant 0 : i32
        %dma_start3A_165 = tpu.memref_slice %arg6[%dma_start3A_163, %dma_start3A_164] : memref<10240x128xf32, #tpu.memory_space<vmem_shared>> -> memref<10240x128xf32, #tpu.memory_space<vmem_shared>>
        tpu.enqueue_indirect_dma source(%dma_start3A_159 : memref<64x128xf32, #tpu.memory_space<vmem>>) target(%dma_start3A_165 : memref<10240x128xf32, #tpu.memory_space<vmem_shared>>) offsets(%dma_start3A_162 : memref<64xi32, #tpu.memory_space<vmem>>) semaphore(%run_scoped3A_155 : memref<!tpu.dma_semaphore, #tpu.memory_space<semaphore_mem>>) {add = true}
        %dma_wait3A_166 = arith.constant 0 : i32
        %dma_wait3A_167 = arith.constant 0 : i32
        %dma_wait3A_168 = tpu.memref_slice %arg9[%rem3A_109, %dma_wait3A_166, %dma_wait3A_167] : memref<2x64x128xf32, #tpu.memory_space<vmem>> -> memref<1x64x128xf32, #tpu.memory_space<vmem>>
        %dma_wait3A_169 = tpu.memref_squeeze %dma_wait3A_168 : memref<1x64x128xf32, #tpu.memory_space<vmem>> -> memref<64x128xf32, #tpu.memory_space<vmem>>
        %dma_wait3A_170 = arith.constant 0 : i32
        %dma_wait3A_171 = tpu.memref_slice %arg7[%rem3A_115, %run_scoped3A_154, %dma_wait3A_170] : memref<4x2x64xi32, #tpu.memory_space<vmem>> -> memref<1x1x64xi32, #tpu.memory_space<vmem>>
        %dma_wait3A_172 = tpu.memref_squeeze %dma_wait3A_171 : memref<1x1x64xi32, #tpu.memory_space<vmem>> -> memref<64xi32, #tpu.memory_space<vmem>>
        %dma_wait3A_173 = arith.constant 0 : i32
        %dma_wait3A_174 = arith.constant 0 : i32
        %dma_wait3A_175 = tpu.memref_slice %arg6[%dma_wait3A_173, %dma_wait3A_174] : memref<10240x128xf32, #tpu.memory_space<vmem_shared>> -> memref<10240x128xf32, #tpu.memory_space<vmem_shared>>
        tpu.wait_indirect_dma semaphore(%run_scoped3A_155 : memref<!tpu.dma_semaphore, #tpu.memory_space<semaphore_mem>>) src(%dma_wait3A_169 : memref<64x128xf32, #tpu.memory_space<vmem>>) dst(%dma_wait3A_175 : memref<10240x128xf32, #tpu.memory_space<vmem_shared>>)
        tpu.yield
      }) : () -> ()
    }
    %scan3A_95 = arith.constant 158 : i32
    %barrier3A_96 = arith.constant 0 : index
    tpu.barrier barrier_id(%barrier3A_96)
    %mul3A_97 = arith.constant 640 : i32
    %mul3A_98 = arith.muli %arg1, %mul3A_97 : i32
    %mul3A_99 = arith.constant 10240 : i32
    %mul3A_100 = arith.muli %arg0, %mul3A_99 : i32
    %mul3A_101 = arith.constant 640 : i32
    %mul3A_102 = arith.muli %arg1, %mul3A_101 : i32
    %add3A_103 = arith.addi %mul3A_100, %mul3A_102 : i32
    "tpu.region"() ({
      %run_scoped3A_104 = tpu.sem_alloc : memref<!tpu.dma_semaphore, #tpu.memory_space<semaphore_mem>>
      %dma_start3A_105 = arith.constant 0 : i32
      %dma_start3A_106 = tpu.memref_slice %arg5[%add3A_103, %dma_start3A_105] : memref<20480x128xf32, #tpu.memory_space<hbm>> -> memref<640x128xf32, #tpu.memory_space<hbm>>
      %dma_start3A_107 = arith.constant 0 : i32
      %dma_start3A_108 = tpu.memref_slice %arg6[%mul3A_98, %dma_start3A_107] : memref<10240x128xf32, #tpu.memory_space<vmem_shared>> -> memref<640x128xf32, #tpu.memory_space<vmem_shared>>
      tpu.enqueue_dma source(%dma_start3A_108 : memref<640x128xf32, #tpu.memory_space<vmem_shared>>) target(%dma_start3A_106 : memref<640x128xf32, #tpu.memory_space<hbm>>) target_semaphore(%run_scoped3A_104 : memref<!tpu.dma_semaphore, #tpu.memory_space<semaphore_mem>>)
      %dma_wait3A = arith.constant 0 : i32
      %dma_wait3A_109 = tpu.memref_slice %arg5[%add3A_103, %dma_wait3A] : memref<20480x128xf32, #tpu.memory_space<hbm>> -> memref<640x128xf32, #tpu.memory_space<hbm>>
      %dma_wait3A_110 = arith.constant 0 : i32
      %dma_wait3A_111 = tpu.memref_slice %arg6[%mul3A_98, %dma_wait3A_110] : memref<10240x128xf32, #tpu.memory_space<vmem_shared>> -> memref<640x128xf32, #tpu.memory_space<vmem_shared>>
      tpu.wait_dma2 semaphore(%run_scoped3A_104 : memref<!tpu.dma_semaphore, #tpu.memory_space<semaphore_mem>>) src(%dma_wait3A_111 : memref<640x128xf32, #tpu.memory_space<vmem_shared>>) dst(%dma_wait3A_109 : memref<640x128xf32, #tpu.memory_space<hbm>>)
      tpu.yield
    }) : () -> ()
    return
  }
}

#map = affine_map<(d0, d1) -> (0)>
module attributes {stable_mosaic.version = 14 : i64} {
  func.func @_gat_scalar_pass(%arg0: i32, %arg1: i32, %arg2: memref<10240xf32, #tpu.memory_space<hbm>>, %arg3: memref<10240xf32, #tpu.memory_space<hbm>>, %arg4: memref<323584xi32, #tpu.memory_space<hbm>>, %arg5: memref<323584xi32, #tpu.memory_space<hbm>>, %arg6: memref<323584xf32, #tpu.memory_space<hbm>>, %arg7: memref<20480xf32, #tpu.memory_space<hbm>>, %arg8: memref<20480xf32, #tpu.memory_space<hbm>>, %arg9: memref<10240xf32, #tpu.memory_space<vmem_shared>>, %arg10: memref<10240xf32, #tpu.memory_space<vmem_shared>>, %arg11: memref<128xi32, #tpu.memory_space<vmem>>, %arg12: memref<128xi32, #tpu.memory_space<vmem>>, %arg13: memref<128xf32, #tpu.memory_space<vmem>>, %arg14: memref<128xf32, #tpu.memory_space<vmem>>, %arg15: memref<128xf32, #tpu.memory_space<vmem>>, %arg16: memref<128xf32, #tpu.memory_space<vmem>>, %arg17: memref<!tpu.dma_semaphore, #tpu.memory_space<semaphore_mem>>, %arg18: memref<!tpu.dma_semaphore, #tpu.memory_space<semaphore_mem>>) attributes {dimension_semantics = [#tpu.dimension_semantics<core_parallel>, #tpu.dimension_semantics<subcore_parallel>], iteration_bounds = array<i64: 2, 16>, scalar_prefetch = 0 : i64, scratch_operands = 10 : i64, tpu.core_type = #tpu.core_type<sc_vector_subcore>, window_params = [{transform_indices = #map}, {transform_indices = #map}, {transform_indices = #map}, {transform_indices = #map}, {transform_indices = #map}, {transform_indices = #map}, {transform_indices = #map}]} {
    %mul3A = arith.constant 2 : i32
    %mul3A_0 = arith.muli %arg1, %mul3A : i32
    %add3A = arith.addi %mul3A_0, %arg0 : i32
    %broadcast_in_dim3A = arith.constant 0.000000e+00 : f32
    %broadcast_in_dim3A_1 = vector.broadcast %broadcast_in_dim3A : f32 to vector<16xf32>
    %add3A_2 = arith.constant 1.000000e+00 : f32
    %add3A_3 = vector.broadcast %add3A_2 : f32 to vector<16xf32>
    %add3A_4 = arith.addf %broadcast_in_dim3A_1, %add3A_3 : vector<16xf32>
    %swap3A = arith.constant 0 : index
    %swap3A_5 = tpu.vector_load %arg16[%swap3A] {strides = array<i32>} : memref<128xf32, #tpu.memory_space<vmem>>, vector<16xf32>,
    %swap3A_6 = vector.shape_cast %swap3A_5 : vector<16xf32> to vector<16xf32>
    %swap3A_7 = vector.shape_cast %add3A_4 : vector<16xf32> to vector<16xf32>
    tpu.vector_store %arg16[%swap3A], %swap3A_7 {strides = array<i32>} : memref<128xf32, #tpu.memory_space<vmem>>, vector<16xf32>,
    %broadcast_in_dim3A_8 = arith.constant 0.000000e+00 : f32
    %broadcast_in_dim3A_9 = vector.broadcast %broadcast_in_dim3A_8 : f32 to vector<16xf32>
    %swap3A_10 = arith.constant 0 : index
    %swap3A_11 = tpu.vector_load %arg15[%swap3A_10] {strides = array<i32>} : memref<128xf32, #tpu.memory_space<vmem>>, vector<16xf32>,
    %swap3A_12 = vector.shape_cast %swap3A_11 : vector<16xf32> to vector<16xf32>
    %swap3A_13 = vector.shape_cast %broadcast_in_dim3A_9 : vector<16xf32> to vector<16xf32>
    tpu.vector_store %arg15[%swap3A_10], %swap3A_13 {strides = array<i32>} : memref<128xf32, #tpu.memory_space<vmem>>, vector<16xf32>,
    %broadcast_in_dim3A_14 = arith.constant 0.000000e+00 : f32
    %broadcast_in_dim3A_15 = vector.broadcast %broadcast_in_dim3A_14 : f32 to vector<16xf32>
    %add3A_16 = arith.constant 1.000000e+00 : f32
    %add3A_17 = vector.broadcast %add3A_16 : f32 to vector<16xf32>
    %add3A_18 = arith.addf %broadcast_in_dim3A_15, %add3A_17 : vector<16xf32>
    %swap3A_19 = arith.constant 16 : index
    %swap3A_20 = tpu.vector_load %arg16[%swap3A_19] {strides = array<i32>} : memref<128xf32, #tpu.memory_space<vmem>>, vector<16xf32>,
    %swap3A_21 = vector.shape_cast %swap3A_20 : vector<16xf32> to vector<16xf32>
    %swap3A_22 = vector.shape_cast %add3A_18 : vector<16xf32> to vector<16xf32>
    tpu.vector_store %arg16[%swap3A_19], %swap3A_22 {strides = array<i32>} : memref<128xf32, #tpu.memory_space<vmem>>, vector<16xf32>,
    %broadcast_in_dim3A_23 = arith.constant 0.000000e+00 : f32
    %broadcast_in_dim3A_24 = vector.broadcast %broadcast_in_dim3A_23 : f32 to vector<16xf32>
    %swap3A_25 = arith.constant 16 : index
    %swap3A_26 = tpu.vector_load %arg15[%swap3A_25] {strides = array<i32>} : memref<128xf32, #tpu.memory_space<vmem>>, vector<16xf32>,
    %swap3A_27 = vector.shape_cast %swap3A_26 : vector<16xf32> to vector<16xf32>
    %swap3A_28 = vector.shape_cast %broadcast_in_dim3A_24 : vector<16xf32> to vector<16xf32>
    tpu.vector_store %arg15[%swap3A_25], %swap3A_28 {strides = array<i32>} : memref<128xf32, #tpu.memory_space<vmem>>, vector<16xf32>,
    %broadcast_in_dim3A_29 = arith.constant 0.000000e+00 : f32
    %broadcast_in_dim3A_30 = vector.broadcast %broadcast_in_dim3A_29 : f32 to vector<16xf32>
    %add3A_31 = arith.constant 1.000000e+00 : f32
    %add3A_32 = vector.broadcast %add3A_31 : f32 to vector<16xf32>
    %add3A_33 = arith.addf %broadcast_in_dim3A_30, %add3A_32 : vector<16xf32>
    %swap3A_34 = arith.constant 32 : index
    %swap3A_35 = tpu.vector_load %arg16[%swap3A_34] {strides = array<i32>} : memref<128xf32, #tpu.memory_space<vmem>>, vector<16xf32>,
    %swap3A_36 = vector.shape_cast %swap3A_35 : vector<16xf32> to vector<16xf32>
    %swap3A_37 = vector.shape_cast %add3A_33 : vector<16xf32> to vector<16xf32>
    tpu.vector_store %arg16[%swap3A_34], %swap3A_37 {strides = array<i32>} : memref<128xf32, #tpu.memory_space<vmem>>, vector<16xf32>,
    %broadcast_in_dim3A_38 = arith.constant 0.000000e+00 : f32
    %broadcast_in_dim3A_39 = vector.broadcast %broadcast_in_dim3A_38 : f32 to vector<16xf32>
    %swap3A_40 = arith.constant 32 : index
    %swap3A_41 = tpu.vector_load %arg15[%swap3A_40] {strides = array<i32>} : memref<128xf32, #tpu.memory_space<vmem>>, vector<16xf32>,
    %swap3A_42 = vector.shape_cast %swap3A_41 : vector<16xf32> to vector<16xf32>
    %swap3A_43 = vector.shape_cast %broadcast_in_dim3A_39 : vector<16xf32> to vector<16xf32>
    tpu.vector_store %arg15[%swap3A_40], %swap3A_43 {strides = array<i32>} : memref<128xf32, #tpu.memory_space<vmem>>, vector<16xf32>,
    %broadcast_in_dim3A_44 = arith.constant 0.000000e+00 : f32
    %broadcast_in_dim3A_45 = vector.broadcast %broadcast_in_dim3A_44 : f32 to vector<16xf32>
    %add3A_46 = arith.constant 1.000000e+00 : f32
    %add3A_47 = vector.broadcast %add3A_46 : f32 to vector<16xf32>
    %add3A_48 = arith.addf %broadcast_in_dim3A_45, %add3A_47 : vector<16xf32>
    %swap3A_49 = arith.constant 48 : index
    %swap3A_50 = tpu.vector_load %arg16[%swap3A_49] {strides = array<i32>} : memref<128xf32, #tpu.memory_space<vmem>>, vector<16xf32>,
    %swap3A_51 = vector.shape_cast %swap3A_50 : vector<16xf32> to vector<16xf32>
    %swap3A_52 = vector.shape_cast %add3A_48 : vector<16xf32> to vector<16xf32>
    tpu.vector_store %arg16[%swap3A_49], %swap3A_52 {strides = array<i32>} : memref<128xf32, #tpu.memory_space<vmem>>, vector<16xf32>,
    %broadcast_in_dim3A_53 = arith.constant 0.000000e+00 : f32
    %broadcast_in_dim3A_54 = vector.broadcast %broadcast_in_dim3A_53 : f32 to vector<16xf32>
    %swap3A_55 = arith.constant 48 : index
    %swap3A_56 = tpu.vector_load %arg15[%swap3A_55] {strides = array<i32>} : memref<128xf32, #tpu.memory_space<vmem>>, vector<16xf32>,
    %swap3A_57 = vector.shape_cast %swap3A_56 : vector<16xf32> to vector<16xf32>
    %swap3A_58 = vector.shape_cast %broadcast_in_dim3A_54 : vector<16xf32> to vector<16xf32>
    tpu.vector_store %arg15[%swap3A_55], %swap3A_58 {strides = array<i32>} : memref<128xf32, #tpu.memory_space<vmem>>, vector<16xf32>,
    %broadcast_in_dim3A_59 = arith.constant 0.000000e+00 : f32
    %broadcast_in_dim3A_60 = vector.broadcast %broadcast_in_dim3A_59 : f32 to vector<16xf32>
    %add3A_61 = arith.constant 1.000000e+00 : f32
    %add3A_62 = vector.broadcast %add3A_61 : f32 to vector<16xf32>
    %add3A_63 = arith.addf %broadcast_in_dim3A_60, %add3A_62 : vector<16xf32>
    %swap3A_64 = arith.constant 64 : index
    %swap3A_65 = tpu.vector_load %arg16[%swap3A_64] {strides = array<i32>} : memref<128xf32, #tpu.memory_space<vmem>>, vector<16xf32>,
    %swap3A_66 = vector.shape_cast %swap3A_65 : vector<16xf32> to vector<16xf32>
    %swap3A_67 = vector.shape_cast %add3A_63 : vector<16xf32> to vector<16xf32>
    tpu.vector_store %arg16[%swap3A_64], %swap3A_67 {strides = array<i32>} : memref<128xf32, #tpu.memory_space<vmem>>, vector<16xf32>,
    %broadcast_in_dim3A_68 = arith.constant 0.000000e+00 : f32
    %broadcast_in_dim3A_69 = vector.broadcast %broadcast_in_dim3A_68 : f32 to vector<16xf32>
    %swap3A_70 = arith.constant 64 : index
    %swap3A_71 = tpu.vector_load %arg15[%swap3A_70] {strides = array<i32>} : memref<128xf32, #tpu.memory_space<vmem>>, vector<16xf32>,
    %swap3A_72 = vector.shape_cast %swap3A_71 : vector<16xf32> to vector<16xf32>
    %swap3A_73 = vector.shape_cast %broadcast_in_dim3A_69 : vector<16xf32> to vector<16xf32>
    tpu.vector_store %arg15[%swap3A_70], %swap3A_73 {strides = array<i32>} : memref<128xf32, #tpu.memory_space<vmem>>, vector<16xf32>,
    %broadcast_in_dim3A_74 = arith.constant 0.000000e+00 : f32
    %broadcast_in_dim3A_75 = vector.broadcast %broadcast_in_dim3A_74 : f32 to vector<16xf32>
    %add3A_76 = arith.constant 1.000000e+00 : f32
    %add3A_77 = vector.broadcast %add3A_76 : f32 to vector<16xf32>
    %add3A_78 = arith.addf %broadcast_in_dim3A_75, %add3A_77 : vector<16xf32>
    %swap3A_79 = arith.constant 80 : index
    %swap3A_80 = tpu.vector_load %arg16[%swap3A_79] {strides = array<i32>} : memref<128xf32, #tpu.memory_space<vmem>>, vector<16xf32>,
    %swap3A_81 = vector.shape_cast %swap3A_80 : vector<16xf32> to vector<16xf32>
    %swap3A_82 = vector.shape_cast %add3A_78 : vector<16xf32> to vector<16xf32>
    tpu.vector_store %arg16[%swap3A_79], %swap3A_82 {strides = array<i32>} : memref<128xf32, #tpu.memory_space<vmem>>, vector<16xf32>,
    %broadcast_in_dim3A_83 = arith.constant 0.000000e+00 : f32
    %broadcast_in_dim3A_84 = vector.broadcast %broadcast_in_dim3A_83 : f32 to vector<16xf32>
    %swap3A_85 = arith.constant 80 : index
    %swap3A_86 = tpu.vector_load %arg15[%swap3A_85] {strides = array<i32>} : memref<128xf32, #tpu.memory_space<vmem>>, vector<16xf32>,
    %swap3A_87 = vector.shape_cast %swap3A_86 : vector<16xf32> to vector<16xf32>
    %swap3A_88 = vector.shape_cast %broadcast_in_dim3A_84 : vector<16xf32> to vector<16xf32>
    tpu.vector_store %arg15[%swap3A_85], %swap3A_88 {strides = array<i32>} : memref<128xf32, #tpu.memory_space<vmem>>, vector<16xf32>,
    %broadcast_in_dim3A_89 = arith.constant 0.000000e+00 : f32
    %broadcast_in_dim3A_90 = vector.broadcast %broadcast_in_dim3A_89 : f32 to vector<16xf32>
    %add3A_91 = arith.constant 1.000000e+00 : f32
    %add3A_92 = vector.broadcast %add3A_91 : f32 to vector<16xf32>
    %add3A_93 = arith.addf %broadcast_in_dim3A_90, %add3A_92 : vector<16xf32>
    %swap3A_94 = arith.constant 96 : index
    %swap3A_95 = tpu.vector_load %arg16[%swap3A_94] {strides = array<i32>} : memref<128xf32, #tpu.memory_space<vmem>>, vector<16xf32>,
    %swap3A_96 = vector.shape_cast %swap3A_95 : vector<16xf32> to vector<16xf32>
    %swap3A_97 = vector.shape_cast %add3A_93 : vector<16xf32> to vector<16xf32>
    tpu.vector_store %arg16[%swap3A_94], %swap3A_97 {strides = array<i32>} : memref<128xf32, #tpu.memory_space<vmem>>, vector<16xf32>,
    %broadcast_in_dim3A_98 = arith.constant 0.000000e+00 : f32
    %broadcast_in_dim3A_99 = vector.broadcast %broadcast_in_dim3A_98 : f32 to vector<16xf32>
    %swap3A_100 = arith.constant 96 : index
    %swap3A_101 = tpu.vector_load %arg15[%swap3A_100] {strides = array<i32>} : memref<128xf32, #tpu.memory_space<vmem>>, vector<16xf32>,
    %swap3A_102 = vector.shape_cast %swap3A_101 : vector<16xf32> to vector<16xf32>
    %swap3A_103 = vector.shape_cast %broadcast_in_dim3A_99 : vector<16xf32> to vector<16xf32>
    tpu.vector_store %arg15[%swap3A_100], %swap3A_103 {strides = array<i32>} : memref<128xf32, #tpu.memory_space<vmem>>, vector<16xf32>,
    %broadcast_in_dim3A_104 = arith.constant 0.000000e+00 : f32
    %broadcast_in_dim3A_105 = vector.broadcast %broadcast_in_dim3A_104 : f32 to vector<16xf32>
    %add3A_106 = arith.constant 1.000000e+00 : f32
    %add3A_107 = vector.broadcast %add3A_106 : f32 to vector<16xf32>
    %add3A_108 = arith.addf %broadcast_in_dim3A_105, %add3A_107 : vector<16xf32>
    %swap3A_109 = arith.constant 112 : index
    %swap3A_110 = tpu.vector_load %arg16[%swap3A_109] {strides = array<i32>} : memref<128xf32, #tpu.memory_space<vmem>>, vector<16xf32>,
    %swap3A_111 = vector.shape_cast %swap3A_110 : vector<16xf32> to vector<16xf32>
    %swap3A_112 = vector.shape_cast %add3A_108 : vector<16xf32> to vector<16xf32>
    tpu.vector_store %arg16[%swap3A_109], %swap3A_112 {strides = array<i32>} : memref<128xf32, #tpu.memory_space<vmem>>, vector<16xf32>,
    %broadcast_in_dim3A_113 = arith.constant 0.000000e+00 : f32
    %broadcast_in_dim3A_114 = vector.broadcast %broadcast_in_dim3A_113 : f32 to vector<16xf32>
    %swap3A_115 = arith.constant 112 : index
    %swap3A_116 = tpu.vector_load %arg15[%swap3A_115] {strides = array<i32>} : memref<128xf32, #tpu.memory_space<vmem>>, vector<16xf32>,
    %swap3A_117 = vector.shape_cast %swap3A_116 : vector<16xf32> to vector<16xf32>
    %swap3A_118 = vector.shape_cast %broadcast_in_dim3A_114 : vector<16xf32> to vector<16xf32>
    tpu.vector_store %arg15[%swap3A_115], %swap3A_118 {strides = array<i32>} : memref<128xf32, #tpu.memory_space<vmem>>, vector<16xf32>,
    %mul3A_119 = arith.constant 640 : i32
    %mul3A_120 = arith.muli %arg1, %mul3A_119 : i32
    %add3A_121 = arith.constant 0 : i32
    %add3A_122 = arith.addi %mul3A_120, %add3A_121 : i32
    "tpu.region"() ({
      %run_scoped3A = tpu.sem_alloc : memref<!tpu.dma_semaphore, #tpu.memory_space<semaphore_mem>>
      %dma_start3A = tpu.memref_slice %arg9[%add3A_122] : memref<10240xf32, #tpu.memory_space<vmem_shared>> -> memref<128xf32, #tpu.memory_space<vmem_shared>>
      %dma_start3A_178 = tpu.memref_slice %arg9[%add3A_122] : memref<10240xf32, #tpu.memory_space<vmem_shared>> -> memref<128xf32, #tpu.memory_space<vmem_shared>>
      tpu.enqueue_dma source(%arg15 : memref<128xf32, #tpu.memory_space<vmem>>) target(%dma_start3A_178 : memref<128xf32, #tpu.memory_space<vmem_shared>>) target_semaphore(%run_scoped3A : memref<!tpu.dma_semaphore, #tpu.memory_space<semaphore_mem>>)
      %dma_wait3A = tpu.memref_slice %arg9[%add3A_122] : memref<10240xf32, #tpu.memory_space<vmem_shared>> -> memref<128xf32, #tpu.memory_space<vmem_shared>>
      %dma_wait3A_179 = tpu.memref_slice %arg9[%add3A_122] : memref<10240xf32, #tpu.memory_space<vmem_shared>> -> memref<128xf32, #tpu.memory_space<vmem_shared>>
      tpu.wait_dma2 semaphore(%run_scoped3A : memref<!tpu.dma_semaphore, #tpu.memory_space<semaphore_mem>>) src(%arg15 : memref<128xf32, #tpu.memory_space<vmem>>) dst(%dma_wait3A_179 : memref<128xf32, #tpu.memory_space<vmem_shared>>)
      tpu.yield
    }) : () -> ()
    %mul3A_123 = arith.constant 640 : i32
    %mul3A_124 = arith.muli %arg1, %mul3A_123 : i32
    %add3A_125 = arith.constant 0 : i32
    %add3A_126 = arith.addi %mul3A_124, %add3A_125 : i32
    "tpu.region"() ({
      %run_scoped3A = tpu.sem_alloc : memref<!tpu.dma_semaphore, #tpu.memory_space<semaphore_mem>>
      %dma_start3A = tpu.memref_slice %arg10[%add3A_126] : memref<10240xf32, #tpu.memory_space<vmem_shared>> -> memref<128xf32, #tpu.memory_space<vmem_shared>>
      %dma_start3A_178 = tpu.memref_slice %arg10[%add3A_126] : memref<10240xf32, #tpu.memory_space<vmem_shared>> -> memref<128xf32, #tpu.memory_space<vmem_shared>>
      tpu.enqueue_dma source(%arg15 : memref<128xf32, #tpu.memory_space<vmem>>) target(%dma_start3A_178 : memref<128xf32, #tpu.memory_space<vmem_shared>>) target_semaphore(%run_scoped3A : memref<!tpu.dma_semaphore, #tpu.memory_space<semaphore_mem>>)
      %dma_wait3A = tpu.memref_slice %arg10[%add3A_126] : memref<10240xf32, #tpu.memory_space<vmem_shared>> -> memref<128xf32, #tpu.memory_space<vmem_shared>>
      %dma_wait3A_179 = tpu.memref_slice %arg10[%add3A_126] : memref<10240xf32, #tpu.memory_space<vmem_shared>> -> memref<128xf32, #tpu.memory_space<vmem_shared>>
      tpu.wait_dma2 semaphore(%run_scoped3A : memref<!tpu.dma_semaphore, #tpu.memory_space<semaphore_mem>>) src(%arg15 : memref<128xf32, #tpu.memory_space<vmem>>) dst(%dma_wait3A_179 : memref<128xf32, #tpu.memory_space<vmem_shared>>)
      tpu.yield
    }) : () -> ()
    %mul3A_127 = arith.constant 640 : i32
    %mul3A_128 = arith.muli %arg1, %mul3A_127 : i32
    %add3A_129 = arith.constant 128 : i32
    %add3A_130 = arith.addi %mul3A_128, %add3A_129 : i32
    "tpu.region"() ({
      %run_scoped3A = tpu.sem_alloc : memref<!tpu.dma_semaphore, #tpu.memory_space<semaphore_mem>>
      %dma_start3A = tpu.memref_slice %arg9[%add3A_130] : memref<10240xf32, #tpu.memory_space<vmem_shared>> -> memref<128xf32, #tpu.memory_space<vmem_shared>>
      %dma_start3A_178 = tpu.memref_slice %arg9[%add3A_130] : memref<10240xf32, #tpu.memory_space<vmem_shared>> -> memref<128xf32, #tpu.memory_space<vmem_shared>>
      tpu.enqueue_dma source(%arg15 : memref<128xf32, #tpu.memory_space<vmem>>) target(%dma_start3A_178 : memref<128xf32, #tpu.memory_space<vmem_shared>>) target_semaphore(%run_scoped3A : memref<!tpu.dma_semaphore, #tpu.memory_space<semaphore_mem>>)
      %dma_wait3A = tpu.memref_slice %arg9[%add3A_130] : memref<10240xf32, #tpu.memory_space<vmem_shared>> -> memref<128xf32, #tpu.memory_space<vmem_shared>>
      %dma_wait3A_179 = tpu.memref_slice %arg9[%add3A_130] : memref<10240xf32, #tpu.memory_space<vmem_shared>> -> memref<128xf32, #tpu.memory_space<vmem_shared>>
      tpu.wait_dma2 semaphore(%run_scoped3A : memref<!tpu.dma_semaphore, #tpu.memory_space<semaphore_mem>>) src(%arg15 : memref<128xf32, #tpu.memory_space<vmem>>) dst(%dma_wait3A_179 : memref<128xf32, #tpu.memory_space<vmem_shared>>)
      tpu.yield
    }) : () -> ()
    %mul3A_131 = arith.constant 640 : i32
    %mul3A_132 = arith.muli %arg1, %mul3A_131 : i32
    %add3A_133 = arith.constant 128 : i32
    %add3A_134 = arith.addi %mul3A_132, %add3A_133 : i32
    "tpu.region"() ({
      %run_scoped3A = tpu.sem_alloc : memref<!tpu.dma_semaphore, #tpu.memory_space<semaphore_mem>>
      %dma_start3A = tpu.memref_slice %arg10[%add3A_134] : memref<10240xf32, #tpu.memory_space<vmem_shared>> -> memref<128xf32, #tpu.memory_space<vmem_shared>>
      %dma_start3A_178 = tpu.memref_slice %arg10[%add3A_134] : memref<10240xf32, #tpu.memory_space<vmem_shared>> -> memref<128xf32, #tpu.memory_space<vmem_shared>>
      tpu.enqueue_dma source(%arg15 : memref<128xf32, #tpu.memory_space<vmem>>) target(%dma_start3A_178 : memref<128xf32, #tpu.memory_space<vmem_shared>>) target_semaphore(%run_scoped3A : memref<!tpu.dma_semaphore, #tpu.memory_space<semaphore_mem>>)
      %dma_wait3A = tpu.memref_slice %arg10[%add3A_134] : memref<10240xf32, #tpu.memory_space<vmem_shared>> -> memref<128xf32, #tpu.memory_space<vmem_shared>>
      %dma_wait3A_179 = tpu.memref_slice %arg10[%add3A_134] : memref<10240xf32, #tpu.memory_space<vmem_shared>> -> memref<128xf32, #tpu.memory_space<vmem_shared>>
      tpu.wait_dma2 semaphore(%run_scoped3A : memref<!tpu.dma_semaphore, #tpu.memory_space<semaphore_mem>>) src(%arg15 : memref<128xf32, #tpu.memory_space<vmem>>) dst(%dma_wait3A_179 : memref<128xf32, #tpu.memory_space<vmem_shared>>)
      tpu.yield
    }) : () -> ()
    %mul3A_135 = arith.constant 640 : i32
    %mul3A_136 = arith.muli %arg1, %mul3A_135 : i32
    %add3A_137 = arith.constant 256 : i32
    %add3A_138 = arith.addi %mul3A_136, %add3A_137 : i32
    "tpu.region"() ({
      %run_scoped3A = tpu.sem_alloc : memref<!tpu.dma_semaphore, #tpu.memory_space<semaphore_mem>>
      %dma_start3A = tpu.memref_slice %arg9[%add3A_138] : memref<10240xf32, #tpu.memory_space<vmem_shared>> -> memref<128xf32, #tpu.memory_space<vmem_shared>>
      %dma_start3A_178 = tpu.memref_slice %arg9[%add3A_138] : memref<10240xf32, #tpu.memory_space<vmem_shared>> -> memref<128xf32, #tpu.memory_space<vmem_shared>>
      tpu.enqueue_dma source(%arg15 : memref<128xf32, #tpu.memory_space<vmem>>) target(%dma_start3A_178 : memref<128xf32, #tpu.memory_space<vmem_shared>>) target_semaphore(%run_scoped3A : memref<!tpu.dma_semaphore, #tpu.memory_space<semaphore_mem>>)
      %dma_wait3A = tpu.memref_slice %arg9[%add3A_138] : memref<10240xf32, #tpu.memory_space<vmem_shared>> -> memref<128xf32, #tpu.memory_space<vmem_shared>>
      %dma_wait3A_179 = tpu.memref_slice %arg9[%add3A_138] : memref<10240xf32, #tpu.memory_space<vmem_shared>> -> memref<128xf32, #tpu.memory_space<vmem_shared>>
      tpu.wait_dma2 semaphore(%run_scoped3A : memref<!tpu.dma_semaphore, #tpu.memory_space<semaphore_mem>>) src(%arg15 : memref<128xf32, #tpu.memory_space<vmem>>) dst(%dma_wait3A_179 : memref<128xf32, #tpu.memory_space<vmem_shared>>)
      tpu.yield
    }) : () -> ()
    %mul3A_139 = arith.constant 640 : i32
    %mul3A_140 = arith.muli %arg1, %mul3A_139 : i32
    %add3A_141 = arith.constant 256 : i32
    %add3A_142 = arith.addi %mul3A_140, %add3A_141 : i32
    "tpu.region"() ({
      %run_scoped3A = tpu.sem_alloc : memref<!tpu.dma_semaphore, #tpu.memory_space<semaphore_mem>>
      %dma_start3A = tpu.memref_slice %arg10[%add3A_142] : memref<10240xf32, #tpu.memory_space<vmem_shared>> -> memref<128xf32, #tpu.memory_space<vmem_shared>>
      %dma_start3A_178 = tpu.memref_slice %arg10[%add3A_142] : memref<10240xf32, #tpu.memory_space<vmem_shared>> -> memref<128xf32, #tpu.memory_space<vmem_shared>>
      tpu.enqueue_dma source(%arg15 : memref<128xf32, #tpu.memory_space<vmem>>) target(%dma_start3A_178 : memref<128xf32, #tpu.memory_space<vmem_shared>>) target_semaphore(%run_scoped3A : memref<!tpu.dma_semaphore, #tpu.memory_space<semaphore_mem>>)
      %dma_wait3A = tpu.memref_slice %arg10[%add3A_142] : memref<10240xf32, #tpu.memory_space<vmem_shared>> -> memref<128xf32, #tpu.memory_space<vmem_shared>>
      %dma_wait3A_179 = tpu.memref_slice %arg10[%add3A_142] : memref<10240xf32, #tpu.memory_space<vmem_shared>> -> memref<128xf32, #tpu.memory_space<vmem_shared>>
      tpu.wait_dma2 semaphore(%run_scoped3A : memref<!tpu.dma_semaphore, #tpu.memory_space<semaphore_mem>>) src(%arg15 : memref<128xf32, #tpu.memory_space<vmem>>) dst(%dma_wait3A_179 : memref<128xf32, #tpu.memory_space<vmem_shared>>)
      tpu.yield
    }) : () -> ()
    %mul3A_143 = arith.constant 640 : i32
    %mul3A_144 = arith.muli %arg1, %mul3A_143 : i32
    %add3A_145 = arith.constant 384 : i32
    %add3A_146 = arith.addi %mul3A_144, %add3A_145 : i32
    "tpu.region"() ({
      %run_scoped3A = tpu.sem_alloc : memref<!tpu.dma_semaphore, #tpu.memory_space<semaphore_mem>>
      %dma_start3A = tpu.memref_slice %arg9[%add3A_146] : memref<10240xf32, #tpu.memory_space<vmem_shared>> -> memref<128xf32, #tpu.memory_space<vmem_shared>>
      %dma_start3A_178 = tpu.memref_slice %arg9[%add3A_146] : memref<10240xf32, #tpu.memory_space<vmem_shared>> -> memref<128xf32, #tpu.memory_space<vmem_shared>>
      tpu.enqueue_dma source(%arg15 : memref<128xf32, #tpu.memory_space<vmem>>) target(%dma_start3A_178 : memref<128xf32, #tpu.memory_space<vmem_shared>>) target_semaphore(%run_scoped3A : memref<!tpu.dma_semaphore, #tpu.memory_space<semaphore_mem>>)
      %dma_wait3A = tpu.memref_slice %arg9[%add3A_146] : memref<10240xf32, #tpu.memory_space<vmem_shared>> -> memref<128xf32, #tpu.memory_space<vmem_shared>>
      %dma_wait3A_179 = tpu.memref_slice %arg9[%add3A_146] : memref<10240xf32, #tpu.memory_space<vmem_shared>> -> memref<128xf32, #tpu.memory_space<vmem_shared>>
      tpu.wait_dma2 semaphore(%run_scoped3A : memref<!tpu.dma_semaphore, #tpu.memory_space<semaphore_mem>>) src(%arg15 : memref<128xf32, #tpu.memory_space<vmem>>) dst(%dma_wait3A_179 : memref<128xf32, #tpu.memory_space<vmem_shared>>)
      tpu.yield
    }) : () -> ()
    %mul3A_147 = arith.constant 640 : i32
    %mul3A_148 = arith.muli %arg1, %mul3A_147 : i32
    %add3A_149 = arith.constant 384 : i32
    %add3A_150 = arith.addi %mul3A_148, %add3A_149 : i32
    "tpu.region"() ({
      %run_scoped3A = tpu.sem_alloc : memref<!tpu.dma_semaphore, #tpu.memory_space<semaphore_mem>>
      %dma_start3A = tpu.memref_slice %arg10[%add3A_150] : memref<10240xf32, #tpu.memory_space<vmem_shared>> -> memref<128xf32, #tpu.memory_space<vmem_shared>>
      %dma_start3A_178 = tpu.memref_slice %arg10[%add3A_150] : memref<10240xf32, #tpu.memory_space<vmem_shared>> -> memref<128xf32, #tpu.memory_space<vmem_shared>>
      tpu.enqueue_dma source(%arg15 : memref<128xf32, #tpu.memory_space<vmem>>) target(%dma_start3A_178 : memref<128xf32, #tpu.memory_space<vmem_shared>>) target_semaphore(%run_scoped3A : memref<!tpu.dma_semaphore, #tpu.memory_space<semaphore_mem>>)
      %dma_wait3A = tpu.memref_slice %arg10[%add3A_150] : memref<10240xf32, #tpu.memory_space<vmem_shared>> -> memref<128xf32, #tpu.memory_space<vmem_shared>>
      %dma_wait3A_179 = tpu.memref_slice %arg10[%add3A_150] : memref<10240xf32, #tpu.memory_space<vmem_shared>> -> memref<128xf32, #tpu.memory_space<vmem_shared>>
      tpu.wait_dma2 semaphore(%run_scoped3A : memref<!tpu.dma_semaphore, #tpu.memory_space<semaphore_mem>>) src(%arg15 : memref<128xf32, #tpu.memory_space<vmem>>) dst(%dma_wait3A_179 : memref<128xf32, #tpu.memory_space<vmem_shared>>)
      tpu.yield
    }) : () -> ()
    %mul3A_151 = arith.constant 640 : i32
    %mul3A_152 = arith.muli %arg1, %mul3A_151 : i32
    %add3A_153 = arith.constant 512 : i32
    %add3A_154 = arith.addi %mul3A_152, %add3A_153 : i32
    "tpu.region"() ({
      %run_scoped3A = tpu.sem_alloc : memref<!tpu.dma_semaphore, #tpu.memory_space<semaphore_mem>>
      %dma_start3A = tpu.memref_slice %arg9[%add3A_154] : memref<10240xf32, #tpu.memory_space<vmem_shared>> -> memref<128xf32, #tpu.memory_space<vmem_shared>>
      %dma_start3A_178 = tpu.memref_slice %arg9[%add3A_154] : memref<10240xf32, #tpu.memory_space<vmem_shared>> -> memref<128xf32, #tpu.memory_space<vmem_shared>>
      tpu.enqueue_dma source(%arg15 : memref<128xf32, #tpu.memory_space<vmem>>) target(%dma_start3A_178 : memref<128xf32, #tpu.memory_space<vmem_shared>>) target_semaphore(%run_scoped3A : memref<!tpu.dma_semaphore, #tpu.memory_space<semaphore_mem>>)
      %dma_wait3A = tpu.memref_slice %arg9[%add3A_154] : memref<10240xf32, #tpu.memory_space<vmem_shared>> -> memref<128xf32, #tpu.memory_space<vmem_shared>>
      %dma_wait3A_179 = tpu.memref_slice %arg9[%add3A_154] : memref<10240xf32, #tpu.memory_space<vmem_shared>> -> memref<128xf32, #tpu.memory_space<vmem_shared>>
      tpu.wait_dma2 semaphore(%run_scoped3A : memref<!tpu.dma_semaphore, #tpu.memory_space<semaphore_mem>>) src(%arg15 : memref<128xf32, #tpu.memory_space<vmem>>) dst(%dma_wait3A_179 : memref<128xf32, #tpu.memory_space<vmem_shared>>)
      tpu.yield
    }) : () -> ()
    %mul3A_155 = arith.constant 640 : i32
    %mul3A_156 = arith.muli %arg1, %mul3A_155 : i32
    %add3A_157 = arith.constant 512 : i32
    %add3A_158 = arith.addi %mul3A_156, %add3A_157 : i32
    "tpu.region"() ({
      %run_scoped3A = tpu.sem_alloc : memref<!tpu.dma_semaphore, #tpu.memory_space<semaphore_mem>>
      %dma_start3A = tpu.memref_slice %arg10[%add3A_158] : memref<10240xf32, #tpu.memory_space<vmem_shared>> -> memref<128xf32, #tpu.memory_space<vmem_shared>>
      %dma_start3A_178 = tpu.memref_slice %arg10[%add3A_158] : memref<10240xf32, #tpu.memory_space<vmem_shared>> -> memref<128xf32, #tpu.memory_space<vmem_shared>>
      tpu.enqueue_dma source(%arg15 : memref<128xf32, #tpu.memory_space<vmem>>) target(%dma_start3A_178 : memref<128xf32, #tpu.memory_space<vmem_shared>>) target_semaphore(%run_scoped3A : memref<!tpu.dma_semaphore, #tpu.memory_space<semaphore_mem>>)
      %dma_wait3A = tpu.memref_slice %arg10[%add3A_158] : memref<10240xf32, #tpu.memory_space<vmem_shared>> -> memref<128xf32, #tpu.memory_space<vmem_shared>>
      %dma_wait3A_179 = tpu.memref_slice %arg10[%add3A_158] : memref<10240xf32, #tpu.memory_space<vmem_shared>> -> memref<128xf32, #tpu.memory_space<vmem_shared>>
      tpu.wait_dma2 semaphore(%run_scoped3A : memref<!tpu.dma_semaphore, #tpu.memory_space<semaphore_mem>>) src(%arg15 : memref<128xf32, #tpu.memory_space<vmem>>) dst(%dma_wait3A_179 : memref<128xf32, #tpu.memory_space<vmem_shared>>)
      tpu.yield
    }) : () -> ()
    %barrier3A = arith.constant 0 : index
    tpu.barrier barrier_id(%barrier3A)
    %scan3A = arith.constant 0 : i32
    %scan3A_159 = arith.constant 79 : i32
    %scan3A_160 = arith.addi %scan3A, %scan3A_159 : i32
    %scan3A_161 = arith.constant 1 : i32
    scf.for %scan3A_178 = %scan3A to %scan3A_160 step %scan3A_161  : i32 {
      %mul3A_179 = arith.constant 1 : i32
      %mul3A_180 = arith.muli %scan3A_178, %mul3A_179 : i32
      %add3A_181 = arith.constant 0 : i32
      %add3A_182 = arith.addi %add3A_181, %mul3A_180 : i32
      %mul3A_183 = arith.constant 79 : i32
      %mul3A_184 = arith.muli %add3A, %mul3A_183 : i32
      %add3A_185 = arith.addi %mul3A_184, %add3A_182 : i32
      %mul3A_186 = arith.constant 128 : i32
      %mul3A_187 = arith.muli %add3A_185, %mul3A_186 : i32
      %multiple_of3A = tpu.assume_multiple %mul3A_187, 128 : i32
      "tpu.region"() ({
        %run_scoped3A = tpu.sem_alloc : memref<!tpu.dma_semaphore, #tpu.memory_space<semaphore_mem>>
        %dma_start3A_319 = tpu.memref_slice %arg4[%multiple_of3A] : memref<323584xi32, #tpu.memory_space<hbm>> -> memref<128xi32, #tpu.memory_space<hbm>>
        %dma_start3A_320 = tpu.memref_slice %arg4[%multiple_of3A] : memref<323584xi32, #tpu.memory_space<hbm>> -> memref<128xi32, #tpu.memory_space<hbm>>
        tpu.enqueue_dma source(%dma_start3A_320 : memref<128xi32, #tpu.memory_space<hbm>>) target(%arg11 : memref<128xi32, #tpu.memory_space<vmem>>) target_semaphore(%run_scoped3A : memref<!tpu.dma_semaphore, #tpu.memory_space<semaphore_mem>>)
        %dma_wait3A_321 = tpu.memref_slice %arg4[%multiple_of3A] : memref<323584xi32, #tpu.memory_space<hbm>> -> memref<128xi32, #tpu.memory_space<hbm>>
        %dma_wait3A_322 = tpu.memref_slice %arg4[%multiple_of3A] : memref<323584xi32, #tpu.memory_space<hbm>> -> memref<128xi32, #tpu.memory_space<hbm>>
        tpu.wait_dma2 semaphore(%run_scoped3A : memref<!tpu.dma_semaphore, #tpu.memory_space<semaphore_mem>>) src(%dma_wait3A_322 : memref<128xi32, #tpu.memory_space<hbm>>) dst(%arg11 : memref<128xi32, #tpu.memory_space<vmem>>)
        tpu.yield
      }) : () -> ()
      "tpu.region"() ({
        %run_scoped3A = tpu.sem_alloc : memref<!tpu.dma_semaphore, #tpu.memory_space<semaphore_mem>>
        %dma_start3A_319 = tpu.memref_slice %arg5[%multiple_of3A] : memref<323584xi32, #tpu.memory_space<hbm>> -> memref<128xi32, #tpu.memory_space<hbm>>
        %dma_start3A_320 = tpu.memref_slice %arg5[%multiple_of3A] : memref<323584xi32, #tpu.memory_space<hbm>> -> memref<128xi32, #tpu.memory_space<hbm>>
        tpu.enqueue_dma source(%dma_start3A_320 : memref<128xi32, #tpu.memory_space<hbm>>) target(%arg12 : memref<128xi32, #tpu.memory_space<vmem>>) target_semaphore(%run_scoped3A : memref<!tpu.dma_semaphore, #tpu.memory_space<semaphore_mem>>)
        %dma_wait3A_321 = tpu.memref_slice %arg5[%multiple_of3A] : memref<323584xi32, #tpu.memory_space<hbm>> -> memref<128xi32, #tpu.memory_space<hbm>>
        %dma_wait3A_322 = tpu.memref_slice %arg5[%multiple_of3A] : memref<323584xi32, #tpu.memory_space<hbm>> -> memref<128xi32, #tpu.memory_space<hbm>>
        tpu.wait_dma2 semaphore(%run_scoped3A : memref<!tpu.dma_semaphore, #tpu.memory_space<semaphore_mem>>) src(%dma_wait3A_322 : memref<128xi32, #tpu.memory_space<hbm>>) dst(%arg12 : memref<128xi32, #tpu.memory_space<vmem>>)
        tpu.yield
      }) : () -> ()
      %dma_start3A = arith.constant 0 : i32
      %dma_start3A_188 = tpu.memref_slice %arg2[%dma_start3A] : memref<10240xf32, #tpu.memory_space<hbm>> -> memref<10240xf32, #tpu.memory_space<hbm>>
      tpu.enqueue_indirect_dma source(%dma_start3A_188 : memref<10240xf32, #tpu.memory_space<hbm>>) target(%arg13 : memref<128xf32, #tpu.memory_space<vmem>>) offsets(%arg11 : memref<128xi32, #tpu.memory_space<vmem>>) semaphore(%arg17 : memref<!tpu.dma_semaphore, #tpu.memory_space<semaphore_mem>>)
      %dma_start3A_189 = arith.constant 0 : i32
      %dma_start3A_190 = tpu.memref_slice %arg3[%dma_start3A_189] : memref<10240xf32, #tpu.memory_space<hbm>> -> memref<10240xf32, #tpu.memory_space<hbm>>
      tpu.enqueue_indirect_dma source(%dma_start3A_190 : memref<10240xf32, #tpu.memory_space<hbm>>) target(%arg14 : memref<128xf32, #tpu.memory_space<vmem>>) offsets(%arg12 : memref<128xi32, #tpu.memory_space<vmem>>) semaphore(%arg18 : memref<!tpu.dma_semaphore, #tpu.memory_space<semaphore_mem>>)
      %dma_wait3A = arith.constant 0 : i32
      %dma_wait3A_191 = tpu.memref_slice %arg2[%dma_wait3A] : memref<10240xf32, #tpu.memory_space<hbm>> -> memref<10240xf32, #tpu.memory_space<hbm>>
      tpu.wait_indirect_dma semaphore(%arg17 : memref<!tpu.dma_semaphore, #tpu.memory_space<semaphore_mem>>) src(%dma_wait3A_191 : memref<10240xf32, #tpu.memory_space<hbm>>) dst(%arg13 : memref<128xf32, #tpu.memory_space<vmem>>)
      %dma_wait3A_192 = arith.constant 0 : i32
      %dma_wait3A_193 = tpu.memref_slice %arg3[%dma_wait3A_192] : memref<10240xf32, #tpu.memory_space<hbm>> -> memref<10240xf32, #tpu.memory_space<hbm>>
      tpu.wait_indirect_dma semaphore(%arg18 : memref<!tpu.dma_semaphore, #tpu.memory_space<semaphore_mem>>) src(%dma_wait3A_193 : memref<10240xf32, #tpu.memory_space<hbm>>) dst(%arg14 : memref<128xf32, #tpu.memory_space<vmem>>)
      %get3A = arith.constant 0 : index
      %get3A_194 = tpu.vector_load %arg13[%get3A] {strides = array<i32>} : memref<128xf32, #tpu.memory_space<vmem>>, vector<16xf32>,
      %get3A_195 = vector.shape_cast %get3A_194 : vector<16xf32> to vector<16xf32>
      %get3A_196 = arith.constant 0 : index
      %get3A_197 = tpu.vector_load %arg14[%get3A_196] {strides = array<i32>} : memref<128xf32, #tpu.memory_space<vmem>>, vector<16xf32>,
      %get3A_198 = vector.shape_cast %get3A_197 : vector<16xf32> to vector<16xf32>
      %add3A_199 = arith.addf %get3A_195, %get3A_198 : vector<16xf32>
      %mul3A_200 = arith.constant 2.000000e-01 : f32
      %mul3A_201 = vector.broadcast %mul3A_200 : f32 to vector<16xf32>
      %mul3A_202 = arith.mulf %mul3A_201, %add3A_199 : vector<16xf32>
      %max3A = arith.maximumf %add3A_199, %mul3A_202 : vector<16xf32>
      %exp3A = math.exp %max3A : vector<16xf32>
      %swap3A_203 = arith.constant 0 : index
      %swap3A_204 = tpu.vector_load %arg15[%swap3A_203] {strides = array<i32>} : memref<128xf32, #tpu.memory_space<vmem>>, vector<16xf32>,
      %swap3A_205 = vector.shape_cast %swap3A_204 : vector<16xf32> to vector<16xf32>
      %swap3A_206 = vector.shape_cast %exp3A : vector<16xf32> to vector<16xf32>
      tpu.vector_store %arg15[%swap3A_203], %swap3A_206 {strides = array<i32>} : memref<128xf32, #tpu.memory_space<vmem>>, vector<16xf32>,
      %get3A_207 = arith.constant 16 : index
      %get3A_208 = tpu.vector_load %arg13[%get3A_207] {strides = array<i32>} : memref<128xf32, #tpu.memory_space<vmem>>, vector<16xf32>,
      %get3A_209 = vector.shape_cast %get3A_208 : vector<16xf32> to vector<16xf32>
      %get3A_210 = arith.constant 16 : index
      %get3A_211 = tpu.vector_load %arg14[%get3A_210] {strides = array<i32>} : memref<128xf32, #tpu.memory_space<vmem>>, vector<16xf32>,
      %get3A_212 = vector.shape_cast %get3A_211 : vector<16xf32> to vector<16xf32>
      %add3A_213 = arith.addf %get3A_209, %get3A_212 : vector<16xf32>
      %mul3A_214 = arith.constant 2.000000e-01 : f32
      %mul3A_215 = vector.broadcast %mul3A_214 : f32 to vector<16xf32>
      %mul3A_216 = arith.mulf %mul3A_215, %add3A_213 : vector<16xf32>
      %max3A_217 = arith.maximumf %add3A_213, %mul3A_216 : vector<16xf32>
      %exp3A_218 = math.exp %max3A_217 : vector<16xf32>
      %swap3A_219 = arith.constant 16 : index
      %swap3A_220 = tpu.vector_load %arg15[%swap3A_219] {strides = array<i32>} : memref<128xf32, #tpu.memory_space<vmem>>, vector<16xf32>,
      %swap3A_221 = vector.shape_cast %swap3A_220 : vector<16xf32> to vector<16xf32>
      %swap3A_222 = vector.shape_cast %exp3A_218 : vector<16xf32> to vector<16xf32>
      tpu.vector_store %arg15[%swap3A_219], %swap3A_222 {strides = array<i32>} : memref<128xf32, #tpu.memory_space<vmem>>, vector<16xf32>,
      %get3A_223 = arith.constant 32 : index
      %get3A_224 = tpu.vector_load %arg13[%get3A_223] {strides = array<i32>} : memref<128xf32, #tpu.memory_space<vmem>>, vector<16xf32>,
      %get3A_225 = vector.shape_cast %get3A_224 : vector<16xf32> to vector<16xf32>
      %get3A_226 = arith.constant 32 : index
      %get3A_227 = tpu.vector_load %arg14[%get3A_226] {strides = array<i32>} : memref<128xf32, #tpu.memory_space<vmem>>, vector<16xf32>,
      %get3A_228 = vector.shape_cast %get3A_227 : vector<16xf32> to vector<16xf32>
      %add3A_229 = arith.addf %get3A_225, %get3A_228 : vector<16xf32>
      %mul3A_230 = arith.constant 2.000000e-01 : f32
      %mul3A_231 = vector.broadcast %mul3A_230 : f32 to vector<16xf32>
      %mul3A_232 = arith.mulf %mul3A_231, %add3A_229 : vector<16xf32>
      %max3A_233 = arith.maximumf %add3A_229, %mul3A_232 : vector<16xf32>
      %exp3A_234 = math.exp %max3A_233 : vector<16xf32>
      %swap3A_235 = arith.constant 32 : index
      %swap3A_236 = tpu.vector_load %arg15[%swap3A_235] {strides = array<i32>} : memref<128xf32, #tpu.memory_space<vmem>>, vector<16xf32>,
      %swap3A_237 = vector.shape_cast %swap3A_236 : vector<16xf32> to vector<16xf32>
      %swap3A_238 = vector.shape_cast %exp3A_234 : vector<16xf32> to vector<16xf32>
      tpu.vector_store %arg15[%swap3A_235], %swap3A_238 {strides = array<i32>} : memref<128xf32, #tpu.memory_space<vmem>>, vector<16xf32>,
      %get3A_239 = arith.constant 48 : index
      %get3A_240 = tpu.vector_load %arg13[%get3A_239] {strides = array<i32>} : memref<128xf32, #tpu.memory_space<vmem>>, vector<16xf32>,
      %get3A_241 = vector.shape_cast %get3A_240 : vector<16xf32> to vector<16xf32>
      %get3A_242 = arith.constant 48 : index
      %get3A_243 = tpu.vector_load %arg14[%get3A_242] {strides = array<i32>} : memref<128xf32, #tpu.memory_space<vmem>>, vector<16xf32>,
      %get3A_244 = vector.shape_cast %get3A_243 : vector<16xf32> to vector<16xf32>
      %add3A_245 = arith.addf %get3A_241, %get3A_244 : vector<16xf32>
      %mul3A_246 = arith.constant 2.000000e-01 : f32
      %mul3A_247 = vector.broadcast %mul3A_246 : f32 to vector<16xf32>
      %mul3A_248 = arith.mulf %mul3A_247, %add3A_245 : vector<16xf32>
      %max3A_249 = arith.maximumf %add3A_245, %mul3A_248 : vector<16xf32>
      %exp3A_250 = math.exp %max3A_249 : vector<16xf32>
      %swap3A_251 = arith.constant 48 : index
      %swap3A_252 = tpu.vector_load %arg15[%swap3A_251] {strides = array<i32>} : memref<128xf32, #tpu.memory_space<vmem>>, vector<16xf32>,
      %swap3A_253 = vector.shape_cast %swap3A_252 : vector<16xf32> to vector<16xf32>
      %swap3A_254 = vector.shape_cast %exp3A_250 : vector<16xf32> to vector<16xf32>
      tpu.vector_store %arg15[%swap3A_251], %swap3A_254 {strides = array<i32>} : memref<128xf32, #tpu.memory_space<vmem>>, vector<16xf32>,
      %get3A_255 = arith.constant 64 : index
      %get3A_256 = tpu.vector_load %arg13[%get3A_255] {strides = array<i32>} : memref<128xf32, #tpu.memory_space<vmem>>, vector<16xf32>,
      %get3A_257 = vector.shape_cast %get3A_256 : vector<16xf32> to vector<16xf32>
      %get3A_258 = arith.constant 64 : index
      %get3A_259 = tpu.vector_load %arg14[%get3A_258] {strides = array<i32>} : memref<128xf32, #tpu.memory_space<vmem>>, vector<16xf32>,
      %get3A_260 = vector.shape_cast %get3A_259 : vector<16xf32> to vector<16xf32>
      %add3A_261 = arith.addf %get3A_257, %get3A_260 : vector<16xf32>
      %mul3A_262 = arith.constant 2.000000e-01 : f32
      %mul3A_263 = vector.broadcast %mul3A_262 : f32 to vector<16xf32>
      %mul3A_264 = arith.mulf %mul3A_263, %add3A_261 : vector<16xf32>
      %max3A_265 = arith.maximumf %add3A_261, %mul3A_264 : vector<16xf32>
      %exp3A_266 = math.exp %max3A_265 : vector<16xf32>
      %swap3A_267 = arith.constant 64 : index
      %swap3A_268 = tpu.vector_load %arg15[%swap3A_267] {strides = array<i32>} : memref<128xf32, #tpu.memory_space<vmem>>, vector<16xf32>,
      %swap3A_269 = vector.shape_cast %swap3A_268 : vector<16xf32> to vector<16xf32>
      %swap3A_270 = vector.shape_cast %exp3A_266 : vector<16xf32> to vector<16xf32>
      tpu.vector_store %arg15[%swap3A_267], %swap3A_270 {strides = array<i32>} : memref<128xf32, #tpu.memory_space<vmem>>, vector<16xf32>,
      %get3A_271 = arith.constant 80 : index
      %get3A_272 = tpu.vector_load %arg13[%get3A_271] {strides = array<i32>} : memref<128xf32, #tpu.memory_space<vmem>>, vector<16xf32>,
      %get3A_273 = vector.shape_cast %get3A_272 : vector<16xf32> to vector<16xf32>
      %get3A_274 = arith.constant 80 : index
      %get3A_275 = tpu.vector_load %arg14[%get3A_274] {strides = array<i32>} : memref<128xf32, #tpu.memory_space<vmem>>, vector<16xf32>,
      %get3A_276 = vector.shape_cast %get3A_275 : vector<16xf32> to vector<16xf32>
      %add3A_277 = arith.addf %get3A_273, %get3A_276 : vector<16xf32>
      %mul3A_278 = arith.constant 2.000000e-01 : f32
      %mul3A_279 = vector.broadcast %mul3A_278 : f32 to vector<16xf32>
      %mul3A_280 = arith.mulf %mul3A_279, %add3A_277 : vector<16xf32>
      %max3A_281 = arith.maximumf %add3A_277, %mul3A_280 : vector<16xf32>
      %exp3A_282 = math.exp %max3A_281 : vector<16xf32>
      %swap3A_283 = arith.constant 80 : index
      %swap3A_284 = tpu.vector_load %arg15[%swap3A_283] {strides = array<i32>} : memref<128xf32, #tpu.memory_space<vmem>>, vector<16xf32>,
      %swap3A_285 = vector.shape_cast %swap3A_284 : vector<16xf32> to vector<16xf32>
      %swap3A_286 = vector.shape_cast %exp3A_282 : vector<16xf32> to vector<16xf32>
      tpu.vector_store %arg15[%swap3A_283], %swap3A_286 {strides = array<i32>} : memref<128xf32, #tpu.memory_space<vmem>>, vector<16xf32>,
      %get3A_287 = arith.constant 96 : index
      %get3A_288 = tpu.vector_load %arg13[%get3A_287] {strides = array<i32>} : memref<128xf32, #tpu.memory_space<vmem>>, vector<16xf32>,
      %get3A_289 = vector.shape_cast %get3A_288 : vector<16xf32> to vector<16xf32>
      %get3A_290 = arith.constant 96 : index
      %get3A_291 = tpu.vector_load %arg14[%get3A_290] {strides = array<i32>} : memref<128xf32, #tpu.memory_space<vmem>>, vector<16xf32>,
      %get3A_292 = vector.shape_cast %get3A_291 : vector<16xf32> to vector<16xf32>
      %add3A_293 = arith.addf %get3A_289, %get3A_292 : vector<16xf32>
      %mul3A_294 = arith.constant 2.000000e-01 : f32
      %mul3A_295 = vector.broadcast %mul3A_294 : f32 to vector<16xf32>
      %mul3A_296 = arith.mulf %mul3A_295, %add3A_293 : vector<16xf32>
      %max3A_297 = arith.maximumf %add3A_293, %mul3A_296 : vector<16xf32>
      %exp3A_298 = math.exp %max3A_297 : vector<16xf32>
      %swap3A_299 = arith.constant 96 : index
      %swap3A_300 = tpu.vector_load %arg15[%swap3A_299] {strides = array<i32>} : memref<128xf32, #tpu.memory_space<vmem>>, vector<16xf32>,
      %swap3A_301 = vector.shape_cast %swap3A_300 : vector<16xf32> to vector<16xf32>
      %swap3A_302 = vector.shape_cast %exp3A_298 : vector<16xf32> to vector<16xf32>
      tpu.vector_store %arg15[%swap3A_299], %swap3A_302 {strides = array<i32>} : memref<128xf32, #tpu.memory_space<vmem>>, vector<16xf32>,
      %get3A_303 = arith.constant 112 : index
      %get3A_304 = tpu.vector_load %arg13[%get3A_303] {strides = array<i32>} : memref<128xf32, #tpu.memory_space<vmem>>, vector<16xf32>,
      %get3A_305 = vector.shape_cast %get3A_304 : vector<16xf32> to vector<16xf32>
      %get3A_306 = arith.constant 112 : index
      %get3A_307 = tpu.vector_load %arg14[%get3A_306] {strides = array<i32>} : memref<128xf32, #tpu.memory_space<vmem>>, vector<16xf32>,
      %get3A_308 = vector.shape_cast %get3A_307 : vector<16xf32> to vector<16xf32>
      %add3A_309 = arith.addf %get3A_305, %get3A_308 : vector<16xf32>
      %mul3A_310 = arith.constant 2.000000e-01 : f32
      %mul3A_311 = vector.broadcast %mul3A_310 : f32 to vector<16xf32>
      %mul3A_312 = arith.mulf %mul3A_311, %add3A_309 : vector<16xf32>
      %max3A_313 = arith.maximumf %add3A_309, %mul3A_312 : vector<16xf32>
      %exp3A_314 = math.exp %max3A_313 : vector<16xf32>
      %swap3A_315 = arith.constant 112 : index
      %swap3A_316 = tpu.vector_load %arg15[%swap3A_315] {strides = array<i32>} : memref<128xf32, #tpu.memory_space<vmem>>, vector<16xf32>,
      %swap3A_317 = vector.shape_cast %swap3A_316 : vector<16xf32> to vector<16xf32>
      %swap3A_318 = vector.shape_cast %exp3A_314 : vector<16xf32> to vector<16xf32>
      tpu.vector_store %arg15[%swap3A_315], %swap3A_318 {strides = array<i32>} : memref<128xf32, #tpu.memory_space<vmem>>, vector<16xf32>,
      "tpu.region"() ({
        %run_scoped3A = tpu.sem_alloc : memref<!tpu.dma_semaphore, #tpu.memory_space<semaphore_mem>>
        %dma_start3A_319 = tpu.memref_slice %arg6[%multiple_of3A] : memref<323584xf32, #tpu.memory_space<hbm>> -> memref<128xf32, #tpu.memory_space<hbm>>
        %dma_start3A_320 = tpu.memref_slice %arg6[%multiple_of3A] : memref<323584xf32, #tpu.memory_space<hbm>> -> memref<128xf32, #tpu.memory_space<hbm>>
        tpu.enqueue_dma source(%arg15 : memref<128xf32, #tpu.memory_space<vmem>>) target(%dma_start3A_320 : memref<128xf32, #tpu.memory_space<hbm>>) target_semaphore(%run_scoped3A : memref<!tpu.dma_semaphore, #tpu.memory_space<semaphore_mem>>)
        %dma_wait3A_321 = tpu.memref_slice %arg6[%multiple_of3A] : memref<323584xf32, #tpu.memory_space<hbm>> -> memref<128xf32, #tpu.memory_space<hbm>>
        %dma_wait3A_322 = tpu.memref_slice %arg6[%multiple_of3A] : memref<323584xf32, #tpu.memory_space<hbm>> -> memref<128xf32, #tpu.memory_space<hbm>>
        tpu.wait_dma2 semaphore(%run_scoped3A : memref<!tpu.dma_semaphore, #tpu.memory_space<semaphore_mem>>) src(%arg15 : memref<128xf32, #tpu.memory_space<vmem>>) dst(%dma_wait3A_322 : memref<128xf32, #tpu.memory_space<hbm>>)
        tpu.yield
      }) : () -> ()
      "tpu.region"() ({
        %run_scoped3A = tpu.sem_alloc : memref<!tpu.dma_semaphore, #tpu.memory_space<semaphore_mem>>
        %dma_start3A_319 = arith.constant 0 : i32
        %dma_start3A_320 = tpu.memref_slice %arg9[%dma_start3A_319] : memref<10240xf32, #tpu.memory_space<vmem_shared>> -> memref<10240xf32, #tpu.memory_space<vmem_shared>>
        tpu.enqueue_indirect_dma source(%arg15 : memref<128xf32, #tpu.memory_space<vmem>>) target(%dma_start3A_320 : memref<10240xf32, #tpu.memory_space<vmem_shared>>) offsets(%arg12 : memref<128xi32, #tpu.memory_space<vmem>>) semaphore(%run_scoped3A : memref<!tpu.dma_semaphore, #tpu.memory_space<semaphore_mem>>) {add = true}
        %dma_wait3A_321 = arith.constant 0 : i32
        %dma_wait3A_322 = tpu.memref_slice %arg9[%dma_wait3A_321] : memref<10240xf32, #tpu.memory_space<vmem_shared>> -> memref<10240xf32, #tpu.memory_space<vmem_shared>>
        tpu.wait_indirect_dma semaphore(%run_scoped3A : memref<!tpu.dma_semaphore, #tpu.memory_space<semaphore_mem>>) src(%arg15 : memref<128xf32, #tpu.memory_space<vmem>>) dst(%dma_wait3A_322 : memref<10240xf32, #tpu.memory_space<vmem_shared>>)
        tpu.yield
      }) : () -> ()
      "tpu.region"() ({
        %run_scoped3A = tpu.sem_alloc : memref<!tpu.dma_semaphore, #tpu.memory_space<semaphore_mem>>
        %dma_start3A_319 = arith.constant 0 : i32
        %dma_start3A_320 = tpu.memref_slice %arg10[%dma_start3A_319] : memref<10240xf32, #tpu.memory_space<vmem_shared>> -> memref<10240xf32, #tpu.memory_space<vmem_shared>>
        tpu.enqueue_indirect_dma source(%arg16 : memref<128xf32, #tpu.memory_space<vmem>>) target(%dma_start3A_320 : memref<10240xf32, #tpu.memory_space<vmem_shared>>) offsets(%arg12 : memref<128xi32, #tpu.memory_space<vmem>>) semaphore(%run_scoped3A : memref<!tpu.dma_semaphore, #tpu.memory_space<semaphore_mem>>) {add = true}
        %dma_wait3A_321 = arith.constant 0 : i32
        %dma_wait3A_322 = tpu.memref_slice %arg10[%dma_wait3A_321] : memref<10240xf32, #tpu.memory_space<vmem_shared>> -> memref<10240xf32, #tpu.memory_space<vmem_shared>>
        tpu.wait_indirect_dma semaphore(%run_scoped3A : memref<!tpu.dma_semaphore, #tpu.memory_space<semaphore_mem>>) src(%arg16 : memref<128xf32, #tpu.memory_space<vmem>>) dst(%dma_wait3A_322 : memref<10240xf32, #tpu.memory_space<vmem_shared>>)
        tpu.yield
      }) : () -> ()
    }
    %scan3A_162 = arith.constant 79 : i32
    %barrier3A_163 = arith.constant 0 : index
    tpu.barrier barrier_id(%barrier3A_163)
    %mul3A_164 = arith.constant 640 : i32
    %mul3A_165 = arith.muli %arg1, %mul3A_164 : i32
    %mul3A_166 = arith.constant 10240 : i32
    %mul3A_167 = arith.muli %arg0, %mul3A_166 : i32
    %mul3A_168 = arith.constant 640 : i32
    %mul3A_169 = arith.muli %arg1, %mul3A_168 : i32
    %add3A_170 = arith.addi %mul3A_167, %mul3A_169 : i32
    "tpu.region"() ({
      %run_scoped3A = tpu.sem_alloc : memref<!tpu.dma_semaphore, #tpu.memory_space<semaphore_mem>>
      %dma_start3A = tpu.memref_slice %arg7[%add3A_170] : memref<20480xf32, #tpu.memory_space<hbm>> -> memref<640xf32, #tpu.memory_space<hbm>>
      %dma_start3A_178 = tpu.memref_slice %arg9[%mul3A_165] : memref<10240xf32, #tpu.memory_space<vmem_shared>> -> memref<640xf32, #tpu.memory_space<vmem_shared>>
      tpu.enqueue_dma source(%dma_start3A_178 : memref<640xf32, #tpu.memory_space<vmem_shared>>) target(%dma_start3A : memref<640xf32, #tpu.memory_space<hbm>>) target_semaphore(%run_scoped3A : memref<!tpu.dma_semaphore, #tpu.memory_space<semaphore_mem>>)
      %dma_wait3A = tpu.memref_slice %arg7[%add3A_170] : memref<20480xf32, #tpu.memory_space<hbm>> -> memref<640xf32, #tpu.memory_space<hbm>>
      %dma_wait3A_179 = tpu.memref_slice %arg9[%mul3A_165] : memref<10240xf32, #tpu.memory_space<vmem_shared>> -> memref<640xf32, #tpu.memory_space<vmem_shared>>
      tpu.wait_dma2 semaphore(%run_scoped3A : memref<!tpu.dma_semaphore, #tpu.memory_space<semaphore_mem>>) src(%dma_wait3A_179 : memref<640xf32, #tpu.memory_space<vmem_shared>>) dst(%dma_wait3A : memref<640xf32, #tpu.memory_space<hbm>>)
      tpu.yield
    }) : () -> ()
    %mul3A_171 = arith.constant 640 : i32
    %mul3A_172 = arith.muli %arg1, %mul3A_171 : i32
    %mul3A_173 = arith.constant 10240 : i32
    %mul3A_174 = arith.muli %arg0, %mul3A_173 : i32
    %mul3A_175 = arith.constant 640 : i32
    %mul3A_176 = arith.muli %arg1, %mul3A_175 : i32
    %add3A_177 = arith.addi %mul3A_174, %mul3A_176 : i32
    "tpu.region"() ({
      %run_scoped3A = tpu.sem_alloc : memref<!tpu.dma_semaphore, #tpu.memory_space<semaphore_mem>>
      %dma_start3A = tpu.memref_slice %arg8[%add3A_177] : memref<20480xf32, #tpu.memory_space<hbm>> -> memref<640xf32, #tpu.memory_space<hbm>>
      %dma_start3A_178 = tpu.memref_slice %arg10[%mul3A_172] : memref<10240xf32, #tpu.memory_space<vmem_shared>> -> memref<640xf32, #tpu.memory_space<vmem_shared>>
      tpu.enqueue_dma source(%dma_start3A_178 : memref<640xf32, #tpu.memory_space<vmem_shared>>) target(%dma_start3A : memref<640xf32, #tpu.memory_space<hbm>>) target_semaphore(%run_scoped3A : memref<!tpu.dma_semaphore, #tpu.memory_space<semaphore_mem>>)
      %dma_wait3A = tpu.memref_slice %arg8[%add3A_177] : memref<20480xf32, #tpu.memory_space<hbm>> -> memref<640xf32, #tpu.memory_space<hbm>>
      %dma_wait3A_179 = tpu.memref_slice %arg10[%mul3A_172] : memref<10240xf32, #tpu.memory_space<vmem_shared>> -> memref<640xf32, #tpu.memory_space<vmem_shared>>
      tpu.wait_dma2 semaphore(%run_scoped3A : memref<!tpu.dma_semaphore, #tpu.memory_space<semaphore_mem>>) src(%dma_wait3A_179 : memref<640xf32, #tpu.memory_space<vmem_shared>>) dst(%dma_wait3A : memref<640xf32, #tpu.memory_space<hbm>>)
      tpu.yield
    }) : () -> ()
    return
  }
}

#map = affine_map<(d0, d1) -> (0, 0)>
#map1 = affine_map<(d0, d1) -> (0)>
module attributes {stable_mosaic.version = 14 : i64} {
  func.func @_prop_pass(%arg0: i32, %arg1: i32, %arg2: memref<10240x128xf32, #tpu.memory_space<hbm>>, %arg3: memref<323584xi32, #tpu.memory_space<hbm>>, %arg4: memref<323584xi32, #tpu.memory_space<hbm>>, %arg5: memref<20480x128xf32, #tpu.memory_space<hbm>>, %arg6: memref<10240x128xf32, #tpu.memory_space<vmem_shared>>, %arg7: memref<128xi32, #tpu.memory_space<vmem>>, %arg8: memref<128xi32, #tpu.memory_space<vmem>>, %arg9: memref<128xi32, #tpu.memory_space<vmem>>, %arg10: memref<128xi32, #tpu.memory_space<vmem>>, %arg11: memref<128x128xf32, #tpu.memory_space<vmem>>, %arg12: memref<128x128xf32, #tpu.memory_space<vmem>>, %arg13: memref<!tpu.dma_semaphore, #tpu.memory_space<semaphore_mem>>, %arg14: memref<!tpu.dma_semaphore, #tpu.memory_space<semaphore_mem>>) attributes {dimension_semantics = [#tpu.dimension_semantics<core_parallel>, #tpu.dimension_semantics<subcore_parallel>], iteration_bounds = array<i64: 2, 16>, scalar_prefetch = 0 : i64, scratch_operands = 9 : i64, tpu.core_type = #tpu.core_type<sc_vector_subcore>, window_params = [{transform_indices = #map}, {transform_indices = #map1}, {transform_indices = #map1}, {transform_indices = #map}]} {
    %mul3A = arith.constant 2 : i32
    %mul3A_0 = arith.muli %arg1, %mul3A : i32
    %add3A = arith.addi %mul3A_0, %arg0 : i32
    %mul3A_1 = arith.constant 79 : i32
    %mul3A_2 = arith.muli %add3A, %mul3A_1 : i32
    %scan3A = arith.constant 0 : i32
    %scan3A_3 = arith.constant 128 : i32
    %scan3A_4 = arith.addi %scan3A, %scan3A_3 : i32
    %scan3A_5 = arith.constant 1 : i32
    scf.for %scan3A_59 = %scan3A to %scan3A_4 step %scan3A_5  : i32 {
      %mul3A_60 = arith.constant 1 : i32
      %mul3A_61 = arith.muli %scan3A_59, %mul3A_60 : i32
      %add3A_62 = arith.constant 0 : i32
      %add3A_63 = arith.addi %add3A_62, %mul3A_61 : i32
      %broadcast_in_dim3A = arith.constant 0.000000e+00 : f32
      %broadcast_in_dim3A_64 = vector.broadcast %broadcast_in_dim3A : f32 to vector<16xf32>
      %swap3A = arith.index_cast %add3A_63 : i32 to index
      %swap3A_65 = arith.constant 0 : index
      %swap3A_66 = tpu.vector_load %arg11[%swap3A, %swap3A_65] {strides = array<i32>} : memref<128x128xf32, #tpu.memory_space<vmem>>, vector<1x16xf32>,
      %swap3A_67 = vector.shape_cast %swap3A_66 : vector<1x16xf32> to vector<16xf32>
      %swap3A_68 = vector.shape_cast %broadcast_in_dim3A_64 : vector<16xf32> to vector<1x16xf32>
      tpu.vector_store %arg11[%swap3A, %swap3A_65], %swap3A_68 {strides = array<i32>} : memref<128x128xf32, #tpu.memory_space<vmem>>, vector<1x16xf32>,
      %broadcast_in_dim3A_69 = arith.constant 0.000000e+00 : f32
      %broadcast_in_dim3A_70 = vector.broadcast %broadcast_in_dim3A_69 : f32 to vector<16xf32>
      %swap3A_71 = arith.index_cast %add3A_63 : i32 to index
      %swap3A_72 = arith.constant 16 : index
      %swap3A_73 = tpu.vector_load %arg11[%swap3A_71, %swap3A_72] {strides = array<i32>} : memref<128x128xf32, #tpu.memory_space<vmem>>, vector<1x16xf32>,
      %swap3A_74 = vector.shape_cast %swap3A_73 : vector<1x16xf32> to vector<16xf32>
      %swap3A_75 = vector.shape_cast %broadcast_in_dim3A_70 : vector<16xf32> to vector<1x16xf32>
      tpu.vector_store %arg11[%swap3A_71, %swap3A_72], %swap3A_75 {strides = array<i32>} : memref<128x128xf32, #tpu.memory_space<vmem>>, vector<1x16xf32>,
      %broadcast_in_dim3A_76 = arith.constant 0.000000e+00 : f32
      %broadcast_in_dim3A_77 = vector.broadcast %broadcast_in_dim3A_76 : f32 to vector<16xf32>
      %swap3A_78 = arith.index_cast %add3A_63 : i32 to index
      %swap3A_79 = arith.constant 32 : index
      %swap3A_80 = tpu.vector_load %arg11[%swap3A_78, %swap3A_79] {strides = array<i32>} : memref<128x128xf32, #tpu.memory_space<vmem>>, vector<1x16xf32>,
      %swap3A_81 = vector.shape_cast %swap3A_80 : vector<1x16xf32> to vector<16xf32>
      %swap3A_82 = vector.shape_cast %broadcast_in_dim3A_77 : vector<16xf32> to vector<1x16xf32>
      tpu.vector_store %arg11[%swap3A_78, %swap3A_79], %swap3A_82 {strides = array<i32>} : memref<128x128xf32, #tpu.memory_space<vmem>>, vector<1x16xf32>,
      %broadcast_in_dim3A_83 = arith.constant 0.000000e+00 : f32
      %broadcast_in_dim3A_84 = vector.broadcast %broadcast_in_dim3A_83 : f32 to vector<16xf32>
      %swap3A_85 = arith.index_cast %add3A_63 : i32 to index
      %swap3A_86 = arith.constant 48 : index
      %swap3A_87 = tpu.vector_load %arg11[%swap3A_85, %swap3A_86] {strides = array<i32>} : memref<128x128xf32, #tpu.memory_space<vmem>>, vector<1x16xf32>,
      %swap3A_88 = vector.shape_cast %swap3A_87 : vector<1x16xf32> to vector<16xf32>
      %swap3A_89 = vector.shape_cast %broadcast_in_dim3A_84 : vector<16xf32> to vector<1x16xf32>
      tpu.vector_store %arg11[%swap3A_85, %swap3A_86], %swap3A_89 {strides = array<i32>} : memref<128x128xf32, #tpu.memory_space<vmem>>, vector<1x16xf32>,
      %broadcast_in_dim3A_90 = arith.constant 0.000000e+00 : f32
      %broadcast_in_dim3A_91 = vector.broadcast %broadcast_in_dim3A_90 : f32 to vector<16xf32>
      %swap3A_92 = arith.index_cast %add3A_63 : i32 to index
      %swap3A_93 = arith.constant 64 : index
      %swap3A_94 = tpu.vector_load %arg11[%swap3A_92, %swap3A_93] {strides = array<i32>} : memref<128x128xf32, #tpu.memory_space<vmem>>, vector<1x16xf32>,
      %swap3A_95 = vector.shape_cast %swap3A_94 : vector<1x16xf32> to vector<16xf32>
      %swap3A_96 = vector.shape_cast %broadcast_in_dim3A_91 : vector<16xf32> to vector<1x16xf32>
      tpu.vector_store %arg11[%swap3A_92, %swap3A_93], %swap3A_96 {strides = array<i32>} : memref<128x128xf32, #tpu.memory_space<vmem>>, vector<1x16xf32>,
      %broadcast_in_dim3A_97 = arith.constant 0.000000e+00 : f32
      %broadcast_in_dim3A_98 = vector.broadcast %broadcast_in_dim3A_97 : f32 to vector<16xf32>
      %swap3A_99 = arith.index_cast %add3A_63 : i32 to index
      %swap3A_100 = arith.constant 80 : index
      %swap3A_101 = tpu.vector_load %arg11[%swap3A_99, %swap3A_100] {strides = array<i32>} : memref<128x128xf32, #tpu.memory_space<vmem>>, vector<1x16xf32>,
      %swap3A_102 = vector.shape_cast %swap3A_101 : vector<1x16xf32> to vector<16xf32>
      %swap3A_103 = vector.shape_cast %broadcast_in_dim3A_98 : vector<16xf32> to vector<1x16xf32>
      tpu.vector_store %arg11[%swap3A_99, %swap3A_100], %swap3A_103 {strides = array<i32>} : memref<128x128xf32, #tpu.memory_space<vmem>>, vector<1x16xf32>,
      %broadcast_in_dim3A_104 = arith.constant 0.000000e+00 : f32
      %broadcast_in_dim3A_105 = vector.broadcast %broadcast_in_dim3A_104 : f32 to vector<16xf32>
      %swap3A_106 = arith.index_cast %add3A_63 : i32 to index
      %swap3A_107 = arith.constant 96 : index
      %swap3A_108 = tpu.vector_load %arg11[%swap3A_106, %swap3A_107] {strides = array<i32>} : memref<128x128xf32, #tpu.memory_space<vmem>>, vector<1x16xf32>,
      %swap3A_109 = vector.shape_cast %swap3A_108 : vector<1x16xf32> to vector<16xf32>
      %swap3A_110 = vector.shape_cast %broadcast_in_dim3A_105 : vector<16xf32> to vector<1x16xf32>
      tpu.vector_store %arg11[%swap3A_106, %swap3A_107], %swap3A_110 {strides = array<i32>} : memref<128x128xf32, #tpu.memory_space<vmem>>, vector<1x16xf32>,
      %broadcast_in_dim3A_111 = arith.constant 0.000000e+00 : f32
      %broadcast_in_dim3A_112 = vector.broadcast %broadcast_in_dim3A_111 : f32 to vector<16xf32>
      %swap3A_113 = arith.index_cast %add3A_63 : i32 to index
      %swap3A_114 = arith.constant 112 : index
      %swap3A_115 = tpu.vector_load %arg11[%swap3A_113, %swap3A_114] {strides = array<i32>} : memref<128x128xf32, #tpu.memory_space<vmem>>, vector<1x16xf32>,
      %swap3A_116 = vector.shape_cast %swap3A_115 : vector<1x16xf32> to vector<16xf32>
      %swap3A_117 = vector.shape_cast %broadcast_in_dim3A_112 : vector<16xf32> to vector<1x16xf32>
      tpu.vector_store %arg11[%swap3A_113, %swap3A_114], %swap3A_117 {strides = array<i32>} : memref<128x128xf32, #tpu.memory_space<vmem>>, vector<1x16xf32>,
    }
    %scan3A_6 = arith.constant 128 : i32
    %mul3A_7 = arith.constant 640 : i32
    %mul3A_8 = arith.muli %arg1, %mul3A_7 : i32
    %add3A_9 = arith.constant 0 : i32
    %add3A_10 = arith.addi %mul3A_8, %add3A_9 : i32
    "tpu.region"() ({
      %run_scoped3A = tpu.sem_alloc : memref<!tpu.dma_semaphore, #tpu.memory_space<semaphore_mem>>
      %dma_start3A_59 = arith.constant 0 : i32
      %dma_start3A_60 = tpu.memref_slice %arg6[%add3A_10, %dma_start3A_59] : memref<10240x128xf32, #tpu.memory_space<vmem_shared>> -> memref<128x128xf32, #tpu.memory_space<vmem_shared>>
      %dma_start3A_61 = arith.constant 0 : i32
      %dma_start3A_62 = tpu.memref_slice %arg6[%add3A_10, %dma_start3A_61] : memref<10240x128xf32, #tpu.memory_space<vmem_shared>> -> memref<128x128xf32, #tpu.memory_space<vmem_shared>>
      tpu.enqueue_dma source(%arg11 : memref<128x128xf32, #tpu.memory_space<vmem>>) target(%dma_start3A_62 : memref<128x128xf32, #tpu.memory_space<vmem_shared>>) target_semaphore(%run_scoped3A : memref<!tpu.dma_semaphore, #tpu.memory_space<semaphore_mem>>)
      %dma_wait3A_63 = arith.constant 0 : i32
      %dma_wait3A_64 = tpu.memref_slice %arg6[%add3A_10, %dma_wait3A_63] : memref<10240x128xf32, #tpu.memory_space<vmem_shared>> -> memref<128x128xf32, #tpu.memory_space<vmem_shared>>
      %dma_wait3A_65 = arith.constant 0 : i32
      %dma_wait3A_66 = tpu.memref_slice %arg6[%add3A_10, %dma_wait3A_65] : memref<10240x128xf32, #tpu.memory_space<vmem_shared>> -> memref<128x128xf32, #tpu.memory_space<vmem_shared>>
      tpu.wait_dma2 semaphore(%run_scoped3A : memref<!tpu.dma_semaphore, #tpu.memory_space<semaphore_mem>>) src(%arg11 : memref<128x128xf32, #tpu.memory_space<vmem>>) dst(%dma_wait3A_66 : memref<128x128xf32, #tpu.memory_space<vmem_shared>>)
      tpu.yield
    }) : () -> ()
    %mul3A_11 = arith.constant 640 : i32
    %mul3A_12 = arith.muli %arg1, %mul3A_11 : i32
    %add3A_13 = arith.constant 128 : i32
    %add3A_14 = arith.addi %mul3A_12, %add3A_13 : i32
    "tpu.region"() ({
      %run_scoped3A = tpu.sem_alloc : memref<!tpu.dma_semaphore, #tpu.memory_space<semaphore_mem>>
      %dma_start3A_59 = arith.constant 0 : i32
      %dma_start3A_60 = tpu.memref_slice %arg6[%add3A_14, %dma_start3A_59] : memref<10240x128xf32, #tpu.memory_space<vmem_shared>> -> memref<128x128xf32, #tpu.memory_space<vmem_shared>>
      %dma_start3A_61 = arith.constant 0 : i32
      %dma_start3A_62 = tpu.memref_slice %arg6[%add3A_14, %dma_start3A_61] : memref<10240x128xf32, #tpu.memory_space<vmem_shared>> -> memref<128x128xf32, #tpu.memory_space<vmem_shared>>
      tpu.enqueue_dma source(%arg11 : memref<128x128xf32, #tpu.memory_space<vmem>>) target(%dma_start3A_62 : memref<128x128xf32, #tpu.memory_space<vmem_shared>>) target_semaphore(%run_scoped3A : memref<!tpu.dma_semaphore, #tpu.memory_space<semaphore_mem>>)
      %dma_wait3A_63 = arith.constant 0 : i32
      %dma_wait3A_64 = tpu.memref_slice %arg6[%add3A_14, %dma_wait3A_63] : memref<10240x128xf32, #tpu.memory_space<vmem_shared>> -> memref<128x128xf32, #tpu.memory_space<vmem_shared>>
      %dma_wait3A_65 = arith.constant 0 : i32
      %dma_wait3A_66 = tpu.memref_slice %arg6[%add3A_14, %dma_wait3A_65] : memref<10240x128xf32, #tpu.memory_space<vmem_shared>> -> memref<128x128xf32, #tpu.memory_space<vmem_shared>>
      tpu.wait_dma2 semaphore(%run_scoped3A : memref<!tpu.dma_semaphore, #tpu.memory_space<semaphore_mem>>) src(%arg11 : memref<128x128xf32, #tpu.memory_space<vmem>>) dst(%dma_wait3A_66 : memref<128x128xf32, #tpu.memory_space<vmem_shared>>)
      tpu.yield
    }) : () -> ()
    %mul3A_15 = arith.constant 640 : i32
    %mul3A_16 = arith.muli %arg1, %mul3A_15 : i32
    %add3A_17 = arith.constant 256 : i32
    %add3A_18 = arith.addi %mul3A_16, %add3A_17 : i32
    "tpu.region"() ({
      %run_scoped3A = tpu.sem_alloc : memref<!tpu.dma_semaphore, #tpu.memory_space<semaphore_mem>>
      %dma_start3A_59 = arith.constant 0 : i32
      %dma_start3A_60 = tpu.memref_slice %arg6[%add3A_18, %dma_start3A_59] : memref<10240x128xf32, #tpu.memory_space<vmem_shared>> -> memref<128x128xf32, #tpu.memory_space<vmem_shared>>
      %dma_start3A_61 = arith.constant 0 : i32
      %dma_start3A_62 = tpu.memref_slice %arg6[%add3A_18, %dma_start3A_61] : memref<10240x128xf32, #tpu.memory_space<vmem_shared>> -> memref<128x128xf32, #tpu.memory_space<vmem_shared>>
      tpu.enqueue_dma source(%arg11 : memref<128x128xf32, #tpu.memory_space<vmem>>) target(%dma_start3A_62 : memref<128x128xf32, #tpu.memory_space<vmem_shared>>) target_semaphore(%run_scoped3A : memref<!tpu.dma_semaphore, #tpu.memory_space<semaphore_mem>>)
      %dma_wait3A_63 = arith.constant 0 : i32
      %dma_wait3A_64 = tpu.memref_slice %arg6[%add3A_18, %dma_wait3A_63] : memref<10240x128xf32, #tpu.memory_space<vmem_shared>> -> memref<128x128xf32, #tpu.memory_space<vmem_shared>>
      %dma_wait3A_65 = arith.constant 0 : i32
      %dma_wait3A_66 = tpu.memref_slice %arg6[%add3A_18, %dma_wait3A_65] : memref<10240x128xf32, #tpu.memory_space<vmem_shared>> -> memref<128x128xf32, #tpu.memory_space<vmem_shared>>
      tpu.wait_dma2 semaphore(%run_scoped3A : memref<!tpu.dma_semaphore, #tpu.memory_space<semaphore_mem>>) src(%arg11 : memref<128x128xf32, #tpu.memory_space<vmem>>) dst(%dma_wait3A_66 : memref<128x128xf32, #tpu.memory_space<vmem_shared>>)
      tpu.yield
    }) : () -> ()
    %mul3A_19 = arith.constant 640 : i32
    %mul3A_20 = arith.muli %arg1, %mul3A_19 : i32
    %add3A_21 = arith.constant 384 : i32
    %add3A_22 = arith.addi %mul3A_20, %add3A_21 : i32
    "tpu.region"() ({
      %run_scoped3A = tpu.sem_alloc : memref<!tpu.dma_semaphore, #tpu.memory_space<semaphore_mem>>
      %dma_start3A_59 = arith.constant 0 : i32
      %dma_start3A_60 = tpu.memref_slice %arg6[%add3A_22, %dma_start3A_59] : memref<10240x128xf32, #tpu.memory_space<vmem_shared>> -> memref<128x128xf32, #tpu.memory_space<vmem_shared>>
      %dma_start3A_61 = arith.constant 0 : i32
      %dma_start3A_62 = tpu.memref_slice %arg6[%add3A_22, %dma_start3A_61] : memref<10240x128xf32, #tpu.memory_space<vmem_shared>> -> memref<128x128xf32, #tpu.memory_space<vmem_shared>>
      tpu.enqueue_dma source(%arg11 : memref<128x128xf32, #tpu.memory_space<vmem>>) target(%dma_start3A_62 : memref<128x128xf32, #tpu.memory_space<vmem_shared>>) target_semaphore(%run_scoped3A : memref<!tpu.dma_semaphore, #tpu.memory_space<semaphore_mem>>)
      %dma_wait3A_63 = arith.constant 0 : i32
      %dma_wait3A_64 = tpu.memref_slice %arg6[%add3A_22, %dma_wait3A_63] : memref<10240x128xf32, #tpu.memory_space<vmem_shared>> -> memref<128x128xf32, #tpu.memory_space<vmem_shared>>
      %dma_wait3A_65 = arith.constant 0 : i32
      %dma_wait3A_66 = tpu.memref_slice %arg6[%add3A_22, %dma_wait3A_65] : memref<10240x128xf32, #tpu.memory_space<vmem_shared>> -> memref<128x128xf32, #tpu.memory_space<vmem_shared>>
      tpu.wait_dma2 semaphore(%run_scoped3A : memref<!tpu.dma_semaphore, #tpu.memory_space<semaphore_mem>>) src(%arg11 : memref<128x128xf32, #tpu.memory_space<vmem>>) dst(%dma_wait3A_66 : memref<128x128xf32, #tpu.memory_space<vmem_shared>>)
      tpu.yield
    }) : () -> ()
    %mul3A_23 = arith.constant 640 : i32
    %mul3A_24 = arith.muli %arg1, %mul3A_23 : i32
    %add3A_25 = arith.constant 512 : i32
    %add3A_26 = arith.addi %mul3A_24, %add3A_25 : i32
    "tpu.region"() ({
      %run_scoped3A = tpu.sem_alloc : memref<!tpu.dma_semaphore, #tpu.memory_space<semaphore_mem>>
      %dma_start3A_59 = arith.constant 0 : i32
      %dma_start3A_60 = tpu.memref_slice %arg6[%add3A_26, %dma_start3A_59] : memref<10240x128xf32, #tpu.memory_space<vmem_shared>> -> memref<128x128xf32, #tpu.memory_space<vmem_shared>>
      %dma_start3A_61 = arith.constant 0 : i32
      %dma_start3A_62 = tpu.memref_slice %arg6[%add3A_26, %dma_start3A_61] : memref<10240x128xf32, #tpu.memory_space<vmem_shared>> -> memref<128x128xf32, #tpu.memory_space<vmem_shared>>
      tpu.enqueue_dma source(%arg11 : memref<128x128xf32, #tpu.memory_space<vmem>>) target(%dma_start3A_62 : memref<128x128xf32, #tpu.memory_space<vmem_shared>>) target_semaphore(%run_scoped3A : memref<!tpu.dma_semaphore, #tpu.memory_space<semaphore_mem>>)
      %dma_wait3A_63 = arith.constant 0 : i32
      %dma_wait3A_64 = tpu.memref_slice %arg6[%add3A_26, %dma_wait3A_63] : memref<10240x128xf32, #tpu.memory_space<vmem_shared>> -> memref<128x128xf32, #tpu.memory_space<vmem_shared>>
      %dma_wait3A_65 = arith.constant 0 : i32
      %dma_wait3A_66 = tpu.memref_slice %arg6[%add3A_26, %dma_wait3A_65] : memref<10240x128xf32, #tpu.memory_space<vmem_shared>> -> memref<128x128xf32, #tpu.memory_space<vmem_shared>>
      tpu.wait_dma2 semaphore(%run_scoped3A : memref<!tpu.dma_semaphore, #tpu.memory_space<semaphore_mem>>) src(%arg11 : memref<128x128xf32, #tpu.memory_space<vmem>>) dst(%dma_wait3A_66 : memref<128x128xf32, #tpu.memory_space<vmem_shared>>)
      tpu.yield
    }) : () -> ()
    %barrier3A = arith.constant 0 : index
    tpu.barrier barrier_id(%barrier3A)
    %mul3A_27 = arith.constant 128 : i32
    %mul3A_28 = arith.muli %mul3A_2, %mul3A_27 : i32
    %multiple_of3A = tpu.assume_multiple %mul3A_28, 128 : i32
    "tpu.region"() ({
      %run_scoped3A = tpu.sem_alloc : memref<!tpu.dma_semaphore, #tpu.memory_space<semaphore_mem>>
      %dma_start3A_59 = tpu.memref_slice %arg3[%multiple_of3A] : memref<323584xi32, #tpu.memory_space<hbm>> -> memref<128xi32, #tpu.memory_space<hbm>>
      %dma_start3A_60 = tpu.memref_slice %arg3[%multiple_of3A] : memref<323584xi32, #tpu.memory_space<hbm>> -> memref<128xi32, #tpu.memory_space<hbm>>
      tpu.enqueue_dma source(%dma_start3A_60 : memref<128xi32, #tpu.memory_space<hbm>>) target(%arg7 : memref<128xi32, #tpu.memory_space<vmem>>) target_semaphore(%run_scoped3A : memref<!tpu.dma_semaphore, #tpu.memory_space<semaphore_mem>>)
      %dma_wait3A_61 = tpu.memref_slice %arg3[%multiple_of3A] : memref<323584xi32, #tpu.memory_space<hbm>> -> memref<128xi32, #tpu.memory_space<hbm>>
      %dma_wait3A_62 = tpu.memref_slice %arg3[%multiple_of3A] : memref<323584xi32, #tpu.memory_space<hbm>> -> memref<128xi32, #tpu.memory_space<hbm>>
      tpu.wait_dma2 semaphore(%run_scoped3A : memref<!tpu.dma_semaphore, #tpu.memory_space<semaphore_mem>>) src(%dma_wait3A_62 : memref<128xi32, #tpu.memory_space<hbm>>) dst(%arg7 : memref<128xi32, #tpu.memory_space<vmem>>)
      tpu.yield
    }) : () -> ()
    "tpu.region"() ({
      %run_scoped3A = tpu.sem_alloc : memref<!tpu.dma_semaphore, #tpu.memory_space<semaphore_mem>>
      %dma_start3A_59 = tpu.memref_slice %arg4[%multiple_of3A] : memref<323584xi32, #tpu.memory_space<hbm>> -> memref<128xi32, #tpu.memory_space<hbm>>
      %dma_start3A_60 = tpu.memref_slice %arg4[%multiple_of3A] : memref<323584xi32, #tpu.memory_space<hbm>> -> memref<128xi32, #tpu.memory_space<hbm>>
      tpu.enqueue_dma source(%dma_start3A_60 : memref<128xi32, #tpu.memory_space<hbm>>) target(%arg8 : memref<128xi32, #tpu.memory_space<vmem>>) target_semaphore(%run_scoped3A : memref<!tpu.dma_semaphore, #tpu.memory_space<semaphore_mem>>)
      %dma_wait3A_61 = tpu.memref_slice %arg4[%multiple_of3A] : memref<323584xi32, #tpu.memory_space<hbm>> -> memref<128xi32, #tpu.memory_space<hbm>>
      %dma_wait3A_62 = tpu.memref_slice %arg4[%multiple_of3A] : memref<323584xi32, #tpu.memory_space<hbm>> -> memref<128xi32, #tpu.memory_space<hbm>>
      tpu.wait_dma2 semaphore(%run_scoped3A : memref<!tpu.dma_semaphore, #tpu.memory_space<semaphore_mem>>) src(%dma_wait3A_62 : memref<128xi32, #tpu.memory_space<hbm>>) dst(%arg8 : memref<128xi32, #tpu.memory_space<vmem>>)
      tpu.yield
    }) : () -> ()
    %add3A_29 = arith.constant 128 : i32
    %add3A_30 = arith.addi %multiple_of3A, %add3A_29 : i32
    %dma_start3A = tpu.memref_slice %arg3[%add3A_30] : memref<323584xi32, #tpu.memory_space<hbm>> -> memref<128xi32, #tpu.memory_space<hbm>>
    %dma_start3A_31 = tpu.memref_slice %arg3[%add3A_30] : memref<323584xi32, #tpu.memory_space<hbm>> -> memref<128xi32, #tpu.memory_space<hbm>>
    tpu.enqueue_dma source(%dma_start3A_31 : memref<128xi32, #tpu.memory_space<hbm>>) target(%arg9 : memref<128xi32, #tpu.memory_space<vmem>>) target_semaphore(%arg14 : memref<!tpu.dma_semaphore, #tpu.memory_space<semaphore_mem>>)
    %add3A_32 = arith.constant 128 : i32
    %add3A_33 = arith.addi %multiple_of3A, %add3A_32 : i32
    %dma_start3A_34 = tpu.memref_slice %arg4[%add3A_33] : memref<323584xi32, #tpu.memory_space<hbm>> -> memref<128xi32, #tpu.memory_space<hbm>>
    %dma_start3A_35 = tpu.memref_slice %arg4[%add3A_33] : memref<323584xi32, #tpu.memory_space<hbm>> -> memref<128xi32, #tpu.memory_space<hbm>>
    tpu.enqueue_dma source(%dma_start3A_35 : memref<128xi32, #tpu.memory_space<hbm>>) target(%arg10 : memref<128xi32, #tpu.memory_space<vmem>>) target_semaphore(%arg14 : memref<!tpu.dma_semaphore, #tpu.memory_space<semaphore_mem>>)
    %dma_start3A_36 = arith.constant 0 : i32
    %dma_start3A_37 = arith.constant 0 : i32
    %dma_start3A_38 = tpu.memref_slice %arg2[%dma_start3A_36, %dma_start3A_37] : memref<10240x128xf32, #tpu.memory_space<hbm>> -> memref<10240x128xf32, #tpu.memory_space<hbm>>
    tpu.enqueue_indirect_dma source(%dma_start3A_38 : memref<10240x128xf32, #tpu.memory_space<hbm>>) target(%arg11 : memref<128x128xf32, #tpu.memory_space<vmem>>) offsets(%arg7 : memref<128xi32, #tpu.memory_space<vmem>>) semaphore(%arg13 : memref<!tpu.dma_semaphore, #tpu.memory_space<semaphore_mem>>)
    %scan3A_39 = arith.constant 0 : i32
    %scan3A_40 = arith.constant 39 : i32
    %scan3A_41 = arith.addi %scan3A_39, %scan3A_40 : i32
    %scan3A_42 = arith.constant 1 : i32
    scf.for %scan3A_59 = %scan3A_39 to %scan3A_41 step %scan3A_42  : i32 {
      %mul3A_60 = arith.constant 1 : i32
      %mul3A_61 = arith.muli %scan3A_59, %mul3A_60 : i32
      %add3A_62 = arith.constant 0 : i32
      %add3A_63 = arith.addi %add3A_62, %mul3A_61 : i32
      %mul3A_64 = arith.constant 2 : i32
      %mul3A_65 = arith.muli %add3A_63, %mul3A_64 : i32
      %add3A_66 = arith.addi %mul3A_2, %mul3A_65 : i32
      %mul3A_67 = arith.constant 128 : i32
      %mul3A_68 = arith.muli %add3A_66, %mul3A_67 : i32
      %multiple_of3A_69 = tpu.assume_multiple %mul3A_68, 128 : i32
      %dma_wait3A_70 = arith.constant 0 : i32
      %dma_wait3A_71 = arith.constant 0 : i32
      %dma_wait3A_72 = tpu.memref_slice %arg2[%dma_wait3A_70, %dma_wait3A_71] : memref<10240x128xf32, #tpu.memory_space<hbm>> -> memref<10240x128xf32, #tpu.memory_space<hbm>>
      tpu.wait_indirect_dma semaphore(%arg13 : memref<!tpu.dma_semaphore, #tpu.memory_space<semaphore_mem>>) src(%dma_wait3A_72 : memref<10240x128xf32, #tpu.memory_space<hbm>>) dst(%arg11 : memref<128x128xf32, #tpu.memory_space<vmem>>)
      %add3A_73 = arith.constant 1 : i32
      %add3A_74 = arith.addi %mul3A_65, %add3A_73 : i32
      %lt3A = arith.constant 79 : i32
      %lt3A_75 = arith.cmpi slt, %add3A_74, %lt3A : i32
      %convert_element_type3A = arith.extui %lt3A_75 : i1 to i32
      %cond3A = arith.constant 0 : i32
      %cond3A_76 = arith.cmpi ne, %convert_element_type3A, %cond3A : i32
      scf.if %cond3A_76 {
        %dma_wait3A_107 = tpu.memref_slice %arg3[%multiple_of3A_69] : memref<323584xi32, #tpu.memory_space<hbm>> -> memref<128xi32, #tpu.memory_space<hbm>>
        %dma_wait3A_108 = tpu.memref_slice %arg3[%multiple_of3A_69] : memref<323584xi32, #tpu.memory_space<hbm>> -> memref<128xi32, #tpu.memory_space<hbm>>
        tpu.wait_dma2 semaphore(%arg14 : memref<!tpu.dma_semaphore, #tpu.memory_space<semaphore_mem>>) src(%dma_wait3A_108 : memref<128xi32, #tpu.memory_space<hbm>>) dst(%arg9 : memref<128xi32, #tpu.memory_space<vmem>>)
        %dma_wait3A_109 = tpu.memref_slice %arg4[%multiple_of3A_69] : memref<323584xi32, #tpu.memory_space<hbm>> -> memref<128xi32, #tpu.memory_space<hbm>>
        %dma_wait3A_110 = tpu.memref_slice %arg4[%multiple_of3A_69] : memref<323584xi32, #tpu.memory_space<hbm>> -> memref<128xi32, #tpu.memory_space<hbm>>
        tpu.wait_dma2 semaphore(%arg14 : memref<!tpu.dma_semaphore, #tpu.memory_space<semaphore_mem>>) src(%dma_wait3A_110 : memref<128xi32, #tpu.memory_space<hbm>>) dst(%arg10 : memref<128xi32, #tpu.memory_space<vmem>>)
        %dma_start3A_111 = arith.constant 0 : i32
        %dma_start3A_112 = arith.constant 0 : i32
        %dma_start3A_113 = tpu.memref_slice %arg2[%dma_start3A_111, %dma_start3A_112] : memref<10240x128xf32, #tpu.memory_space<hbm>> -> memref<10240x128xf32, #tpu.memory_space<hbm>>
        tpu.enqueue_indirect_dma source(%dma_start3A_113 : memref<10240x128xf32, #tpu.memory_space<hbm>>) target(%arg12 : memref<128x128xf32, #tpu.memory_space<vmem>>) offsets(%arg9 : memref<128xi32, #tpu.memory_space<vmem>>) semaphore(%arg13 : memref<!tpu.dma_semaphore, #tpu.memory_space<semaphore_mem>>)
      } else {
      }
      "tpu.region"() ({
        %run_scoped3A = tpu.sem_alloc : memref<!tpu.dma_semaphore, #tpu.memory_space<semaphore_mem>>
        %dma_start3A_107 = arith.constant 0 : i32
        %dma_start3A_108 = arith.constant 0 : i32
        %dma_start3A_109 = tpu.memref_slice %arg6[%dma_start3A_107, %dma_start3A_108] : memref<10240x128xf32, #tpu.memory_space<vmem_shared>> -> memref<10240x128xf32, #tpu.memory_space<vmem_shared>>
        tpu.enqueue_indirect_dma source(%arg11 : memref<128x128xf32, #tpu.memory_space<vmem>>) target(%dma_start3A_109 : memref<10240x128xf32, #tpu.memory_space<vmem_shared>>) offsets(%arg8 : memref<128xi32, #tpu.memory_space<vmem>>) semaphore(%run_scoped3A : memref<!tpu.dma_semaphore, #tpu.memory_space<semaphore_mem>>) {add = true}
        %dma_wait3A_110 = arith.constant 0 : i32
        %dma_wait3A_111 = arith.constant 0 : i32
        %dma_wait3A_112 = tpu.memref_slice %arg6[%dma_wait3A_110, %dma_wait3A_111] : memref<10240x128xf32, #tpu.memory_space<vmem_shared>> -> memref<10240x128xf32, #tpu.memory_space<vmem_shared>>
        tpu.wait_indirect_dma semaphore(%run_scoped3A : memref<!tpu.dma_semaphore, #tpu.memory_space<semaphore_mem>>) src(%arg11 : memref<128x128xf32, #tpu.memory_space<vmem>>) dst(%dma_wait3A_112 : memref<10240x128xf32, #tpu.memory_space<vmem_shared>>)
        tpu.yield
      }) : () -> ()
      %add3A_77 = arith.constant 2 : i32
      %add3A_78 = arith.addi %mul3A_65, %add3A_77 : i32
      %lt3A_79 = arith.constant 79 : i32
      %lt3A_80 = arith.cmpi slt, %add3A_78, %lt3A_79 : i32
      %convert_element_type3A_81 = arith.extui %lt3A_80 : i1 to i32
      %cond3A_82 = arith.constant 0 : i32
      %cond3A_83 = arith.cmpi ne, %convert_element_type3A_81, %cond3A_82 : i32
      scf.if %cond3A_83 {
        %add3A_107 = arith.constant 256 : i32
        %add3A_108 = arith.addi %multiple_of3A_69, %add3A_107 : i32
        %dma_start3A_109 = tpu.memref_slice %arg3[%add3A_108] : memref<323584xi32, #tpu.memory_space<hbm>> -> memref<128xi32, #tpu.memory_space<hbm>>
        %dma_start3A_110 = tpu.memref_slice %arg3[%add3A_108] : memref<323584xi32, #tpu.memory_space<hbm>> -> memref<128xi32, #tpu.memory_space<hbm>>
        tpu.enqueue_dma source(%dma_start3A_110 : memref<128xi32, #tpu.memory_space<hbm>>) target(%arg7 : memref<128xi32, #tpu.memory_space<vmem>>) target_semaphore(%arg14 : memref<!tpu.dma_semaphore, #tpu.memory_space<semaphore_mem>>)
        %add3A_111 = arith.constant 256 : i32
        %add3A_112 = arith.addi %multiple_of3A_69, %add3A_111 : i32
        %dma_start3A_113 = tpu.memref_slice %arg4[%add3A_112] : memref<323584xi32, #tpu.memory_space<hbm>> -> memref<128xi32, #tpu.memory_space<hbm>>
        %dma_start3A_114 = tpu.memref_slice %arg4[%add3A_112] : memref<323584xi32, #tpu.memory_space<hbm>> -> memref<128xi32, #tpu.memory_space<hbm>>
        tpu.enqueue_dma source(%dma_start3A_114 : memref<128xi32, #tpu.memory_space<hbm>>) target(%arg8 : memref<128xi32, #tpu.memory_space<vmem>>) target_semaphore(%arg14 : memref<!tpu.dma_semaphore, #tpu.memory_space<semaphore_mem>>)
      } else {
      }
      %add3A_84 = arith.constant 1 : i32
      %add3A_85 = arith.addi %mul3A_65, %add3A_84 : i32
      %add3A_86 = arith.addi %mul3A_2, %add3A_85 : i32
      %mul3A_87 = arith.constant 128 : i32
      %mul3A_88 = arith.muli %add3A_86, %mul3A_87 : i32
      %multiple_of3A_89 = tpu.assume_multiple %mul3A_88, 128 : i32
      %dma_wait3A_90 = arith.constant 0 : i32
      %dma_wait3A_91 = arith.constant 0 : i32
      %dma_wait3A_92 = tpu.memref_slice %arg2[%dma_wait3A_90, %dma_wait3A_91] : memref<10240x128xf32, #tpu.memory_space<hbm>> -> memref<10240x128xf32, #tpu.memory_space<hbm>>
      tpu.wait_indirect_dma semaphore(%arg13 : memref<!tpu.dma_semaphore, #tpu.memory_space<semaphore_mem>>) src(%dma_wait3A_92 : memref<10240x128xf32, #tpu.memory_space<hbm>>) dst(%arg12 : memref<128x128xf32, #tpu.memory_space<vmem>>)
      %add3A_93 = arith.constant 1 : i32
      %add3A_94 = arith.addi %add3A_85, %add3A_93 : i32
      %lt3A_95 = arith.constant 79 : i32
      %lt3A_96 = arith.cmpi slt, %add3A_94, %lt3A_95 : i32
      %convert_element_type3A_97 = arith.extui %lt3A_96 : i1 to i32
      %cond3A_98 = arith.constant 0 : i32
      %cond3A_99 = arith.cmpi ne, %convert_element_type3A_97, %cond3A_98 : i32
      scf.if %cond3A_99 {
        %dma_wait3A_107 = tpu.memref_slice %arg3[%multiple_of3A_89] : memref<323584xi32, #tpu.memory_space<hbm>> -> memref<128xi32, #tpu.memory_space<hbm>>
        %dma_wait3A_108 = tpu.memref_slice %arg3[%multiple_of3A_89] : memref<323584xi32, #tpu.memory_space<hbm>> -> memref<128xi32, #tpu.memory_space<hbm>>
        tpu.wait_dma2 semaphore(%arg14 : memref<!tpu.dma_semaphore, #tpu.memory_space<semaphore_mem>>) src(%dma_wait3A_108 : memref<128xi32, #tpu.memory_space<hbm>>) dst(%arg7 : memref<128xi32, #tpu.memory_space<vmem>>)
        %dma_wait3A_109 = tpu.memref_slice %arg4[%multiple_of3A_89] : memref<323584xi32, #tpu.memory_space<hbm>> -> memref<128xi32, #tpu.memory_space<hbm>>
        %dma_wait3A_110 = tpu.memref_slice %arg4[%multiple_of3A_89] : memref<323584xi32, #tpu.memory_space<hbm>> -> memref<128xi32, #tpu.memory_space<hbm>>
        tpu.wait_dma2 semaphore(%arg14 : memref<!tpu.dma_semaphore, #tpu.memory_space<semaphore_mem>>) src(%dma_wait3A_110 : memref<128xi32, #tpu.memory_space<hbm>>) dst(%arg8 : memref<128xi32, #tpu.memory_space<vmem>>)
        %dma_start3A_111 = arith.constant 0 : i32
        %dma_start3A_112 = arith.constant 0 : i32
        %dma_start3A_113 = tpu.memref_slice %arg2[%dma_start3A_111, %dma_start3A_112] : memref<10240x128xf32, #tpu.memory_space<hbm>> -> memref<10240x128xf32, #tpu.memory_space<hbm>>
        tpu.enqueue_indirect_dma source(%dma_start3A_113 : memref<10240x128xf32, #tpu.memory_space<hbm>>) target(%arg11 : memref<128x128xf32, #tpu.memory_space<vmem>>) offsets(%arg7 : memref<128xi32, #tpu.memory_space<vmem>>) semaphore(%arg13 : memref<!tpu.dma_semaphore, #tpu.memory_space<semaphore_mem>>)
      } else {
      }
      "tpu.region"() ({
        %run_scoped3A = tpu.sem_alloc : memref<!tpu.dma_semaphore, #tpu.memory_space<semaphore_mem>>
        %dma_start3A_107 = arith.constant 0 : i32
        %dma_start3A_108 = arith.constant 0 : i32
        %dma_start3A_109 = tpu.memref_slice %arg6[%dma_start3A_107, %dma_start3A_108] : memref<10240x128xf32, #tpu.memory_space<vmem_shared>> -> memref<10240x128xf32, #tpu.memory_space<vmem_shared>>
        tpu.enqueue_indirect_dma source(%arg12 : memref<128x128xf32, #tpu.memory_space<vmem>>) target(%dma_start3A_109 : memref<10240x128xf32, #tpu.memory_space<vmem_shared>>) offsets(%arg10 : memref<128xi32, #tpu.memory_space<vmem>>) semaphore(%run_scoped3A : memref<!tpu.dma_semaphore, #tpu.memory_space<semaphore_mem>>) {add = true}
        %dma_wait3A_110 = arith.constant 0 : i32
        %dma_wait3A_111 = arith.constant 0 : i32
        %dma_wait3A_112 = tpu.memref_slice %arg6[%dma_wait3A_110, %dma_wait3A_111] : memref<10240x128xf32, #tpu.memory_space<vmem_shared>> -> memref<10240x128xf32, #tpu.memory_space<vmem_shared>>
        tpu.wait_indirect_dma semaphore(%run_scoped3A : memref<!tpu.dma_semaphore, #tpu.memory_space<semaphore_mem>>) src(%arg12 : memref<128x128xf32, #tpu.memory_space<vmem>>) dst(%dma_wait3A_112 : memref<10240x128xf32, #tpu.memory_space<vmem_shared>>)
        tpu.yield
      }) : () -> ()
      %add3A_100 = arith.constant 2 : i32
      %add3A_101 = arith.addi %add3A_85, %add3A_100 : i32
      %lt3A_102 = arith.constant 79 : i32
      %lt3A_103 = arith.cmpi slt, %add3A_101, %lt3A_102 : i32
      %convert_element_type3A_104 = arith.extui %lt3A_103 : i1 to i32
      %cond3A_105 = arith.constant 0 : i32
      %cond3A_106 = arith.cmpi ne, %convert_element_type3A_104, %cond3A_105 : i32
      scf.if %cond3A_106 {
        %add3A_107 = arith.constant 256 : i32
        %add3A_108 = arith.addi %multiple_of3A_89, %add3A_107 : i32
        %dma_start3A_109 = tpu.memref_slice %arg3[%add3A_108] : memref<323584xi32, #tpu.memory_space<hbm>> -> memref<128xi32, #tpu.memory_space<hbm>>
        %dma_start3A_110 = tpu.memref_slice %arg3[%add3A_108] : memref<323584xi32, #tpu.memory_space<hbm>> -> memref<128xi32, #tpu.memory_space<hbm>>
        tpu.enqueue_dma source(%dma_start3A_110 : memref<128xi32, #tpu.memory_space<hbm>>) target(%arg9 : memref<128xi32, #tpu.memory_space<vmem>>) target_semaphore(%arg14 : memref<!tpu.dma_semaphore, #tpu.memory_space<semaphore_mem>>)
        %add3A_111 = arith.constant 256 : i32
        %add3A_112 = arith.addi %multiple_of3A_89, %add3A_111 : i32
        %dma_start3A_113 = tpu.memref_slice %arg4[%add3A_112] : memref<323584xi32, #tpu.memory_space<hbm>> -> memref<128xi32, #tpu.memory_space<hbm>>
        %dma_start3A_114 = tpu.memref_slice %arg4[%add3A_112] : memref<323584xi32, #tpu.memory_space<hbm>> -> memref<128xi32, #tpu.memory_space<hbm>>
        tpu.enqueue_dma source(%dma_start3A_114 : memref<128xi32, #tpu.memory_space<hbm>>) target(%arg10 : memref<128xi32, #tpu.memory_space<vmem>>) target_semaphore(%arg14 : memref<!tpu.dma_semaphore, #tpu.memory_space<semaphore_mem>>)
      } else {
      }
    }
    %scan3A_43 = arith.constant 39 : i32
    %add3A_44 = arith.constant 78 : i32
    %add3A_45 = arith.addi %mul3A_2, %add3A_44 : i32
    %mul3A_46 = arith.constant 128 : i32
    %mul3A_47 = arith.muli %add3A_45, %mul3A_46 : i32
    %multiple_of3A_48 = tpu.assume_multiple %mul3A_47, 128 : i32
    %dma_wait3A = arith.constant 0 : i32
    %dma_wait3A_49 = arith.constant 0 : i32
    %dma_wait3A_50 = tpu.memref_slice %arg2[%dma_wait3A, %dma_wait3A_49] : memref<10240x128xf32, #tpu.memory_space<hbm>> -> memref<10240x128xf32, #tpu.memory_space<hbm>>
    tpu.wait_indirect_dma semaphore(%arg13 : memref<!tpu.dma_semaphore, #tpu.memory_space<semaphore_mem>>) src(%dma_wait3A_50 : memref<10240x128xf32, #tpu.memory_space<hbm>>) dst(%arg11 : memref<128x128xf32, #tpu.memory_space<vmem>>)
    "tpu.region"() ({
      %run_scoped3A = tpu.sem_alloc : memref<!tpu.dma_semaphore, #tpu.memory_space<semaphore_mem>>
      %dma_start3A_59 = arith.constant 0 : i32
      %dma_start3A_60 = arith.constant 0 : i32
      %dma_start3A_61 = tpu.memref_slice %arg6[%dma_start3A_59, %dma_start3A_60] : memref<10240x128xf32, #tpu.memory_space<vmem_shared>> -> memref<10240x128xf32, #tpu.memory_space<vmem_shared>>
      tpu.enqueue_indirect_dma source(%arg11 : memref<128x128xf32, #tpu.memory_space<vmem>>) target(%dma_start3A_61 : memref<10240x128xf32, #tpu.memory_space<vmem_shared>>) offsets(%arg8 : memref<128xi32, #tpu.memory_space<vmem>>) semaphore(%run_scoped3A : memref<!tpu.dma_semaphore, #tpu.memory_space<semaphore_mem>>) {add = true}
      %dma_wait3A_62 = arith.constant 0 : i32
      %dma_wait3A_63 = arith.constant 0 : i32
      %dma_wait3A_64 = tpu.memref_slice %arg6[%dma_wait3A_62, %dma_wait3A_63] : memref<10240x128xf32, #tpu.memory_space<vmem_shared>> -> memref<10240x128xf32, #tpu.memory_space<vmem_shared>>
      tpu.wait_indirect_dma semaphore(%run_scoped3A : memref<!tpu.dma_semaphore, #tpu.memory_space<semaphore_mem>>) src(%arg11 : memref<128x128xf32, #tpu.memory_space<vmem>>) dst(%dma_wait3A_64 : memref<10240x128xf32, #tpu.memory_space<vmem_shared>>)
      tpu.yield
    }) : () -> ()
    %barrier3A_51 = arith.constant 0 : index
    tpu.barrier barrier_id(%barrier3A_51)
    %mul3A_52 = arith.constant 640 : i32
    %mul3A_53 = arith.muli %arg1, %mul3A_52 : i32
    %mul3A_54 = arith.constant 10240 : i32
    %mul3A_55 = arith.muli %arg0, %mul3A_54 : i32
    %mul3A_56 = arith.constant 640 : i32
    %mul3A_57 = arith.muli %arg1, %mul3A_56 : i32
    %add3A_58 = arith.addi %mul3A_55, %mul3A_57 : i32
    "tpu.region"() ({
      %run_scoped3A = tpu.sem_alloc : memref<!tpu.dma_semaphore, #tpu.memory_space<semaphore_mem>>
      %dma_start3A_59 = arith.constant 0 : i32
      %dma_start3A_60 = tpu.memref_slice %arg5[%add3A_58, %dma_start3A_59] : memref<20480x128xf32, #tpu.memory_space<hbm>> -> memref<640x128xf32, #tpu.memory_space<hbm>>
      %dma_start3A_61 = arith.constant 0 : i32
      %dma_start3A_62 = tpu.memref_slice %arg6[%mul3A_53, %dma_start3A_61] : memref<10240x128xf32, #tpu.memory_space<vmem_shared>> -> memref<640x128xf32, #tpu.memory_space<vmem_shared>>
      tpu.enqueue_dma source(%dma_start3A_62 : memref<640x128xf32, #tpu.memory_space<vmem_shared>>) target(%dma_start3A_60 : memref<640x128xf32, #tpu.memory_space<hbm>>) target_semaphore(%run_scoped3A : memref<!tpu.dma_semaphore, #tpu.memory_space<semaphore_mem>>)
      %dma_wait3A_63 = arith.constant 0 : i32
      %dma_wait3A_64 = tpu.memref_slice %arg5[%add3A_58, %dma_wait3A_63] : memref<20480x128xf32, #tpu.memory_space<hbm>> -> memref<640x128xf32, #tpu.memory_space<hbm>>
      %dma_wait3A_65 = arith.constant 0 : i32
      %dma_wait3A_66 = tpu.memref_slice %arg6[%mul3A_53, %dma_wait3A_65] : memref<10240x128xf32, #tpu.memory_space<vmem_shared>> -> memref<640x128xf32, #tpu.memory_space<vmem_shared>>
      tpu.wait_dma2 semaphore(%run_scoped3A : memref<!tpu.dma_semaphore, #tpu.memory_space<semaphore_mem>>) src(%dma_wait3A_66 : memref<640x128xf32, #tpu.memory_space<vmem_shared>>) dst(%dma_wait3A_64 : memref<640x128xf32, #tpu.memory_space<hbm>>)
      tpu.yield
    }) : () -> ()
    return
  }
}

#map = affine_map<(d0, d1) -> (0, 0)>
#map1 = affine_map<(d0, d1) -> (0)>
module attributes {stable_mosaic.version = 14 : i64} {
  func.func @_prop_pass(%arg0: i32, %arg1: i32, %arg2: memref<10240x128xf32, #tpu.memory_space<hbm>>, %arg3: memref<323584xi32, #tpu.memory_space<hbm>>, %arg4: memref<323584xi32, #tpu.memory_space<hbm>>, %arg5: memref<20480x128xf32, #tpu.memory_space<hbm>>, %arg6: memref<10240x128xf32, #tpu.memory_space<vmem_shared>>, %arg7: memref<128xi32, #tpu.memory_space<vmem>>, %arg8: memref<128xi32, #tpu.memory_space<vmem>>, %arg9: memref<128xi32, #tpu.memory_space<vmem>>, %arg10: memref<128xi32, #tpu.memory_space<vmem>>, %arg11: memref<128x128xf32, #tpu.memory_space<vmem>>, %arg12: memref<128x128xf32, #tpu.memory_space<vmem>>, %arg13: memref<!tpu.dma_semaphore, #tpu.memory_space<semaphore_mem>>, %arg14: memref<!tpu.dma_semaphore, #tpu.memory_space<semaphore_mem>>) attributes {dimension_semantics = [#tpu.dimension_semantics<core_parallel>, #tpu.dimension_semantics<subcore_parallel>], iteration_bounds = array<i64: 2, 16>, scalar_prefetch = 0 : i64, scratch_operands = 9 : i64, tpu.core_type = #tpu.core_type<sc_vector_subcore>, window_params = [{transform_indices = #map}, {transform_indices = #map1}, {transform_indices = #map1}, {transform_indices = #map}]} {
    %mul3A = arith.constant 2 : i32
    %mul3A_0 = arith.muli %arg1, %mul3A : i32
    %add3A = arith.addi %mul3A_0, %arg0 : i32
    %mul3A_1 = arith.constant 79 : i32
    %mul3A_2 = arith.muli %add3A, %mul3A_1 : i32
    %scan3A = arith.constant 0 : i32
    %scan3A_3 = arith.constant 128 : i32
    %scan3A_4 = arith.addi %scan3A, %scan3A_3 : i32
    %scan3A_5 = arith.constant 1 : i32
    scf.for %scan3A_59 = %scan3A to %scan3A_4 step %scan3A_5  : i32 {
      %mul3A_60 = arith.constant 1 : i32
      %mul3A_61 = arith.muli %scan3A_59, %mul3A_60 : i32
      %add3A_62 = arith.constant 0 : i32
      %add3A_63 = arith.addi %add3A_62, %mul3A_61 : i32
      %broadcast_in_dim3A = arith.constant 0.000000e+00 : f32
      %broadcast_in_dim3A_64 = vector.broadcast %broadcast_in_dim3A : f32 to vector<16xf32>
      %swap3A = arith.index_cast %add3A_63 : i32 to index
      %swap3A_65 = arith.constant 0 : index
      %swap3A_66 = tpu.vector_load %arg11[%swap3A, %swap3A_65] {strides = array<i32>} : memref<128x128xf32, #tpu.memory_space<vmem>>, vector<1x16xf32>,
      %swap3A_67 = vector.shape_cast %swap3A_66 : vector<1x16xf32> to vector<16xf32>
      %swap3A_68 = vector.shape_cast %broadcast_in_dim3A_64 : vector<16xf32> to vector<1x16xf32>
      tpu.vector_store %arg11[%swap3A, %swap3A_65], %swap3A_68 {strides = array<i32>} : memref<128x128xf32, #tpu.memory_space<vmem>>, vector<1x16xf32>,
      %broadcast_in_dim3A_69 = arith.constant 0.000000e+00 : f32
      %broadcast_in_dim3A_70 = vector.broadcast %broadcast_in_dim3A_69 : f32 to vector<16xf32>
      %swap3A_71 = arith.index_cast %add3A_63 : i32 to index
      %swap3A_72 = arith.constant 16 : index
      %swap3A_73 = tpu.vector_load %arg11[%swap3A_71, %swap3A_72] {strides = array<i32>} : memref<128x128xf32, #tpu.memory_space<vmem>>, vector<1x16xf32>,
      %swap3A_74 = vector.shape_cast %swap3A_73 : vector<1x16xf32> to vector<16xf32>
      %swap3A_75 = vector.shape_cast %broadcast_in_dim3A_70 : vector<16xf32> to vector<1x16xf32>
      tpu.vector_store %arg11[%swap3A_71, %swap3A_72], %swap3A_75 {strides = array<i32>} : memref<128x128xf32, #tpu.memory_space<vmem>>, vector<1x16xf32>,
      %broadcast_in_dim3A_76 = arith.constant 0.000000e+00 : f32
      %broadcast_in_dim3A_77 = vector.broadcast %broadcast_in_dim3A_76 : f32 to vector<16xf32>
      %swap3A_78 = arith.index_cast %add3A_63 : i32 to index
      %swap3A_79 = arith.constant 32 : index
      %swap3A_80 = tpu.vector_load %arg11[%swap3A_78, %swap3A_79] {strides = array<i32>} : memref<128x128xf32, #tpu.memory_space<vmem>>, vector<1x16xf32>,
      %swap3A_81 = vector.shape_cast %swap3A_80 : vector<1x16xf32> to vector<16xf32>
      %swap3A_82 = vector.shape_cast %broadcast_in_dim3A_77 : vector<16xf32> to vector<1x16xf32>
      tpu.vector_store %arg11[%swap3A_78, %swap3A_79], %swap3A_82 {strides = array<i32>} : memref<128x128xf32, #tpu.memory_space<vmem>>, vector<1x16xf32>,
      %broadcast_in_dim3A_83 = arith.constant 0.000000e+00 : f32
      %broadcast_in_dim3A_84 = vector.broadcast %broadcast_in_dim3A_83 : f32 to vector<16xf32>
      %swap3A_85 = arith.index_cast %add3A_63 : i32 to index
      %swap3A_86 = arith.constant 48 : index
      %swap3A_87 = tpu.vector_load %arg11[%swap3A_85, %swap3A_86] {strides = array<i32>} : memref<128x128xf32, #tpu.memory_space<vmem>>, vector<1x16xf32>,
      %swap3A_88 = vector.shape_cast %swap3A_87 : vector<1x16xf32> to vector<16xf32>
      %swap3A_89 = vector.shape_cast %broadcast_in_dim3A_84 : vector<16xf32> to vector<1x16xf32>
      tpu.vector_store %arg11[%swap3A_85, %swap3A_86], %swap3A_89 {strides = array<i32>} : memref<128x128xf32, #tpu.memory_space<vmem>>, vector<1x16xf32>,
      %broadcast_in_dim3A_90 = arith.constant 0.000000e+00 : f32
      %broadcast_in_dim3A_91 = vector.broadcast %broadcast_in_dim3A_90 : f32 to vector<16xf32>
      %swap3A_92 = arith.index_cast %add3A_63 : i32 to index
      %swap3A_93 = arith.constant 64 : index
      %swap3A_94 = tpu.vector_load %arg11[%swap3A_92, %swap3A_93] {strides = array<i32>} : memref<128x128xf32, #tpu.memory_space<vmem>>, vector<1x16xf32>,
      %swap3A_95 = vector.shape_cast %swap3A_94 : vector<1x16xf32> to vector<16xf32>
      %swap3A_96 = vector.shape_cast %broadcast_in_dim3A_91 : vector<16xf32> to vector<1x16xf32>
      tpu.vector_store %arg11[%swap3A_92, %swap3A_93], %swap3A_96 {strides = array<i32>} : memref<128x128xf32, #tpu.memory_space<vmem>>, vector<1x16xf32>,
      %broadcast_in_dim3A_97 = arith.constant 0.000000e+00 : f32
      %broadcast_in_dim3A_98 = vector.broadcast %broadcast_in_dim3A_97 : f32 to vector<16xf32>
      %swap3A_99 = arith.index_cast %add3A_63 : i32 to index
      %swap3A_100 = arith.constant 80 : index
      %swap3A_101 = tpu.vector_load %arg11[%swap3A_99, %swap3A_100] {strides = array<i32>} : memref<128x128xf32, #tpu.memory_space<vmem>>, vector<1x16xf32>,
      %swap3A_102 = vector.shape_cast %swap3A_101 : vector<1x16xf32> to vector<16xf32>
      %swap3A_103 = vector.shape_cast %broadcast_in_dim3A_98 : vector<16xf32> to vector<1x16xf32>
      tpu.vector_store %arg11[%swap3A_99, %swap3A_100], %swap3A_103 {strides = array<i32>} : memref<128x128xf32, #tpu.memory_space<vmem>>, vector<1x16xf32>,
      %broadcast_in_dim3A_104 = arith.constant 0.000000e+00 : f32
      %broadcast_in_dim3A_105 = vector.broadcast %broadcast_in_dim3A_104 : f32 to vector<16xf32>
      %swap3A_106 = arith.index_cast %add3A_63 : i32 to index
      %swap3A_107 = arith.constant 96 : index
      %swap3A_108 = tpu.vector_load %arg11[%swap3A_106, %swap3A_107] {strides = array<i32>} : memref<128x128xf32, #tpu.memory_space<vmem>>, vector<1x16xf32>,
      %swap3A_109 = vector.shape_cast %swap3A_108 : vector<1x16xf32> to vector<16xf32>
      %swap3A_110 = vector.shape_cast %broadcast_in_dim3A_105 : vector<16xf32> to vector<1x16xf32>
      tpu.vector_store %arg11[%swap3A_106, %swap3A_107], %swap3A_110 {strides = array<i32>} : memref<128x128xf32, #tpu.memory_space<vmem>>, vector<1x16xf32>,
      %broadcast_in_dim3A_111 = arith.constant 0.000000e+00 : f32
      %broadcast_in_dim3A_112 = vector.broadcast %broadcast_in_dim3A_111 : f32 to vector<16xf32>
      %swap3A_113 = arith.index_cast %add3A_63 : i32 to index
      %swap3A_114 = arith.constant 112 : index
      %swap3A_115 = tpu.vector_load %arg11[%swap3A_113, %swap3A_114] {strides = array<i32>} : memref<128x128xf32, #tpu.memory_space<vmem>>, vector<1x16xf32>,
      %swap3A_116 = vector.shape_cast %swap3A_115 : vector<1x16xf32> to vector<16xf32>
      %swap3A_117 = vector.shape_cast %broadcast_in_dim3A_112 : vector<16xf32> to vector<1x16xf32>
      tpu.vector_store %arg11[%swap3A_113, %swap3A_114], %swap3A_117 {strides = array<i32>} : memref<128x128xf32, #tpu.memory_space<vmem>>, vector<1x16xf32>,
    }
    %scan3A_6 = arith.constant 128 : i32
    %mul3A_7 = arith.constant 640 : i32
    %mul3A_8 = arith.muli %arg1, %mul3A_7 : i32
    %add3A_9 = arith.constant 0 : i32
    %add3A_10 = arith.addi %mul3A_8, %add3A_9 : i32
    "tpu.region"() ({
      %run_scoped3A = tpu.sem_alloc : memref<!tpu.dma_semaphore, #tpu.memory_space<semaphore_mem>>
      %dma_start3A_59 = arith.constant 0 : i32
      %dma_start3A_60 = tpu.memref_slice %arg6[%add3A_10, %dma_start3A_59] : memref<10240x128xf32, #tpu.memory_space<vmem_shared>> -> memref<128x128xf32, #tpu.memory_space<vmem_shared>>
      %dma_start3A_61 = arith.constant 0 : i32
      %dma_start3A_62 = tpu.memref_slice %arg6[%add3A_10, %dma_start3A_61] : memref<10240x128xf32, #tpu.memory_space<vmem_shared>> -> memref<128x128xf32, #tpu.memory_space<vmem_shared>>
      tpu.enqueue_dma source(%arg11 : memref<128x128xf32, #tpu.memory_space<vmem>>) target(%dma_start3A_62 : memref<128x128xf32, #tpu.memory_space<vmem_shared>>) target_semaphore(%run_scoped3A : memref<!tpu.dma_semaphore, #tpu.memory_space<semaphore_mem>>)
      %dma_wait3A_63 = arith.constant 0 : i32
      %dma_wait3A_64 = tpu.memref_slice %arg6[%add3A_10, %dma_wait3A_63] : memref<10240x128xf32, #tpu.memory_space<vmem_shared>> -> memref<128x128xf32, #tpu.memory_space<vmem_shared>>
      %dma_wait3A_65 = arith.constant 0 : i32
      %dma_wait3A_66 = tpu.memref_slice %arg6[%add3A_10, %dma_wait3A_65] : memref<10240x128xf32, #tpu.memory_space<vmem_shared>> -> memref<128x128xf32, #tpu.memory_space<vmem_shared>>
      tpu.wait_dma2 semaphore(%run_scoped3A : memref<!tpu.dma_semaphore, #tpu.memory_space<semaphore_mem>>) src(%arg11 : memref<128x128xf32, #tpu.memory_space<vmem>>) dst(%dma_wait3A_66 : memref<128x128xf32, #tpu.memory_space<vmem_shared>>)
      tpu.yield
    }) : () -> ()
    %mul3A_11 = arith.constant 640 : i32
    %mul3A_12 = arith.muli %arg1, %mul3A_11 : i32
    %add3A_13 = arith.constant 128 : i32
    %add3A_14 = arith.addi %mul3A_12, %add3A_13 : i32
    "tpu.region"() ({
      %run_scoped3A = tpu.sem_alloc : memref<!tpu.dma_semaphore, #tpu.memory_space<semaphore_mem>>
      %dma_start3A_59 = arith.constant 0 : i32
      %dma_start3A_60 = tpu.memref_slice %arg6[%add3A_14, %dma_start3A_59] : memref<10240x128xf32, #tpu.memory_space<vmem_shared>> -> memref<128x128xf32, #tpu.memory_space<vmem_shared>>
      %dma_start3A_61 = arith.constant 0 : i32
      %dma_start3A_62 = tpu.memref_slice %arg6[%add3A_14, %dma_start3A_61] : memref<10240x128xf32, #tpu.memory_space<vmem_shared>> -> memref<128x128xf32, #tpu.memory_space<vmem_shared>>
      tpu.enqueue_dma source(%arg11 : memref<128x128xf32, #tpu.memory_space<vmem>>) target(%dma_start3A_62 : memref<128x128xf32, #tpu.memory_space<vmem_shared>>) target_semaphore(%run_scoped3A : memref<!tpu.dma_semaphore, #tpu.memory_space<semaphore_mem>>)
      %dma_wait3A_63 = arith.constant 0 : i32
      %dma_wait3A_64 = tpu.memref_slice %arg6[%add3A_14, %dma_wait3A_63] : memref<10240x128xf32, #tpu.memory_space<vmem_shared>> -> memref<128x128xf32, #tpu.memory_space<vmem_shared>>
      %dma_wait3A_65 = arith.constant 0 : i32
      %dma_wait3A_66 = tpu.memref_slice %arg6[%add3A_14, %dma_wait3A_65] : memref<10240x128xf32, #tpu.memory_space<vmem_shared>> -> memref<128x128xf32, #tpu.memory_space<vmem_shared>>
      tpu.wait_dma2 semaphore(%run_scoped3A : memref<!tpu.dma_semaphore, #tpu.memory_space<semaphore_mem>>) src(%arg11 : memref<128x128xf32, #tpu.memory_space<vmem>>) dst(%dma_wait3A_66 : memref<128x128xf32, #tpu.memory_space<vmem_shared>>)
      tpu.yield
    }) : () -> ()
    %mul3A_15 = arith.constant 640 : i32
    %mul3A_16 = arith.muli %arg1, %mul3A_15 : i32
    %add3A_17 = arith.constant 256 : i32
    %add3A_18 = arith.addi %mul3A_16, %add3A_17 : i32
    "tpu.region"() ({
      %run_scoped3A = tpu.sem_alloc : memref<!tpu.dma_semaphore, #tpu.memory_space<semaphore_mem>>
      %dma_start3A_59 = arith.constant 0 : i32
      %dma_start3A_60 = tpu.memref_slice %arg6[%add3A_18, %dma_start3A_59] : memref<10240x128xf32, #tpu.memory_space<vmem_shared>> -> memref<128x128xf32, #tpu.memory_space<vmem_shared>>
      %dma_start3A_61 = arith.constant 0 : i32
      %dma_start3A_62 = tpu.memref_slice %arg6[%add3A_18, %dma_start3A_61] : memref<10240x128xf32, #tpu.memory_space<vmem_shared>> -> memref<128x128xf32, #tpu.memory_space<vmem_shared>>
      tpu.enqueue_dma source(%arg11 : memref<128x128xf32, #tpu.memory_space<vmem>>) target(%dma_start3A_62 : memref<128x128xf32, #tpu.memory_space<vmem_shared>>) target_semaphore(%run_scoped3A : memref<!tpu.dma_semaphore, #tpu.memory_space<semaphore_mem>>)
      %dma_wait3A_63 = arith.constant 0 : i32
      %dma_wait3A_64 = tpu.memref_slice %arg6[%add3A_18, %dma_wait3A_63] : memref<10240x128xf32, #tpu.memory_space<vmem_shared>> -> memref<128x128xf32, #tpu.memory_space<vmem_shared>>
      %dma_wait3A_65 = arith.constant 0 : i32
      %dma_wait3A_66 = tpu.memref_slice %arg6[%add3A_18, %dma_wait3A_65] : memref<10240x128xf32, #tpu.memory_space<vmem_shared>> -> memref<128x128xf32, #tpu.memory_space<vmem_shared>>
      tpu.wait_dma2 semaphore(%run_scoped3A : memref<!tpu.dma_semaphore, #tpu.memory_space<semaphore_mem>>) src(%arg11 : memref<128x128xf32, #tpu.memory_space<vmem>>) dst(%dma_wait3A_66 : memref<128x128xf32, #tpu.memory_space<vmem_shared>>)
      tpu.yield
    }) : () -> ()
    %mul3A_19 = arith.constant 640 : i32
    %mul3A_20 = arith.muli %arg1, %mul3A_19 : i32
    %add3A_21 = arith.constant 384 : i32
    %add3A_22 = arith.addi %mul3A_20, %add3A_21 : i32
    "tpu.region"() ({
      %run_scoped3A = tpu.sem_alloc : memref<!tpu.dma_semaphore, #tpu.memory_space<semaphore_mem>>
      %dma_start3A_59 = arith.constant 0 : i32
      %dma_start3A_60 = tpu.memref_slice %arg6[%add3A_22, %dma_start3A_59] : memref<10240x128xf32, #tpu.memory_space<vmem_shared>> -> memref<128x128xf32, #tpu.memory_space<vmem_shared>>
      %dma_start3A_61 = arith.constant 0 : i32
      %dma_start3A_62 = tpu.memref_slice %arg6[%add3A_22, %dma_start3A_61] : memref<10240x128xf32, #tpu.memory_space<vmem_shared>> -> memref<128x128xf32, #tpu.memory_space<vmem_shared>>
      tpu.enqueue_dma source(%arg11 : memref<128x128xf32, #tpu.memory_space<vmem>>) target(%dma_start3A_62 : memref<128x128xf32, #tpu.memory_space<vmem_shared>>) target_semaphore(%run_scoped3A : memref<!tpu.dma_semaphore, #tpu.memory_space<semaphore_mem>>)
      %dma_wait3A_63 = arith.constant 0 : i32
      %dma_wait3A_64 = tpu.memref_slice %arg6[%add3A_22, %dma_wait3A_63] : memref<10240x128xf32, #tpu.memory_space<vmem_shared>> -> memref<128x128xf32, #tpu.memory_space<vmem_shared>>
      %dma_wait3A_65 = arith.constant 0 : i32
      %dma_wait3A_66 = tpu.memref_slice %arg6[%add3A_22, %dma_wait3A_65] : memref<10240x128xf32, #tpu.memory_space<vmem_shared>> -> memref<128x128xf32, #tpu.memory_space<vmem_shared>>
      tpu.wait_dma2 semaphore(%run_scoped3A : memref<!tpu.dma_semaphore, #tpu.memory_space<semaphore_mem>>) src(%arg11 : memref<128x128xf32, #tpu.memory_space<vmem>>) dst(%dma_wait3A_66 : memref<128x128xf32, #tpu.memory_space<vmem_shared>>)
      tpu.yield
    }) : () -> ()
    %mul3A_23 = arith.constant 640 : i32
    %mul3A_24 = arith.muli %arg1, %mul3A_23 : i32
    %add3A_25 = arith.constant 512 : i32
    %add3A_26 = arith.addi %mul3A_24, %add3A_25 : i32
    "tpu.region"() ({
      %run_scoped3A = tpu.sem_alloc : memref<!tpu.dma_semaphore, #tpu.memory_space<semaphore_mem>>
      %dma_start3A_59 = arith.constant 0 : i32
      %dma_start3A_60 = tpu.memref_slice %arg6[%add3A_26, %dma_start3A_59] : memref<10240x128xf32, #tpu.memory_space<vmem_shared>> -> memref<128x128xf32, #tpu.memory_space<vmem_shared>>
      %dma_start3A_61 = arith.constant 0 : i32
      %dma_start3A_62 = tpu.memref_slice %arg6[%add3A_26, %dma_start3A_61] : memref<10240x128xf32, #tpu.memory_space<vmem_shared>> -> memref<128x128xf32, #tpu.memory_space<vmem_shared>>
      tpu.enqueue_dma source(%arg11 : memref<128x128xf32, #tpu.memory_space<vmem>>) target(%dma_start3A_62 : memref<128x128xf32, #tpu.memory_space<vmem_shared>>) target_semaphore(%run_scoped3A : memref<!tpu.dma_semaphore, #tpu.memory_space<semaphore_mem>>)
      %dma_wait3A_63 = arith.constant 0 : i32
      %dma_wait3A_64 = tpu.memref_slice %arg6[%add3A_26, %dma_wait3A_63] : memref<10240x128xf32, #tpu.memory_space<vmem_shared>> -> memref<128x128xf32, #tpu.memory_space<vmem_shared>>
      %dma_wait3A_65 = arith.constant 0 : i32
      %dma_wait3A_66 = tpu.memref_slice %arg6[%add3A_26, %dma_wait3A_65] : memref<10240x128xf32, #tpu.memory_space<vmem_shared>> -> memref<128x128xf32, #tpu.memory_space<vmem_shared>>
      tpu.wait_dma2 semaphore(%run_scoped3A : memref<!tpu.dma_semaphore, #tpu.memory_space<semaphore_mem>>) src(%arg11 : memref<128x128xf32, #tpu.memory_space<vmem>>) dst(%dma_wait3A_66 : memref<128x128xf32, #tpu.memory_space<vmem_shared>>)
      tpu.yield
    }) : () -> ()
    %barrier3A = arith.constant 0 : index
    tpu.barrier barrier_id(%barrier3A)
    %mul3A_27 = arith.constant 128 : i32
    %mul3A_28 = arith.muli %mul3A_2, %mul3A_27 : i32
    %multiple_of3A = tpu.assume_multiple %mul3A_28, 128 : i32
    "tpu.region"() ({
      %run_scoped3A = tpu.sem_alloc : memref<!tpu.dma_semaphore, #tpu.memory_space<semaphore_mem>>
      %dma_start3A_59 = tpu.memref_slice %arg3[%multiple_of3A] : memref<323584xi32, #tpu.memory_space<hbm>> -> memref<128xi32, #tpu.memory_space<hbm>>
      %dma_start3A_60 = tpu.memref_slice %arg3[%multiple_of3A] : memref<323584xi32, #tpu.memory_space<hbm>> -> memref<128xi32, #tpu.memory_space<hbm>>
      tpu.enqueue_dma source(%dma_start3A_60 : memref<128xi32, #tpu.memory_space<hbm>>) target(%arg7 : memref<128xi32, #tpu.memory_space<vmem>>) target_semaphore(%run_scoped3A : memref<!tpu.dma_semaphore, #tpu.memory_space<semaphore_mem>>)
      %dma_wait3A_61 = tpu.memref_slice %arg3[%multiple_of3A] : memref<323584xi32, #tpu.memory_space<hbm>> -> memref<128xi32, #tpu.memory_space<hbm>>
      %dma_wait3A_62 = tpu.memref_slice %arg3[%multiple_of3A] : memref<323584xi32, #tpu.memory_space<hbm>> -> memref<128xi32, #tpu.memory_space<hbm>>
      tpu.wait_dma2 semaphore(%run_scoped3A : memref<!tpu.dma_semaphore, #tpu.memory_space<semaphore_mem>>) src(%dma_wait3A_62 : memref<128xi32, #tpu.memory_space<hbm>>) dst(%arg7 : memref<128xi32, #tpu.memory_space<vmem>>)
      tpu.yield
    }) : () -> ()
    "tpu.region"() ({
      %run_scoped3A = tpu.sem_alloc : memref<!tpu.dma_semaphore, #tpu.memory_space<semaphore_mem>>
      %dma_start3A_59 = tpu.memref_slice %arg4[%multiple_of3A] : memref<323584xi32, #tpu.memory_space<hbm>> -> memref<128xi32, #tpu.memory_space<hbm>>
      %dma_start3A_60 = tpu.memref_slice %arg4[%multiple_of3A] : memref<323584xi32, #tpu.memory_space<hbm>> -> memref<128xi32, #tpu.memory_space<hbm>>
      tpu.enqueue_dma source(%dma_start3A_60 : memref<128xi32, #tpu.memory_space<hbm>>) target(%arg8 : memref<128xi32, #tpu.memory_space<vmem>>) target_semaphore(%run_scoped3A : memref<!tpu.dma_semaphore, #tpu.memory_space<semaphore_mem>>)
      %dma_wait3A_61 = tpu.memref_slice %arg4[%multiple_of3A] : memref<323584xi32, #tpu.memory_space<hbm>> -> memref<128xi32, #tpu.memory_space<hbm>>
      %dma_wait3A_62 = tpu.memref_slice %arg4[%multiple_of3A] : memref<323584xi32, #tpu.memory_space<hbm>> -> memref<128xi32, #tpu.memory_space<hbm>>
      tpu.wait_dma2 semaphore(%run_scoped3A : memref<!tpu.dma_semaphore, #tpu.memory_space<semaphore_mem>>) src(%dma_wait3A_62 : memref<128xi32, #tpu.memory_space<hbm>>) dst(%arg8 : memref<128xi32, #tpu.memory_space<vmem>>)
      tpu.yield
    }) : () -> ()
    %add3A_29 = arith.constant 128 : i32
    %add3A_30 = arith.addi %multiple_of3A, %add3A_29 : i32
    %dma_start3A = tpu.memref_slice %arg3[%add3A_30] : memref<323584xi32, #tpu.memory_space<hbm>> -> memref<128xi32, #tpu.memory_space<hbm>>
    %dma_start3A_31 = tpu.memref_slice %arg3[%add3A_30] : memref<323584xi32, #tpu.memory_space<hbm>> -> memref<128xi32, #tpu.memory_space<hbm>>
    tpu.enqueue_dma source(%dma_start3A_31 : memref<128xi32, #tpu.memory_space<hbm>>) target(%arg9 : memref<128xi32, #tpu.memory_space<vmem>>) target_semaphore(%arg14 : memref<!tpu.dma_semaphore, #tpu.memory_space<semaphore_mem>>)
    %add3A_32 = arith.constant 128 : i32
    %add3A_33 = arith.addi %multiple_of3A, %add3A_32 : i32
    %dma_start3A_34 = tpu.memref_slice %arg4[%add3A_33] : memref<323584xi32, #tpu.memory_space<hbm>> -> memref<128xi32, #tpu.memory_space<hbm>>
    %dma_start3A_35 = tpu.memref_slice %arg4[%add3A_33] : memref<323584xi32, #tpu.memory_space<hbm>> -> memref<128xi32, #tpu.memory_space<hbm>>
    tpu.enqueue_dma source(%dma_start3A_35 : memref<128xi32, #tpu.memory_space<hbm>>) target(%arg10 : memref<128xi32, #tpu.memory_space<vmem>>) target_semaphore(%arg14 : memref<!tpu.dma_semaphore, #tpu.memory_space<semaphore_mem>>)
    %dma_start3A_36 = arith.constant 0 : i32
    %dma_start3A_37 = arith.constant 0 : i32
    %dma_start3A_38 = tpu.memref_slice %arg2[%dma_start3A_36, %dma_start3A_37] : memref<10240x128xf32, #tpu.memory_space<hbm>> -> memref<10240x128xf32, #tpu.memory_space<hbm>>
    tpu.enqueue_indirect_dma source(%dma_start3A_38 : memref<10240x128xf32, #tpu.memory_space<hbm>>) target(%arg11 : memref<128x128xf32, #tpu.memory_space<vmem>>) offsets(%arg7 : memref<128xi32, #tpu.memory_space<vmem>>) semaphore(%arg13 : memref<!tpu.dma_semaphore, #tpu.memory_space<semaphore_mem>>)
    %scan3A_39 = arith.constant 0 : i32
    %scan3A_40 = arith.constant 39 : i32
    %scan3A_41 = arith.addi %scan3A_39, %scan3A_40 : i32
    %scan3A_42 = arith.constant 1 : i32
    scf.for %scan3A_59 = %scan3A_39 to %scan3A_41 step %scan3A_42  : i32 {
      %mul3A_60 = arith.constant 1 : i32
      %mul3A_61 = arith.muli %scan3A_59, %mul3A_60 : i32
      %add3A_62 = arith.constant 0 : i32
      %add3A_63 = arith.addi %add3A_62, %mul3A_61 : i32
      %mul3A_64 = arith.constant 2 : i32
      %mul3A_65 = arith.muli %add3A_63, %mul3A_64 : i32
      %add3A_66 = arith.addi %mul3A_2, %mul3A_65 : i32
      %mul3A_67 = arith.constant 128 : i32
      %mul3A_68 = arith.muli %add3A_66, %mul3A_67 : i32
      %multiple_of3A_69 = tpu.assume_multiple %mul3A_68, 128 : i32
      %dma_wait3A_70 = arith.constant 0 : i32
      %dma_wait3A_71 = arith.constant 0 : i32
      %dma_wait3A_72 = tpu.memref_slice %arg2[%dma_wait3A_70, %dma_wait3A_71] : memref<10240x128xf32, #tpu.memory_space<hbm>> -> memref<10240x128xf32, #tpu.memory_space<hbm>>
      tpu.wait_indirect_dma semaphore(%arg13 : memref<!tpu.dma_semaphore, #tpu.memory_space<semaphore_mem>>) src(%dma_wait3A_72 : memref<10240x128xf32, #tpu.memory_space<hbm>>) dst(%arg11 : memref<128x128xf32, #tpu.memory_space<vmem>>)
      %add3A_73 = arith.constant 1 : i32
      %add3A_74 = arith.addi %mul3A_65, %add3A_73 : i32
      %lt3A = arith.constant 79 : i32
      %lt3A_75 = arith.cmpi slt, %add3A_74, %lt3A : i32
      %convert_element_type3A = arith.extui %lt3A_75 : i1 to i32
      %cond3A = arith.constant 0 : i32
      %cond3A_76 = arith.cmpi ne, %convert_element_type3A, %cond3A : i32
      scf.if %cond3A_76 {
        %dma_wait3A_107 = tpu.memref_slice %arg3[%multiple_of3A_69] : memref<323584xi32, #tpu.memory_space<hbm>> -> memref<128xi32, #tpu.memory_space<hbm>>
        %dma_wait3A_108 = tpu.memref_slice %arg3[%multiple_of3A_69] : memref<323584xi32, #tpu.memory_space<hbm>> -> memref<128xi32, #tpu.memory_space<hbm>>
        tpu.wait_dma2 semaphore(%arg14 : memref<!tpu.dma_semaphore, #tpu.memory_space<semaphore_mem>>) src(%dma_wait3A_108 : memref<128xi32, #tpu.memory_space<hbm>>) dst(%arg9 : memref<128xi32, #tpu.memory_space<vmem>>)
        %dma_wait3A_109 = tpu.memref_slice %arg4[%multiple_of3A_69] : memref<323584xi32, #tpu.memory_space<hbm>> -> memref<128xi32, #tpu.memory_space<hbm>>
        %dma_wait3A_110 = tpu.memref_slice %arg4[%multiple_of3A_69] : memref<323584xi32, #tpu.memory_space<hbm>> -> memref<128xi32, #tpu.memory_space<hbm>>
        tpu.wait_dma2 semaphore(%arg14 : memref<!tpu.dma_semaphore, #tpu.memory_space<semaphore_mem>>) src(%dma_wait3A_110 : memref<128xi32, #tpu.memory_space<hbm>>) dst(%arg10 : memref<128xi32, #tpu.memory_space<vmem>>)
        %dma_start3A_111 = arith.constant 0 : i32
        %dma_start3A_112 = arith.constant 0 : i32
        %dma_start3A_113 = tpu.memref_slice %arg2[%dma_start3A_111, %dma_start3A_112] : memref<10240x128xf32, #tpu.memory_space<hbm>> -> memref<10240x128xf32, #tpu.memory_space<hbm>>
        tpu.enqueue_indirect_dma source(%dma_start3A_113 : memref<10240x128xf32, #tpu.memory_space<hbm>>) target(%arg12 : memref<128x128xf32, #tpu.memory_space<vmem>>) offsets(%arg9 : memref<128xi32, #tpu.memory_space<vmem>>) semaphore(%arg13 : memref<!tpu.dma_semaphore, #tpu.memory_space<semaphore_mem>>)
      } else {
      }
      "tpu.region"() ({
        %run_scoped3A = tpu.sem_alloc : memref<!tpu.dma_semaphore, #tpu.memory_space<semaphore_mem>>
        %dma_start3A_107 = arith.constant 0 : i32
        %dma_start3A_108 = arith.constant 0 : i32
        %dma_start3A_109 = tpu.memref_slice %arg6[%dma_start3A_107, %dma_start3A_108] : memref<10240x128xf32, #tpu.memory_space<vmem_shared>> -> memref<10240x128xf32, #tpu.memory_space<vmem_shared>>
        tpu.enqueue_indirect_dma source(%arg11 : memref<128x128xf32, #tpu.memory_space<vmem>>) target(%dma_start3A_109 : memref<10240x128xf32, #tpu.memory_space<vmem_shared>>) offsets(%arg8 : memref<128xi32, #tpu.memory_space<vmem>>) semaphore(%run_scoped3A : memref<!tpu.dma_semaphore, #tpu.memory_space<semaphore_mem>>) {add = true}
        %dma_wait3A_110 = arith.constant 0 : i32
        %dma_wait3A_111 = arith.constant 0 : i32
        %dma_wait3A_112 = tpu.memref_slice %arg6[%dma_wait3A_110, %dma_wait3A_111] : memref<10240x128xf32, #tpu.memory_space<vmem_shared>> -> memref<10240x128xf32, #tpu.memory_space<vmem_shared>>
        tpu.wait_indirect_dma semaphore(%run_scoped3A : memref<!tpu.dma_semaphore, #tpu.memory_space<semaphore_mem>>) src(%arg11 : memref<128x128xf32, #tpu.memory_space<vmem>>) dst(%dma_wait3A_112 : memref<10240x128xf32, #tpu.memory_space<vmem_shared>>)
        tpu.yield
      }) : () -> ()
      %add3A_77 = arith.constant 2 : i32
      %add3A_78 = arith.addi %mul3A_65, %add3A_77 : i32
      %lt3A_79 = arith.constant 79 : i32
      %lt3A_80 = arith.cmpi slt, %add3A_78, %lt3A_79 : i32
      %convert_element_type3A_81 = arith.extui %lt3A_80 : i1 to i32
      %cond3A_82 = arith.constant 0 : i32
      %cond3A_83 = arith.cmpi ne, %convert_element_type3A_81, %cond3A_82 : i32
      scf.if %cond3A_83 {
        %add3A_107 = arith.constant 256 : i32
        %add3A_108 = arith.addi %multiple_of3A_69, %add3A_107 : i32
        %dma_start3A_109 = tpu.memref_slice %arg3[%add3A_108] : memref<323584xi32, #tpu.memory_space<hbm>> -> memref<128xi32, #tpu.memory_space<hbm>>
        %dma_start3A_110 = tpu.memref_slice %arg3[%add3A_108] : memref<323584xi32, #tpu.memory_space<hbm>> -> memref<128xi32, #tpu.memory_space<hbm>>
        tpu.enqueue_dma source(%dma_start3A_110 : memref<128xi32, #tpu.memory_space<hbm>>) target(%arg7 : memref<128xi32, #tpu.memory_space<vmem>>) target_semaphore(%arg14 : memref<!tpu.dma_semaphore, #tpu.memory_space<semaphore_mem>>)
        %add3A_111 = arith.constant 256 : i32
        %add3A_112 = arith.addi %multiple_of3A_69, %add3A_111 : i32
        %dma_start3A_113 = tpu.memref_slice %arg4[%add3A_112] : memref<323584xi32, #tpu.memory_space<hbm>> -> memref<128xi32, #tpu.memory_space<hbm>>
        %dma_start3A_114 = tpu.memref_slice %arg4[%add3A_112] : memref<323584xi32, #tpu.memory_space<hbm>> -> memref<128xi32, #tpu.memory_space<hbm>>
        tpu.enqueue_dma source(%dma_start3A_114 : memref<128xi32, #tpu.memory_space<hbm>>) target(%arg8 : memref<128xi32, #tpu.memory_space<vmem>>) target_semaphore(%arg14 : memref<!tpu.dma_semaphore, #tpu.memory_space<semaphore_mem>>)
      } else {
      }
      %add3A_84 = arith.constant 1 : i32
      %add3A_85 = arith.addi %mul3A_65, %add3A_84 : i32
      %add3A_86 = arith.addi %mul3A_2, %add3A_85 : i32
      %mul3A_87 = arith.constant 128 : i32
      %mul3A_88 = arith.muli %add3A_86, %mul3A_87 : i32
      %multiple_of3A_89 = tpu.assume_multiple %mul3A_88, 128 : i32
      %dma_wait3A_90 = arith.constant 0 : i32
      %dma_wait3A_91 = arith.constant 0 : i32
      %dma_wait3A_92 = tpu.memref_slice %arg2[%dma_wait3A_90, %dma_wait3A_91] : memref<10240x128xf32, #tpu.memory_space<hbm>> -> memref<10240x128xf32, #tpu.memory_space<hbm>>
      tpu.wait_indirect_dma semaphore(%arg13 : memref<!tpu.dma_semaphore, #tpu.memory_space<semaphore_mem>>) src(%dma_wait3A_92 : memref<10240x128xf32, #tpu.memory_space<hbm>>) dst(%arg12 : memref<128x128xf32, #tpu.memory_space<vmem>>)
      %add3A_93 = arith.constant 1 : i32
      %add3A_94 = arith.addi %add3A_85, %add3A_93 : i32
      %lt3A_95 = arith.constant 79 : i32
      %lt3A_96 = arith.cmpi slt, %add3A_94, %lt3A_95 : i32
      %convert_element_type3A_97 = arith.extui %lt3A_96 : i1 to i32
      %cond3A_98 = arith.constant 0 : i32
      %cond3A_99 = arith.cmpi ne, %convert_element_type3A_97, %cond3A_98 : i32
      scf.if %cond3A_99 {
        %dma_wait3A_107 = tpu.memref_slice %arg3[%multiple_of3A_89] : memref<323584xi32, #tpu.memory_space<hbm>> -> memref<128xi32, #tpu.memory_space<hbm>>
        %dma_wait3A_108 = tpu.memref_slice %arg3[%multiple_of3A_89] : memref<323584xi32, #tpu.memory_space<hbm>> -> memref<128xi32, #tpu.memory_space<hbm>>
        tpu.wait_dma2 semaphore(%arg14 : memref<!tpu.dma_semaphore, #tpu.memory_space<semaphore_mem>>) src(%dma_wait3A_108 : memref<128xi32, #tpu.memory_space<hbm>>) dst(%arg7 : memref<128xi32, #tpu.memory_space<vmem>>)
        %dma_wait3A_109 = tpu.memref_slice %arg4[%multiple_of3A_89] : memref<323584xi32, #tpu.memory_space<hbm>> -> memref<128xi32, #tpu.memory_space<hbm>>
        %dma_wait3A_110 = tpu.memref_slice %arg4[%multiple_of3A_89] : memref<323584xi32, #tpu.memory_space<hbm>> -> memref<128xi32, #tpu.memory_space<hbm>>
        tpu.wait_dma2 semaphore(%arg14 : memref<!tpu.dma_semaphore, #tpu.memory_space<semaphore_mem>>) src(%dma_wait3A_110 : memref<128xi32, #tpu.memory_space<hbm>>) dst(%arg8 : memref<128xi32, #tpu.memory_space<vmem>>)
        %dma_start3A_111 = arith.constant 0 : i32
        %dma_start3A_112 = arith.constant 0 : i32
        %dma_start3A_113 = tpu.memref_slice %arg2[%dma_start3A_111, %dma_start3A_112] : memref<10240x128xf32, #tpu.memory_space<hbm>> -> memref<10240x128xf32, #tpu.memory_space<hbm>>
        tpu.enqueue_indirect_dma source(%dma_start3A_113 : memref<10240x128xf32, #tpu.memory_space<hbm>>) target(%arg11 : memref<128x128xf32, #tpu.memory_space<vmem>>) offsets(%arg7 : memref<128xi32, #tpu.memory_space<vmem>>) semaphore(%arg13 : memref<!tpu.dma_semaphore, #tpu.memory_space<semaphore_mem>>)
      } else {
      }
      "tpu.region"() ({
        %run_scoped3A = tpu.sem_alloc : memref<!tpu.dma_semaphore, #tpu.memory_space<semaphore_mem>>
        %dma_start3A_107 = arith.constant 0 : i32
        %dma_start3A_108 = arith.constant 0 : i32
        %dma_start3A_109 = tpu.memref_slice %arg6[%dma_start3A_107, %dma_start3A_108] : memref<10240x128xf32, #tpu.memory_space<vmem_shared>> -> memref<10240x128xf32, #tpu.memory_space<vmem_shared>>
        tpu.enqueue_indirect_dma source(%arg12 : memref<128x128xf32, #tpu.memory_space<vmem>>) target(%dma_start3A_109 : memref<10240x128xf32, #tpu.memory_space<vmem_shared>>) offsets(%arg10 : memref<128xi32, #tpu.memory_space<vmem>>) semaphore(%run_scoped3A : memref<!tpu.dma_semaphore, #tpu.memory_space<semaphore_mem>>) {add = true}
        %dma_wait3A_110 = arith.constant 0 : i32
        %dma_wait3A_111 = arith.constant 0 : i32
        %dma_wait3A_112 = tpu.memref_slice %arg6[%dma_wait3A_110, %dma_wait3A_111] : memref<10240x128xf32, #tpu.memory_space<vmem_shared>> -> memref<10240x128xf32, #tpu.memory_space<vmem_shared>>
        tpu.wait_indirect_dma semaphore(%run_scoped3A : memref<!tpu.dma_semaphore, #tpu.memory_space<semaphore_mem>>) src(%arg12 : memref<128x128xf32, #tpu.memory_space<vmem>>) dst(%dma_wait3A_112 : memref<10240x128xf32, #tpu.memory_space<vmem_shared>>)
        tpu.yield
      }) : () -> ()
      %add3A_100 = arith.constant 2 : i32
      %add3A_101 = arith.addi %add3A_85, %add3A_100 : i32
      %lt3A_102 = arith.constant 79 : i32
      %lt3A_103 = arith.cmpi slt, %add3A_101, %lt3A_102 : i32
      %convert_element_type3A_104 = arith.extui %lt3A_103 : i1 to i32
      %cond3A_105 = arith.constant 0 : i32
      %cond3A_106 = arith.cmpi ne, %convert_element_type3A_104, %cond3A_105 : i32
      scf.if %cond3A_106 {
        %add3A_107 = arith.constant 256 : i32
        %add3A_108 = arith.addi %multiple_of3A_89, %add3A_107 : i32
        %dma_start3A_109 = tpu.memref_slice %arg3[%add3A_108] : memref<323584xi32, #tpu.memory_space<hbm>> -> memref<128xi32, #tpu.memory_space<hbm>>
        %dma_start3A_110 = tpu.memref_slice %arg3[%add3A_108] : memref<323584xi32, #tpu.memory_space<hbm>> -> memref<128xi32, #tpu.memory_space<hbm>>
        tpu.enqueue_dma source(%dma_start3A_110 : memref<128xi32, #tpu.memory_space<hbm>>) target(%arg9 : memref<128xi32, #tpu.memory_space<vmem>>) target_semaphore(%arg14 : memref<!tpu.dma_semaphore, #tpu.memory_space<semaphore_mem>>)
        %add3A_111 = arith.constant 256 : i32
        %add3A_112 = arith.addi %multiple_of3A_89, %add3A_111 : i32
        %dma_start3A_113 = tpu.memref_slice %arg4[%add3A_112] : memref<323584xi32, #tpu.memory_space<hbm>> -> memref<128xi32, #tpu.memory_space<hbm>>
        %dma_start3A_114 = tpu.memref_slice %arg4[%add3A_112] : memref<323584xi32, #tpu.memory_space<hbm>> -> memref<128xi32, #tpu.memory_space<hbm>>
        tpu.enqueue_dma source(%dma_start3A_114 : memref<128xi32, #tpu.memory_space<hbm>>) target(%arg10 : memref<128xi32, #tpu.memory_space<vmem>>) target_semaphore(%arg14 : memref<!tpu.dma_semaphore, #tpu.memory_space<semaphore_mem>>)
      } else {
      }
    }
    %scan3A_43 = arith.constant 39 : i32
    %add3A_44 = arith.constant 78 : i32
    %add3A_45 = arith.addi %mul3A_2, %add3A_44 : i32
    %mul3A_46 = arith.constant 128 : i32
    %mul3A_47 = arith.muli %add3A_45, %mul3A_46 : i32
    %multiple_of3A_48 = tpu.assume_multiple %mul3A_47, 128 : i32
    %dma_wait3A = arith.constant 0 : i32
    %dma_wait3A_49 = arith.constant 0 : i32
    %dma_wait3A_50 = tpu.memref_slice %arg2[%dma_wait3A, %dma_wait3A_49] : memref<10240x128xf32, #tpu.memory_space<hbm>> -> memref<10240x128xf32, #tpu.memory_space<hbm>>
    tpu.wait_indirect_dma semaphore(%arg13 : memref<!tpu.dma_semaphore, #tpu.memory_space<semaphore_mem>>) src(%dma_wait3A_50 : memref<10240x128xf32, #tpu.memory_space<hbm>>) dst(%arg11 : memref<128x128xf32, #tpu.memory_space<vmem>>)
    "tpu.region"() ({
      %run_scoped3A = tpu.sem_alloc : memref<!tpu.dma_semaphore, #tpu.memory_space<semaphore_mem>>
      %dma_start3A_59 = arith.constant 0 : i32
      %dma_start3A_60 = arith.constant 0 : i32
      %dma_start3A_61 = tpu.memref_slice %arg6[%dma_start3A_59, %dma_start3A_60] : memref<10240x128xf32, #tpu.memory_space<vmem_shared>> -> memref<10240x128xf32, #tpu.memory_space<vmem_shared>>
      tpu.enqueue_indirect_dma source(%arg11 : memref<128x128xf32, #tpu.memory_space<vmem>>) target(%dma_start3A_61 : memref<10240x128xf32, #tpu.memory_space<vmem_shared>>) offsets(%arg8 : memref<128xi32, #tpu.memory_space<vmem>>) semaphore(%run_scoped3A : memref<!tpu.dma_semaphore, #tpu.memory_space<semaphore_mem>>) {add = true}
      %dma_wait3A_62 = arith.constant 0 : i32
      %dma_wait3A_63 = arith.constant 0 : i32
      %dma_wait3A_64 = tpu.memref_slice %arg6[%dma_wait3A_62, %dma_wait3A_63] : memref<10240x128xf32, #tpu.memory_space<vmem_shared>> -> memref<10240x128xf32, #tpu.memory_space<vmem_shared>>
      tpu.wait_indirect_dma semaphore(%run_scoped3A : memref<!tpu.dma_semaphore, #tpu.memory_space<semaphore_mem>>) src(%arg11 : memref<128x128xf32, #tpu.memory_space<vmem>>) dst(%dma_wait3A_64 : memref<10240x128xf32, #tpu.memory_space<vmem_shared>>)
      tpu.yield
    }) : () -> ()
    %barrier3A_51 = arith.constant 0 : index
    tpu.barrier barrier_id(%barrier3A_51)
    %mul3A_52 = arith.constant 640 : i32
    %mul3A_53 = arith.muli %arg1, %mul3A_52 : i32
    %mul3A_54 = arith.constant 10240 : i32
    %mul3A_55 = arith.muli %arg0, %mul3A_54 : i32
    %mul3A_56 = arith.constant 640 : i32
    %mul3A_57 = arith.muli %arg1, %mul3A_56 : i32
    %add3A_58 = arith.addi %mul3A_55, %mul3A_57 : i32
    "tpu.region"() ({
      %run_scoped3A = tpu.sem_alloc : memref<!tpu.dma_semaphore, #tpu.memory_space<semaphore_mem>>
      %dma_start3A_59 = arith.constant 0 : i32
      %dma_start3A_60 = tpu.memref_slice %arg5[%add3A_58, %dma_start3A_59] : memref<20480x128xf32, #tpu.memory_space<hbm>> -> memref<640x128xf32, #tpu.memory_space<hbm>>
      %dma_start3A_61 = arith.constant 0 : i32
      %dma_start3A_62 = tpu.memref_slice %arg6[%mul3A_53, %dma_start3A_61] : memref<10240x128xf32, #tpu.memory_space<vmem_shared>> -> memref<640x128xf32, #tpu.memory_space<vmem_shared>>
      tpu.enqueue_dma source(%dma_start3A_62 : memref<640x128xf32, #tpu.memory_space<vmem_shared>>) target(%dma_start3A_60 : memref<640x128xf32, #tpu.memory_space<hbm>>) target_semaphore(%run_scoped3A : memref<!tpu.dma_semaphore, #tpu.memory_space<semaphore_mem>>)
      %dma_wait3A_63 = arith.constant 0 : i32
      %dma_wait3A_64 = tpu.memref_slice %arg5[%add3A_58, %dma_wait3A_63] : memref<20480x128xf32, #tpu.memory_space<hbm>> -> memref<640x128xf32, #tpu.memory_space<hbm>>
      %dma_wait3A_65 = arith.constant 0 : i32
      %dma_wait3A_66 = tpu.memref_slice %arg6[%mul3A_53, %dma_wait3A_65] : memref<10240x128xf32, #tpu.memory_space<vmem_shared>> -> memref<640x128xf32, #tpu.memory_space<vmem_shared>>
      tpu.wait_dma2 semaphore(%run_scoped3A : memref<!tpu.dma_semaphore, #tpu.memory_space<semaphore_mem>>) src(%dma_wait3A_66 : memref<640x128xf32, #tpu.memory_space<vmem_shared>>) dst(%dma_wait3A_64 : memref<640x128xf32, #tpu.memory_space<hbm>>)
      tpu.yield
    }) : () -> ()
    return
  }
}

#map = affine_map<(d0, d1) -> (0, 0)>
#map1 = affine_map<(d0, d1) -> (0)>
module attributes {stable_mosaic.version = 14 : i64} {
  func.func @_prop_pass(%arg0: i32, %arg1: i32, %arg2: memref<10240x128xf32, #tpu.memory_space<hbm>>, %arg3: memref<323584xi32, #tpu.memory_space<hbm>>, %arg4: memref<323584xi32, #tpu.memory_space<hbm>>, %arg5: memref<20480x128xf32, #tpu.memory_space<hbm>>, %arg6: memref<10240x128xf32, #tpu.memory_space<vmem_shared>>, %arg7: memref<128xi32, #tpu.memory_space<vmem>>, %arg8: memref<128xi32, #tpu.memory_space<vmem>>, %arg9: memref<128xi32, #tpu.memory_space<vmem>>, %arg10: memref<128xi32, #tpu.memory_space<vmem>>, %arg11: memref<128x128xf32, #tpu.memory_space<vmem>>, %arg12: memref<128x128xf32, #tpu.memory_space<vmem>>, %arg13: memref<!tpu.dma_semaphore, #tpu.memory_space<semaphore_mem>>, %arg14: memref<!tpu.dma_semaphore, #tpu.memory_space<semaphore_mem>>) attributes {dimension_semantics = [#tpu.dimension_semantics<core_parallel>, #tpu.dimension_semantics<subcore_parallel>], iteration_bounds = array<i64: 2, 16>, scalar_prefetch = 0 : i64, scratch_operands = 9 : i64, tpu.core_type = #tpu.core_type<sc_vector_subcore>, window_params = [{transform_indices = #map}, {transform_indices = #map1}, {transform_indices = #map1}, {transform_indices = #map}]} {
    %mul3A = arith.constant 2 : i32
    %mul3A_0 = arith.muli %arg1, %mul3A : i32
    %add3A = arith.addi %mul3A_0, %arg0 : i32
    %mul3A_1 = arith.constant 79 : i32
    %mul3A_2 = arith.muli %add3A, %mul3A_1 : i32
    %scan3A = arith.constant 0 : i32
    %scan3A_3 = arith.constant 128 : i32
    %scan3A_4 = arith.addi %scan3A, %scan3A_3 : i32
    %scan3A_5 = arith.constant 1 : i32
    scf.for %scan3A_59 = %scan3A to %scan3A_4 step %scan3A_5  : i32 {
      %mul3A_60 = arith.constant 1 : i32
      %mul3A_61 = arith.muli %scan3A_59, %mul3A_60 : i32
      %add3A_62 = arith.constant 0 : i32
      %add3A_63 = arith.addi %add3A_62, %mul3A_61 : i32
      %broadcast_in_dim3A = arith.constant 0.000000e+00 : f32
      %broadcast_in_dim3A_64 = vector.broadcast %broadcast_in_dim3A : f32 to vector<16xf32>
      %swap3A = arith.index_cast %add3A_63 : i32 to index
      %swap3A_65 = arith.constant 0 : index
      %swap3A_66 = tpu.vector_load %arg11[%swap3A, %swap3A_65] {strides = array<i32>} : memref<128x128xf32, #tpu.memory_space<vmem>>, vector<1x16xf32>,
      %swap3A_67 = vector.shape_cast %swap3A_66 : vector<1x16xf32> to vector<16xf32>
      %swap3A_68 = vector.shape_cast %broadcast_in_dim3A_64 : vector<16xf32> to vector<1x16xf32>
      tpu.vector_store %arg11[%swap3A, %swap3A_65], %swap3A_68 {strides = array<i32>} : memref<128x128xf32, #tpu.memory_space<vmem>>, vector<1x16xf32>,
      %broadcast_in_dim3A_69 = arith.constant 0.000000e+00 : f32
      %broadcast_in_dim3A_70 = vector.broadcast %broadcast_in_dim3A_69 : f32 to vector<16xf32>
      %swap3A_71 = arith.index_cast %add3A_63 : i32 to index
      %swap3A_72 = arith.constant 16 : index
      %swap3A_73 = tpu.vector_load %arg11[%swap3A_71, %swap3A_72] {strides = array<i32>} : memref<128x128xf32, #tpu.memory_space<vmem>>, vector<1x16xf32>,
      %swap3A_74 = vector.shape_cast %swap3A_73 : vector<1x16xf32> to vector<16xf32>
      %swap3A_75 = vector.shape_cast %broadcast_in_dim3A_70 : vector<16xf32> to vector<1x16xf32>
      tpu.vector_store %arg11[%swap3A_71, %swap3A_72], %swap3A_75 {strides = array<i32>} : memref<128x128xf32, #tpu.memory_space<vmem>>, vector<1x16xf32>,
      %broadcast_in_dim3A_76 = arith.constant 0.000000e+00 : f32
      %broadcast_in_dim3A_77 = vector.broadcast %broadcast_in_dim3A_76 : f32 to vector<16xf32>
      %swap3A_78 = arith.index_cast %add3A_63 : i32 to index
      %swap3A_79 = arith.constant 32 : index
      %swap3A_80 = tpu.vector_load %arg11[%swap3A_78, %swap3A_79] {strides = array<i32>} : memref<128x128xf32, #tpu.memory_space<vmem>>, vector<1x16xf32>,
      %swap3A_81 = vector.shape_cast %swap3A_80 : vector<1x16xf32> to vector<16xf32>
      %swap3A_82 = vector.shape_cast %broadcast_in_dim3A_77 : vector<16xf32> to vector<1x16xf32>
      tpu.vector_store %arg11[%swap3A_78, %swap3A_79], %swap3A_82 {strides = array<i32>} : memref<128x128xf32, #tpu.memory_space<vmem>>, vector<1x16xf32>,
      %broadcast_in_dim3A_83 = arith.constant 0.000000e+00 : f32
      %broadcast_in_dim3A_84 = vector.broadcast %broadcast_in_dim3A_83 : f32 to vector<16xf32>
      %swap3A_85 = arith.index_cast %add3A_63 : i32 to index
      %swap3A_86 = arith.constant 48 : index
      %swap3A_87 = tpu.vector_load %arg11[%swap3A_85, %swap3A_86] {strides = array<i32>} : memref<128x128xf32, #tpu.memory_space<vmem>>, vector<1x16xf32>,
      %swap3A_88 = vector.shape_cast %swap3A_87 : vector<1x16xf32> to vector<16xf32>
      %swap3A_89 = vector.shape_cast %broadcast_in_dim3A_84 : vector<16xf32> to vector<1x16xf32>
      tpu.vector_store %arg11[%swap3A_85, %swap3A_86], %swap3A_89 {strides = array<i32>} : memref<128x128xf32, #tpu.memory_space<vmem>>, vector<1x16xf32>,
      %broadcast_in_dim3A_90 = arith.constant 0.000000e+00 : f32
      %broadcast_in_dim3A_91 = vector.broadcast %broadcast_in_dim3A_90 : f32 to vector<16xf32>
      %swap3A_92 = arith.index_cast %add3A_63 : i32 to index
      %swap3A_93 = arith.constant 64 : index
      %swap3A_94 = tpu.vector_load %arg11[%swap3A_92, %swap3A_93] {strides = array<i32>} : memref<128x128xf32, #tpu.memory_space<vmem>>, vector<1x16xf32>,
      %swap3A_95 = vector.shape_cast %swap3A_94 : vector<1x16xf32> to vector<16xf32>
      %swap3A_96 = vector.shape_cast %broadcast_in_dim3A_91 : vector<16xf32> to vector<1x16xf32>
      tpu.vector_store %arg11[%swap3A_92, %swap3A_93], %swap3A_96 {strides = array<i32>} : memref<128x128xf32, #tpu.memory_space<vmem>>, vector<1x16xf32>,
      %broadcast_in_dim3A_97 = arith.constant 0.000000e+00 : f32
      %broadcast_in_dim3A_98 = vector.broadcast %broadcast_in_dim3A_97 : f32 to vector<16xf32>
      %swap3A_99 = arith.index_cast %add3A_63 : i32 to index
      %swap3A_100 = arith.constant 80 : index
      %swap3A_101 = tpu.vector_load %arg11[%swap3A_99, %swap3A_100] {strides = array<i32>} : memref<128x128xf32, #tpu.memory_space<vmem>>, vector<1x16xf32>,
      %swap3A_102 = vector.shape_cast %swap3A_101 : vector<1x16xf32> to vector<16xf32>
      %swap3A_103 = vector.shape_cast %broadcast_in_dim3A_98 : vector<16xf32> to vector<1x16xf32>
      tpu.vector_store %arg11[%swap3A_99, %swap3A_100], %swap3A_103 {strides = array<i32>} : memref<128x128xf32, #tpu.memory_space<vmem>>, vector<1x16xf32>,
      %broadcast_in_dim3A_104 = arith.constant 0.000000e+00 : f32
      %broadcast_in_dim3A_105 = vector.broadcast %broadcast_in_dim3A_104 : f32 to vector<16xf32>
      %swap3A_106 = arith.index_cast %add3A_63 : i32 to index
      %swap3A_107 = arith.constant 96 : index
      %swap3A_108 = tpu.vector_load %arg11[%swap3A_106, %swap3A_107] {strides = array<i32>} : memref<128x128xf32, #tpu.memory_space<vmem>>, vector<1x16xf32>,
      %swap3A_109 = vector.shape_cast %swap3A_108 : vector<1x16xf32> to vector<16xf32>
      %swap3A_110 = vector.shape_cast %broadcast_in_dim3A_105 : vector<16xf32> to vector<1x16xf32>
      tpu.vector_store %arg11[%swap3A_106, %swap3A_107], %swap3A_110 {strides = array<i32>} : memref<128x128xf32, #tpu.memory_space<vmem>>, vector<1x16xf32>,
      %broadcast_in_dim3A_111 = arith.constant 0.000000e+00 : f32
      %broadcast_in_dim3A_112 = vector.broadcast %broadcast_in_dim3A_111 : f32 to vector<16xf32>
      %swap3A_113 = arith.index_cast %add3A_63 : i32 to index
      %swap3A_114 = arith.constant 112 : index
      %swap3A_115 = tpu.vector_load %arg11[%swap3A_113, %swap3A_114] {strides = array<i32>} : memref<128x128xf32, #tpu.memory_space<vmem>>, vector<1x16xf32>,
      %swap3A_116 = vector.shape_cast %swap3A_115 : vector<1x16xf32> to vector<16xf32>
      %swap3A_117 = vector.shape_cast %broadcast_in_dim3A_112 : vector<16xf32> to vector<1x16xf32>
      tpu.vector_store %arg11[%swap3A_113, %swap3A_114], %swap3A_117 {strides = array<i32>} : memref<128x128xf32, #tpu.memory_space<vmem>>, vector<1x16xf32>,
    }
    %scan3A_6 = arith.constant 128 : i32
    %mul3A_7 = arith.constant 640 : i32
    %mul3A_8 = arith.muli %arg1, %mul3A_7 : i32
    %add3A_9 = arith.constant 0 : i32
    %add3A_10 = arith.addi %mul3A_8, %add3A_9 : i32
    "tpu.region"() ({
      %run_scoped3A = tpu.sem_alloc : memref<!tpu.dma_semaphore, #tpu.memory_space<semaphore_mem>>
      %dma_start3A_59 = arith.constant 0 : i32
      %dma_start3A_60 = tpu.memref_slice %arg6[%add3A_10, %dma_start3A_59] : memref<10240x128xf32, #tpu.memory_space<vmem_shared>> -> memref<128x128xf32, #tpu.memory_space<vmem_shared>>
      %dma_start3A_61 = arith.constant 0 : i32
      %dma_start3A_62 = tpu.memref_slice %arg6[%add3A_10, %dma_start3A_61] : memref<10240x128xf32, #tpu.memory_space<vmem_shared>> -> memref<128x128xf32, #tpu.memory_space<vmem_shared>>
      tpu.enqueue_dma source(%arg11 : memref<128x128xf32, #tpu.memory_space<vmem>>) target(%dma_start3A_62 : memref<128x128xf32, #tpu.memory_space<vmem_shared>>) target_semaphore(%run_scoped3A : memref<!tpu.dma_semaphore, #tpu.memory_space<semaphore_mem>>)
      %dma_wait3A_63 = arith.constant 0 : i32
      %dma_wait3A_64 = tpu.memref_slice %arg6[%add3A_10, %dma_wait3A_63] : memref<10240x128xf32, #tpu.memory_space<vmem_shared>> -> memref<128x128xf32, #tpu.memory_space<vmem_shared>>
      %dma_wait3A_65 = arith.constant 0 : i32
      %dma_wait3A_66 = tpu.memref_slice %arg6[%add3A_10, %dma_wait3A_65] : memref<10240x128xf32, #tpu.memory_space<vmem_shared>> -> memref<128x128xf32, #tpu.memory_space<vmem_shared>>
      tpu.wait_dma2 semaphore(%run_scoped3A : memref<!tpu.dma_semaphore, #tpu.memory_space<semaphore_mem>>) src(%arg11 : memref<128x128xf32, #tpu.memory_space<vmem>>) dst(%dma_wait3A_66 : memref<128x128xf32, #tpu.memory_space<vmem_shared>>)
      tpu.yield
    }) : () -> ()
    %mul3A_11 = arith.constant 640 : i32
    %mul3A_12 = arith.muli %arg1, %mul3A_11 : i32
    %add3A_13 = arith.constant 128 : i32
    %add3A_14 = arith.addi %mul3A_12, %add3A_13 : i32
    "tpu.region"() ({
      %run_scoped3A = tpu.sem_alloc : memref<!tpu.dma_semaphore, #tpu.memory_space<semaphore_mem>>
      %dma_start3A_59 = arith.constant 0 : i32
      %dma_start3A_60 = tpu.memref_slice %arg6[%add3A_14, %dma_start3A_59] : memref<10240x128xf32, #tpu.memory_space<vmem_shared>> -> memref<128x128xf32, #tpu.memory_space<vmem_shared>>
      %dma_start3A_61 = arith.constant 0 : i32
      %dma_start3A_62 = tpu.memref_slice %arg6[%add3A_14, %dma_start3A_61] : memref<10240x128xf32, #tpu.memory_space<vmem_shared>> -> memref<128x128xf32, #tpu.memory_space<vmem_shared>>
      tpu.enqueue_dma source(%arg11 : memref<128x128xf32, #tpu.memory_space<vmem>>) target(%dma_start3A_62 : memref<128x128xf32, #tpu.memory_space<vmem_shared>>) target_semaphore(%run_scoped3A : memref<!tpu.dma_semaphore, #tpu.memory_space<semaphore_mem>>)
      %dma_wait3A_63 = arith.constant 0 : i32
      %dma_wait3A_64 = tpu.memref_slice %arg6[%add3A_14, %dma_wait3A_63] : memref<10240x128xf32, #tpu.memory_space<vmem_shared>> -> memref<128x128xf32, #tpu.memory_space<vmem_shared>>
      %dma_wait3A_65 = arith.constant 0 : i32
      %dma_wait3A_66 = tpu.memref_slice %arg6[%add3A_14, %dma_wait3A_65] : memref<10240x128xf32, #tpu.memory_space<vmem_shared>> -> memref<128x128xf32, #tpu.memory_space<vmem_shared>>
      tpu.wait_dma2 semaphore(%run_scoped3A : memref<!tpu.dma_semaphore, #tpu.memory_space<semaphore_mem>>) src(%arg11 : memref<128x128xf32, #tpu.memory_space<vmem>>) dst(%dma_wait3A_66 : memref<128x128xf32, #tpu.memory_space<vmem_shared>>)
      tpu.yield
    }) : () -> ()
    %mul3A_15 = arith.constant 640 : i32
    %mul3A_16 = arith.muli %arg1, %mul3A_15 : i32
    %add3A_17 = arith.constant 256 : i32
    %add3A_18 = arith.addi %mul3A_16, %add3A_17 : i32
    "tpu.region"() ({
      %run_scoped3A = tpu.sem_alloc : memref<!tpu.dma_semaphore, #tpu.memory_space<semaphore_mem>>
      %dma_start3A_59 = arith.constant 0 : i32
      %dma_start3A_60 = tpu.memref_slice %arg6[%add3A_18, %dma_start3A_59] : memref<10240x128xf32, #tpu.memory_space<vmem_shared>> -> memref<128x128xf32, #tpu.memory_space<vmem_shared>>
      %dma_start3A_61 = arith.constant 0 : i32
      %dma_start3A_62 = tpu.memref_slice %arg6[%add3A_18, %dma_start3A_61] : memref<10240x128xf32, #tpu.memory_space<vmem_shared>> -> memref<128x128xf32, #tpu.memory_space<vmem_shared>>
      tpu.enqueue_dma source(%arg11 : memref<128x128xf32, #tpu.memory_space<vmem>>) target(%dma_start3A_62 : memref<128x128xf32, #tpu.memory_space<vmem_shared>>) target_semaphore(%run_scoped3A : memref<!tpu.dma_semaphore, #tpu.memory_space<semaphore_mem>>)
      %dma_wait3A_63 = arith.constant 0 : i32
      %dma_wait3A_64 = tpu.memref_slice %arg6[%add3A_18, %dma_wait3A_63] : memref<10240x128xf32, #tpu.memory_space<vmem_shared>> -> memref<128x128xf32, #tpu.memory_space<vmem_shared>>
      %dma_wait3A_65 = arith.constant 0 : i32
      %dma_wait3A_66 = tpu.memref_slice %arg6[%add3A_18, %dma_wait3A_65] : memref<10240x128xf32, #tpu.memory_space<vmem_shared>> -> memref<128x128xf32, #tpu.memory_space<vmem_shared>>
      tpu.wait_dma2 semaphore(%run_scoped3A : memref<!tpu.dma_semaphore, #tpu.memory_space<semaphore_mem>>) src(%arg11 : memref<128x128xf32, #tpu.memory_space<vmem>>) dst(%dma_wait3A_66 : memref<128x128xf32, #tpu.memory_space<vmem_shared>>)
      tpu.yield
    }) : () -> ()
    %mul3A_19 = arith.constant 640 : i32
    %mul3A_20 = arith.muli %arg1, %mul3A_19 : i32
    %add3A_21 = arith.constant 384 : i32
    %add3A_22 = arith.addi %mul3A_20, %add3A_21 : i32
    "tpu.region"() ({
      %run_scoped3A = tpu.sem_alloc : memref<!tpu.dma_semaphore, #tpu.memory_space<semaphore_mem>>
      %dma_start3A_59 = arith.constant 0 : i32
      %dma_start3A_60 = tpu.memref_slice %arg6[%add3A_22, %dma_start3A_59] : memref<10240x128xf32, #tpu.memory_space<vmem_shared>> -> memref<128x128xf32, #tpu.memory_space<vmem_shared>>
      %dma_start3A_61 = arith.constant 0 : i32
      %dma_start3A_62 = tpu.memref_slice %arg6[%add3A_22, %dma_start3A_61] : memref<10240x128xf32, #tpu.memory_space<vmem_shared>> -> memref<128x128xf32, #tpu.memory_space<vmem_shared>>
      tpu.enqueue_dma source(%arg11 : memref<128x128xf32, #tpu.memory_space<vmem>>) target(%dma_start3A_62 : memref<128x128xf32, #tpu.memory_space<vmem_shared>>) target_semaphore(%run_scoped3A : memref<!tpu.dma_semaphore, #tpu.memory_space<semaphore_mem>>)
      %dma_wait3A_63 = arith.constant 0 : i32
      %dma_wait3A_64 = tpu.memref_slice %arg6[%add3A_22, %dma_wait3A_63] : memref<10240x128xf32, #tpu.memory_space<vmem_shared>> -> memref<128x128xf32, #tpu.memory_space<vmem_shared>>
      %dma_wait3A_65 = arith.constant 0 : i32
      %dma_wait3A_66 = tpu.memref_slice %arg6[%add3A_22, %dma_wait3A_65] : memref<10240x128xf32, #tpu.memory_space<vmem_shared>> -> memref<128x128xf32, #tpu.memory_space<vmem_shared>>
      tpu.wait_dma2 semaphore(%run_scoped3A : memref<!tpu.dma_semaphore, #tpu.memory_space<semaphore_mem>>) src(%arg11 : memref<128x128xf32, #tpu.memory_space<vmem>>) dst(%dma_wait3A_66 : memref<128x128xf32, #tpu.memory_space<vmem_shared>>)
      tpu.yield
    }) : () -> ()
    %mul3A_23 = arith.constant 640 : i32
    %mul3A_24 = arith.muli %arg1, %mul3A_23 : i32
    %add3A_25 = arith.constant 512 : i32
    %add3A_26 = arith.addi %mul3A_24, %add3A_25 : i32
    "tpu.region"() ({
      %run_scoped3A = tpu.sem_alloc : memref<!tpu.dma_semaphore, #tpu.memory_space<semaphore_mem>>
      %dma_start3A_59 = arith.constant 0 : i32
      %dma_start3A_60 = tpu.memref_slice %arg6[%add3A_26, %dma_start3A_59] : memref<10240x128xf32, #tpu.memory_space<vmem_shared>> -> memref<128x128xf32, #tpu.memory_space<vmem_shared>>
      %dma_start3A_61 = arith.constant 0 : i32
      %dma_start3A_62 = tpu.memref_slice %arg6[%add3A_26, %dma_start3A_61] : memref<10240x128xf32, #tpu.memory_space<vmem_shared>> -> memref<128x128xf32, #tpu.memory_space<vmem_shared>>
      tpu.enqueue_dma source(%arg11 : memref<128x128xf32, #tpu.memory_space<vmem>>) target(%dma_start3A_62 : memref<128x128xf32, #tpu.memory_space<vmem_shared>>) target_semaphore(%run_scoped3A : memref<!tpu.dma_semaphore, #tpu.memory_space<semaphore_mem>>)
      %dma_wait3A_63 = arith.constant 0 : i32
      %dma_wait3A_64 = tpu.memref_slice %arg6[%add3A_26, %dma_wait3A_63] : memref<10240x128xf32, #tpu.memory_space<vmem_shared>> -> memref<128x128xf32, #tpu.memory_space<vmem_shared>>
      %dma_wait3A_65 = arith.constant 0 : i32
      %dma_wait3A_66 = tpu.memref_slice %arg6[%add3A_26, %dma_wait3A_65] : memref<10240x128xf32, #tpu.memory_space<vmem_shared>> -> memref<128x128xf32, #tpu.memory_space<vmem_shared>>
      tpu.wait_dma2 semaphore(%run_scoped3A : memref<!tpu.dma_semaphore, #tpu.memory_space<semaphore_mem>>) src(%arg11 : memref<128x128xf32, #tpu.memory_space<vmem>>) dst(%dma_wait3A_66 : memref<128x128xf32, #tpu.memory_space<vmem_shared>>)
      tpu.yield
    }) : () -> ()
    %barrier3A = arith.constant 0 : index
    tpu.barrier barrier_id(%barrier3A)
    %mul3A_27 = arith.constant 128 : i32
    %mul3A_28 = arith.muli %mul3A_2, %mul3A_27 : i32
    %multiple_of3A = tpu.assume_multiple %mul3A_28, 128 : i32
    "tpu.region"() ({
      %run_scoped3A = tpu.sem_alloc : memref<!tpu.dma_semaphore, #tpu.memory_space<semaphore_mem>>
      %dma_start3A_59 = tpu.memref_slice %arg3[%multiple_of3A] : memref<323584xi32, #tpu.memory_space<hbm>> -> memref<128xi32, #tpu.memory_space<hbm>>
      %dma_start3A_60 = tpu.memref_slice %arg3[%multiple_of3A] : memref<323584xi32, #tpu.memory_space<hbm>> -> memref<128xi32, #tpu.memory_space<hbm>>
      tpu.enqueue_dma source(%dma_start3A_60 : memref<128xi32, #tpu.memory_space<hbm>>) target(%arg7 : memref<128xi32, #tpu.memory_space<vmem>>) target_semaphore(%run_scoped3A : memref<!tpu.dma_semaphore, #tpu.memory_space<semaphore_mem>>)
      %dma_wait3A_61 = tpu.memref_slice %arg3[%multiple_of3A] : memref<323584xi32, #tpu.memory_space<hbm>> -> memref<128xi32, #tpu.memory_space<hbm>>
      %dma_wait3A_62 = tpu.memref_slice %arg3[%multiple_of3A] : memref<323584xi32, #tpu.memory_space<hbm>> -> memref<128xi32, #tpu.memory_space<hbm>>
      tpu.wait_dma2 semaphore(%run_scoped3A : memref<!tpu.dma_semaphore, #tpu.memory_space<semaphore_mem>>) src(%dma_wait3A_62 : memref<128xi32, #tpu.memory_space<hbm>>) dst(%arg7 : memref<128xi32, #tpu.memory_space<vmem>>)
      tpu.yield
    }) : () -> ()
    "tpu.region"() ({
      %run_scoped3A = tpu.sem_alloc : memref<!tpu.dma_semaphore, #tpu.memory_space<semaphore_mem>>
      %dma_start3A_59 = tpu.memref_slice %arg4[%multiple_of3A] : memref<323584xi32, #tpu.memory_space<hbm>> -> memref<128xi32, #tpu.memory_space<hbm>>
      %dma_start3A_60 = tpu.memref_slice %arg4[%multiple_of3A] : memref<323584xi32, #tpu.memory_space<hbm>> -> memref<128xi32, #tpu.memory_space<hbm>>
      tpu.enqueue_dma source(%dma_start3A_60 : memref<128xi32, #tpu.memory_space<hbm>>) target(%arg8 : memref<128xi32, #tpu.memory_space<vmem>>) target_semaphore(%run_scoped3A : memref<!tpu.dma_semaphore, #tpu.memory_space<semaphore_mem>>)
      %dma_wait3A_61 = tpu.memref_slice %arg4[%multiple_of3A] : memref<323584xi32, #tpu.memory_space<hbm>> -> memref<128xi32, #tpu.memory_space<hbm>>
      %dma_wait3A_62 = tpu.memref_slice %arg4[%multiple_of3A] : memref<323584xi32, #tpu.memory_space<hbm>> -> memref<128xi32, #tpu.memory_space<hbm>>
      tpu.wait_dma2 semaphore(%run_scoped3A : memref<!tpu.dma_semaphore, #tpu.memory_space<semaphore_mem>>) src(%dma_wait3A_62 : memref<128xi32, #tpu.memory_space<hbm>>) dst(%arg8 : memref<128xi32, #tpu.memory_space<vmem>>)
      tpu.yield
    }) : () -> ()
    %add3A_29 = arith.constant 128 : i32
    %add3A_30 = arith.addi %multiple_of3A, %add3A_29 : i32
    %dma_start3A = tpu.memref_slice %arg3[%add3A_30] : memref<323584xi32, #tpu.memory_space<hbm>> -> memref<128xi32, #tpu.memory_space<hbm>>
    %dma_start3A_31 = tpu.memref_slice %arg3[%add3A_30] : memref<323584xi32, #tpu.memory_space<hbm>> -> memref<128xi32, #tpu.memory_space<hbm>>
    tpu.enqueue_dma source(%dma_start3A_31 : memref<128xi32, #tpu.memory_space<hbm>>) target(%arg9 : memref<128xi32, #tpu.memory_space<vmem>>) target_semaphore(%arg14 : memref<!tpu.dma_semaphore, #tpu.memory_space<semaphore_mem>>)
    %add3A_32 = arith.constant 128 : i32
    %add3A_33 = arith.addi %multiple_of3A, %add3A_32 : i32
    %dma_start3A_34 = tpu.memref_slice %arg4[%add3A_33] : memref<323584xi32, #tpu.memory_space<hbm>> -> memref<128xi32, #tpu.memory_space<hbm>>
    %dma_start3A_35 = tpu.memref_slice %arg4[%add3A_33] : memref<323584xi32, #tpu.memory_space<hbm>> -> memref<128xi32, #tpu.memory_space<hbm>>
    tpu.enqueue_dma source(%dma_start3A_35 : memref<128xi32, #tpu.memory_space<hbm>>) target(%arg10 : memref<128xi32, #tpu.memory_space<vmem>>) target_semaphore(%arg14 : memref<!tpu.dma_semaphore, #tpu.memory_space<semaphore_mem>>)
    %dma_start3A_36 = arith.constant 0 : i32
    %dma_start3A_37 = arith.constant 0 : i32
    %dma_start3A_38 = tpu.memref_slice %arg2[%dma_start3A_36, %dma_start3A_37] : memref<10240x128xf32, #tpu.memory_space<hbm>> -> memref<10240x128xf32, #tpu.memory_space<hbm>>
    tpu.enqueue_indirect_dma source(%dma_start3A_38 : memref<10240x128xf32, #tpu.memory_space<hbm>>) target(%arg11 : memref<128x128xf32, #tpu.memory_space<vmem>>) offsets(%arg7 : memref<128xi32, #tpu.memory_space<vmem>>) semaphore(%arg13 : memref<!tpu.dma_semaphore, #tpu.memory_space<semaphore_mem>>)
    %scan3A_39 = arith.constant 0 : i32
    %scan3A_40 = arith.constant 39 : i32
    %scan3A_41 = arith.addi %scan3A_39, %scan3A_40 : i32
    %scan3A_42 = arith.constant 1 : i32
    scf.for %scan3A_59 = %scan3A_39 to %scan3A_41 step %scan3A_42  : i32 {
      %mul3A_60 = arith.constant 1 : i32
      %mul3A_61 = arith.muli %scan3A_59, %mul3A_60 : i32
      %add3A_62 = arith.constant 0 : i32
      %add3A_63 = arith.addi %add3A_62, %mul3A_61 : i32
      %mul3A_64 = arith.constant 2 : i32
      %mul3A_65 = arith.muli %add3A_63, %mul3A_64 : i32
      %add3A_66 = arith.addi %mul3A_2, %mul3A_65 : i32
      %mul3A_67 = arith.constant 128 : i32
      %mul3A_68 = arith.muli %add3A_66, %mul3A_67 : i32
      %multiple_of3A_69 = tpu.assume_multiple %mul3A_68, 128 : i32
      %dma_wait3A_70 = arith.constant 0 : i32
      %dma_wait3A_71 = arith.constant 0 : i32
      %dma_wait3A_72 = tpu.memref_slice %arg2[%dma_wait3A_70, %dma_wait3A_71] : memref<10240x128xf32, #tpu.memory_space<hbm>> -> memref<10240x128xf32, #tpu.memory_space<hbm>>
      tpu.wait_indirect_dma semaphore(%arg13 : memref<!tpu.dma_semaphore, #tpu.memory_space<semaphore_mem>>) src(%dma_wait3A_72 : memref<10240x128xf32, #tpu.memory_space<hbm>>) dst(%arg11 : memref<128x128xf32, #tpu.memory_space<vmem>>)
      %add3A_73 = arith.constant 1 : i32
      %add3A_74 = arith.addi %mul3A_65, %add3A_73 : i32
      %lt3A = arith.constant 79 : i32
      %lt3A_75 = arith.cmpi slt, %add3A_74, %lt3A : i32
      %convert_element_type3A = arith.extui %lt3A_75 : i1 to i32
      %cond3A = arith.constant 0 : i32
      %cond3A_76 = arith.cmpi ne, %convert_element_type3A, %cond3A : i32
      scf.if %cond3A_76 {
        %dma_wait3A_107 = tpu.memref_slice %arg3[%multiple_of3A_69] : memref<323584xi32, #tpu.memory_space<hbm>> -> memref<128xi32, #tpu.memory_space<hbm>>
        %dma_wait3A_108 = tpu.memref_slice %arg3[%multiple_of3A_69] : memref<323584xi32, #tpu.memory_space<hbm>> -> memref<128xi32, #tpu.memory_space<hbm>>
        tpu.wait_dma2 semaphore(%arg14 : memref<!tpu.dma_semaphore, #tpu.memory_space<semaphore_mem>>) src(%dma_wait3A_108 : memref<128xi32, #tpu.memory_space<hbm>>) dst(%arg9 : memref<128xi32, #tpu.memory_space<vmem>>)
        %dma_wait3A_109 = tpu.memref_slice %arg4[%multiple_of3A_69] : memref<323584xi32, #tpu.memory_space<hbm>> -> memref<128xi32, #tpu.memory_space<hbm>>
        %dma_wait3A_110 = tpu.memref_slice %arg4[%multiple_of3A_69] : memref<323584xi32, #tpu.memory_space<hbm>> -> memref<128xi32, #tpu.memory_space<hbm>>
        tpu.wait_dma2 semaphore(%arg14 : memref<!tpu.dma_semaphore, #tpu.memory_space<semaphore_mem>>) src(%dma_wait3A_110 : memref<128xi32, #tpu.memory_space<hbm>>) dst(%arg10 : memref<128xi32, #tpu.memory_space<vmem>>)
        %dma_start3A_111 = arith.constant 0 : i32
        %dma_start3A_112 = arith.constant 0 : i32
        %dma_start3A_113 = tpu.memref_slice %arg2[%dma_start3A_111, %dma_start3A_112] : memref<10240x128xf32, #tpu.memory_space<hbm>> -> memref<10240x128xf32, #tpu.memory_space<hbm>>
        tpu.enqueue_indirect_dma source(%dma_start3A_113 : memref<10240x128xf32, #tpu.memory_space<hbm>>) target(%arg12 : memref<128x128xf32, #tpu.memory_space<vmem>>) offsets(%arg9 : memref<128xi32, #tpu.memory_space<vmem>>) semaphore(%arg13 : memref<!tpu.dma_semaphore, #tpu.memory_space<semaphore_mem>>)
      } else {
      }
      "tpu.region"() ({
        %run_scoped3A = tpu.sem_alloc : memref<!tpu.dma_semaphore, #tpu.memory_space<semaphore_mem>>
        %dma_start3A_107 = arith.constant 0 : i32
        %dma_start3A_108 = arith.constant 0 : i32
        %dma_start3A_109 = tpu.memref_slice %arg6[%dma_start3A_107, %dma_start3A_108] : memref<10240x128xf32, #tpu.memory_space<vmem_shared>> -> memref<10240x128xf32, #tpu.memory_space<vmem_shared>>
        tpu.enqueue_indirect_dma source(%arg11 : memref<128x128xf32, #tpu.memory_space<vmem>>) target(%dma_start3A_109 : memref<10240x128xf32, #tpu.memory_space<vmem_shared>>) offsets(%arg8 : memref<128xi32, #tpu.memory_space<vmem>>) semaphore(%run_scoped3A : memref<!tpu.dma_semaphore, #tpu.memory_space<semaphore_mem>>) {add = true}
        %dma_wait3A_110 = arith.constant 0 : i32
        %dma_wait3A_111 = arith.constant 0 : i32
        %dma_wait3A_112 = tpu.memref_slice %arg6[%dma_wait3A_110, %dma_wait3A_111] : memref<10240x128xf32, #tpu.memory_space<vmem_shared>> -> memref<10240x128xf32, #tpu.memory_space<vmem_shared>>
        tpu.wait_indirect_dma semaphore(%run_scoped3A : memref<!tpu.dma_semaphore, #tpu.memory_space<semaphore_mem>>) src(%arg11 : memref<128x128xf32, #tpu.memory_space<vmem>>) dst(%dma_wait3A_112 : memref<10240x128xf32, #tpu.memory_space<vmem_shared>>)
        tpu.yield
      }) : () -> ()
      %add3A_77 = arith.constant 2 : i32
      %add3A_78 = arith.addi %mul3A_65, %add3A_77 : i32
      %lt3A_79 = arith.constant 79 : i32
      %lt3A_80 = arith.cmpi slt, %add3A_78, %lt3A_79 : i32
      %convert_element_type3A_81 = arith.extui %lt3A_80 : i1 to i32
      %cond3A_82 = arith.constant 0 : i32
      %cond3A_83 = arith.cmpi ne, %convert_element_type3A_81, %cond3A_82 : i32
      scf.if %cond3A_83 {
        %add3A_107 = arith.constant 256 : i32
        %add3A_108 = arith.addi %multiple_of3A_69, %add3A_107 : i32
        %dma_start3A_109 = tpu.memref_slice %arg3[%add3A_108] : memref<323584xi32, #tpu.memory_space<hbm>> -> memref<128xi32, #tpu.memory_space<hbm>>
        %dma_start3A_110 = tpu.memref_slice %arg3[%add3A_108] : memref<323584xi32, #tpu.memory_space<hbm>> -> memref<128xi32, #tpu.memory_space<hbm>>
        tpu.enqueue_dma source(%dma_start3A_110 : memref<128xi32, #tpu.memory_space<hbm>>) target(%arg7 : memref<128xi32, #tpu.memory_space<vmem>>) target_semaphore(%arg14 : memref<!tpu.dma_semaphore, #tpu.memory_space<semaphore_mem>>)
        %add3A_111 = arith.constant 256 : i32
        %add3A_112 = arith.addi %multiple_of3A_69, %add3A_111 : i32
        %dma_start3A_113 = tpu.memref_slice %arg4[%add3A_112] : memref<323584xi32, #tpu.memory_space<hbm>> -> memref<128xi32, #tpu.memory_space<hbm>>
        %dma_start3A_114 = tpu.memref_slice %arg4[%add3A_112] : memref<323584xi32, #tpu.memory_space<hbm>> -> memref<128xi32, #tpu.memory_space<hbm>>
        tpu.enqueue_dma source(%dma_start3A_114 : memref<128xi32, #tpu.memory_space<hbm>>) target(%arg8 : memref<128xi32, #tpu.memory_space<vmem>>) target_semaphore(%arg14 : memref<!tpu.dma_semaphore, #tpu.memory_space<semaphore_mem>>)
      } else {
      }
      %add3A_84 = arith.constant 1 : i32
      %add3A_85 = arith.addi %mul3A_65, %add3A_84 : i32
      %add3A_86 = arith.addi %mul3A_2, %add3A_85 : i32
      %mul3A_87 = arith.constant 128 : i32
      %mul3A_88 = arith.muli %add3A_86, %mul3A_87 : i32
      %multiple_of3A_89 = tpu.assume_multiple %mul3A_88, 128 : i32
      %dma_wait3A_90 = arith.constant 0 : i32
      %dma_wait3A_91 = arith.constant 0 : i32
      %dma_wait3A_92 = tpu.memref_slice %arg2[%dma_wait3A_90, %dma_wait3A_91] : memref<10240x128xf32, #tpu.memory_space<hbm>> -> memref<10240x128xf32, #tpu.memory_space<hbm>>
      tpu.wait_indirect_dma semaphore(%arg13 : memref<!tpu.dma_semaphore, #tpu.memory_space<semaphore_mem>>) src(%dma_wait3A_92 : memref<10240x128xf32, #tpu.memory_space<hbm>>) dst(%arg12 : memref<128x128xf32, #tpu.memory_space<vmem>>)
      %add3A_93 = arith.constant 1 : i32
      %add3A_94 = arith.addi %add3A_85, %add3A_93 : i32
      %lt3A_95 = arith.constant 79 : i32
      %lt3A_96 = arith.cmpi slt, %add3A_94, %lt3A_95 : i32
      %convert_element_type3A_97 = arith.extui %lt3A_96 : i1 to i32
      %cond3A_98 = arith.constant 0 : i32
      %cond3A_99 = arith.cmpi ne, %convert_element_type3A_97, %cond3A_98 : i32
      scf.if %cond3A_99 {
        %dma_wait3A_107 = tpu.memref_slice %arg3[%multiple_of3A_89] : memref<323584xi32, #tpu.memory_space<hbm>> -> memref<128xi32, #tpu.memory_space<hbm>>
        %dma_wait3A_108 = tpu.memref_slice %arg3[%multiple_of3A_89] : memref<323584xi32, #tpu.memory_space<hbm>> -> memref<128xi32, #tpu.memory_space<hbm>>
        tpu.wait_dma2 semaphore(%arg14 : memref<!tpu.dma_semaphore, #tpu.memory_space<semaphore_mem>>) src(%dma_wait3A_108 : memref<128xi32, #tpu.memory_space<hbm>>) dst(%arg7 : memref<128xi32, #tpu.memory_space<vmem>>)
        %dma_wait3A_109 = tpu.memref_slice %arg4[%multiple_of3A_89] : memref<323584xi32, #tpu.memory_space<hbm>> -> memref<128xi32, #tpu.memory_space<hbm>>
        %dma_wait3A_110 = tpu.memref_slice %arg4[%multiple_of3A_89] : memref<323584xi32, #tpu.memory_space<hbm>> -> memref<128xi32, #tpu.memory_space<hbm>>
        tpu.wait_dma2 semaphore(%arg14 : memref<!tpu.dma_semaphore, #tpu.memory_space<semaphore_mem>>) src(%dma_wait3A_110 : memref<128xi32, #tpu.memory_space<hbm>>) dst(%arg8 : memref<128xi32, #tpu.memory_space<vmem>>)
        %dma_start3A_111 = arith.constant 0 : i32
        %dma_start3A_112 = arith.constant 0 : i32
        %dma_start3A_113 = tpu.memref_slice %arg2[%dma_start3A_111, %dma_start3A_112] : memref<10240x128xf32, #tpu.memory_space<hbm>> -> memref<10240x128xf32, #tpu.memory_space<hbm>>
        tpu.enqueue_indirect_dma source(%dma_start3A_113 : memref<10240x128xf32, #tpu.memory_space<hbm>>) target(%arg11 : memref<128x128xf32, #tpu.memory_space<vmem>>) offsets(%arg7 : memref<128xi32, #tpu.memory_space<vmem>>) semaphore(%arg13 : memref<!tpu.dma_semaphore, #tpu.memory_space<semaphore_mem>>)
      } else {
      }
      "tpu.region"() ({
        %run_scoped3A = tpu.sem_alloc : memref<!tpu.dma_semaphore, #tpu.memory_space<semaphore_mem>>
        %dma_start3A_107 = arith.constant 0 : i32
        %dma_start3A_108 = arith.constant 0 : i32
        %dma_start3A_109 = tpu.memref_slice %arg6[%dma_start3A_107, %dma_start3A_108] : memref<10240x128xf32, #tpu.memory_space<vmem_shared>> -> memref<10240x128xf32, #tpu.memory_space<vmem_shared>>
        tpu.enqueue_indirect_dma source(%arg12 : memref<128x128xf32, #tpu.memory_space<vmem>>) target(%dma_start3A_109 : memref<10240x128xf32, #tpu.memory_space<vmem_shared>>) offsets(%arg10 : memref<128xi32, #tpu.memory_space<vmem>>) semaphore(%run_scoped3A : memref<!tpu.dma_semaphore, #tpu.memory_space<semaphore_mem>>) {add = true}
        %dma_wait3A_110 = arith.constant 0 : i32
        %dma_wait3A_111 = arith.constant 0 : i32
        %dma_wait3A_112 = tpu.memref_slice %arg6[%dma_wait3A_110, %dma_wait3A_111] : memref<10240x128xf32, #tpu.memory_space<vmem_shared>> -> memref<10240x128xf32, #tpu.memory_space<vmem_shared>>
        tpu.wait_indirect_dma semaphore(%run_scoped3A : memref<!tpu.dma_semaphore, #tpu.memory_space<semaphore_mem>>) src(%arg12 : memref<128x128xf32, #tpu.memory_space<vmem>>) dst(%dma_wait3A_112 : memref<10240x128xf32, #tpu.memory_space<vmem_shared>>)
        tpu.yield
      }) : () -> ()
      %add3A_100 = arith.constant 2 : i32
      %add3A_101 = arith.addi %add3A_85, %add3A_100 : i32
      %lt3A_102 = arith.constant 79 : i32
      %lt3A_103 = arith.cmpi slt, %add3A_101, %lt3A_102 : i32
      %convert_element_type3A_104 = arith.extui %lt3A_103 : i1 to i32
      %cond3A_105 = arith.constant 0 : i32
      %cond3A_106 = arith.cmpi ne, %convert_element_type3A_104, %cond3A_105 : i32
      scf.if %cond3A_106 {
        %add3A_107 = arith.constant 256 : i32
        %add3A_108 = arith.addi %multiple_of3A_89, %add3A_107 : i32
        %dma_start3A_109 = tpu.memref_slice %arg3[%add3A_108] : memref<323584xi32, #tpu.memory_space<hbm>> -> memref<128xi32, #tpu.memory_space<hbm>>
        %dma_start3A_110 = tpu.memref_slice %arg3[%add3A_108] : memref<323584xi32, #tpu.memory_space<hbm>> -> memref<128xi32, #tpu.memory_space<hbm>>
        tpu.enqueue_dma source(%dma_start3A_110 : memref<128xi32, #tpu.memory_space<hbm>>) target(%arg9 : memref<128xi32, #tpu.memory_space<vmem>>) target_semaphore(%arg14 : memref<!tpu.dma_semaphore, #tpu.memory_space<semaphore_mem>>)
        %add3A_111 = arith.constant 256 : i32
        %add3A_112 = arith.addi %multiple_of3A_89, %add3A_111 : i32
        %dma_start3A_113 = tpu.memref_slice %arg4[%add3A_112] : memref<323584xi32, #tpu.memory_space<hbm>> -> memref<128xi32, #tpu.memory_space<hbm>>
        %dma_start3A_114 = tpu.memref_slice %arg4[%add3A_112] : memref<323584xi32, #tpu.memory_space<hbm>> -> memref<128xi32, #tpu.memory_space<hbm>>
        tpu.enqueue_dma source(%dma_start3A_114 : memref<128xi32, #tpu.memory_space<hbm>>) target(%arg10 : memref<128xi32, #tpu.memory_space<vmem>>) target_semaphore(%arg14 : memref<!tpu.dma_semaphore, #tpu.memory_space<semaphore_mem>>)
      } else {
      }
    }
    %scan3A_43 = arith.constant 39 : i32
    %add3A_44 = arith.constant 78 : i32
    %add3A_45 = arith.addi %mul3A_2, %add3A_44 : i32
    %mul3A_46 = arith.constant 128 : i32
    %mul3A_47 = arith.muli %add3A_45, %mul3A_46 : i32
    %multiple_of3A_48 = tpu.assume_multiple %mul3A_47, 128 : i32
    %dma_wait3A = arith.constant 0 : i32
    %dma_wait3A_49 = arith.constant 0 : i32
    %dma_wait3A_50 = tpu.memref_slice %arg2[%dma_wait3A, %dma_wait3A_49] : memref<10240x128xf32, #tpu.memory_space<hbm>> -> memref<10240x128xf32, #tpu.memory_space<hbm>>
    tpu.wait_indirect_dma semaphore(%arg13 : memref<!tpu.dma_semaphore, #tpu.memory_space<semaphore_mem>>) src(%dma_wait3A_50 : memref<10240x128xf32, #tpu.memory_space<hbm>>) dst(%arg11 : memref<128x128xf32, #tpu.memory_space<vmem>>)
    "tpu.region"() ({
      %run_scoped3A = tpu.sem_alloc : memref<!tpu.dma_semaphore, #tpu.memory_space<semaphore_mem>>
      %dma_start3A_59 = arith.constant 0 : i32
      %dma_start3A_60 = arith.constant 0 : i32
      %dma_start3A_61 = tpu.memref_slice %arg6[%dma_start3A_59, %dma_start3A_60] : memref<10240x128xf32, #tpu.memory_space<vmem_shared>> -> memref<10240x128xf32, #tpu.memory_space<vmem_shared>>
      tpu.enqueue_indirect_dma source(%arg11 : memref<128x128xf32, #tpu.memory_space<vmem>>) target(%dma_start3A_61 : memref<10240x128xf32, #tpu.memory_space<vmem_shared>>) offsets(%arg8 : memref<128xi32, #tpu.memory_space<vmem>>) semaphore(%run_scoped3A : memref<!tpu.dma_semaphore, #tpu.memory_space<semaphore_mem>>) {add = true}
      %dma_wait3A_62 = arith.constant 0 : i32
      %dma_wait3A_63 = arith.constant 0 : i32
      %dma_wait3A_64 = tpu.memref_slice %arg6[%dma_wait3A_62, %dma_wait3A_63] : memref<10240x128xf32, #tpu.memory_space<vmem_shared>> -> memref<10240x128xf32, #tpu.memory_space<vmem_shared>>
      tpu.wait_indirect_dma semaphore(%run_scoped3A : memref<!tpu.dma_semaphore, #tpu.memory_space<semaphore_mem>>) src(%arg11 : memref<128x128xf32, #tpu.memory_space<vmem>>) dst(%dma_wait3A_64 : memref<10240x128xf32, #tpu.memory_space<vmem_shared>>)
      tpu.yield
    }) : () -> ()
    %barrier3A_51 = arith.constant 0 : index
    tpu.barrier barrier_id(%barrier3A_51)
    %mul3A_52 = arith.constant 640 : i32
    %mul3A_53 = arith.muli %arg1, %mul3A_52 : i32
    %mul3A_54 = arith.constant 10240 : i32
    %mul3A_55 = arith.muli %arg0, %mul3A_54 : i32
    %mul3A_56 = arith.constant 640 : i32
    %mul3A_57 = arith.muli %arg1, %mul3A_56 : i32
    %add3A_58 = arith.addi %mul3A_55, %mul3A_57 : i32
    "tpu.region"() ({
      %run_scoped3A = tpu.sem_alloc : memref<!tpu.dma_semaphore, #tpu.memory_space<semaphore_mem>>
      %dma_start3A_59 = arith.constant 0 : i32
      %dma_start3A_60 = tpu.memref_slice %arg5[%add3A_58, %dma_start3A_59] : memref<20480x128xf32, #tpu.memory_space<hbm>> -> memref<640x128xf32, #tpu.memory_space<hbm>>
      %dma_start3A_61 = arith.constant 0 : i32
      %dma_start3A_62 = tpu.memref_slice %arg6[%mul3A_53, %dma_start3A_61] : memref<10240x128xf32, #tpu.memory_space<vmem_shared>> -> memref<640x128xf32, #tpu.memory_space<vmem_shared>>
      tpu.enqueue_dma source(%dma_start3A_62 : memref<640x128xf32, #tpu.memory_space<vmem_shared>>) target(%dma_start3A_60 : memref<640x128xf32, #tpu.memory_space<hbm>>) target_semaphore(%run_scoped3A : memref<!tpu.dma_semaphore, #tpu.memory_space<semaphore_mem>>)
      %dma_wait3A_63 = arith.constant 0 : i32
      %dma_wait3A_64 = tpu.memref_slice %arg5[%add3A_58, %dma_wait3A_63] : memref<20480x128xf32, #tpu.memory_space<hbm>> -> memref<640x128xf32, #tpu.memory_space<hbm>>
      %dma_wait3A_65 = arith.constant 0 : i32
      %dma_wait3A_66 = tpu.memref_slice %arg6[%mul3A_53, %dma_wait3A_65] : memref<10240x128xf32, #tpu.memory_space<vmem_shared>> -> memref<640x128xf32, #tpu.memory_space<vmem_shared>>
      tpu.wait_dma2 semaphore(%run_scoped3A : memref<!tpu.dma_semaphore, #tpu.memory_space<semaphore_mem>>) src(%dma_wait3A_66 : memref<640x128xf32, #tpu.memory_space<vmem_shared>>) dst(%dma_wait3A_64 : memref<640x128xf32, #tpu.memory_space<hbm>>)
      tpu.yield
    }) : () -> ()
    return
  }
}

module attributes {stable_mosaic.version = 14 : i64} {
  func.func @_tc1_body(%arg0: i32, %arg1: memref<1024x16xf32, #tpu.memory_space<vmem>>, %arg2: memref<16x128xf32, #tpu.memory_space<vmem>>, %arg3: memref<1x128xf32, #tpu.memory_space<vmem>>, %arg4: memref<1x128xf32, #tpu.memory_space<vmem>>, %arg5: memref<1024x128xf32, #tpu.memory_space<vmem>>, %arg6: memref<1024x1xf32, #tpu.memory_space<vmem>>, %arg7: memref<1024x1xf32, #tpu.memory_space<vmem>>) attributes {dimension_semantics = [#tpu.dimension_semantics<arbitrary>], iteration_bounds = array<i64: 10>, scalar_prefetch = 0 : i64, scratch_operands = 0 : i64, tpu.core_type = #tpu.core_type<tc>, window_params = [{transform_indices = @transform_0, window_bounds = array<i64: 1024, 16>}, {pipeline_mode = #tpu.pipeline_mode<synchronous>, transform_indices = @transform_1, window_bounds = array<i64: 16, 128>}, {pipeline_mode = #tpu.pipeline_mode<synchronous>, transform_indices = @transform_2, window_bounds = array<i64: 1, 128>}, {pipeline_mode = #tpu.pipeline_mode<synchronous>, transform_indices = @transform_3, window_bounds = array<i64: 1, 128>}, {transform_indices = @transform_4, window_bounds = array<i64: 1024, 128>}, {transform_indices = @transform_5, window_bounds = array<i64: 1024, 1>}, {transform_indices = @transform_6, window_bounds = array<i64: 1024, 1>}]} {
    %get3A = arith.constant 0 : index
    %get3A_0 = arith.constant 0 : index
    %get3A_1 = vector.load %arg1[%get3A, %get3A_0] : memref<1024x16xf32, #tpu.memory_space<vmem>>, vector<1024x16xf32>
    %get3A_2 = arith.constant 0 : index
    %get3A_3 = arith.constant 0 : index
    %get3A_4 = vector.load %arg2[%get3A_2, %get3A_3] : memref<16x128xf32, #tpu.memory_space<vmem>>, vector<16x128xf32>
    %dot_general3A = arith.constant dense<0.000000e+00> : vector<1024x128xf32>
    %dot_general3A_5 = tpu.matmul %get3A_1, %get3A_4, %dot_general3A {dimension_numbers = #tpu.dot_dimension_numbers<[1], [0], [0], [1], [0, 0, 1, 1], [], []>, transpose_lhs_hint = false} : vector<1024x16xf32>, vector<16x128xf32>, vector<1024x128xf32> -> vector<1024x128xf32>
    %swap3A = arith.constant 0 : index
    %swap3A_6 = arith.constant 0 : index
    %swap3A_7 = vector.load %arg5[%swap3A, %swap3A_6] : memref<1024x128xf32, #tpu.memory_space<vmem>>, vector<1024x128xf32>
    tpu.vector_store %arg5[%swap3A, %swap3A_6], %dot_general3A_5 {strides = array<i32>} : memref<1024x128xf32, #tpu.memory_space<vmem>>, vector<1024x128xf32>,
    %get3A_8 = arith.constant 0 : index
    %get3A_9 = arith.constant 0 : index
    %get3A_10 = vector.load %arg3[%get3A_8, %get3A_9] : memref<1x128xf32, #tpu.memory_space<vmem>>, vector<1x128xf32>
    %mul3A = vector.broadcast %get3A_10 : vector<1x128xf32> to vector<1024x128xf32>
    %mul3A_11 = arith.mulf %dot_general3A_5, %mul3A : vector<1024x128xf32>
    %reduce_sum3A = arith.constant dense<0.000000e+00> : vector<1024xf32>
    %reduce_sum3A_12 = vector.multi_reduction <add>, %mul3A_11, %reduce_sum3A [1] : vector<1024x128xf32> to vector<1024xf32>
    %broadcast_in_dim3A = vector.shape_cast %reduce_sum3A_12 : vector<1024xf32> to vector<1024x1xf32>
    %swap3A_13 = arith.constant 0 : index
    %swap3A_14 = arith.constant 0 : index
    %swap3A_15 = vector.load %arg6[%swap3A_13, %swap3A_14] : memref<1024x1xf32, #tpu.memory_space<vmem>>, vector<1024x1xf32>
    tpu.vector_store %arg6[%swap3A_13, %swap3A_14], %broadcast_in_dim3A {strides = array<i32>} : memref<1024x1xf32, #tpu.memory_space<vmem>>, vector<1024x1xf32>,
    %get3A_16 = arith.constant 0 : index
    %get3A_17 = arith.constant 0 : index
    %get3A_18 = vector.load %arg4[%get3A_16, %get3A_17] : memref<1x128xf32, #tpu.memory_space<vmem>>, vector<1x128xf32>
    %mul3A_19 = vector.broadcast %get3A_18 : vector<1x128xf32> to vector<1024x128xf32>
    %mul3A_20 = arith.mulf %dot_general3A_5, %mul3A_19 : vector<1024x128xf32>
    %reduce_sum3A_21 = arith.constant dense<0.000000e+00> : vector<1024xf32>
    %reduce_sum3A_22 = vector.multi_reduction <add>, %mul3A_20, %reduce_sum3A_21 [1] : vector<1024x128xf32> to vector<1024xf32>
    %broadcast_in_dim3A_23 = vector.shape_cast %reduce_sum3A_22 : vector<1024xf32> to vector<1024x1xf32>
    %swap3A_24 = arith.constant 0 : index
    %swap3A_25 = arith.constant 0 : index
    %swap3A_26 = vector.load %arg7[%swap3A_24, %swap3A_25] : memref<1024x1xf32, #tpu.memory_space<vmem>>, vector<1024x1xf32>
    tpu.vector_store %arg7[%swap3A_24, %swap3A_25], %broadcast_in_dim3A_23 {strides = array<i32>} : memref<1024x1xf32, #tpu.memory_space<vmem>>, vector<1024x1xf32>,
    return
  }
  func.func @transform_0(%arg0: i32) -> (i32, i32) {
    %c0_i32 = arith.constant 0 : i32
    %c0_i32_0 = arith.constant 0 : i32
    return %arg0, %c0_i32 : i32, i32
  }
  func.func @transform_1(%arg0: i32) -> (i32, i32) {
    %c0_i32 = arith.constant 0 : i32
    %c0_i32_0 = arith.constant 0 : i32
    %c0_i32_1 = arith.constant 0 : i32
    return %c0_i32, %c0_i32_0 : i32, i32
  }
  func.func @transform_2(%arg0: i32) -> (i32, i32) {
    %c0_i32 = arith.constant 0 : i32
    %c0_i32_0 = arith.constant 0 : i32
    %c0_i32_1 = arith.constant 0 : i32
    return %c0_i32, %c0_i32_0 : i32, i32
  }
  func.func @transform_3(%arg0: i32) -> (i32, i32) {
    %c0_i32 = arith.constant 0 : i32
    %c0_i32_0 = arith.constant 0 : i32
    %c0_i32_1 = arith.constant 0 : i32
    return %c0_i32, %c0_i32_0 : i32, i32
  }
  func.func @transform_4(%arg0: i32) -> (i32, i32) {
    %c0_i32 = arith.constant 0 : i32
    %c0_i32_0 = arith.constant 0 : i32
    return %arg0, %c0_i32 : i32, i32
  }
  func.func @transform_5(%arg0: i32) -> (i32, i32) {
    %c0_i32 = arith.constant 0 : i32
    %c0_i32_0 = arith.constant 0 : i32
    return %arg0, %c0_i32 : i32, i32
  }
  func.func @transform_6(%arg0: i32) -> (i32, i32) {
    %c0_i32 = arith.constant 0 : i32
    %c0_i32_0 = arith.constant 0 : i32
    return %arg0, %c0_i32 : i32, i32
  }
}

module attributes {stable_mosaic.version = 14 : i64} {
  func.func @_tcb_body(%arg0: i32, %arg1: memref<4096x1xf32, #tpu.memory_space<vmem>>, %arg2: memref<4096x16xf32, #tpu.memory_space<vmem>>) attributes {dimension_semantics = [#tpu.dimension_semantics<arbitrary>], iteration_bounds = array<i64: 79>, scalar_prefetch = 0 : i64, scratch_operands = 0 : i64, tpu.core_type = #tpu.core_type<tc>, window_params = [{transform_indices = @transform_0, window_bounds = array<i64: 4096, 1>}, {transform_indices = @transform_1, window_bounds = array<i64: 4096, 16>}]} {
    %get3A = arith.constant 0 : index
    %get3A_0 = arith.constant 0 : index
    %get3A_1 = vector.load %arg1[%get3A, %get3A_0] : memref<4096x1xf32, #tpu.memory_space<vmem>>, vector<4096x1xf32>
    %broadcast_in_dim3A = vector.shape_cast %get3A_1 : vector<4096x1xf32> to vector<4096x1xf32>
    %broadcast_in_dim3A_2 = vector.broadcast %broadcast_in_dim3A : vector<4096x1xf32> to vector<4096x16xf32>
    %swap3A = arith.constant 0 : index
    %swap3A_3 = arith.constant 0 : index
    %swap3A_4 = vector.load %arg2[%swap3A, %swap3A_3] : memref<4096x16xf32, #tpu.memory_space<vmem>>, vector<4096x16xf32>
    tpu.vector_store %arg2[%swap3A, %swap3A_3], %broadcast_in_dim3A_2 {strides = array<i32>} : memref<4096x16xf32, #tpu.memory_space<vmem>>, vector<4096x16xf32>,
    return
  }
  func.func @transform_0(%arg0: i32) -> (i32, i32) {
    %c0_i32 = arith.constant 0 : i32
    %c0_i32_0 = arith.constant 0 : i32
    return %arg0, %c0_i32 : i32, i32
  }
  func.func @transform_1(%arg0: i32) -> (i32, i32) {
    %c0_i32 = arith.constant 0 : i32
    %c0_i32_0 = arith.constant 0 : i32
    return %arg0, %c0_i32 : i32, i32
  }
}

module attributes {stable_mosaic.version = 14 : i64} {
  func.func @_tc2_body(%arg0: i32, %arg1: memref<2x1024x128xf32, #tpu.memory_space<vmem>>, %arg2: memref<2x1024x1xf32, #tpu.memory_space<vmem>>, %arg3: memref<2x1024x1xf32, #tpu.memory_space<vmem>>, %arg4: memref<1024x128xf32, #tpu.memory_space<vmem>>, %arg5: memref<1024x1xf32, #tpu.memory_space<vmem>>) attributes {dimension_semantics = [#tpu.dimension_semantics<arbitrary>], iteration_bounds = array<i64: 10>, scalar_prefetch = 0 : i64, scratch_operands = 0 : i64, tpu.core_type = #tpu.core_type<tc>, window_params = [{transform_indices = @transform_0, window_bounds = array<i64: 2, 1024, 128>}, {transform_indices = @transform_1, window_bounds = array<i64: 2, 1024, 1>}, {transform_indices = @transform_2, window_bounds = array<i64: 2, 1024, 1>}, {transform_indices = @transform_3, window_bounds = array<i64: 1024, 128>}, {transform_indices = @transform_4, window_bounds = array<i64: 1024, 1>}]} {
    %get3A = arith.constant 0 : index
    %get3A_0 = arith.constant 0 : index
    %get3A_1 = arith.constant 0 : index
    %get3A_2 = vector.load %arg1[%get3A, %get3A_0, %get3A_1] : memref<2x1024x128xf32, #tpu.memory_space<vmem>>, vector<1x1024x128xf32>
    %get3A_3 = vector.shape_cast %get3A_2 : vector<1x1024x128xf32> to vector<1024x128xf32>
    %get3A_4 = arith.constant 1 : index
    %get3A_5 = arith.constant 0 : index
    %get3A_6 = arith.constant 0 : index
    %get3A_7 = vector.load %arg1[%get3A_4, %get3A_5, %get3A_6] : memref<2x1024x128xf32, #tpu.memory_space<vmem>>, vector<1x1024x128xf32>
    %get3A_8 = vector.shape_cast %get3A_7 : vector<1x1024x128xf32> to vector<1024x128xf32>
    %add3A = arith.addf %get3A_3, %get3A_8 : vector<1024x128xf32>
    %get3A_9 = arith.constant 0 : index
    %get3A_10 = arith.constant 0 : index
    %get3A_11 = arith.constant 0 : index
    %get3A_12 = vector.load %arg2[%get3A_9, %get3A_10, %get3A_11] : memref<2x1024x1xf32, #tpu.memory_space<vmem>>, vector<1x1024x1xf32>
    %get3A_13 = vector.shape_cast %get3A_12 : vector<1x1024x1xf32> to vector<1024x1xf32>
    %get3A_14 = arith.constant 1 : index
    %get3A_15 = arith.constant 0 : index
    %get3A_16 = arith.constant 0 : index
    %get3A_17 = vector.load %arg2[%get3A_14, %get3A_15, %get3A_16] : memref<2x1024x1xf32, #tpu.memory_space<vmem>>, vector<1x1024x1xf32>
    %get3A_18 = vector.shape_cast %get3A_17 : vector<1x1024x1xf32> to vector<1024x1xf32>
    %add3A_19 = arith.addf %get3A_13, %get3A_18 : vector<1024x1xf32>
    %get3A_20 = arith.constant 0 : index
    %get3A_21 = arith.constant 0 : index
    %get3A_22 = arith.constant 0 : index
    %get3A_23 = vector.load %arg3[%get3A_20, %get3A_21, %get3A_22] : memref<2x1024x1xf32, #tpu.memory_space<vmem>>, vector<1x1024x1xf32>
    %get3A_24 = vector.shape_cast %get3A_23 : vector<1x1024x1xf32> to vector<1024x1xf32>
    %get3A_25 = arith.constant 1 : index
    %get3A_26 = arith.constant 0 : index
    %get3A_27 = arith.constant 0 : index
    %get3A_28 = vector.load %arg3[%get3A_25, %get3A_26, %get3A_27] : memref<2x1024x1xf32, #tpu.memory_space<vmem>>, vector<1x1024x1xf32>
    %get3A_29 = vector.shape_cast %get3A_28 : vector<1x1024x1xf32> to vector<1024x1xf32>
    %add3A_30 = arith.addf %get3A_24, %get3A_29 : vector<1024x1xf32>
    %add3A_31 = arith.constant 1.000000e-16 : f32
    %add3A_32 = vector.broadcast %add3A_31 : f32 to vector<1024x1xf32>
    %add3A_33 = arith.addf %add3A_19, %add3A_32 : vector<1024x1xf32>
    %div3A = vector.broadcast %add3A_33 : vector<1024x1xf32> to vector<1024x128xf32>
    %div3A_34 = arith.divf %add3A, %div3A : vector<1024x128xf32>
    %gt3A = arith.constant 0.000000e+00 : f32
    %gt3A_35 = vector.broadcast %gt3A : f32 to vector<1024x128xf32>
    %gt3A_36 = arith.cmpf ogt, %div3A_34, %gt3A_35 : vector<1024x128xf32>
    %min3A = arith.constant 0.000000e+00 : f32
    %min3A_37 = vector.broadcast %min3A : f32 to vector<1024x128xf32>
    %min3A_38 = arith.minimumf %div3A_34, %min3A_37 : vector<1024x128xf32>
    %exp3A = math.exp %min3A_38 : vector<1024x128xf32>
    %sub3A = arith.constant 1.000000e+00 : f32
    %sub3A_39 = vector.broadcast %sub3A : f32 to vector<1024x128xf32>
    %sub3A_40 = arith.subf %exp3A, %sub3A_39 : vector<1024x128xf32>
    %select_n3A = arith.select %gt3A_36, %div3A_34, %sub3A_40 : vector<1024x128xi1>, vector<1024x128xf32>
    %add3A_41 = arith.constant 1.000000e+00 : f32
    %add3A_42 = vector.broadcast %add3A_41 : f32 to vector<1024x1xf32>
    %add3A_43 = arith.addf %add3A_30, %add3A_42 : vector<1024x1xf32>
    %rsqrt3A = math.rsqrt %add3A_43 : vector<1024x1xf32>
    %mul3A = vector.broadcast %rsqrt3A : vector<1024x1xf32> to vector<1024x128xf32>
    %mul3A_44 = arith.mulf %select_n3A, %mul3A : vector<1024x128xf32>
    %swap3A = arith.constant 0 : index
    %swap3A_45 = arith.constant 0 : index
    %swap3A_46 = vector.load %arg4[%swap3A, %swap3A_45] : memref<1024x128xf32, #tpu.memory_space<vmem>>, vector<1024x128xf32>
    tpu.vector_store %arg4[%swap3A, %swap3A_45], %mul3A_44 {strides = array<i32>} : memref<1024x128xf32, #tpu.memory_space<vmem>>, vector<1024x128xf32>,
    %swap3A_47 = arith.constant 0 : index
    %swap3A_48 = arith.constant 0 : index
    %swap3A_49 = vector.load %arg5[%swap3A_47, %swap3A_48] : memref<1024x1xf32, #tpu.memory_space<vmem>>, vector<1024x1xf32>
    tpu.vector_store %arg5[%swap3A_47, %swap3A_48], %rsqrt3A {strides = array<i32>} : memref<1024x1xf32, #tpu.memory_space<vmem>>, vector<1024x1xf32>,
    return
  }
  func.func @transform_0(%arg0: i32) -> (i32, i32, i32) {
    %c0_i32 = arith.constant 0 : i32
    %c0_i32_0 = arith.constant 0 : i32
    %c0_i32_1 = arith.constant 0 : i32
    return %c0_i32, %arg0, %c0_i32_0 : i32, i32, i32
  }
  func.func @transform_1(%arg0: i32) -> (i32, i32, i32) {
    %c0_i32 = arith.constant 0 : i32
    %c0_i32_0 = arith.constant 0 : i32
    %c0_i32_1 = arith.constant 0 : i32
    return %c0_i32, %arg0, %c0_i32_0 : i32, i32, i32
  }
  func.func @transform_2(%arg0: i32) -> (i32, i32, i32) {
    %c0_i32 = arith.constant 0 : i32
    %c0_i32_0 = arith.constant 0 : i32
    %c0_i32_1 = arith.constant 0 : i32
    return %c0_i32, %arg0, %c0_i32_0 : i32, i32, i32
  }
  func.func @transform_3(%arg0: i32) -> (i32, i32) {
    %c0_i32 = arith.constant 0 : i32
    %c0_i32_0 = arith.constant 0 : i32
    return %arg0, %c0_i32 : i32, i32
  }
  func.func @transform_4(%arg0: i32) -> (i32, i32) {
    %c0_i32 = arith.constant 0 : i32
    %c0_i32_0 = arith.constant 0 : i32
    return %arg0, %c0_i32 : i32, i32
  }
}

module attributes {stable_mosaic.version = 14 : i64} {
  func.func @_tc3_body(%arg0: i32, %arg1: memref<2x1024x128xf32, #tpu.memory_space<vmem>>, %arg2: memref<1024x128xf32, #tpu.memory_space<vmem>>, %arg3: memref<1024x1xf32, #tpu.memory_space<vmem>>, %arg4: memref<128x128xf32, #tpu.memory_space<vmem>>, %arg5: memref<1x128xf32, #tpu.memory_space<vmem>>, %arg6: memref<1024x128xf32, #tpu.memory_space<vmem>>) attributes {dimension_semantics = [#tpu.dimension_semantics<arbitrary>], iteration_bounds = array<i64: 10>, scalar_prefetch = 0 : i64, scratch_operands = 0 : i64, tpu.core_type = #tpu.core_type<tc>, window_params = [{transform_indices = @transform_0, window_bounds = array<i64: 2, 1024, 128>}, {transform_indices = @transform_1, window_bounds = array<i64: 1024, 128>}, {transform_indices = @transform_2, window_bounds = array<i64: 1024, 1>}, {pipeline_mode = #tpu.pipeline_mode<synchronous>, transform_indices = @transform_3, window_bounds = array<i64: 128, 128>}, {pipeline_mode = #tpu.pipeline_mode<synchronous>, transform_indices = @transform_4, window_bounds = array<i64: 1, 128>}, {transform_indices = @transform_5, window_bounds = array<i64: 1024, 128>}]} {
    %get3A = arith.constant 0 : index
    %get3A_0 = arith.constant 0 : index
    %get3A_1 = arith.constant 0 : index
    %get3A_2 = vector.load %arg1[%get3A, %get3A_0, %get3A_1] : memref<2x1024x128xf32, #tpu.memory_space<vmem>>, vector<1x1024x128xf32>
    %get3A_3 = vector.shape_cast %get3A_2 : vector<1x1024x128xf32> to vector<1024x128xf32>
    %get3A_4 = arith.constant 1 : index
    %get3A_5 = arith.constant 0 : index
    %get3A_6 = arith.constant 0 : index
    %get3A_7 = vector.load %arg1[%get3A_4, %get3A_5, %get3A_6] : memref<2x1024x128xf32, #tpu.memory_space<vmem>>, vector<1x1024x128xf32>
    %get3A_8 = vector.shape_cast %get3A_7 : vector<1x1024x128xf32> to vector<1024x128xf32>
    %add3A = arith.addf %get3A_3, %get3A_8 : vector<1024x128xf32>
    %get3A_9 = arith.constant 0 : index
    %get3A_10 = arith.constant 0 : index
    %get3A_11 = vector.load %arg2[%get3A_9, %get3A_10] : memref<1024x128xf32, #tpu.memory_space<vmem>>, vector<1024x128xf32>
    %add3A_12 = arith.addf %add3A, %get3A_11 : vector<1024x128xf32>
    %get3A_13 = arith.constant 0 : index
    %get3A_14 = arith.constant 0 : index
    %get3A_15 = vector.load %arg3[%get3A_13, %get3A_14] : memref<1024x1xf32, #tpu.memory_space<vmem>>, vector<1024x1xf32>
    %mul3A = vector.broadcast %get3A_15 : vector<1024x1xf32> to vector<1024x128xf32>
    %mul3A_16 = arith.mulf %mul3A, %add3A_12 : vector<1024x128xf32>
    %get3A_17 = arith.constant 0 : index
    %get3A_18 = arith.constant 0 : index
    %get3A_19 = vector.load %arg4[%get3A_17, %get3A_18] : memref<128x128xf32, #tpu.memory_space<vmem>>, vector<128x128xf32>
    %dot_general3A = arith.constant dense<0.000000e+00> : vector<1024x128xf32>
    %dot_general3A_20 = tpu.matmul %mul3A_16, %get3A_19, %dot_general3A {dimension_numbers = #tpu.dot_dimension_numbers<[1], [0], [0], [1], [0, 0, 1, 1], [], []>, transpose_lhs_hint = false} : vector<1024x128xf32>, vector<128x128xf32>, vector<1024x128xf32> -> vector<1024x128xf32>
    %get3A_21 = arith.constant 0 : index
    %get3A_22 = arith.constant 0 : index
    %get3A_23 = vector.load %arg5[%get3A_21, %get3A_22] : memref<1x128xf32, #tpu.memory_space<vmem>>, vector<1x128xf32>
    %add3A_24 = vector.broadcast %get3A_23 : vector<1x128xf32> to vector<1024x128xf32>
    %add3A_25 = arith.addf %dot_general3A_20, %add3A_24 : vector<1024x128xf32>
    %max3A = arith.constant 0.000000e+00 : f32
    %max3A_26 = vector.broadcast %max3A : f32 to vector<1024x128xf32>
    %max3A_27 = arith.maximumf %add3A_25, %max3A_26 : vector<1024x128xf32>
    %get3A_28 = arith.constant 0 : index
    %get3A_29 = arith.constant 0 : index
    %get3A_30 = vector.load %arg3[%get3A_28, %get3A_29] : memref<1024x1xf32, #tpu.memory_space<vmem>>, vector<1024x1xf32>
    %mul3A_31 = vector.broadcast %get3A_30 : vector<1024x1xf32> to vector<1024x128xf32>
    %mul3A_32 = arith.mulf %max3A_27, %mul3A_31 : vector<1024x128xf32>
    %swap3A = arith.constant 0 : index
    %swap3A_33 = arith.constant 0 : index
    %swap3A_34 = vector.load %arg6[%swap3A, %swap3A_33] : memref<1024x128xf32, #tpu.memory_space<vmem>>, vector<1024x128xf32>
    tpu.vector_store %arg6[%swap3A, %swap3A_33], %mul3A_32 {strides = array<i32>} : memref<1024x128xf32, #tpu.memory_space<vmem>>, vector<1024x128xf32>,
    return
  }
  func.func @transform_0(%arg0: i32) -> (i32, i32, i32) {
    %c0_i32 = arith.constant 0 : i32
    %c0_i32_0 = arith.constant 0 : i32
    %c0_i32_1 = arith.constant 0 : i32
    return %c0_i32, %arg0, %c0_i32_0 : i32, i32, i32
  }
  func.func @transform_1(%arg0: i32) -> (i32, i32) {
    %c0_i32 = arith.constant 0 : i32
    %c0_i32_0 = arith.constant 0 : i32
    return %arg0, %c0_i32 : i32, i32
  }
  func.func @transform_2(%arg0: i32) -> (i32, i32) {
    %c0_i32 = arith.constant 0 : i32
    %c0_i32_0 = arith.constant 0 : i32
    return %arg0, %c0_i32 : i32, i32
  }
  func.func @transform_3(%arg0: i32) -> (i32, i32) {
    %c0_i32 = arith.constant 0 : i32
    %c0_i32_0 = arith.constant 0 : i32
    %c0_i32_1 = arith.constant 0 : i32
    return %c0_i32, %c0_i32_0 : i32, i32
  }
  func.func @transform_4(%arg0: i32) -> (i32, i32) {
    %c0_i32 = arith.constant 0 : i32
    %c0_i32_0 = arith.constant 0 : i32
    %c0_i32_1 = arith.constant 0 : i32
    return %c0_i32, %c0_i32_0 : i32, i32
  }
  func.func @transform_5(%arg0: i32) -> (i32, i32) {
    %c0_i32 = arith.constant 0 : i32
    %c0_i32_0 = arith.constant 0 : i32
    return %arg0, %c0_i32 : i32, i32
  }
}

module attributes {stable_mosaic.version = 14 : i64} {
  func.func @_tc4_body(%arg0: i32, %arg1: memref<2x1024x128xf32, #tpu.memory_space<vmem>>, %arg2: memref<1024x128xf32, #tpu.memory_space<vmem>>, %arg3: memref<1024x1xf32, #tpu.memory_space<vmem>>, %arg4: memref<128x128xf32, #tpu.memory_space<vmem>>, %arg5: memref<1x128xf32, #tpu.memory_space<vmem>>, %arg6: memref<128x128xf32, #tpu.memory_space<vmem>>, %arg7: memref<1x128xf32, #tpu.memory_space<vmem>>, %arg8: memref<128x128xf32, #tpu.memory_space<vmem>>, %arg9: memref<1x128xf32, #tpu.memory_space<vmem>>, %arg10: memref<128x128xf32, #tpu.memory_space<vmem>>, %arg11: memref<1x128xf32, #tpu.memory_space<vmem>>, %arg12: memref<1024x1xi32, #tpu.memory_space<vmem>>, %arg13: memref<256x128xf32, #tpu.memory_space<vmem>>) attributes {dimension_semantics = [#tpu.dimension_semantics<arbitrary>], iteration_bounds = array<i64: 10>, scalar_prefetch = 0 : i64, scratch_operands = 0 : i64, tpu.core_type = #tpu.core_type<tc>, window_params = [{transform_indices = @transform_0, window_bounds = array<i64: 2, 1024, 128>}, {transform_indices = @transform_1, window_bounds = array<i64: 1024, 128>}, {transform_indices = @transform_2, window_bounds = array<i64: 1024, 1>}, {pipeline_mode = #tpu.pipeline_mode<synchronous>, transform_indices = @transform_3, window_bounds = array<i64: 128, 128>}, {pipeline_mode = #tpu.pipeline_mode<synchronous>, transform_indices = @transform_4, window_bounds = array<i64: 1, 128>}, {pipeline_mode = #tpu.pipeline_mode<synchronous>, transform_indices = @transform_5, window_bounds = array<i64: 128, 128>}, {pipeline_mode = #tpu.pipeline_mode<synchronous>, transform_indices = @transform_6, window_bounds = array<i64: 1, 128>}, {pipeline_mode = #tpu.pipeline_mode<synchronous>, transform_indices = @transform_7, window_bounds = array<i64: 128, 128>}, {pipeline_mode = #tpu.pipeline_mode<synchronous>, transform_indices = @transform_8, window_bounds = array<i64: 1, 128>}, {pipeline_mode = #tpu.pipeline_mode<synchronous>, transform_indices = @transform_9, window_bounds = array<i64: 128, 128>}, {pipeline_mode = #tpu.pipeline_mode<synchronous>, transform_indices = @transform_10, window_bounds = array<i64: 1, 128>}, {transform_indices = @transform_11, window_bounds = array<i64: 1024, 1>}, {pipeline_mode = #tpu.pipeline_mode<synchronous>, transform_indices = @transform_12, window_bounds = array<i64: 256, 128>}]} {
    %get3A = arith.constant 0 : index
    %get3A_0 = arith.constant 0 : index
    %get3A_1 = arith.constant 0 : index
    %get3A_2 = vector.load %arg1[%get3A, %get3A_0, %get3A_1] : memref<2x1024x128xf32, #tpu.memory_space<vmem>>, vector<1x1024x128xf32>
    %get3A_3 = vector.shape_cast %get3A_2 : vector<1x1024x128xf32> to vector<1024x128xf32>
    %get3A_4 = arith.constant 1 : index
    %get3A_5 = arith.constant 0 : index
    %get3A_6 = arith.constant 0 : index
    %get3A_7 = vector.load %arg1[%get3A_4, %get3A_5, %get3A_6] : memref<2x1024x128xf32, #tpu.memory_space<vmem>>, vector<1x1024x128xf32>
    %get3A_8 = vector.shape_cast %get3A_7 : vector<1x1024x128xf32> to vector<1024x128xf32>
    %add3A = arith.addf %get3A_3, %get3A_8 : vector<1024x128xf32>
    %get3A_9 = arith.constant 0 : index
    %get3A_10 = arith.constant 0 : index
    %get3A_11 = vector.load %arg2[%get3A_9, %get3A_10] : memref<1024x128xf32, #tpu.memory_space<vmem>>, vector<1024x128xf32>
    %add3A_12 = arith.addf %add3A, %get3A_11 : vector<1024x128xf32>
    %get3A_13 = arith.constant 0 : index
    %get3A_14 = arith.constant 0 : index
    %get3A_15 = vector.load %arg3[%get3A_13, %get3A_14] : memref<1024x1xf32, #tpu.memory_space<vmem>>, vector<1024x1xf32>
    %mul3A = vector.broadcast %get3A_15 : vector<1024x1xf32> to vector<1024x128xf32>
    %mul3A_16 = arith.mulf %mul3A, %add3A_12 : vector<1024x128xf32>
    %get3A_17 = arith.constant 0 : index
    %get3A_18 = arith.constant 0 : index
    %get3A_19 = vector.load %arg4[%get3A_17, %get3A_18] : memref<128x128xf32, #tpu.memory_space<vmem>>, vector<128x128xf32>
    %dot_general3A = arith.constant dense<0.000000e+00> : vector<1024x128xf32>
    %dot_general3A_20 = tpu.matmul %mul3A_16, %get3A_19, %dot_general3A {dimension_numbers = #tpu.dot_dimension_numbers<[1], [0], [0], [1], [0, 0, 1, 1], [], []>, transpose_lhs_hint = false} : vector<1024x128xf32>, vector<128x128xf32>, vector<1024x128xf32> -> vector<1024x128xf32>
    %get3A_21 = arith.constant 0 : index
    %get3A_22 = arith.constant 0 : index
    %get3A_23 = vector.load %arg5[%get3A_21, %get3A_22] : memref<1x128xf32, #tpu.memory_space<vmem>>, vector<1x128xf32>
    %add3A_24 = vector.broadcast %get3A_23 : vector<1x128xf32> to vector<1024x128xf32>
    %add3A_25 = arith.addf %dot_general3A_20, %add3A_24 : vector<1024x128xf32>
    %max3A = arith.constant 0.000000e+00 : f32
    %max3A_26 = vector.broadcast %max3A : f32 to vector<1024x128xf32>
    %max3A_27 = arith.maximumf %add3A_25, %max3A_26 : vector<1024x128xf32>
    %get3A_28 = arith.constant 0 : index
    %get3A_29 = arith.constant 0 : index
    %get3A_30 = vector.load %arg6[%get3A_28, %get3A_29] : memref<128x128xf32, #tpu.memory_space<vmem>>, vector<128x128xf32>
    %dot_general3A_31 = arith.constant dense<0.000000e+00> : vector<1024x128xf32>
    %dot_general3A_32 = tpu.matmul %max3A_27, %get3A_30, %dot_general3A_31 {dimension_numbers = #tpu.dot_dimension_numbers<[1], [0], [0], [1], [0, 0, 1, 1], [], []>, transpose_lhs_hint = false} : vector<1024x128xf32>, vector<128x128xf32>, vector<1024x128xf32> -> vector<1024x128xf32>
    %get3A_33 = arith.constant 0 : index
    %get3A_34 = arith.constant 0 : index
    %get3A_35 = vector.load %arg7[%get3A_33, %get3A_34] : memref<1x128xf32, #tpu.memory_space<vmem>>, vector<1x128xf32>
    %add3A_36 = vector.broadcast %get3A_35 : vector<1x128xf32> to vector<1024x128xf32>
    %add3A_37 = arith.addf %dot_general3A_32, %add3A_36 : vector<1024x128xf32>
    %max3A_38 = arith.constant 0.000000e+00 : f32
    %max3A_39 = vector.broadcast %max3A_38 : f32 to vector<1024x128xf32>
    %max3A_40 = arith.maximumf %add3A_37, %max3A_39 : vector<1024x128xf32>
    %get3A_41 = arith.constant 0 : index
    %get3A_42 = arith.constant 0 : index
    %get3A_43 = vector.load %arg8[%get3A_41, %get3A_42] : memref<128x128xf32, #tpu.memory_space<vmem>>, vector<128x128xf32>
    %dot_general3A_44 = arith.constant dense<0.000000e+00> : vector<1024x128xf32>
    %dot_general3A_45 = tpu.matmul %max3A_40, %get3A_43, %dot_general3A_44 {dimension_numbers = #tpu.dot_dimension_numbers<[1], [0], [0], [1], [0, 0, 1, 1], [], []>, transpose_lhs_hint = false} : vector<1024x128xf32>, vector<128x128xf32>, vector<1024x128xf32> -> vector<1024x128xf32>
    %get3A_46 = arith.constant 0 : index
    %get3A_47 = arith.constant 0 : index
    %get3A_48 = vector.load %arg9[%get3A_46, %get3A_47] : memref<1x128xf32, #tpu.memory_space<vmem>>, vector<1x128xf32>
    %add3A_49 = vector.broadcast %get3A_48 : vector<1x128xf32> to vector<1024x128xf32>
    %add3A_50 = arith.addf %dot_general3A_45, %add3A_49 : vector<1024x128xf32>
    %max3A_51 = arith.constant 0.000000e+00 : f32
    %max3A_52 = vector.broadcast %max3A_51 : f32 to vector<1024x128xf32>
    %max3A_53 = arith.maximumf %add3A_50, %max3A_52 : vector<1024x128xf32>
    %get3A_54 = arith.constant 0 : index
    %get3A_55 = arith.constant 0 : index
    %get3A_56 = vector.load %arg10[%get3A_54, %get3A_55] : memref<128x128xf32, #tpu.memory_space<vmem>>, vector<128x128xf32>
    %dot_general3A_57 = arith.constant dense<0.000000e+00> : vector<1024x128xf32>
    %dot_general3A_58 = tpu.matmul %max3A_53, %get3A_56, %dot_general3A_57 {dimension_numbers = #tpu.dot_dimension_numbers<[1], [0], [0], [1], [0, 0, 1, 1], [], []>, transpose_lhs_hint = false} : vector<1024x128xf32>, vector<128x128xf32>, vector<1024x128xf32> -> vector<1024x128xf32>
    %get3A_59 = arith.constant 0 : index
    %get3A_60 = arith.constant 0 : index
    %get3A_61 = vector.load %arg11[%get3A_59, %get3A_60] : memref<1x128xf32, #tpu.memory_space<vmem>>, vector<1x128xf32>
    %add3A_62 = vector.broadcast %get3A_61 : vector<1x128xf32> to vector<1024x128xf32>
    %add3A_63 = arith.addf %dot_general3A_58, %add3A_62 : vector<1024x128xf32>
    %max3A_64 = arith.constant 0.000000e+00 : f32
    %max3A_65 = vector.broadcast %max3A_64 : f32 to vector<1024x128xf32>
    %max3A_66 = arith.maximumf %add3A_63, %max3A_65 : vector<1024x128xf32>
    %iota3A = tpu.iota {dimensions = array<i32: 1>} : vector<1024x256xi32>
    %get3A_67 = arith.constant 0 : index
    %get3A_68 = arith.constant 0 : index
    %get3A_69 = vector.load %arg12[%get3A_67, %get3A_68] : memref<1024x1xi32, #tpu.memory_space<vmem>>, vector<1024x1xi32>
    %eq3A = vector.broadcast %get3A_69 : vector<1024x1xi32> to vector<1024x256xi32>
    %eq3A_70 = arith.cmpi eq, %eq3A, %iota3A : vector<1024x256xi32>
    %convert_element_type3A = arith.extui %eq3A_70 : vector<1024x256xi1> to vector<1024x256xi32>
    %convert_element_type3A_71 = arith.sitofp %convert_element_type3A : vector<1024x256xi32> to vector<1024x256xf32>
    %dot_general3A_72 = arith.constant dense<0.000000e+00> : vector<256x128xf32>
    %dot_general3A_73 = tpu.matmul %convert_element_type3A_71, %max3A_66, %dot_general3A_72 {dimension_numbers = #tpu.dot_dimension_numbers<[0], [0], [1], [1], [0, 1, 1, 1], [], []>, transpose_lhs_hint = false} : vector<1024x256xf32>, vector<1024x128xf32>, vector<256x128xf32> -> vector<256x128xf32>
    %eq3A_74 = arith.constant 0 : i32
    %eq3A_75 = arith.cmpi eq, %arg0, %eq3A_74 : i32
    %convert_element_type3A_76 = arith.extui %eq3A_75 : i1 to i32
    %cond3A = arith.constant 0 : i32
    %cond3A_77 = arith.cmpi ne, %convert_element_type3A_76, %cond3A : i32
    scf.if %cond3A_77 {
      %broadcast_in_dim3A = arith.constant 0.000000e+00 : f32
      %broadcast_in_dim3A_84 = vector.broadcast %broadcast_in_dim3A : f32 to vector<256x128xf32>
      %swap3A_85 = arith.constant 0 : index
      %swap3A_86 = arith.constant 0 : index
      %swap3A_87 = vector.load %arg13[%swap3A_85, %swap3A_86] : memref<256x128xf32, #tpu.memory_space<vmem>>, vector<256x128xf32>
      tpu.vector_store %arg13[%swap3A_85, %swap3A_86], %broadcast_in_dim3A_84 {strides = array<i32>} : memref<256x128xf32, #tpu.memory_space<vmem>>, vector<256x128xf32>,
    } else {
    }
    %get3A_78 = arith.constant 0 : index
    %get3A_79 = arith.constant 0 : index
    %get3A_80 = vector.load %arg13[%get3A_78, %get3A_79] : memref<256x128xf32, #tpu.memory_space<vmem>>, vector<256x128xf32>
    %add3A_81 = arith.addf %get3A_80, %dot_general3A_73 : vector<256x128xf32>
    %swap3A = arith.constant 0 : index
    %swap3A_82 = arith.constant 0 : index
    %swap3A_83 = vector.load %arg13[%swap3A, %swap3A_82] : memref<256x128xf32, #tpu.memory_space<vmem>>, vector<256x128xf32>
    tpu.vector_store %arg13[%swap3A, %swap3A_82], %add3A_81 {strides = array<i32>} : memref<256x128xf32, #tpu.memory_space<vmem>>, vector<256x128xf32>,
    return
  }
  func.func @transform_0(%arg0: i32) -> (i32, i32, i32) {
    %c0_i32 = arith.constant 0 : i32
    %c0_i32_0 = arith.constant 0 : i32
    %c0_i32_1 = arith.constant 0 : i32
    return %c0_i32, %arg0, %c0_i32_0 : i32, i32, i32
  }
  func.func @transform_1(%arg0: i32) -> (i32, i32) {
    %c0_i32 = arith.constant 0 : i32
    %c0_i32_0 = arith.constant 0 : i32
    return %arg0, %c0_i32 : i32, i32
  }
  func.func @transform_2(%arg0: i32) -> (i32, i32) {
    %c0_i32 = arith.constant 0 : i32
    %c0_i32_0 = arith.constant 0 : i32
    return %arg0, %c0_i32 : i32, i32
  }
  func.func @transform_3(%arg0: i32) -> (i32, i32) {
    %c0_i32 = arith.constant 0 : i32
    %c0_i32_0 = arith.constant 0 : i32
    %c0_i32_1 = arith.constant 0 : i32
    return %c0_i32, %c0_i32_0 : i32, i32
  }
  func.func @transform_4(%arg0: i32) -> (i32, i32) {
    %c0_i32 = arith.constant 0 : i32
    %c0_i32_0 = arith.constant 0 : i32
    %c0_i32_1 = arith.constant 0 : i32
    return %c0_i32, %c0_i32_0 : i32, i32
  }
  func.func @transform_5(%arg0: i32) -> (i32, i32) {
    %c0_i32 = arith.constant 0 : i32
    %c0_i32_0 = arith.constant 0 : i32
    %c0_i32_1 = arith.constant 0 : i32
    return %c0_i32, %c0_i32_0 : i32, i32
  }
  func.func @transform_6(%arg0: i32) -> (i32, i32) {
    %c0_i32 = arith.constant 0 : i32
    %c0_i32_0 = arith.constant 0 : i32
    %c0_i32_1 = arith.constant 0 : i32
    return %c0_i32, %c0_i32_0 : i32, i32
  }
  func.func @transform_7(%arg0: i32) -> (i32, i32) {
    %c0_i32 = arith.constant 0 : i32
    %c0_i32_0 = arith.constant 0 : i32
    %c0_i32_1 = arith.constant 0 : i32
    return %c0_i32, %c0_i32_0 : i32, i32
  }
  func.func @transform_8(%arg0: i32) -> (i32, i32) {
    %c0_i32 = arith.constant 0 : i32
    %c0_i32_0 = arith.constant 0 : i32
    %c0_i32_1 = arith.constant 0 : i32
    return %c0_i32, %c0_i32_0 : i32, i32
  }
  func.func @transform_9(%arg0: i32) -> (i32, i32) {
    %c0_i32 = arith.constant 0 : i32
    %c0_i32_0 = arith.constant 0 : i32
    %c0_i32_1 = arith.constant 0 : i32
    return %c0_i32, %c0_i32_0 : i32, i32
  }
  func.func @transform_10(%arg0: i32) -> (i32, i32) {
    %c0_i32 = arith.constant 0 : i32
    %c0_i32_0 = arith.constant 0 : i32
    %c0_i32_1 = arith.constant 0 : i32
    return %c0_i32, %c0_i32_0 : i32, i32
  }
  func.func @transform_11(%arg0: i32) -> (i32, i32) {
    %c0_i32 = arith.constant 0 : i32
    %c0_i32_0 = arith.constant 0 : i32
    return %arg0, %c0_i32 : i32, i32
  }
  func.func @transform_12(%arg0: i32) -> (i32, i32) {
    %c0_i32 = arith.constant 0 : i32
    %c0_i32_0 = arith.constant 0 : i32
    %c0_i32_1 = arith.constant 0 : i32
    return %c0_i32, %c0_i32_0 : i32, i32
  }
}

module attributes {stable_mosaic.version = 14 : i64} {
  func.func @_tc5_body(%arg0: i32, %arg1: memref<256x128xf32, #tpu.memory_space<vmem>>, %arg2: memref<128x1xf32, #tpu.memory_space<vmem>>, %arg3: memref<1x1xf32, #tpu.memory_space<vmem>>, %arg4: memref<256x1xf32, #tpu.memory_space<vmem>>) attributes {dimension_semantics = [#tpu.dimension_semantics<arbitrary>], iteration_bounds = array<i64: 1>, scalar_prefetch = 0 : i64, scratch_operands = 0 : i64, tpu.core_type = #tpu.core_type<tc>, window_params = [{pipeline_mode = #tpu.pipeline_mode<synchronous>, transform_indices = @transform_0, window_bounds = array<i64: 256, 128>}, {pipeline_mode = #tpu.pipeline_mode<synchronous>, transform_indices = @transform_1, window_bounds = array<i64: 128, 1>}, {pipeline_mode = #tpu.pipeline_mode<synchronous>, transform_indices = @transform_2, window_bounds = array<i64: 1, 1>}, {pipeline_mode = #tpu.pipeline_mode<synchronous>, transform_indices = @transform_3, window_bounds = array<i64: 256, 1>}]} {
    %get3A = arith.constant 0 : index
    %get3A_0 = arith.constant 0 : index
    %get3A_1 = vector.load %arg1[%get3A, %get3A_0] : memref<256x128xf32, #tpu.memory_space<vmem>>, vector<256x128xf32>
    %get3A_2 = arith.constant 0 : index
    %get3A_3 = arith.constant 0 : index
    %get3A_4 = vector.load %arg2[%get3A_2, %get3A_3] : memref<128x1xf32, #tpu.memory_space<vmem>>, vector<128x1xf32>
    %dot_general3A = arith.constant dense<0.000000e+00> : vector<256x1xf32>
    %dot_general3A_5 = tpu.matmul %get3A_1, %get3A_4, %dot_general3A {dimension_numbers = #tpu.dot_dimension_numbers<[1], [0], [0], [1], [0, 0, 1, 1], [], []>, transpose_lhs_hint = false} : vector<256x128xf32>, vector<128x1xf32>, vector<256x1xf32> -> vector<256x1xf32>
    %get3A_6 = arith.constant 0 : index
    %get3A_7 = arith.constant 0 : index
    %get3A_8 = vector.load %arg3[%get3A_6, %get3A_7] : memref<1x1xf32, #tpu.memory_space<vmem>>, vector<1x1xf32>
    %add3A = vector.broadcast %get3A_8 : vector<1x1xf32> to vector<256x1xf32>
    %add3A_9 = arith.addf %dot_general3A_5, %add3A : vector<256x1xf32>
    %swap3A = arith.constant 0 : index
    %swap3A_10 = arith.constant 0 : index
    %swap3A_11 = vector.load %arg4[%swap3A, %swap3A_10] : memref<256x1xf32, #tpu.memory_space<vmem>>, vector<256x1xf32>
    tpu.vector_store %arg4[%swap3A, %swap3A_10], %add3A_9 {strides = array<i32>} : memref<256x1xf32, #tpu.memory_space<vmem>>, vector<256x1xf32>,
    return
  }
  func.func @transform_0(%arg0: i32) -> (i32, i32) {
    %c0_i32 = arith.constant 0 : i32
    %c0_i32_0 = arith.constant 0 : i32
    %c0_i32_1 = arith.constant 0 : i32
    return %c0_i32, %c0_i32_0 : i32, i32
  }
  func.func @transform_1(%arg0: i32) -> (i32, i32) {
    %c0_i32 = arith.constant 0 : i32
    %c0_i32_0 = arith.constant 0 : i32
    %c0_i32_1 = arith.constant 0 : i32
    return %c0_i32, %c0_i32_0 : i32, i32
  }
  func.func @transform_2(%arg0: i32) -> (i32, i32) {
    %c0_i32 = arith.constant 0 : i32
    %c0_i32_0 = arith.constant 0 : i32
    %c0_i32_1 = arith.constant 0 : i32
    return %c0_i32, %c0_i32_0 : i32, i32
  }
  func.func @transform_3(%arg0: i32) -> (i32, i32) {
    %c0_i32 = arith.constant 0 : i32
    %c0_i32_0 = arith.constant 0 : i32
    %c0_i32_1 = arith.constant 0 : i32
    return %c0_i32, %c0_i32_0 : i32, i32
  }
}

</mosaic_0001>

<sc_bundles>
// kernel: kernel.14.cloned.1.call-start
scs
__scs_entry_jumppad:
0x0: {  	(pc) =	sbr.rel $0x88, $3  }
0x1: {  	(tag) =	ssettag $0x0;
	lr =	simm.s32 $0x1  }
0x2: {  	[smem:$0x3F8D] =	sst lr;
	_ =	strace $0xD0000000  }
0x3: {  	_ = 	snop  }
0x4: {  	_ = 	snop  }
0x5: {  	_ = 	snop  }
0x6: {  	_ = 	snop  }
0x7: {  	_ = 	snop  }
__scs_overlays_trampoline_lowered:
0x8: {  	[smem:$0x3F9C] =	sst s0  }
0x9: {  	[smem:$0x3F9D] =	sst s1  }
0xa: {  	[smem:$0x3F9E] =	sst s2  }
0xb: {  	[smem:$0x3F9F] =	sst s3  }
0xc: {  	[smem:$0x3FA0] =	sst s4  }
0xd: {  	[smem:$0x3FA1] =	sst s5  }
0xe: {  	[smem:$0x3FA2] =	sst s6  }
0xf: {  	[smem:$0x3FA3] =	sst s7  }
0x10: {  	[smem:$0x3FA4] =	sst s8  }
0x11: {  	[smem:$0x3FA5] =	sst s9;
	s0 =	simm.s32 @!p0 $0x0  }
0x12: {  	s1 =	sld [smem:$0x3F8B];
	s0 =	simm.s32 @p0 $0x1  }
0x13: {  	[smem:$0x3FA6] =	sst s0;
	s0 =	simm.s32 @!p1 $0x0  }
0x14: {  	s2 =	sld [smem:$0x3F8A];
	s0 =	simm.s32 @p1 $0x1  }
0x15: {  	[smem:$0x3FA7] =	sst s0;
	s0 =	simm.s32 @!p2 $0x0  }
0x16: {  	s3 =	sld [smem:$0x3FDB];
	s0 =	simm.s32 @p2 $0x1  }
0x17: {  	s4 =	simm.s32 $0x1BF5;
	[smem:$0x3FA9] =	sst s0  }
0x18: {  	s0 =	sld [smem:$0x3F8C];
	_ =	swait.ge [sflag:s4], $0x0  }
0x19: {  	s7 =	sld [smem:$0x3F8D]  }
0x1a: {  	s8 =	sadd.s32 $0xFFFFE003, lr  }
0x1b: {  	s9 =	sadd.s32 $0xFFFFFEF7, lr;
	s5 =	simm.s32 $0xFFFFFFFF;
	p2 =	slt.u32 s8, $0xFFFFF086  }
0x1c: {  	p1 =	slt.u32 s9, $0xF7A;
	s5 =	simm.s32 @!p2 $0x0  }
0x1d: {  	s5 =	simm.s32 @p1 $0x1;
	p0 =	seq.s32 s7, s2  }
0x1e: {  	s7 =	smul.u32 @!p0 $0xF7A, s2;
	p2 =	seq.s32 @!p0 s5, $0x0  }
0x1f: {  	s9 =	smul.u32 $0xF7A, s1;
	s8 =	simm.s32 @!p0 $0x1BF5;
	p2 =	por !p2, p0  }
0x20: {  	[sflag:s8] =	ssyncset.s32 @!p0 $0xFFFFF086;
	s6 =	sadd.s32 @!p0 s3, s7;
	s7 =	simm.s32 @!p0 $0x108  }
0x21: {  	s3 =	sadd.s32 s3, s9;
	s6 =	sadd.s32 @!p0 $0x88, s6;
	s7 =	simm.s32 @p2 $0x1082  }
0x22: {  	[simem:s7], [sflag:s8] =	dma.local @!p0 [hbm:s6], $0xF7A  }
0x23: {  	s9 =	sor.u32 $0xD0000000, s2;
	s6 =	simm.s32 $0x108;
	_ =	swait.ge @!p0 [sflag:s8], $0x0  }
0x24: {  	s3 =	sadd.s32 $0x88, s3;
	s6 =	simm.s32 @!p1 $0x1082;
	[sflag:s4] =	ssyncset.s32 $0xFFFFF086  }
0x25: {  	[simem:s6], [sflag:s4] =	dma.local [hbm:s3], $0xF7A  }
0x26: {  	[smem:$0x3F8D] =	sst s1;
	(tag) =	ssettag s2;
	_ =	strace s9  }
0x27: {  	s1 =	sld [smem:$0x3F9D]  }
0x28: {  	s2 =	sld [smem:$0x3F9E]  }
0x29: {  	s4 =	sld [smem:$0x3FA0]  }
0x2a: {  	p0 =	seq.s32 s5, $0x0;
	s5 =	sld [smem:$0x3FA1]  }
0x2b: {  	s6 =	sld [smem:$0x3FA2]  }
0x2c: {  	s7 =	sld [smem:$0x3FA3]  }
0x2d: {  	s3 =	simm.s32 $0x108;
	s8 =	sld [smem:$0x3FA4]  }
0x2e: {  	s3 =	simm.s32 @!p0 $0x1082;
	s9 =	sld [smem:$0x3FA5]  }
0x2f: {  	lr =	sadd.s32 s0, s3;
	s0 =	sld [smem:$0x3F9C]  }
0x30: {  	s3 =	sld [smem:$0x3F9F]  }
0x31: {  	[smem:$0x3FA8] =	sst s10  }
0x32: {  	s10 =	sld [smem:$0x3FA6];
	_ =	sdelay $0x3  }
0x33: {  	p0 =	seq.s32 s10, $0x1;
	s10 =	sld [smem:$0x3FA8];
	_ =	sdelay $0x3  }
0x34: {  	[smem:$0x3FA8] =	sst s10  }
0x35: {  	s10 =	sld [smem:$0x3FA7];
	_ =	sdelay $0x3  }
0x36: {  	p1 =	seq.s32 s10, $0x1;
	s10 =	sld [smem:$0x3FA8];
	_ =	sdelay $0x3  }
0x37: {  	[smem:$0x3FA8] =	sst s10  }
0x38: {  	s10 =	sld [smem:$0x3FA9]  }
0x39: {  	_ = 	snop;
	(pc) =	sbr.ind lr, $3  }
0x3a: {  	_ = 	snop  }
0x3b: {  	_ = 	snop  }
0x3c: {  	p2 =	seq.s32 s10, $0x1;
	s10 =	sld [smem:$0x3FA8]  }
0x3d: {  	_ =	shalt  }
0x3e: {  	_ =	shalt  }
0x3f: {  	_ =	shalt  }
0x40: {  	_ =	shalt  }
0x41: {  	_ =	shalt  }
0x42: {  	_ =	shalt  }
0x43: {  	_ =	shalt  }
0x44: {  	_ =	shalt  }
0x45: {  	_ =	shalt  }
0x46: {  	_ =	shalt  }
0x47: {  	_ =	shalt  }
0x48: {  	_ =	shalt  }
0x49: {  	_ =	shalt  }
0x4a: {  	_ =	shalt  }
0x4b: {  	_ =	shalt  }
0x4c: {  	_ =	shalt  }
0x4d: {  	_ =	shalt  }
0x4e: {  	_ =	shalt  }
0x4f: {  	_ =	shalt  }
0x50: {  	_ =	shalt  }
0x51: {  	_ =	shalt  }
0x52: {  	_ =	shalt  }
0x53: {  	_ =	shalt  }
0x54: {  	_ =	shalt  }
0x55: {  	_ =	shalt  }
0x56: {  	_ =	shalt  }
0x57: {  	_ =	shalt  }
0x58: {  	_ =	shalt  }
0x59: {  	_ =	shalt  }
0x5a: {  	_ =	shalt  }
0x5b: {  	_ =	shalt  }
0x5c: {  	_ =	shalt  }
0x5d: {  	_ =	shalt  }
0x5e: {  	_ =	shalt  }
0x5f: {  	_ =	shalt  }
0x60: {  	_ =	shalt  }
0x61: {  	_ =	shalt  }
0x62: {  	_ =	shalt  }
0x63: {  	_ =	shalt  }
0x64: {  	_ =	shalt  }
0x65: {  	_ =	shalt  }
0x66: {  	_ =	shalt  }
0x67: {  	_ =	shalt  }
0x68: {  	_ =	shalt  }
0x69: {  	_ =	shalt  }
0x6a: {  	_ =	shalt  }
0x6b: {  	_ =	shalt  }
0x6c: {  	_ =	shalt  }
0x6d: {  	_ =	shalt  }
0x6e: {  	_ =	shalt  }
0x6f: {  	_ =	shalt  }
0x70: {  	_ =	shalt  }
0x71: {  	_ =	shalt  }
0x72: {  	_ =	shalt  }
0x73: {  	_ =	shalt  }
0x74: {  	_ =	shalt  }
0x75: {  	_ =	shalt  }
0x76: {  	_ =	shalt  }
0x77: {  	_ =	shalt  }
0x78: {  	_ =	shalt  }
0x79: {  	_ =	shalt  }
0x7a: {  	_ =	shalt  }
0x7b: {  	_ =	shalt  }
0x7c: {  	_ =	shalt  }
0x7d: {  	_ =	shalt  }
0x7e: {  	_ =	shalt  }
0x7f: {  	_ =	shalt  }
0x80: {  	_ =	shalt  }
0x81: {  	_ =	shalt  }
0x82: {  	_ =	shalt  }
0x83: {  	_ =	shalt  }
0x84: {  	_ =	shalt  }
0x85: {  	_ =	shalt  }
0x86: {  	_ =	shalt  }
0x87: {  	_ =	shalt  }
.Lfunc_end0:
.L_simem_size_0:
called_computation_lowered:
.L_overlay_start_0:
0x88: {  	s2 =	sld [smem:$0x3FD9]  }
0x89: {  	s3 =	sld [smem:$0x3FFE];
	_ =	sdelay $0x1  }
0x8a: {  	s1 =	srdreg.scid  }
0x8b: {  	s0 =	sand.u32 $0x1, s1  }
0x8c: {  	s16 =	sshll.u32 s0, $0xA;
	s2 =	sadd.s32 s3, s2  }
0x8d: {  	s2 =	sadd.s32 s2, s16  }
0x8e: {  	[smem:$0x3FB4] =	sst s2  }
0x8f: {  	_ = 	snop  }
0x90: {  	(tm) =	ssettm $0x1  }
0x91: {  	s17 =	sld [smem:$0x3FFB];
	_ =	sdelay $0x3  }
0x92: {  	_ =	strace s17  }
0x93: {  	s2 =	sld [smem:$0x3FFC];
	_ =	sdelay $0x3  }
0x94: {  	_ =	strace s2  }
0x95: {  	s2 =	sld [smem:$0x3FFD];
	_ =	sdelay $0x3  }
0x96: {  	_ =	strace s2  }
0x97: {  	_ =	strace $0x8FFFFFFF  }
0x98: {  	s18 =	sld [smem:$0x3FDB];
	_ =	sdelay $0x1  }
0x99: {  	s19 =	simm.s32 $_scs_section_size  }
0x9a: {  	s4 =	simm.s32 $_size__tile_overlayer_lowered;
	s5 =	simm.s32 $_tile_overlayer_lowered  }
0x9b: {  	s22 =	simm.s32 $0x1BFF;
	s21 =	sshll.u32 s5, $0x1;
	s2 =	sadd.s32 s19, s18  }
0x9c: {  	s6 =	simm.s32 $0x0;
	s20 =	sshll.u32 s4, $0x1;
	s4 =	sadd.s32 s21, s2  }
0x9d: {  	[timem:s6], [sflag:s22] =	dma.local [hbm:s4], s20  }
0x9e: {  	_ =	swait.ge [sflag:s22], s20  }
0x9f: {  	s3 =	ssub.s32 $0x0, s20;
	[sflag:s22] =	ssyncset.done $0x0  }
0xa0: {  	[sflag:s22] =	ssyncadd.s32 s3;
	_ =	sdelay $0x1  }
0xa1: {  	s23 =	simm.s32 $0x1B8B  }
0xa2: {  	_ =	swait.ge [sflag:s23], $0x1  }
0xa3: {  	[sflag:s23] =	ssyncset.done $0x0  }
0xa4: {  	s25 =	simm.s32 $0x1B8E;
	s24 =	sld [smem:$0x3FFE];
	[sflag:s23] =	ssyncadd.s32 $0xFFFFFFFF  }
0xa5: {  	s26 =	simm.s32 $execute0_lowered;
	[smem:$0x3FD2] =	sst s25  }
0xa6: {  	s4 =	sshll.u32 s26, $0x1;
	_ =	strace $0x80000046;
	[dreg:$0x1] =	wrdreg $0xFFFFFFFF  }
0xa7: {  	s28 =	simm.s32 $_size_execute0_lowered;
	s2 =	sadd.s32 s2, s4;
	[dreg:$0x0] =	wrdreg $0x0  }
0xa8: {  	s4 =	sshll.u32 s28, $0x1;
	[dreg:$0x2] =	wrdreg s2  }
0xa9: {  	[dreg:$0x3] =	wrdreg s4  }
0xaa: {  	[dreg:$0x4] =	wrdreg $0xC0  }
0xab: {  	_ =	task [dreg:s6], $0x5FFFF  }
0xac: {  	[dreg:$0x1] =	wrdreg $0xFFFFFFFF  }
0xad: {  	[dreg:$0x0] =	wrdreg $0x60  }
0xae: {  	[dreg:$0x2] =	wrdreg s24  }
0xaf: {  	[dreg:$0x3] =	wrdreg $0x0  }
0xb0: {  	[dreg:$0x4] =	wrdreg $0x2800  }
0xb1: {  	[dreg:$0x5] =	wrdreg $0x9  }
0xb2: {  	_ =	task.clear_ibuf [dreg:s6], $0x6FFFF;
	_ =	strace $0x90000046  }
0xb3: {  	s29 =	simm.s32 $0x9;
	_ =	strace $0x80000048  }
0xb4: {  	_ =	swait.ge [sflag:s29], $0x1  }
0xb5: {  	[sflag:s29] =	ssyncadd.s32 $0xFFFFFFFF  }
0xb6: {  	_ =	strace $0x90000048  }
0xb7: {  	_ =	sfence  }
0xb8: {  	s30 =	sld [smem:$0x0];
	_ =	sdelay $0x2  }
0xb9: {  	s31 =	sshll.u32 s1, $0xD;
	s1 =	sshrl.u32 s1, $0x2  }
0xba: {  	s3 =	sand.u32 $0x4000, s31;
	s1 =	sadd.s32 s1, s30  }
0xbb: {  	s0 =	sor.u32 s3, s0;
	s1 =	sshll.u32 s1, $0x11  }
0xbc: {  	s0 =	sor.u32 s1, s0  }
0xbd: {  	s0 =	sadd.s32 $0x8F2B, s0  }
0xbe: {  	[sflag:s0] =	ssyncadd.remote.s32 $0x1  }
0xbf: {  	_ =	sfence.sel $0xFFFF  }
0xc0: {  	[dreg:$0x0] =	wrdreg $0xFFFFFFFF;
	(pc) =	sbr.abs _section_cstart, $3  }
0xc1: {  	[dreg:$0x1] =	wrdreg $0xFFFFFFFF  }
0xc2: {  	_ =	task.clear_ibuf [dreg:s6], $0x2FFFF;
	_ =	strace $0x9FFFFFFF  }
0xc3: {  	(tm) =	ssettm $0x7FFFFFFF  }
tec
execute0_lowered:
.L_overlay_start_1:
0x0: {  	(tag) =	ssettag $0x1  }
0x1: {  	s0 =	rddreg [dreg:$0x0]  }
0x2: {  	s2 =	rddreg [dreg:$0x1]  }
0x3: {  	s3 =	rddreg [dreg:$0x2]  }
0x4: {  	s7 =	stileid.u32;
	s1 =	srdreg.scid  }
0x5: {  	s4 =	simm.s32 $0x0;
	s28 =	simm.s32 $0x80;
	s29 =	simm.s32 $0x600  }
0x6: {  	s30 =	simm.s32 $0x680;
	s31 =	simm.s32 $0x1;
	s9 =	smul.u32 $0x280, s7  }
0x7: {  	s1 =	sand.u32 $0x1, s1;
	[smem:$0x7FF] =	sst s4;
	s7 =	smul.u32 $0x9E0, s7  }
0x8: {  	s5 =	sadd.s32 $0x2CA00, s0;
	s6 =	smul.u32 $0x2800, s1;
	s10 =	ssub.s32 $0x2, s1  }
0x9: {  	_ =	strace $0x80000047;
	s1 =	smul.u32 $0x4F0, s1;
	s11 =	sshrl.u32 s10, $0x1  }
0xa: {  	s12 =	sadd.s32 s7, s0;
	s7 =	sadd.s32 s9, s2;
	s21 =	sadd.s32 $0x80, s9  }
0xb: {  	s22 =	sadd.s32 $0x100, s9;
	s24 =	sadd.s32 $0x180, s9;
	s8 =	sadd.s32 s9, s6  }
0xc: {  	s6 =	sadd.s32 $0x2D000, s0;
	s10 =	ssub.s32 s10, s11;
	s13 =	sadd.s32 s21, s2  }
0xd: {  	s11 =	sadd.s32 s21, s3;
	s23 =	sadd.s32 s22, s2;
	s25 =	sadd.s32 s24, s2  }
0xe: {  	s14 =	sadd.s32 s24, s3;
	s26 =	sadd.s32 s1, s12;
	[dreg:$0x4] =	wrdreg s13  }
0xf: {  	s24 =	simm.s32 $0x3;
	s1 =	simm.s32 $0x780;
	[dreg:$0x5] =	wrdreg s11  }
0x10: {  	s8 =	sshrl.u32 s8, $0x3;
	[dreg:$0x6] =	wrdreg s23;
	s11 =	sadd.s32 s22, s3  }
0x11: {  	[dreg:$0x8] =	wrdreg s25;
	s19 =	smax.u32 s10, $0x1;
	s20 =	sadd.s32 $0x41200, s26  }
0x12: {  	s21 =	sadd.s32 $0x37400, s26;
	s22 =	sadd.s32 $0x2D600, s26;
	s23 =	simm.s32 $0x700  }
0x13: {  	s25 =	simm.s32 $0x500;
	s26 =	simm.s32 $0x580;
	s0 =	sadd.s32 s8, s0  }
0x14: {  	s8 =	sadd.s32 s9, s3;
	[dreg:$0x7] =	wrdreg s11;
	s9 =	sadd.s32 $0x200, s9  }
0x15: {  	s15 =	sadd.s32 s9, s2;
	s16 =	sadd.s32 s9, s3;
	s17 =	sadd.s32 $0x4B000, s0  }
0x16: {  	v0 =	vimm.f32 $1.000000000e+00;
	v1 =	vimm.f32 $0.0e+00;
	s18 =	sadd.s32 $0x4BA00, s0;
	s0 =	simm.s32 $0x2;
	s9 =	simm.s32 $0x0  }
.LBB2_1:
0x17: {  	[tilespmem:$0x780] =	vst v0  }
0x18: {  	[tilespmem:$0x700] =	vst v1  }
0x19: {  	[tilespmem:$0x790] =	vst v0  }
0x1a: {  	[tilespmem:$0x710] =	vst v1  }
0x1b: {  	[tilespmem:$0x7A0] =	vst v0  }
0x1c: {  	[tilespmem:$0x720] =	vst v1  }
0x1d: {  	[tilespmem:$0x7B0] =	vst v0  }
0x1e: {  	[tilespmem:$0x730] =	vst v1  }
0x1f: {  	[tilespmem:$0x7C0] =	vst v0  }
0x20: {  	[tilespmem:$0x740] =	vst v1  }
0x21: {  	[tilespmem:$0x7D0] =	vst v0  }
0x22: {  	[tilespmem:$0x750] =	vst v1  }
0x23: {  	[tilespmem:$0x7E0] =	vst v0  }
0x24: {  	[tilespmem:$0x760] =	vst v1  }
0x25: {  	[tilespmem:$0x7F0] =	vst v0  }
0x26: {  	[tilespmem:$0x770] =	vst v1  }
0x27: {  	[spmem:s7] =	stream.linear.scatter [tilespmem:s23], [sflag:$0x3], $0x80, $0x38;
	[tilespmem:$0x800] =	vst v63  }
0x28: {  	_ =	swait.ge [sflag:s24], $0x80  }
0x29: {  	[sflag:s24] =	ssyncset.done $0x0  }
0x2a: {  	[sflag:s24] =	ssyncadd.s32 $0xFFFFFF80  }
0x2b: {  	[spmem:s8] =	stream.linear.scatter [tilespmem:s23], [sflag:$0x3], $0x80, $0x38;
	[tilespmem:$0x800] =	vst v63  }
0x2c: {  	_ =	swait.ge [sflag:s24], $0x80  }
0x2d: {  	[sflag:s24] =	ssyncset.done $0x0  }
0x2e: {  	s10 =	rddreg [dreg:$0x4];
	[sflag:s24] =	ssyncadd.s32 $0xFFFFFF80  }
0x2f: {  	[spmem:s10] =	stream.linear.scatter [tilespmem:s23], [sflag:$0x3], $0x80, $0x38;
	[tilespmem:$0x800] =	vst v63  }
0x30: {  	_ =	swait.ge [sflag:s24], $0x80  }
0x31: {  	[sflag:s24] =	ssyncset.done $0x0  }
0x32: {  	s11 =	rddreg [dreg:$0x5];
	[sflag:s24] =	ssyncadd.s32 $0xFFFFFF80  }
0x33: {  	[spmem:s11] =	stream.linear.scatter [tilespmem:s23], [sflag:$0x3], $0x80, $0x38;
	[tilespmem:$0x800] =	vst v63  }
0x34: {  	_ =	swait.ge [sflag:s24], $0x80  }
0x35: {  	[sflag:s24] =	ssyncset.done $0x0  }
0x36: {  	s12 =	rddreg [dreg:$0x6];
	[sflag:s24] =	ssyncadd.s32 $0xFFFFFF80  }
0x37: {  	[spmem:s12] =	stream.linear.scatter [tilespmem:s23], [sflag:$0x3], $0x80, $0x38;
	[tilespmem:$0x800] =	vst v63  }
0x38: {  	_ =	swait.ge [sflag:s24], $0x80  }
0x39: {  	[sflag:s24] =	ssyncset.done $0x0  }
0x3a: {  	s13 =	rddreg [dreg:$0x7];
	[sflag:s24] =	ssyncadd.s32 $0xFFFFFF80  }
0x3b: {  	[spmem:s13] =	stream.linear.scatter [tilespmem:s23], [sflag:$0x3], $0x80, $0x38;
	[tilespmem:$0x800] =	vst v63  }
0x3c: {  	_ =	swait.ge [sflag:s24], $0x80  }
0x3d: {  	[sflag:s24] =	ssyncset.done $0x0  }
0x3e: {  	s11 =	rddreg [dreg:$0x8];
	[sflag:s24] =	ssyncadd.s32 $0xFFFFFF80  }
0x3f: {  	[spmem:s11] =	stream.linear.scatter [tilespmem:s23], [sflag:$0x3], $0x80, $0x38;
	[tilespmem:$0x800] =	vst v63  }
0x40: {  	_ =	swait.ge [sflag:s24], $0x80  }
0x41: {  	[sflag:s24] =	ssyncset.done $0x0  }
0x42: {  	[sflag:s24] =	ssyncadd.s32 $0xFFFFFF80  }
0x43: {  	[spmem:s14] =	stream.linear.scatter [tilespmem:s23], [sflag:$0x3], $0x80, $0x38;
	[tilespmem:$0x800] =	vst v63  }
0x44: {  	_ =	swait.ge [sflag:s24], $0x80  }
0x45: {  	[sflag:s24] =	ssyncset.done $0x0  }
0x46: {  	[sflag:s24] =	ssyncadd.s32 $0xFFFFFF80  }
0x47: {  	[spmem:s15] =	stream.linear.scatter [tilespmem:s23], [sflag:$0x3], $0x80, $0x38;
	[tilespmem:$0x800] =	vst v63  }
0x48: {  	_ =	swait.ge [sflag:s24], $0x80  }
0x49: {  	[sflag:s24] =	ssyncset.done $0x0  }
0x4a: {  	[sflag:s24] =	ssyncadd.s32 $0xFFFFFF80  }
0x4b: {  	[spmem:s16] =	stream.linear.scatter [tilespmem:s23], [sflag:$0x3], $0x80, $0x38;
	[tilespmem:$0x800] =	vst v63  }
0x4c: {  	_ =	swait.ge [sflag:s24], $0x80  }
0x4d: {  	[sflag:s24] =	ssyncset.done $0x0  }
0x4e: {  	[sflag:s24] =	ssyncadd.s32 $0xFFFFFF80  }
0x4f: {  	s12 =	sadd.s32 $0x0, s22;
	[bflag:$0x0] =	sbarrier.arrive $0xFFFF  }
0x50: {  	[tilespmem:s25], [sflag:$0x3] =	stream.linear.gather [hbm4b:s12+s4], $0x80, $0x38;
	[tilespmem:$0x800] =	vst v63  }
0x51: {  	_ =	swait.ge [sflag:s24], $0x80  }
0x52: {  	[sflag:s24] =	ssyncset.done $0x0  }
0x53: {  	s13 =	sadd.s32 $0x0, s21;
	[sflag:s24] =	ssyncadd.s32 $0xFFFFFF80  }
0x54: {  	[tilespmem:s26], [sflag:$0x3] =	stream.linear.gather [hbm4b:s13+s4], $0x80, $0x38;
	[tilespmem:$0x800] =	vst v63  }
0x55: {  	_ =	swait.ge [sflag:s24], $0x80  }
0x56: {  	[sflag:s24] =	ssyncset.done $0x0  }
0x57: {  	[sflag:s24] =	ssyncadd.s32 $0xFFFFFF80  }
0x58: {  	[tilespmem:s29], [sflag:$0x1] =	stream.indirect.gather [hbm4b:s5+s28], $0x1, s25, s28, $0xb8;
	[tilespmem:$0x800] =	vst v63  }
0x59: {  	_ = 	snop  }
0x5a: {  	[tilespmem:s30], [sflag:$0x2] =	stream.indirect.gather [hbm4b:s6+s28], $0x1, s26, s28, $0xb8;
	[tilespmem:$0x800] =	vst v63  }
0x5b: {  	_ =	swait.ge [sflag:s31], $0x80  }
0x5c: {  	[sflag:s31] =	ssyncset.done $0x0  }
0x5d: {  	[sflag:s31] =	ssyncadd.s32 $0xFFFFFF80  }
0x5e: {  	_ =	swait.ge [sflag:s0], $0x80  }
0x5f: {  	[sflag:s0] =	ssyncset.done $0x0  }
0x60: {  	[sflag:s0] =	ssyncadd.s32 $0xFFFFFF80  }
0x61: {  	v4 =	vld [tilespmem:$0x600]  }
0x62: {  	v5 =	vld [tilespmem:$0x640]  }
0x63: {  	v7 =	vld [tilespmem:$0x6C0]  }
0x64: {  	v9 =	vld [tilespmem:$0x660]  }
0x65: {  	v11 =	vld [tilespmem:$0x6E0]  }
0x66: {  	v8 =	vld [tilespmem:$0x6D0]  }
0x67: {  	v2 =	vld [tilespmem:$0x620]  }
0x68: {  	v12 =	vld [tilespmem:$0x650]  }
0x69: {  	v3 =	vld [tilespmem:$0x690]  }
0x6a: {  	v10 =	vld [tilespmem:$0x680]  }
0x6b: {  	s10 =	simm.s32 $0x0;
	s11 =	simm.s32 $0x10;
	v6 =	vld [tilespmem:$0x6B0]  }
.LBB2_2:
0x6c: {  	p0 =	sne.s32 s11, $0x4E0;
	v13 =	vld [tilespmem:$0x630];
	v9 =	vadd.f32 v11, v9;
	s12 =	smov.u32 s11;
	s11 =	sadd.s32 $0x10, s11  }
0x6d: {  	v5 =	vadd.f32 v7, v5;
	v11 =	vld [tilespmem:$0x610];
	v7 =	vadd.f32 v8, v12  }
0x6e: {  	v8 =	vmul.f32 $2.000000030e-01, v9;
	v12 =	vld [tilespmem:$0x6F0]  }
0x6f: {  	v4 =	vadd.f32 v10, v4;
	v10 =	vmul.f32 $2.000000030e-01, v5;
	v14 =	vld [tilespmem:$0x670]  }
0x70: {  	v16 =	vmul.f32 $2.000000030e-01, v7;
	v15 =	vld [tilespmem:$0x6A0];
	v8 =	vmax.f32 v9, v8  }
0x71: {  	v9 =	vmul.f32 $2.000000030e-01, v4;
	v6 =	vadd.f32 v6, v13;
	v8 =	vmul.f32 $1.442695020e+00, v8  }
0x72: {  	v5 =	vmax.f32 v5, v10;
	v7 =	vmax.f32 v7, v16;
	v3 =	vadd.f32 v3, v11  }
0x73: {  	v5 =	vmul.f32 $1.442695020e+00, v5;
	v7 =	vmul.f32 $1.442695020e+00, v7;
	v4 =	vmax.f32 v4, v9  }
0x74: {  	v4 =	vmul.f32 $1.442695020e+00, v4;
	v9 =	vadd.f32 v12, v14;
	(erf) = vpow2.f32 v8  }
0x75: {  	v8 =	vmul.f32 $2.000000030e-01, v6;
	v2 =	vadd.f32 v15, v2;
	(erf) = vpow2.f32 v7  }
0x76: {  	v7 =	vmul.f32 $2.000000030e-01, v9;
	(erf) = vpow2.f32 v5  }
0x77: {  	v6 =	vmax.f32 v6, v8;
	v5 =	vmul.f32 $2.000000030e-01, v2;
	(erf) = vpow2.f32 v4  }
0x78: {  	v4 =	vmul.f32 $2.000000030e-01, v3;
	v6 =	vmul.f32 $1.442695020e+00, v6;
	v7 =	vmax.f32 v9, v7  }
0x79: {  	v2 =	vmax.f32 v2, v5;
	v5 =	vmul.f32 $1.442695020e+00, v7  }
0x7a: {  	v3 =	vmax.f32 v3, v4;
	v4 =	vmul.f32 $1.442695020e+00, v2;
	(erf) = vpow2.f32 v6  }
0x7b: {  	v3 =	vmul.f32 $1.442695020e+00, v3;
	(erf) = vpow2.f32 v5  }
0x7c: {  	(erf) = vpow2.f32 v4  }
0x7d: {  	(erf) = vpow2.f32 v3;
	v2 =	vpop (erf)  }
0x7e: {  	[tilespmem:$0x760] =	vst v2;
	v2 =	vpop (erf)  }
0x7f: {  	[tilespmem:$0x750] =	vst v2;
	v2 =	vpop (erf)  }
0x80: {  	[tilespmem:$0x740] =	vst v2;
	v2 =	vpop (erf)  }
0x81: {  	[tilespmem:$0x700] =	vst v2;
	_ =	sdelay $0x1  }
0x82: {  	v2 =	vpop (erf)  }
0x83: {  	[tilespmem:$0x730] =	vst v2;
	v2 =	vpop (erf)  }
0x84: {  	[tilespmem:$0x770] =	vst v2;
	v2 =	vpop (erf)  }
0x85: {  	[tilespmem:$0x720] =	vst v2;
	v2 =	vpop (erf)  }
0x86: {  	s13 =	sadd.s32 s10, s20;
	s10 =	smov.u32 s12;
	[tilespmem:$0x710] =	vst v2  }
0x87: {  	[hbm4b:s13+s4] =	stream.linear.scatter [tilespmem:s23], [sflag:$0x3], $0x80, $0x38;
	[tilespmem:$0x800] =	vst v63  }
0x88: {  	_ =	swait.ge [sflag:s24], $0x80  }
0x89: {  	[sflag:s24] =	ssyncset.done $0x0  }
0x8a: {  	[sflag:s24] =	ssyncadd.s32 $0xFFFFFF80  }
0x8b: {  	[spmem:s2] =	stream.indirect.scatter.add.f32 [tilespmem:s23], [sflag:$0x3], $0x1, s26, s28, $0xb8;
	[tilespmem:$0x800] =	vst v63  }
0x8c: {  	_ =	swait.ge [sflag:s24], $0x80  }
0x8d: {  	[sflag:s24] =	ssyncset.done $0x0  }
0x8e: {  	[sflag:s24] =	ssyncadd.s32 $0xFFFFFF80  }
0x8f: {  	[spmem:s3] =	stream.indirect.scatter.add.f32 [tilespmem:s1], [sflag:$0x3], $0x1, s26, s28, $0xb8;
	[tilespmem:$0x800] =	vst v63  }
0x90: {  	_ =	swait.ge [sflag:s24], $0x80  }
0x91: {  	[sflag:s24] =	ssyncset.done $0x0  }
0x92: {  	s12 =	sadd.s32 s10, s22;
	[sflag:s24] =	ssyncadd.s32 $0xFFFFFF80  }
0x93: {  	[tilespmem:s25], [sflag:$0x3] =	stream.linear.gather [hbm4b:s12+s4], $0x80, $0x38;
	[tilespmem:$0x800] =	vst v63  }
0x94: {  	_ =	swait.ge [sflag:s24], $0x80  }
0x95: {  	[sflag:s24] =	ssyncset.done $0x0  }
0x96: {  	s12 =	sadd.s32 s10, s21;
	[sflag:s24] =	ssyncadd.s32 $0xFFFFFF80  }
0x97: {  	[tilespmem:s26], [sflag:$0x3] =	stream.linear.gather [hbm4b:s12+s4], $0x80, $0x38;
	[tilespmem:$0x800] =	vst v63  }
0x98: {  	_ =	swait.ge [sflag:s24], $0x80  }
0x99: {  	[sflag:s24] =	ssyncset.done $0x0  }
0x9a: {  	[sflag:s24] =	ssyncadd.s32 $0xFFFFFF80  }
0x9b: {  	[tilespmem:s29], [sflag:$0x1] =	stream.indirect.gather [hbm4b:s5+s28], $0x1, s25, s28, $0xb8;
	[tilespmem:$0x800] =	vst v63  }
0x9c: {  	_ = 	snop  }
0x9d: {  	[tilespmem:s30], [sflag:$0x2] =	stream.indirect.gather [hbm4b:s6+s28], $0x1, s26, s28, $0xb8;
	[tilespmem:$0x800] =	vst v63  }
0x9e: {  	_ =	swait.ge [sflag:s31], $0x80  }
0x9f: {  	[sflag:s31] =	ssyncset.done $0x0  }
0xa0: {  	[sflag:s31] =	ssyncadd.s32 $0xFFFFFF80  }
0xa1: {  	_ =	swait.ge [sflag:s0], $0x80  }
0xa2: {  	[sflag:s0] =	ssyncset.done $0x0  }
0xa3: {  	[sflag:s0] =	ssyncadd.s32 $0xFFFFFF80  }
0xa4: {  	v4 =	vld [tilespmem:$0x600]  }
0xa5: {  	v5 =	vld [tilespmem:$0x640]  }
0xa6: {  	v7 =	vld [tilespmem:$0x6C0]  }
0xa7: {  	v9 =	vld [tilespmem:$0x660]  }
0xa8: {  	v11 =	vld [tilespmem:$0x6E0]  }
0xa9: {  	v8 =	vld [tilespmem:$0x6D0]  }
.Ltmp0:
0xaa: {  	v2 =	vld [tilespmem:$0x620];
	(pc) =	sbr.rel @p0 .LBB2_2-.Ltmp0, $4  }
0xab: {  	v12 =	vld [tilespmem:$0x650]  }
0xac: {  	v3 =	vld [tilespmem:$0x690]  }
0xad: {  	v10 =	vld [tilespmem:$0x680]  }
0xae: {  	v6 =	vld [tilespmem:$0x6B0]  }
0xaf: {  	v13 =	vld [tilespmem:$0x630]  }
0xb0: {  	v55 =	vld [tilespmem:$0x6F0]  }
0xb1: {  	v9 =	vadd.f32 v11, v9;
	v5 =	vadd.f32 v7, v5;
	v56 =	vld [tilespmem:$0x670]  }
0xb2: {  	v14 =	vld [tilespmem:$0x6A0];
	v8 =	vadd.f32 v8, v12  }
0xb3: {  	v15 =	vld [tilespmem:$0x610];
	v11 =	vmul.f32 $2.000000030e-01, v9;
	v57 =	vmul.f32 $2.000000030e-01, v5;
	v4 =	vadd.f32 v10, v4  }
0xb4: {  	v16 =	vmul.f32 $2.000000030e-01, v8  }
0xb5: {  	v9 =	vmax.f32 v9, v11;
	v5 =	vmax.f32 v5, v57;
	v58 =	vmul.f32 $2.000000030e-01, v4  }
0xb6: {  	v6 =	vadd.f32 v6, v13;
	v9 =	vmul.f32 $1.442695020e+00, v9;
	v8 =	vmax.f32 v8, v16  }
0xb7: {  	v5 =	vmul.f32 $1.442695020e+00, v5;
	v7 =	vadd.f32 v55, v56;
	v2 =	vadd.f32 v14, v2  }
0xb8: {  	v3 =	vadd.f32 v3, v15;
	v8 =	vmul.f32 $1.442695020e+00, v8;
	(erf) = vpow2.f32 v9  }
0xb9: {  	v59 =	vmul.f32 $2.000000030e-01, v6;
	v60 =	vmul.f32 $2.000000030e-01, v7  }
0xba: {  	v4 =	vmax.f32 v4, v58;
	v61 =	vmul.f32 $2.000000030e-01, v2;
	v62 =	vmul.f32 $2.000000030e-01, v3  }
0xbb: {  	v4 =	vmul.f32 $1.442695020e+00, v4;
	(erf) = vpow2.f32 v8;
	v6 =	vmax.f32 v6, v59  }
0xbc: {  	(erf) = vpow2.f32 v5;
	v7 =	vmax.f32 v7, v60;
	v6 =	vmul.f32 $1.442695020e+00, v6  }
0xbd: {  	v2 =	vmax.f32 v2, v61;
	(erf) = vpow2.f32 v4;
	v63 =	vmul.f32 $1.442695020e+00, v7  }
0xbe: {  	v3 =	vmax.f32 v3, v62;
	v2 =	vmul.f32 $1.442695020e+00, v2;
	(erf) = vpow2.f32 v6  }
0xbf: {  	v3 =	vmul.f32 $1.442695020e+00, v3;
	(erf) = vpow2.f32 v63  }
0xc0: {  	(erf) = vpow2.f32 v2  }
0xc1: {  	(erf) = vpow2.f32 v3;
	_ =	sdelay $0x1  }
0xc2: {  	v2 =	vpop (erf)  }
0xc3: {  	[tilespmem:$0x760] =	vst v2;
	v2 =	vpop (erf)  }
0xc4: {  	[tilespmem:$0x750] =	vst v2;
	v2 =	vpop (erf)  }
0xc5: {  	[tilespmem:$0x740] =	vst v2;
	v2 =	vpop (erf)  }
0xc6: {  	[tilespmem:$0x700] =	vst v2;
	v2 =	vpop (erf)  }
0xc7: {  	[tilespmem:$0x730] =	vst v2;
	v2 =	vpop (erf)  }
0xc8: {  	[tilespmem:$0x770] =	vst v2;
	v2 =	vpop (erf)  }
0xc9: {  	[tilespmem:$0x720] =	vst v2;
	v2 =	vpop (erf)  }
0xca: {  	s10 =	sadd.s32 s10, s20;
	[tilespmem:$0x710] =	vst v2  }
0xcb: {  	[hbm4b:s10+s4] =	stream.linear.scatter [tilespmem:s23], [sflag:$0x3], $0x80, $0x38;
	[tilespmem:$0x800] =	vst v63  }
0xcc: {  	_ =	swait.ge [sflag:s24], $0x80  }
0xcd: {  	[sflag:s24] =	ssyncset.done $0x0  }
0xce: {  	[sflag:s24] =	ssyncadd.s32 $0xFFFFFF80  }
0xcf: {  	[spmem:s2] =	stream.indirect.scatter.add.f32 [tilespmem:s23], [sflag:$0x3], $0x1, s26, s28, $0xb8;
	[tilespmem:$0x800] =	vst v63  }
0xd0: {  	_ =	swait.ge [sflag:s24], $0x80  }
0xd1: {  	[sflag:s24] =	ssyncset.done $0x0  }
0xd2: {  	[sflag:s24] =	ssyncadd.s32 $0xFFFFFF80  }
0xd3: {  	[spmem:s3] =	stream.indirect.scatter.add.f32 [tilespmem:s1], [sflag:$0x3], $0x1, s26, s28, $0xb8;
	[tilespmem:$0x800] =	vst v63  }
0xd4: {  	_ =	swait.ge [sflag:s24], $0x80  }
0xd5: {  	s12 =	stileid.u32;
	[sflag:s24] =	ssyncset.done $0x0  }
0xd6: {  	s10 =	sshll.u32 s12, $0x6;
	[sflag:s24] =	ssyncadd.s32 $0xFFFFFF80  }
0xd7: {  	s11 =	sshrl.u32 s7, $0x3;
	s10 =	sor.u32 $0x1C03, s10;
	[bflag:$0x0] =	sbarrier.arrive $0xFFFF  }
0xd8: {  	[hbm:s17], [sflag:s10] =	dma.local [spmem:s11], $0x50  }
0xd9: {  	s9 =	sadd.s32 $0x1, s9;
	_ =	swait.ge [sflag:s24], $0x50  }
0xda: {  	p0 =	sne.s32 s9, s19;
	[sflag:s24] =	ssyncset.done $0x0  }
.Ltmp1:
0xdb: {  	s13 =	sshrl.u32 s8, $0x3;
	[sflag:s24] =	ssyncadd.s32 $0xFFFFFFB0;
	(pc) =	sbr.rel @p0 .LBB2_1-.Ltmp1, $4  }
0xdc: {  	[hbm:s18], [sflag:s10] =	dma.local [spmem:s13], $0x50  }
0xdd: {  	_ =	swait.ge [sflag:s24], $0x50  }
0xde: {  	[sflag:s24] =	ssyncset.done $0x0  }
0xdf: {  	[sflag:s24] =	ssyncadd.s32 $0xFFFFFFB0  }
0xe0: {  	_ =	sfence.sel $0x180000  }
0xe1: {  	[bflag:$0x0] =	sbarrier.arrive $0xFFFF  }
0xe2: {  	_ =	strace $0x90000047  }
0xe3: {  	s0 =	stileid.u32;
	[bflag:$0x2] =	sbarrier.arrive $0xFFFF  }
0xe4: {  	p0 =	sne.s32 s0, $0x0;
	s0 =	rddreg [dreg:$0x3]  }
0xe5: {  	s0 =	sadd.s32 @!p0 $0x100000, s0  }
0xe6: {  	[sflag:s0] =	ssyncadd.tile.s32 @!p0 $0x1;
	_ =	shalt  }
.Lfunc_end2:
_tile_overlayer_lowered:
.L_overlay_start_2:
0xe7: {  	(tag) =	ssettag $0x2  }
0xe8: {  	s0 =	rddreg [dreg:$0x0];
	s2 =	stileid.u32  }
0xe9: {  	s1 =	rddreg [dreg:$0x1];
	p0 =	sne.s32 s2, $0x0  }
0xea: {  	s3 =	rddreg [dreg:$0x2];
	[bflag:$0x3] =	sbarrier.arrive $0xFFFF;
	s2 =	simm.s32 @!p0 $0x1C03  }
0xeb: {  	[timem:s3], [sflag:s2] =	dma.local @!p0 [hbm:s0], s1  }
0xec: {  	s0 =	simm.s32 @!p0 $0x3  }
0xed: {  	_ =	swait.ge @!p0 [sflag:s0], s1  }
0xee: {  	s1 =	ssub.s32 @!p0 $0x0, s1;
	[sflag:s0] =	ssyncset.done @!p0 $0x0  }
0xef: {  	[sflag:s0] =	ssyncadd.s32 @!p0 s1  }
0xf0: {  	[bflag:$0x3] =	sbarrier.arrive $0xFFFF  }
0xf1: {  	_ =	shalt  }

// kernel: kernel.17.cloned.1.call-start
scs
__scs_entry_jumppad:
0x0: {  	(pc) =	sbr.rel $0x88, $3  }
0x1: {  	(tag) =	ssettag $0x0;
	lr =	simm.s32 $0x1  }
0x2: {  	[smem:$0x3F8D] =	sst lr;
	_ =	strace $0xD0000000  }
0x3: {  	_ = 	snop  }
0x4: {  	_ = 	snop  }
0x5: {  	_ = 	snop  }
0x6: {  	_ = 	snop  }
0x7: {  	_ = 	snop  }
__scs_overlays_trampoline_lowered:
0x8: {  	[smem:$0x3F9C] =	sst s0  }
0x9: {  	[smem:$0x3F9D] =	sst s1  }
0xa: {  	[smem:$0x3F9E] =	sst s2  }
0xb: {  	[smem:$0x3F9F] =	sst s3  }
0xc: {  	[smem:$0x3FA0] =	sst s4  }
0xd: {  	[smem:$0x3FA1] =	sst s5  }
0xe: {  	[smem:$0x3FA2] =	sst s6  }
0xf: {  	[smem:$0x3FA3] =	sst s7  }
0x10: {  	[smem:$0x3FA4] =	sst s8  }
0x11: {  	[smem:$0x3FA5] =	sst s9;
	s0 =	simm.s32 @!p0 $0x0  }
0x12: {  	s1 =	sld [smem:$0x3F8B];
	s0 =	simm.s32 @p0 $0x1  }
0x13: {  	[smem:$0x3FA6] =	sst s0;
	s0 =	simm.s32 @!p1 $0x0  }
0x14: {  	s2 =	sld [smem:$0x3F8A];
	s0 =	simm.s32 @p1 $0x1  }
0x15: {  	[smem:$0x3FA7] =	sst s0;
	s0 =	simm.s32 @!p2 $0x0  }
0x16: {  	s3 =	sld [smem:$0x3FDB];
	s0 =	simm.s32 @p2 $0x1  }
0x17: {  	s4 =	simm.s32 $0x1BF5;
	[smem:$0x3FA9] =	sst s0  }
0x18: {  	s0 =	sld [smem:$0x3F8C];
	_ =	swait.ge [sflag:s4], $0x0  }
0x19: {  	s7 =	sld [smem:$0x3F8D]  }
0x1a: {  	s8 =	sadd.s32 $0xFFFFE003, lr  }
0x1b: {  	s9 =	sadd.s32 $0xFFFFFEF7, lr;
	s5 =	simm.s32 $0xFFFFFFFF;
	p2 =	slt.u32 s8, $0xFFFFF086  }
0x1c: {  	p1 =	slt.u32 s9, $0xF7A;
	s5 =	simm.s32 @!p2 $0x0  }
0x1d: {  	s5 =	simm.s32 @p1 $0x1;
	p0 =	seq.s32 s7, s2  }
0x1e: {  	s7 =	smul.u32 @!p0 $0xF7A, s2;
	p2 =	seq.s32 @!p0 s5, $0x0  }
0x1f: {  	s9 =	smul.u32 $0xF7A, s1;
	s8 =	simm.s32 @!p0 $0x1BF5;
	p2 =	por !p2, p0  }
0x20: {  	[sflag:s8] =	ssyncset.s32 @!p0 $0xFFFFF086;
	s6 =	sadd.s32 @!p0 s3, s7;
	s7 =	simm.s32 @!p0 $0x108  }
0x21: {  	s3 =	sadd.s32 s3, s9;
	s6 =	sadd.s32 @!p0 $0x88, s6;
	s7 =	simm.s32 @p2 $0x1082  }
0x22: {  	[simem:s7], [sflag:s8] =	dma.local @!p0 [hbm:s6], $0xF7A  }
0x23: {  	s9 =	sor.u32 $0xD0000000, s2;
	s6 =	simm.s32 $0x108;
	_ =	swait.ge @!p0 [sflag:s8], $0x0  }
0x24: {  	s3 =	sadd.s32 $0x88, s3;
	s6 =	simm.s32 @!p1 $0x1082;
	[sflag:s4] =	ssyncset.s32 $0xFFFFF086  }
0x25: {  	[simem:s6], [sflag:s4] =	dma.local [hbm:s3], $0xF7A  }
0x26: {  	[smem:$0x3F8D] =	sst s1;
	(tag) =	ssettag s2;
	_ =	strace s9  }
0x27: {  	s1 =	sld [smem:$0x3F9D]  }
0x28: {  	s2 =	sld [smem:$0x3F9E]  }
0x29: {  	s4 =	sld [smem:$0x3FA0]  }
0x2a: {  	p0 =	seq.s32 s5, $0x0;
	s5 =	sld [smem:$0x3FA1]  }
0x2b: {  	s6 =	sld [smem:$0x3FA2]  }
0x2c: {  	s7 =	sld [smem:$0x3FA3]  }
0x2d: {  	s3 =	simm.s32 $0x108;
	s8 =	sld [smem:$0x3FA4]  }
0x2e: {  	s3 =	simm.s32 @!p0 $0x1082;
	s9 =	sld [smem:$0x3FA5]  }
0x2f: {  	lr =	sadd.s32 s0, s3;
	s0 =	sld [smem:$0x3F9C]  }
0x30: {  	s3 =	sld [smem:$0x3F9F]  }
0x31: {  	[smem:$0x3FA8] =	sst s10  }
0x32: {  	s10 =	sld [smem:$0x3FA6];
	_ =	sdelay $0x3  }
0x33: {  	p0 =	seq.s32 s10, $0x1;
	s10 =	sld [smem:$0x3FA8];
	_ =	sdelay $0x3  }
0x34: {  	[smem:$0x3FA8] =	sst s10  }
0x35: {  	s10 =	sld [smem:$0x3FA7];
	_ =	sdelay $0x3  }
0x36: {  	p1 =	seq.s32 s10, $0x1;
	s10 =	sld [smem:$0x3FA8];
	_ =	sdelay $0x3  }
0x37: {  	[smem:$0x3FA8] =	sst s10  }
0x38: {  	s10 =	sld [smem:$0x3FA9]  }
0x39: {  	_ = 	snop;
	(pc) =	sbr.ind lr, $3  }
0x3a: {  	_ = 	snop  }
0x3b: {  	_ = 	snop  }
0x3c: {  	p2 =	seq.s32 s10, $0x1;
	s10 =	sld [smem:$0x3FA8]  }
0x3d: {  	_ =	shalt  }
0x3e: {  	_ =	shalt  }
0x3f: {  	_ =	shalt  }
0x40: {  	_ =	shalt  }
0x41: {  	_ =	shalt  }
0x42: {  	_ =	shalt  }
0x43: {  	_ =	shalt  }
0x44: {  	_ =	shalt  }
0x45: {  	_ =	shalt  }
0x46: {  	_ =	shalt  }
0x47: {  	_ =	shalt  }
0x48: {  	_ =	shalt  }
0x49: {  	_ =	shalt  }
0x4a: {  	_ =	shalt  }
0x4b: {  	_ =	shalt  }
0x4c: {  	_ =	shalt  }
0x4d: {  	_ =	shalt  }
0x4e: {  	_ =	shalt  }
0x4f: {  	_ =	shalt  }
0x50: {  	_ =	shalt  }
0x51: {  	_ =	shalt  }
0x52: {  	_ =	shalt  }
0x53: {  	_ =	shalt  }
0x54: {  	_ =	shalt  }
0x55: {  	_ =	shalt  }
0x56: {  	_ =	shalt  }
0x57: {  	_ =	shalt  }
0x58: {  	_ =	shalt  }
0x59: {  	_ =	shalt  }
0x5a: {  	_ =	shalt  }
0x5b: {  	_ =	shalt  }
0x5c: {  	_ =	shalt  }
0x5d: {  	_ =	shalt  }
0x5e: {  	_ =	shalt  }
0x5f: {  	_ =	shalt  }
0x60: {  	_ =	shalt  }
0x61: {  	_ =	shalt  }
0x62: {  	_ =	shalt  }
0x63: {  	_ =	shalt  }
0x64: {  	_ =	shalt  }
0x65: {  	_ =	shalt  }
0x66: {  	_ =	shalt  }
0x67: {  	_ =	shalt  }
0x68: {  	_ =	shalt  }
0x69: {  	_ =	shalt  }
0x6a: {  	_ =	shalt  }
0x6b: {  	_ =	shalt  }
0x6c: {  	_ =	shalt  }
0x6d: {  	_ =	shalt  }
0x6e: {  	_ =	shalt  }
0x6f: {  	_ =	shalt  }
0x70: {  	_ =	shalt  }
0x71: {  	_ =	shalt  }
0x72: {  	_ =	shalt  }
0x73: {  	_ =	shalt  }
0x74: {  	_ =	shalt  }
0x75: {  	_ =	shalt  }
0x76: {  	_ =	shalt  }
0x77: {  	_ =	shalt  }
0x78: {  	_ =	shalt  }
0x79: {  	_ =	shalt  }
0x7a: {  	_ =	shalt  }
0x7b: {  	_ =	shalt  }
0x7c: {  	_ =	shalt  }
0x7d: {  	_ =	shalt  }
0x7e: {  	_ =	shalt  }
0x7f: {  	_ =	shalt  }
0x80: {  	_ =	shalt  }
0x81: {  	_ =	shalt  }
0x82: {  	_ =	shalt  }
0x83: {  	_ =	shalt  }
0x84: {  	_ =	shalt  }
0x85: {  	_ =	shalt  }
0x86: {  	_ =	shalt  }
0x87: {  	_ =	shalt  }
.Lfunc_end0:
.L_simem_size_0:
called_computation.1_lowered:
.L_overlay_start_0:
0x88: {  	s2 =	sld [smem:$0x3FD9]  }
0x89: {  	s3 =	sld [smem:$0x3FFE];
	_ =	sdelay $0x1  }
0x8a: {  	s1 =	srdreg.scid  }
0x8b: {  	s0 =	sand.u32 $0x1, s1  }
0x8c: {  	s16 =	sshll.u32 s0, $0xA;
	s2 =	sadd.s32 s3, s2  }
0x8d: {  	s2 =	sadd.s32 s2, s16  }
0x8e: {  	[smem:$0x3FB4] =	sst s2  }
0x8f: {  	_ = 	snop  }
0x90: {  	(tm) =	ssettm $0x1  }
0x91: {  	s17 =	sld [smem:$0x3FFB];
	_ =	sdelay $0x3  }
0x92: {  	_ =	strace s17  }
0x93: {  	s2 =	sld [smem:$0x3FFC];
	_ =	sdelay $0x3  }
0x94: {  	_ =	strace s2  }
0x95: {  	s2 =	sld [smem:$0x3FFD];
	_ =	sdelay $0x3  }
0x96: {  	_ =	strace s2  }
0x97: {  	_ =	strace $0x8FFFFFFF  }
0x98: {  	s18 =	sld [smem:$0x3FDB];
	_ =	sdelay $0x1  }
0x99: {  	s19 =	simm.s32 $_scs_section_size  }
0x9a: {  	s4 =	simm.s32 $_size__tile_overlayer_lowered;
	s5 =	simm.s32 $_tile_overlayer_lowered  }
0x9b: {  	s22 =	simm.s32 $0x1BFF;
	s21 =	sshll.u32 s5, $0x1;
	s2 =	sadd.s32 s19, s18  }
0x9c: {  	s6 =	simm.s32 $0x0;
	s20 =	sshll.u32 s4, $0x1;
	s4 =	sadd.s32 s21, s2  }
0x9d: {  	[timem:s6], [sflag:s22] =	dma.local [hbm:s4], s20  }
0x9e: {  	_ =	swait.ge [sflag:s22], s20  }
0x9f: {  	s3 =	ssub.s32 $0x0, s20;
	[sflag:s22] =	ssyncset.done $0x0  }
0xa0: {  	[sflag:s22] =	ssyncadd.s32 s3;
	_ =	sdelay $0x1  }
0xa1: {  	s23 =	simm.s32 $0x1B8B  }
0xa2: {  	_ =	swait.ge [sflag:s23], $0x1  }
0xa3: {  	[sflag:s23] =	ssyncset.done $0x0  }
0xa4: {  	s25 =	simm.s32 $0x1B8E;
	s24 =	sld [smem:$0x3FFE];
	[sflag:s23] =	ssyncadd.s32 $0xFFFFFFFF  }
0xa5: {  	s26 =	simm.s32 $execute0_lowered;
	[smem:$0x3FD2] =	sst s25  }
0xa6: {  	s4 =	sshll.u32 s26, $0x1;
	_ =	strace $0x80000049;
	[dreg:$0x1] =	wrdreg $0xFFFFFFFF  }
0xa7: {  	s28 =	simm.s32 $_size_execute0_lowered;
	s2 =	sadd.s32 s2, s4;
	[dreg:$0x0] =	wrdreg $0x0  }
0xa8: {  	s4 =	sshll.u32 s28, $0x1;
	[dreg:$0x2] =	wrdreg s2  }
0xa9: {  	[dreg:$0x3] =	wrdreg s4  }
0xaa: {  	[dreg:$0x4] =	wrdreg $0xC0  }
0xab: {  	_ =	task [dreg:s6], $0x5FFFF  }
0xac: {  	[dreg:$0x1] =	wrdreg $0xFFFFFFFF  }
0xad: {  	[dreg:$0x0] =	wrdreg $0x60  }
0xae: {  	[dreg:$0x2] =	wrdreg s24  }
0xaf: {  	[dreg:$0x3] =	wrdreg $0x0  }
0xb0: {  	[dreg:$0x4] =	wrdreg $0x9  }
0xb1: {  	_ =	task.clear_ibuf [dreg:s6], $0x5FFFF;
	_ =	strace $0x90000049  }
0xb2: {  	s29 =	simm.s32 $0x9;
	_ =	strace $0x8000004B  }
0xb3: {  	_ =	swait.ge [sflag:s29], $0x1  }
0xb4: {  	[sflag:s29] =	ssyncadd.s32 $0xFFFFFFFF  }
0xb5: {  	_ =	strace $0x9000004B  }
0xb6: {  	_ =	sfence  }
0xb7: {  	s30 =	sld [smem:$0x0];
	_ =	sdelay $0x2  }
0xb8: {  	s31 =	sshll.u32 s1, $0xD;
	s1 =	sshrl.u32 s1, $0x2  }
0xb9: {  	s3 =	sand.u32 $0x4000, s31;
	s1 =	sadd.s32 s1, s30  }
0xba: {  	s0 =	sor.u32 s3, s0;
	s1 =	sshll.u32 s1, $0x11  }
0xbb: {  	s0 =	sor.u32 s1, s0  }
0xbc: {  	s0 =	sadd.s32 $0x8F2B, s0  }
0xbd: {  	[sflag:s0] =	ssyncadd.remote.s32 $0x1  }
0xbe: {  	_ =	sfence.sel $0xFFFF  }
0xbf: {  	[dreg:$0x0] =	wrdreg $0xFFFFFFFF;
	(pc) =	sbr.abs _section_cstart, $3  }
0xc0: {  	[dreg:$0x1] =	wrdreg $0xFFFFFFFF  }
0xc1: {  	_ =	task.clear_ibuf [dreg:s6], $0x2FFFF;
	_ =	strace $0x9FFFFFFF  }
0xc2: {  	(tm) =	ssettm $0x7FFFFFFF  }
0xc3: {  	_ =	shalt  }
tec
execute0_lowered:
.L_overlay_start_1:
0x0: {  	(tag) =	ssettag $0x1  }
0x1: {  	s0 =	srdreg.scid;
	s7 =	rddreg [dreg:$0x0]  }
0x2: {  	s10 =	stileid.u32;
	s2 =	rddreg [dreg:$0x1];
	s3 =	simm.s32 $0x0  }
0x3: {  	s29 =	simm.s32 $0x40;
	s30 =	simm.s32 $0x1;
	s31 =	simm.s32 $0x3  }
0x4: {  	s0 =	sand.u32 $0x1, s0;
	s1 =	sshll.u32 s10, $0x1;
	s8 =	smul.u32 $0x2800, s10  }
0x5: {  	[smem:$0x7FF] =	sst s3;
	s4 =	sadd.s32 $0x4A00, s7;
	s22 =	smul.u32 $0x50000, s10  }
0x6: {  	s19 =	sadd.s32 $0x564000, s7;
	s1 =	sor.u32 s0, s1;
	s9 =	smul.u32 $0x28000, s0  }
0x7: {  	s20 =	sadd.s32 $0x4C440, s7;
	s0 =	ssub.s32 $0x2, s0;
	s5 =	smul.u32 $0x27800, s1  }
0x8: {  	_ =	strace $0x8000004A;
	s6 =	smul.u32 $0x13C0, s1;
	s24 =	sshrl.u32 s0, $0x1  }
0x9: {  	s25 =	sshrl.u32 s22, $0x2;
	s23 =	sadd.s32 s8, s9;
	s0 =	ssub.s32 s0, s24  }
0xa: {  	s24 =	simm.s32 $0x4;
	s17 =	sadd.s32 s5, s7;
	s18 =	sadd.s32 s6, s7  }
0xb: {  	s21 =	sadd.s32 s23, s7;
	s5 =	smul.u32 $0x9E, s1;
	s6 =	sadd.s32 s25, s2  }
0xc: {  	s22 =	smax.u32 s0, $0x1;
	s23 =	simm.s32 $0x18400;
	s25 =	simm.s32 $0x14000  }
0xd: {  	s26 =	sadd.s32 $0x2000, s6;
	s28 =	sadd.s32 $0x4000, s6;
	s9 =	sadd.s32 $0x6000, s6  }
0xe: {  	s10 =	sadd.s32 $0x8000, s6;
	s11 =	sadd.s32 $0xA000, s6;
	s12 =	sadd.s32 $0xC000, s6  }
0xf: {  	s13 =	sadd.s32 $0xE000, s6;
	s14 =	sadd.s32 $0x10000, s6;
	s15 =	sadd.s32 $0x12000, s6  }
0x10: {  	s16 =	sadd.s32 $0x4C400, s18;
	s17 =	sadd.s32 $0x563C00, s17;
	[dreg:$0x3] =	wrdreg s26  }
0x11: {  	v0 =	vimm.f32 $0.0e+00;
	s18 =	sadd.s32 $0x4C420, s18;
	s21 =	sadd.s32 $0x73C00, s21;
	[dreg:$0x4] =	wrdreg s28  }
.LBB2_1:
0x12: {  	s0 =	simm.s32 $0x0;
	s1 =	simm.s32 $0x200  }
.LBB2_2:
0x13: {  	p0 =	sne.s32 s1, $0x7E00;
	[tilespmem:s0+$0x18470] =	vst v0  }
0x14: {  	[tilespmem:s0+$0x18400] =	vst v0  }
0x15: {  	[tilespmem:s0+$0x18410] =	vst v0  }
.Ltmp0:
0x16: {  	[tilespmem:s0+$0x18420] =	vst v0;
	(pc) =	sbr.rel @p0 .LBB2_2-.Ltmp0, $4  }
0x17: {  	[tilespmem:s0+$0x18430] =	vst v0  }
0x18: {  	[tilespmem:s0+$0x18440] =	vst v0  }
0x19: {  	[tilespmem:s0+$0x18450] =	vst v0  }
0x1a: {  	[tilespmem:s0+$0x18460] =	vst v0;
	s0 =	sshra.s32 s1, $0x2;
	s1 =	sadd.s32 $0x200, s1  }
0x1b: {  	[tilespmem:s0+$0x18470] =	vst v0  }
0x1c: {  	[tilespmem:s0+$0x18400] =	vst v0  }
0x1d: {  	[tilespmem:s0+$0x18410] =	vst v0  }
0x1e: {  	[tilespmem:s0+$0x18420] =	vst v0  }
0x1f: {  	[tilespmem:s0+$0x18430] =	vst v0  }
0x20: {  	[tilespmem:s0+$0x18440] =	vst v0  }
0x21: {  	[tilespmem:s0+$0x18450] =	vst v0  }
0x22: {  	[tilespmem:s0+$0x18460] =	vst v0  }
0x23: {  	[spmem:s6] =	stream.linear.scatter [tilespmem:s23], [sflag:$0x4], $0x2000, $0x38;
	[tilespmem:$0x1C400] =	vst v63  }
0x24: {  	_ =	swait.ge [sflag:s24], $0x2000  }
0x25: {  	[sflag:s24] =	ssyncset.done $0x0  }
0x26: {  	s7 =	rddreg [dreg:$0x3];
	[sflag:s24] =	ssyncadd.s32 $0xFFFFE000  }
0x27: {  	[spmem:s7] =	stream.linear.scatter [tilespmem:s23], [sflag:$0x4], $0x2000, $0x38;
	[tilespmem:$0x1C400] =	vst v63  }
0x28: {  	_ =	swait.ge [sflag:s24], $0x2000  }
0x29: {  	[sflag:s24] =	ssyncset.done $0x0  }
0x2a: {  	s8 =	rddreg [dreg:$0x4];
	[sflag:s24] =	ssyncadd.s32 $0xFFFFE000  }
0x2b: {  	[spmem:s8] =	stream.linear.scatter [tilespmem:s23], [sflag:$0x4], $0x2000, $0x38;
	[tilespmem:$0x1C400] =	vst v63  }
0x2c: {  	_ =	swait.ge [sflag:s24], $0x2000  }
0x2d: {  	[sflag:s24] =	ssyncset.done $0x0  }
0x2e: {  	[sflag:s24] =	ssyncadd.s32 $0xFFFFE000  }
0x2f: {  	[spmem:s9] =	stream.linear.scatter [tilespmem:s23], [sflag:$0x4], $0x2000, $0x38;
	[tilespmem:$0x1C400] =	vst v63  }
0x30: {  	_ =	swait.ge [sflag:s24], $0x2000  }
0x31: {  	[sflag:s24] =	ssyncset.done $0x0  }
0x32: {  	[sflag:s24] =	ssyncadd.s32 $0xFFFFE000  }
0x33: {  	[spmem:s10] =	stream.linear.scatter [tilespmem:s23], [sflag:$0x4], $0x2000, $0x38;
	[tilespmem:$0x1C400] =	vst v63  }
0x34: {  	_ =	swait.ge [sflag:s24], $0x2000  }
0x35: {  	[sflag:s24] =	ssyncset.done $0x0  }
0x36: {  	[sflag:s24] =	ssyncadd.s32 $0xFFFFE000  }
0x37: {  	[spmem:s11] =	stream.linear.scatter [tilespmem:s23], [sflag:$0x4], $0x2000, $0x38;
	[tilespmem:$0x1C400] =	vst v63  }
0x38: {  	_ =	swait.ge [sflag:s24], $0x2000  }
0x39: {  	[sflag:s24] =	ssyncset.done $0x0  }
0x3a: {  	[sflag:s24] =	ssyncadd.s32 $0xFFFFE000  }
0x3b: {  	[spmem:s12] =	stream.linear.scatter [tilespmem:s23], [sflag:$0x4], $0x2000, $0x38;
	[tilespmem:$0x1C400] =	vst v63  }
0x3c: {  	_ =	swait.ge [sflag:s24], $0x2000  }
0x3d: {  	[sflag:s24] =	ssyncset.done $0x0  }
0x3e: {  	[sflag:s24] =	ssyncadd.s32 $0xFFFFE000  }
0x3f: {  	[spmem:s13] =	stream.linear.scatter [tilespmem:s23], [sflag:$0x4], $0x2000, $0x38;
	[tilespmem:$0x1C400] =	vst v63  }
0x40: {  	_ =	swait.ge [sflag:s24], $0x2000  }
0x41: {  	[sflag:s24] =	ssyncset.done $0x0  }
0x42: {  	[sflag:s24] =	ssyncadd.s32 $0xFFFFE000  }
0x43: {  	[spmem:s14] =	stream.linear.scatter [tilespmem:s23], [sflag:$0x4], $0x2000, $0x38;
	[tilespmem:$0x1C400] =	vst v63  }
0x44: {  	_ =	swait.ge [sflag:s24], $0x2000  }
0x45: {  	[sflag:s24] =	ssyncset.done $0x0  }
0x46: {  	[sflag:s24] =	ssyncadd.s32 $0xFFFFE000  }
0x47: {  	[spmem:s15] =	stream.linear.scatter [tilespmem:s23], [sflag:$0x4], $0x2000, $0x38;
	[tilespmem:$0x1C400] =	vst v63  }
0x48: {  	_ =	swait.ge [sflag:s24], $0x2000  }
0x49: {  	[sflag:s24] =	ssyncset.done $0x0  }
0x4a: {  	[sflag:s24] =	ssyncadd.s32 $0xFFFFE000  }
0x4b: {  	s1 =	simm.s32 $0x0;
	[bflag:$0x0] =	sbarrier.arrive $0xFFFF  }
0x4c: {  	[tilespmem:s25], [sflag:$0x4] =	stream.linear.gather [hbm4b:s16+s1], $0x100, $0x38;
	[tilespmem:$0x1C400] =	vst v63  }
0x4d: {  	_ =	swait.ge [sflag:s24], $0x100  }
0x4e: {  	[sflag:s24] =	ssyncset.done $0x0  }
0x4f: {  	s26 =	simm.s32 $0x14400;
	[sflag:s24] =	ssyncadd.s32 $0xFFFFFF00  }
0x50: {  	[tilespmem:s26], [sflag:$0x4] =	stream.linear.gather [hbm4b:s17+s1], $0x2000, $0x38;
	[tilespmem:$0x1C400] =	vst v63  }
0x51: {  	_ =	swait.ge [sflag:s24], $0x2000  }
0x52: {  	[sflag:s24] =	ssyncset.done $0x0  }
0x53: {  	s28 =	simm.s32 $0x14100;
	[sflag:s24] =	ssyncadd.s32 $0xFFFFE000  }
0x54: {  	[tilespmem:s28], [sflag:$0x2] =	stream.linear.gather [hbm4b:s18+s1], $0x100, $0x38;
	[tilespmem:$0x1C400] =	vst v63  }
0x55: {  	p0 =	por $0x0, $0x0  }
0x56: {  	[tilespmem:s23], [sflag:$0x1] =	stream.indirect.gather [hbm4b:s4+s29], $0x80, s25, s29, $0xb8;
	[tilespmem:$0x1C400] =	vst v63  }
.LBB2_4:
0x57: {  	_ =	swait.ge [sflag:s30], $0x2000  }
0x58: {  	p1 =	seq.s32 s1, $0x9D;
	[sflag:s30] =	ssyncset.done $0x0  }
0x59: {  	s0 =	simm.s32 @!p1 $0x2;
	[sflag:s30] =	ssyncadd.s32 $0xFFFFE000  }
0x5a: {  	s26 =	sadd.s32 $0x1, s1;
	_ =	swait.ge @!p1 [sflag:s0], $0x100  }
0x5b: {  	s7 =	sshll.u32 @!p1 s26, $0xD;
	s28 =	sshll.u32 @!p1 s26, $0x8;
	[sflag:s0] =	ssyncset.done @!p1 $0x0  }
0x5c: {  	[sflag:s0] =	ssyncadd.s32 @!p1 $0xFFFFFF00;
	s0 =	sand.u32 @!p1 $0x2000, s7;
	s7 =	sand.u32 @!p1 $0x300, s28  }
0x5d: {  	s8 =	simm.s32 @!p1 $0x40;
	s28 =	sor.u32 @!p1 $0x18400, s0;
	s7 =	sor.u32 @!p1 $0x14000, s7  }
0x5e: {  	[tilespmem:s28], [sflag:$0x1] =	stream.indirect.gather @!p1 [hbm4b:s4+s8], $0x80, s7, s8, $0xb8;
	[tilespmem:$0x1C400] =	vst v63  }
0x5f: {  	s7 =	sadd.s32 @!p1 s5, s1  }
0x60: {  	p2 =	sgt.u32 @!p1 s1, $0x9B;
	s8 =	sshll.u32 @!p1 s7, $0xA  }
0x61: {  	s0 =	sor.u32 @!p1 $0x14400, s0;
	s28 =	simm.s32 @!p1 $0x0;
	s8 =	sadd.s32 @!p1 s8, s19  }
0x62: {  	[tilespmem:s0], [sflag:$0x3] =	stream.linear.gather @!p1 [hbm4b:s8+s28], $0x2000, $0x38;
	[tilespmem:$0x1C400] =	vst v63  }
0x63: {  	p1 =	por p1, p2  }
0x64: {  	s0 =	sshll.u32 @!p1 s1, $0xA  }
0x65: {  	s0 =	sand.u32 @!p1 $0xC00, s0  }
0x66: {  	s0 =	sxor.u32 @!p1 $0x800, s0  }
0x67: {  	s7 =	sshll.u32 @!p1 s7, $0x5;
	s0 =	sshrl.u32 @!p1 s0, $0x2  }
0x68: {  	s8 =	simm.s32 @!p1 $0x0;
	s7 =	sadd.s32 @!p1 s7, s20;
	s0 =	sor.u32 @!p1 $0x14000, s0  }
0x69: {  	[tilespmem:s0], [sflag:$0x2] =	stream.linear.gather @!p1 [hbm4b:s7+s8], $0x100, $0x38;
	[tilespmem:$0x1C400] =	vst v63  }
0x6a: {  	s0 =	simm.s32 $0x1  }
0x6b: {  	s0 =	simm.s32 @!p0 $0x0  }
0x6c: {  	s0 =	sshll.u32 s0, $0xD  }
0x6d: {  	s8 =	sor.u32 $0x14480, s0  }
0x6e: {  	p2 =	seq.s32 @!p1 s1, $0x0;
	s0 =	sor.u32 $0x18480, s0;
	v2 =	vmov s8  }
0x6f: {  	p1 =	por p1, !p2;
	v1 =	vmov s0  }
0x70: {  	_ =	swait.ge @p1 [sflag:s31], $0x2000  }
0x71: {  	[sflag:s31] =	ssyncset.done @p1 $0x0  }
0x72: {  	s28 =	simm.s32 $0x0;
	[sflag:s31] =	ssyncadd.s32 @p1 $0xFFFFE000  }
0x73: {  	v3 =	vld.idx.msk [tilespmem:v2+s28+$0xFFFFFF80 ss:$0x1], $0xffff  }
0x74: {  	v4 =	vld.idx.msk [tilespmem:v1+s28+$0xFFFFFF80 ss:$0x1], $0xffff;
	_ =	sdelay $0x4  }
0x75: {  	v4 =	vmul.f32 v4, v3;
	_ =	sdelay $0x1  }
0x76: {  	[tilespmem:v1+s28+$0xFFFFFF80 ss:$0x1] =	vst.idx.msk $0xffff, v4  }
0x77: {  	v4 =	vld.idx.msk [tilespmem:v1+s28+$0xFFFFFF90 ss:$0x1], $0xffff;
	_ =	sdelay $0x4  }
0x78: {  	v4 =	vmul.f32 v4, v3;
	_ =	sdelay $0x1  }
0x79: {  	[tilespmem:v1+s28+$0xFFFFFF90 ss:$0x1] =	vst.idx.msk $0xffff, v4  }
0x7a: {  	v4 =	vld.idx.msk [tilespmem:v1+s28+$0xFFFFFFA0 ss:$0x1], $0xffff;
	_ =	sdelay $0x4  }
0x7b: {  	v4 =	vmul.f32 v4, v3;
	_ =	sdelay $0x1  }
0x7c: {  	[tilespmem:v1+s28+$0xFFFFFFA0 ss:$0x1] =	vst.idx.msk $0xffff, v4  }
0x7d: {  	v4 =	vld.idx.msk [tilespmem:v1+s28+$0xFFFFFFB0 ss:$0x1], $0xffff;
	_ =	sdelay $0x4  }
0x7e: {  	v4 =	vmul.f32 v4, v3;
	_ =	sdelay $0x1  }
0x7f: {  	[tilespmem:v1+s28+$0xFFFFFFB0 ss:$0x1] =	vst.idx.msk $0xffff, v4  }
0x80: {  	v4 =	vld.idx.msk [tilespmem:v1+s28+$0xFFFFFFC0 ss:$0x1], $0xffff;
	_ =	sdelay $0x4  }
0x81: {  	v4 =	vmul.f32 v4, v3;
	_ =	sdelay $0x1  }
0x82: {  	[tilespmem:v1+s28+$0xFFFFFFC0 ss:$0x1] =	vst.idx.msk $0xffff, v4  }
0x83: {  	v4 =	vld.idx.msk [tilespmem:v1+s28+$0xFFFFFFD0 ss:$0x1], $0xffff;
	_ =	sdelay $0x4  }
0x84: {  	v4 =	vmul.f32 v4, v3;
	_ =	sdelay $0x1  }
0x85: {  	[tilespmem:v1+s28+$0xFFFFFFD0 ss:$0x1] =	vst.idx.msk $0xffff, v4  }
0x86: {  	v4 =	vld.idx.msk [tilespmem:v1+s28+$0xFFFFFFE0 ss:$0x1], $0xffff;
	_ =	sdelay $0x4  }
0x87: {  	v4 =	vmul.f32 v4, v3;
	_ =	sdelay $0x1  }
0x88: {  	[tilespmem:v1+s28+$0xFFFFFFE0 ss:$0x1] =	vst.idx.msk $0xffff, v4  }
0x89: {  	v4 =	vld.idx.msk [tilespmem:v1+s28+$0xFFFFFFF0 ss:$0x1], $0xffff;
	_ =	sdelay $0x4  }
0x8a: {  	v3 =	vmul.f32 v4, v3;
	_ =	sdelay $0x1  }
0x8b: {  	[tilespmem:v1+s28+$0xFFFFFFF0 ss:$0x1] =	vst.idx.msk $0xffff, v3  }
0x8c: {  	v3 =	vld.idx.msk [tilespmem:v2+s28+$0x0 ss:$0x1], $0xffff  }
0x8d: {  	v4 =	vld.idx.msk [tilespmem:v1+s28+$0x0 ss:$0x1], $0xffff;
	_ =	sdelay $0x4  }
0x8e: {  	v4 =	vmul.f32 v4, v3;
	_ =	sdelay $0x1  }
0x8f: {  	[tilespmem:v1+s28+$0x0 ss:$0x1] =	vst.idx.msk $0xffff, v4  }
0x90: {  	v4 =	vld.idx.msk [tilespmem:v1+s28+$0x10 ss:$0x1], $0xffff;
	_ =	sdelay $0x4  }
0x91: {  	v4 =	vmul.f32 v4, v3;
	_ =	sdelay $0x1  }
0x92: {  	[tilespmem:v1+s28+$0x10 ss:$0x1] =	vst.idx.msk $0xffff, v4  }
0x93: {  	v4 =	vld.idx.msk [tilespmem:v1+s28+$0x20 ss:$0x1], $0xffff;
	_ =	sdelay $0x4  }
0x94: {  	v4 =	vmul.f32 v4, v3;
	_ =	sdelay $0x1  }
0x95: {  	[tilespmem:v1+s28+$0x20 ss:$0x1] =	vst.idx.msk $0xffff, v4  }
0x96: {  	v4 =	vld.idx.msk [tilespmem:v1+s28+$0x30 ss:$0x1], $0xffff;
	_ =	sdelay $0x4  }
0x97: {  	v4 =	vmul.f32 v4, v3;
	_ =	sdelay $0x1  }
0x98: {  	[tilespmem:v1+s28+$0x30 ss:$0x1] =	vst.idx.msk $0xffff, v4  }
0x99: {  	v4 =	vld.idx.msk [tilespmem:v1+s28+$0x40 ss:$0x1], $0xffff;
	_ =	sdelay $0x4  }
0x9a: {  	v4 =	vmul.f32 v4, v3;
	_ =	sdelay $0x1  }
0x9b: {  	[tilespmem:v1+s28+$0x40 ss:$0x1] =	vst.idx.msk $0xffff, v4  }
0x9c: {  	v4 =	vld.idx.msk [tilespmem:v1+s28+$0x50 ss:$0x1], $0xffff;
	_ =	sdelay $0x4  }
0x9d: {  	v4 =	vmul.f32 v4, v3;
	_ =	sdelay $0x1  }
0x9e: {  	[tilespmem:v1+s28+$0x50 ss:$0x1] =	vst.idx.msk $0xffff, v4  }
0x9f: {  	v4 =	vld.idx.msk [tilespmem:v1+s28+$0x60 ss:$0x1], $0xffff;
	_ =	sdelay $0x4  }
0xa0: {  	v4 =	vmul.f32 v4, v3  }
0xa1: {  	s8 =	sshll.u32 s1, $0xD  }
0xa2: {  	s0 =	sand.u32 $0x2000, s8;
	[tilespmem:v1+s28+$0x60 ss:$0x1] =	vst.idx.msk $0xffff, v4  }
0xa3: {  	s7 =	simm.s32 $0x400;
	s0 =	sor.u32 $0x18400, s0;
	v4 =	vld.idx.msk [tilespmem:v1+s28+$0x70 ss:$0x1], $0xffff  }
.LBB2_5:
0xa4: {  	_ =	sdelay $0x3  }
0xa5: {  	p1 =	sne.s32 s7, $0x7C00;
	s8 =	smov.u32 s7;
	s7 =	sadd.s32 $0x400, s7;
	v3 =	vmul.f32 v4, v3  }
0xa6: {  	_ = 	snop  }
0xa7: {  	[tilespmem:v1+s28+$0x70 ss:$0x1] =	vst.idx.msk $0xffff, v3;
	s28 =	sshra.s32 s8, $0x2  }
0xa8: {  	v3 =	vld.idx.msk [tilespmem:v2+s28+$0xFFFFFF80 ss:$0x1], $0xffff  }
0xa9: {  	v4 =	vld.idx.msk [tilespmem:v1+s28+$0xFFFFFF80 ss:$0x1], $0xffff;
	_ =	sdelay $0x5  }
0xaa: {  	v4 =	vmul.f32 v4, v3;
	_ =	sdelay $0x1  }
0xab: {  	[tilespmem:v1+s28+$0xFFFFFF80 ss:$0x1] =	vst.idx.msk $0xffff, v4  }
0xac: {  	v4 =	vld.idx.msk [tilespmem:v1+s28+$0xFFFFFF90 ss:$0x1], $0xffff;
	_ =	sdelay $0x5  }
0xad: {  	v4 =	vmul.f32 v4, v3;
	_ =	sdelay $0x1  }
0xae: {  	[tilespmem:v1+s28+$0xFFFFFF90 ss:$0x1] =	vst.idx.msk $0xffff, v4  }
0xaf: {  	v4 =	vld.idx.msk [tilespmem:v1+s28+$0xFFFFFFA0 ss:$0x1], $0xffff;
	_ =	sdelay $0x5  }
0xb0: {  	v4 =	vmul.f32 v4, v3;
	_ =	sdelay $0x1  }
0xb1: {  	[tilespmem:v1+s28+$0xFFFFFFA0 ss:$0x1] =	vst.idx.msk $0xffff, v4  }
0xb2: {  	v4 =	vld.idx.msk [tilespmem:v1+s28+$0xFFFFFFB0 ss:$0x1], $0xffff;
	_ =	sdelay $0x5  }
0xb3: {  	v4 =	vmul.f32 v4, v3;
	_ =	sdelay $0x1  }
0xb4: {  	[tilespmem:v1+s28+$0xFFFFFFB0 ss:$0x1] =	vst.idx.msk $0xffff, v4  }
0xb5: {  	v4 =	vld.idx.msk [tilespmem:v1+s28+$0xFFFFFFC0 ss:$0x1], $0xffff;
	_ =	sdelay $0x5  }
0xb6: {  	v4 =	vmul.f32 v4, v3;
	_ =	sdelay $0x1  }
0xb7: {  	[tilespmem:v1+s28+$0xFFFFFFC0 ss:$0x1] =	vst.idx.msk $0xffff, v4  }
0xb8: {  	v4 =	vld.idx.msk [tilespmem:v1+s28+$0xFFFFFFD0 ss:$0x1], $0xffff;
	_ =	sdelay $0x5  }
0xb9: {  	v4 =	vmul.f32 v4, v3;
	_ =	sdelay $0x1  }
0xba: {  	[tilespmem:v1+s28+$0xFFFFFFD0 ss:$0x1] =	vst.idx.msk $0xffff, v4  }
0xbb: {  	v4 =	vld.idx.msk [tilespmem:v1+s28+$0xFFFFFFE0 ss:$0x1], $0xffff;
	_ =	sdelay $0x5  }
0xbc: {  	v4 =	vmul.f32 v4, v3;
	_ =	sdelay $0x1  }
0xbd: {  	[tilespmem:v1+s28+$0xFFFFFFE0 ss:$0x1] =	vst.idx.msk $0xffff, v4  }
0xbe: {  	v4 =	vld.idx.msk [tilespmem:v1+s28+$0xFFFFFFF0 ss:$0x1], $0xffff;
	_ =	sdelay $0x5  }
0xbf: {  	v3 =	vmul.f32 v4, v3;
	_ =	sdelay $0x1  }
0xc0: {  	[tilespmem:v1+s28+$0xFFFFFFF0 ss:$0x1] =	vst.idx.msk $0xffff, v3  }
0xc1: {  	v3 =	vld.idx.msk [tilespmem:v2+s28+$0x0 ss:$0x1], $0xffff  }
0xc2: {  	v4 =	vld.idx.msk [tilespmem:v1+s28+$0x0 ss:$0x1], $0xffff;
	_ =	sdelay $0x5  }
0xc3: {  	v4 =	vmul.f32 v4, v3;
	_ =	sdelay $0x1  }
0xc4: {  	[tilespmem:v1+s28+$0x0 ss:$0x1] =	vst.idx.msk $0xffff, v4  }
0xc5: {  	v4 =	vld.idx.msk [tilespmem:v1+s28+$0x10 ss:$0x1], $0xffff;
	_ =	sdelay $0x5  }
0xc6: {  	v4 =	vmul.f32 v4, v3;
	_ =	sdelay $0x1  }
0xc7: {  	[tilespmem:v1+s28+$0x10 ss:$0x1] =	vst.idx.msk $0xffff, v4  }
0xc8: {  	v4 =	vld.idx.msk [tilespmem:v1+s28+$0x20 ss:$0x1], $0xffff;
	_ =	sdelay $0x5  }
0xc9: {  	v4 =	vmul.f32 v4, v3;
	_ =	sdelay $0x1  }
0xca: {  	[tilespmem:v1+s28+$0x20 ss:$0x1] =	vst.idx.msk $0xffff, v4  }
0xcb: {  	v4 =	vld.idx.msk [tilespmem:v1+s28+$0x30 ss:$0x1], $0xffff;
	_ =	sdelay $0x5  }
0xcc: {  	v4 =	vmul.f32 v4, v3;
	_ =	sdelay $0x1  }
0xcd: {  	[tilespmem:v1+s28+$0x30 ss:$0x1] =	vst.idx.msk $0xffff, v4  }
0xce: {  	v4 =	vld.idx.msk [tilespmem:v1+s28+$0x40 ss:$0x1], $0xffff;
	_ =	sdelay $0x5  }
0xcf: {  	v4 =	vmul.f32 v4, v3;
	_ =	sdelay $0x1  }
0xd0: {  	[tilespmem:v1+s28+$0x40 ss:$0x1] =	vst.idx.msk $0xffff, v4  }
0xd1: {  	v4 =	vld.idx.msk [tilespmem:v1+s28+$0x50 ss:$0x1], $0xffff;
	_ =	sdelay $0x5  }
0xd2: {  	v4 =	vmul.f32 v4, v3;
	_ =	sdelay $0x1  }
0xd3: {  	[tilespmem:v1+s28+$0x50 ss:$0x1] =	vst.idx.msk $0xffff, v4  }
0xd4: {  	v4 =	vld.idx.msk [tilespmem:v1+s28+$0x60 ss:$0x1], $0xffff;
	_ =	sdelay $0x4  }
.Ltmp1:
0xd5: {  	(pc) =	sbr.rel @p1 .LBB2_5-.Ltmp1, $3  }
0xd6: {  	v4 =	vmul.f32 v4, v3;
	_ =	sdelay $0x1  }
0xd7: {  	[tilespmem:v1+s28+$0x60 ss:$0x1] =	vst.idx.msk $0xffff, v4  }
0xd8: {  	v4 =	vld.idx.msk [tilespmem:v1+s28+$0x70 ss:$0x1], $0xffff  }
0xd9: {  	_ =	sdelay $0x3  }
0xda: {  	s1 =	sshll.u32 s1, $0x8;
	v2 =	vmul.f32 v4, v3  }
0xdb: {  	p1 =	sne.s32 s26, $0x9E;
	s1 =	sand.u32 $0x300, s1  }
.Ltmp2:
0xdc: {  	s1 =	sor.u32 $0x14080, s1;
	[tilespmem:v1+s28+$0x70 ss:$0x1] =	vst.idx.msk $0xffff, v2;
	(pc) =	sbr.rel @p1 .LBB2_4-.Ltmp2, $4  }
0xdd: {  	[spmem:s2] =	stream.indirect.scatter.add.f32 [tilespmem:s0], [sflag:$0x4], $0x80, s1, s29, $0xb8;
	[tilespmem:$0x1C400] =	vst v63  }
0xde: {  	_ =	swait.ge [sflag:s24], $0x2000  }
0xdf: {  	[sflag:s24] =	ssyncset.done $0x0  }
0xe0: {  	p0 =	por !p0, !p0;
	s1 =	smov.u32 s26;
	[sflag:s24] =	ssyncadd.s32 $0xFFFFE000  }
0xe1: {  	s0 =	stileid.u32;
	s3 =	sadd.s32 $0x1, s3  }
0xe2: {  	[bflag:$0x0] =	sbarrier.arrive $0xFFFF;
	s0 =	sshll.u32 s0, $0x6;
	p0 =	sne.s32 s3, s22  }
.Ltmp3:
0xe3: {  	s1 =	sshrl.u32 s6, $0x3;
	s0 =	sor.u32 $0x1C04, s0;
	(pc) =	sbr.rel @p0 .LBB2_1-.Ltmp3, $4  }
0xe4: {  	[hbm:s21], [sflag:s0] =	dma.local [spmem:s1], $0x2800  }
0xe5: {  	_ =	swait.ge [sflag:s24], $0x2800  }
0xe6: {  	[sflag:s24] =	ssyncset.done $0x0  }
0xe7: {  	[sflag:s24] =	ssyncadd.s32 $0xFFFFD800  }
0xe8: {  	_ =	sfence.sel $0x180000  }
0xe9: {  	[bflag:$0x0] =	sbarrier.arrive $0xFFFF  }
0xea: {  	_ =	strace $0x9000004A  }
0xeb: {  	s0 =	stileid.u32;
	[bflag:$0x2] =	sbarrier.arrive $0xFFFF  }
0xec: {  	p0 =	sne.s32 s0, $0x0;
	s0 =	rddreg [dreg:$0x2]  }
0xed: {  	s0 =	sadd.s32 @!p0 $0x100000, s0  }
0xee: {  	[sflag:s0] =	ssyncadd.tile.s32 @!p0 $0x1;
	_ =	shalt  }
.Lfunc_end2:
_tile_overlayer_lowered:
.L_overlay_start_2:
0xef: {  	(tag) =	ssettag $0x2  }
0xf0: {  	s0 =	rddreg [dreg:$0x0];
	s2 =	stileid.u32  }
0xf1: {  	s1 =	rddreg [dreg:$0x1];
	p0 =	sne.s32 s2, $0x0  }
0xf2: {  	s3 =	rddreg [dreg:$0x2];
	[bflag:$0x3] =	sbarrier.arrive $0xFFFF;
	s2 =	simm.s32 @!p0 $0x1C04  }
0xf3: {  	[timem:s3], [sflag:s2] =	dma.local @!p0 [hbm:s0], s1  }
0xf4: {  	s0 =	simm.s32 @!p0 $0x4  }
0xf5: {  	_ =	swait.ge @!p0 [sflag:s0], s1  }
0xf6: {  	s1 =	ssub.s32 @!p0 $0x0, s1;
	[sflag:s0] =	ssyncset.done @!p0 $0x0  }
0xf7: {  	[sflag:s0] =	ssyncadd.s32 @!p0 s1  }
0xf8: {  	[bflag:$0x3] =	sbarrier.arrive $0xFFFF  }
0xf9: {  	_ =	shalt  }

// kernel: kernel.20.cloned.1.call-start
scs
__scs_entry_jumppad:
0x0: {  	(pc) =	sbr.rel $0x88, $3  }
0x1: {  	(tag) =	ssettag $0x0;
	lr =	simm.s32 $0x1  }
0x2: {  	[smem:$0x3F8D] =	sst lr;
	_ =	strace $0xD0000000  }
0x3: {  	_ = 	snop  }
0x4: {  	_ = 	snop  }
0x5: {  	_ = 	snop  }
0x6: {  	_ = 	snop  }
0x7: {  	_ = 	snop  }
__scs_overlays_trampoline_lowered:
0x8: {  	[smem:$0x3F9C] =	sst s0  }
0x9: {  	[smem:$0x3F9D] =	sst s1  }
0xa: {  	[smem:$0x3F9E] =	sst s2  }
0xb: {  	[smem:$0x3F9F] =	sst s3  }
0xc: {  	[smem:$0x3FA0] =	sst s4  }
0xd: {  	[smem:$0x3FA1] =	sst s5  }
0xe: {  	[smem:$0x3FA2] =	sst s6  }
0xf: {  	[smem:$0x3FA3] =	sst s7  }
0x10: {  	[smem:$0x3FA4] =	sst s8  }
0x11: {  	[smem:$0x3FA5] =	sst s9;
	s0 =	simm.s32 @!p0 $0x0  }
0x12: {  	s1 =	sld [smem:$0x3F8B];
	s0 =	simm.s32 @p0 $0x1  }
0x13: {  	[smem:$0x3FA6] =	sst s0;
	s0 =	simm.s32 @!p1 $0x0  }
0x14: {  	s2 =	sld [smem:$0x3F8A];
	s0 =	simm.s32 @p1 $0x1  }
0x15: {  	[smem:$0x3FA7] =	sst s0;
	s0 =	simm.s32 @!p2 $0x0  }
0x16: {  	s3 =	sld [smem:$0x3FDB];
	s0 =	simm.s32 @p2 $0x1  }
0x17: {  	s4 =	simm.s32 $0x1BF5;
	[smem:$0x3FA9] =	sst s0  }
0x18: {  	s0 =	sld [smem:$0x3F8C];
	_ =	swait.ge [sflag:s4], $0x0  }
0x19: {  	s7 =	sld [smem:$0x3F8D]  }
0x1a: {  	s8 =	sadd.s32 $0xFFFFE003, lr  }
0x1b: {  	s9 =	sadd.s32 $0xFFFFFEF7, lr;
	s5 =	simm.s32 $0xFFFFFFFF;
	p2 =	slt.u32 s8, $0xFFFFF086  }
0x1c: {  	p1 =	slt.u32 s9, $0xF7A;
	s5 =	simm.s32 @!p2 $0x0  }
0x1d: {  	s5 =	simm.s32 @p1 $0x1;
	p0 =	seq.s32 s7, s2  }
0x1e: {  	s7 =	smul.u32 @!p0 $0xF7A, s2;
	p2 =	seq.s32 @!p0 s5, $0x0  }
0x1f: {  	s9 =	smul.u32 $0xF7A, s1;
	s8 =	simm.s32 @!p0 $0x1BF5;
	p2 =	por !p2, p0  }
0x20: {  	[sflag:s8] =	ssyncset.s32 @!p0 $0xFFFFF086;
	s6 =	sadd.s32 @!p0 s3, s7;
	s7 =	simm.s32 @!p0 $0x108  }
0x21: {  	s3 =	sadd.s32 s3, s9;
	s6 =	sadd.s32 @!p0 $0x88, s6;
	s7 =	simm.s32 @p2 $0x1082  }
0x22: {  	[simem:s7], [sflag:s8] =	dma.local @!p0 [hbm:s6], $0xF7A  }
0x23: {  	s9 =	sor.u32 $0xD0000000, s2;
	s6 =	simm.s32 $0x108;
	_ =	swait.ge @!p0 [sflag:s8], $0x0  }
0x24: {  	s3 =	sadd.s32 $0x88, s3;
	s6 =	simm.s32 @!p1 $0x1082;
	[sflag:s4] =	ssyncset.s32 $0xFFFFF086  }
0x25: {  	[simem:s6], [sflag:s4] =	dma.local [hbm:s3], $0xF7A  }
0x26: {  	[smem:$0x3F8D] =	sst s1;
	(tag) =	ssettag s2;
	_ =	strace s9  }
0x27: {  	s1 =	sld [smem:$0x3F9D]  }
0x28: {  	s2 =	sld [smem:$0x3F9E]  }
0x29: {  	s4 =	sld [smem:$0x3FA0]  }
0x2a: {  	p0 =	seq.s32 s5, $0x0;
	s5 =	sld [smem:$0x3FA1]  }
0x2b: {  	s6 =	sld [smem:$0x3FA2]  }
0x2c: {  	s7 =	sld [smem:$0x3FA3]  }
0x2d: {  	s3 =	simm.s32 $0x108;
	s8 =	sld [smem:$0x3FA4]  }
0x2e: {  	s3 =	simm.s32 @!p0 $0x1082;
	s9 =	sld [smem:$0x3FA5]  }
0x2f: {  	lr =	sadd.s32 s0, s3;
	s0 =	sld [smem:$0x3F9C]  }
0x30: {  	s3 =	sld [smem:$0x3F9F]  }
0x31: {  	[smem:$0x3FA8] =	sst s10  }
0x32: {  	s10 =	sld [smem:$0x3FA6];
	_ =	sdelay $0x3  }
0x33: {  	p0 =	seq.s32 s10, $0x1;
	s10 =	sld [smem:$0x3FA8];
	_ =	sdelay $0x3  }
0x34: {  	[smem:$0x3FA8] =	sst s10  }
0x35: {  	s10 =	sld [smem:$0x3FA7];
	_ =	sdelay $0x3  }
0x36: {  	p1 =	seq.s32 s10, $0x1;
	s10 =	sld [smem:$0x3FA8];
	_ =	sdelay $0x3  }
0x37: {  	[smem:$0x3FA8] =	sst s10  }
0x38: {  	s10 =	sld [smem:$0x3FA9]  }
0x39: {  	_ = 	snop;
	(pc) =	sbr.ind lr, $3  }
0x3a: {  	_ = 	snop  }
0x3b: {  	_ = 	snop  }
0x3c: {  	p2 =	seq.s32 s10, $0x1;
	s10 =	sld [smem:$0x3FA8]  }
0x3d: {  	_ =	shalt  }
0x3e: {  	_ =	shalt  }
0x3f: {  	_ =	shalt  }
0x40: {  	_ =	shalt  }
0x41: {  	_ =	shalt  }
0x42: {  	_ =	shalt  }
0x43: {  	_ =	shalt  }
0x44: {  	_ =	shalt  }
0x45: {  	_ =	shalt  }
0x46: {  	_ =	shalt  }
0x47: {  	_ =	shalt  }
0x48: {  	_ =	shalt  }
0x49: {  	_ =	shalt  }
0x4a: {  	_ =	shalt  }
0x4b: {  	_ =	shalt  }
0x4c: {  	_ =	shalt  }
0x4d: {  	_ =	shalt  }
0x4e: {  	_ =	shalt  }
0x4f: {  	_ =	shalt  }
0x50: {  	_ =	shalt  }
0x51: {  	_ =	shalt  }
0x52: {  	_ =	shalt  }
0x53: {  	_ =	shalt  }
0x54: {  	_ =	shalt  }
0x55: {  	_ =	shalt  }
0x56: {  	_ =	shalt  }
0x57: {  	_ =	shalt  }
0x58: {  	_ =	shalt  }
0x59: {  	_ =	shalt  }
0x5a: {  	_ =	shalt  }
0x5b: {  	_ =	shalt  }
0x5c: {  	_ =	shalt  }
0x5d: {  	_ =	shalt  }
0x5e: {  	_ =	shalt  }
0x5f: {  	_ =	shalt  }
0x60: {  	_ =	shalt  }
0x61: {  	_ =	shalt  }
0x62: {  	_ =	shalt  }
0x63: {  	_ =	shalt  }
0x64: {  	_ =	shalt  }
0x65: {  	_ =	shalt  }
0x66: {  	_ =	shalt  }
0x67: {  	_ =	shalt  }
0x68: {  	_ =	shalt  }
0x69: {  	_ =	shalt  }
0x6a: {  	_ =	shalt  }
0x6b: {  	_ =	shalt  }
0x6c: {  	_ =	shalt  }
0x6d: {  	_ =	shalt  }
0x6e: {  	_ =	shalt  }
0x6f: {  	_ =	shalt  }
0x70: {  	_ =	shalt  }
0x71: {  	_ =	shalt  }
0x72: {  	_ =	shalt  }
0x73: {  	_ =	shalt  }
0x74: {  	_ =	shalt  }
0x75: {  	_ =	shalt  }
0x76: {  	_ =	shalt  }
0x77: {  	_ =	shalt  }
0x78: {  	_ =	shalt  }
0x79: {  	_ =	shalt  }
0x7a: {  	_ =	shalt  }
0x7b: {  	_ =	shalt  }
0x7c: {  	_ =	shalt  }
0x7d: {  	_ =	shalt  }
0x7e: {  	_ =	shalt  }
0x7f: {  	_ =	shalt  }
0x80: {  	_ =	shalt  }
0x81: {  	_ =	shalt  }
0x82: {  	_ =	shalt  }
0x83: {  	_ =	shalt  }
0x84: {  	_ =	shalt  }
0x85: {  	_ =	shalt  }
0x86: {  	_ =	shalt  }
0x87: {  	_ =	shalt  }
.Lfunc_end0:
.L_simem_size_0:
called_computation.2_lowered:
.L_overlay_start_0:
0x88: {  	s2 =	sld [smem:$0x3FD9]  }
0x89: {  	s3 =	sld [smem:$0x3FFE];
	_ =	sdelay $0x1  }
0x8a: {  	s1 =	srdreg.scid  }
0x8b: {  	s0 =	sand.u32 $0x1, s1  }
0x8c: {  	s16 =	sshll.u32 s0, $0xA;
	s2 =	sadd.s32 s3, s2  }
0x8d: {  	s2 =	sadd.s32 s2, s16  }
0x8e: {  	[smem:$0x3FB4] =	sst s2  }
0x8f: {  	_ = 	snop  }
0x90: {  	(tm) =	ssettm $0x1  }
0x91: {  	s17 =	sld [smem:$0x3FFB];
	_ =	sdelay $0x3  }
0x92: {  	_ =	strace s17  }
0x93: {  	s2 =	sld [smem:$0x3FFC];
	_ =	sdelay $0x3  }
0x94: {  	_ =	strace s2  }
0x95: {  	s2 =	sld [smem:$0x3FFD];
	_ =	sdelay $0x3  }
0x96: {  	_ =	strace s2  }
0x97: {  	_ =	strace $0x8FFFFFFF  }
0x98: {  	s18 =	sld [smem:$0x3FDB];
	_ =	sdelay $0x1  }
0x99: {  	s19 =	simm.s32 $_scs_section_size  }
0x9a: {  	s4 =	simm.s32 $_size__tile_overlayer_lowered;
	s5 =	simm.s32 $_tile_overlayer_lowered  }
0x9b: {  	s22 =	simm.s32 $0x1BFF;
	s21 =	sshll.u32 s5, $0x1;
	s2 =	sadd.s32 s19, s18  }
0x9c: {  	s6 =	simm.s32 $0x0;
	s20 =	sshll.u32 s4, $0x1;
	s4 =	sadd.s32 s21, s2  }
0x9d: {  	[timem:s6], [sflag:s22] =	dma.local [hbm:s4], s20  }
0x9e: {  	_ =	swait.ge [sflag:s22], s20  }
0x9f: {  	s3 =	ssub.s32 $0x0, s20;
	[sflag:s22] =	ssyncset.done $0x0  }
0xa0: {  	[sflag:s22] =	ssyncadd.s32 s3;
	_ =	sdelay $0x1  }
0xa1: {  	s23 =	simm.s32 $0x1B8B  }
0xa2: {  	_ =	swait.ge [sflag:s23], $0x1  }
0xa3: {  	[sflag:s23] =	ssyncset.done $0x0  }
0xa4: {  	s25 =	simm.s32 $0x1B8E;
	s24 =	sld [smem:$0x3FFE];
	[sflag:s23] =	ssyncadd.s32 $0xFFFFFFFF  }
0xa5: {  	s26 =	simm.s32 $execute0_lowered;
	[smem:$0x3FD2] =	sst s25  }
0xa6: {  	s4 =	sshll.u32 s26, $0x1;
	_ =	strace $0x8000004C;
	[dreg:$0x1] =	wrdreg $0xFFFFFFFF  }
0xa7: {  	s28 =	simm.s32 $_size_execute0_lowered;
	s2 =	sadd.s32 s2, s4;
	[dreg:$0x0] =	wrdreg $0x0  }
0xa8: {  	s4 =	sshll.u32 s28, $0x1;
	[dreg:$0x2] =	wrdreg s2  }
0xa9: {  	[dreg:$0x3] =	wrdreg s4  }
0xaa: {  	[dreg:$0x4] =	wrdreg $0xC0  }
0xab: {  	_ =	task [dreg:s6], $0x5FFFF  }
0xac: {  	[dreg:$0x1] =	wrdreg $0xFFFFFFFF  }
0xad: {  	[dreg:$0x0] =	wrdreg $0x60  }
0xae: {  	[dreg:$0x2] =	wrdreg s24  }
0xaf: {  	[dreg:$0x3] =	wrdreg $0x0  }
0xb0: {  	[dreg:$0x4] =	wrdreg $0x9  }
0xb1: {  	_ =	task.clear_ibuf [dreg:s6], $0x5FFFF;
	_ =	strace $0x9000004C  }
0xb2: {  	s29 =	simm.s32 $0x9;
	_ =	strace $0x8000004E  }
0xb3: {  	_ =	swait.ge [sflag:s29], $0x1  }
0xb4: {  	[sflag:s29] =	ssyncadd.s32 $0xFFFFFFFF  }
0xb5: {  	_ =	strace $0x9000004E  }
0xb6: {  	_ =	sfence  }
0xb7: {  	s30 =	sld [smem:$0x0];
	_ =	sdelay $0x2  }
0xb8: {  	s31 =	sshll.u32 s1, $0xD;
	s1 =	sshrl.u32 s1, $0x2  }
0xb9: {  	s3 =	sand.u32 $0x4000, s31;
	s1 =	sadd.s32 s1, s30  }
0xba: {  	s0 =	sor.u32 s3, s0;
	s1 =	sshll.u32 s1, $0x11  }
0xbb: {  	s0 =	sor.u32 s1, s0  }
0xbc: {  	s0 =	sadd.s32 $0x8F2B, s0  }
0xbd: {  	[sflag:s0] =	ssyncadd.remote.s32 $0x1  }
0xbe: {  	_ =	sfence.sel $0xFFFF  }
0xbf: {  	[dreg:$0x0] =	wrdreg $0xFFFFFFFF;
	(pc) =	sbr.abs _section_cstart, $3  }
0xc0: {  	[dreg:$0x1] =	wrdreg $0xFFFFFFFF  }
0xc1: {  	_ =	task.clear_ibuf [dreg:s6], $0x2FFFF;
	_ =	strace $0x9FFFFFFF  }
0xc2: {  	(tm) =	ssettm $0x7FFFFFFF  }
0xc3: {  	_ =	shalt  }
tec
execute0_lowered:
.L_overlay_start_1:
0x0: {  	(tag) =	ssettag $0x1  }
0x1: {  	s0 =	rddreg [dreg:$0x0]  }
0x2: {  	s1 =	rddreg [dreg:$0x1]  }
0x3: {  	s3 =	simm.s32 $0x0;
	s2 =	srdreg.scid;
	s14 =	stileid.u32  }
0x4: {  	s28 =	simm.s32 $0x1;
	s29 =	simm.s32 $0x2;
	s30 =	simm.s32 $0x18200  }
0x5: {  	s31 =	simm.s32 $0x0;
	[smem:$0x7FF] =	sst s3;
	s5 =	smul.u32 $0x2800, s14  }
0x6: {  	s2 =	sand.u32 $0x1, s2;
	s4 =	sadd.s32 $0x4A00, s0;
	s8 =	smul.u32 $0x50000, s14  }
0x7: {  	s17 =	sadd.s32 $0x2D600, s0;
	s19 =	sadd.s32 $0x37400, s0;
	s20 =	smul.u32 $0x9E0, s14  }
0x8: {  	s7 =	sshll.u32 s14, $0x1;
	_ =	strace $0x8000004D;
	s6 =	smul.u32 $0x28000, s2  }
0x9: {  	s21 =	ssub.s32 $0x2, s2;
	s12 =	sor.u32 s2, s7;
	s2 =	smul.u32 $0x4F0, s2  }
0xa: {  	s22 =	sshrl.u32 s21, $0x1;
	s8 =	sshrl.u32 s8, $0x2;
	s9 =	smul.u32 $0x2780, s12  }
0xb: {  	s16 =	smul.u32 $0x4F0, s12;
	s18 =	sadd.s32 s20, s17;
	s26 =	sadd.s32 s20, s19  }
0xc: {  	s20 =	simm.s32 $0x14200;
	s5 =	sadd.s32 s5, s6;
	s15 =	ssub.s32 s21, s22  }
0xd: {  	s18 =	sadd.s32 s2, s18;
	s21 =	simm.s32 $0x3;
	s22 =	simm.s32 $0x14000  }
0xe: {  	s0 =	sadd.s32 s5, s0;
	s5 =	sadd.s32 s8, s1;
	s13 =	sshrl.u32 s9, $0x3  }
0xf: {  	s25 =	sadd.s32 $0x4E0, s16;
	s15 =	smax.u32 s15, $0x1;
	s23 =	sadd.s32 $0x4000, s5  }
0x10: {  	s24 =	sadd.s32 $0x8000, s5;
	s8 =	sadd.s32 $0xC000, s5;
	s9 =	sadd.s32 $0x10000, s5  }
0x11: {  	s10 =	sadd.s32 s17, s13;
	s11 =	sadd.s32 s19, s13;
	s13 =	sadd.s32 $0x10, s13  }
0x12: {  	s14 =	sadd.s32 $0x41200, s0;
	s16 =	sadd.s32 s17, s25;
	[dreg:$0x3] =	wrdreg s23  }
0x13: {  	[dreg:$0x4] =	wrdreg s24;
	s12 =	sadd.s32 s17, s13;
	s13 =	sadd.s32 s19, s13  }
0x14: {  	s17 =	sadd.s32 s19, s25;
	s19 =	sadd.s32 s2, s26;
	s23 =	simm.s32 $0x14080  }
0x15: {  	v0 =	vimm.f32 $0.0e+00;
	s24 =	simm.s32 $0x14100;
	s25 =	simm.s32 $0x14180;
	s26 =	simm.s32 $0x80  }
.LBB2_1:
0x16: {  	s0 =	simm.s32 $0x0;
	s2 =	simm.s32 $0x200  }
.LBB2_2:
0x17: {  	p0 =	sne.s32 s2, $0xFE00;
	[tilespmem:s0+$0x14270] =	vst v0  }
0x18: {  	[tilespmem:s0+$0x14200] =	vst v0  }
0x19: {  	[tilespmem:s0+$0x14210] =	vst v0  }
.Ltmp0:
0x1a: {  	[tilespmem:s0+$0x14220] =	vst v0;
	(pc) =	sbr.rel @p0 .LBB2_2-.Ltmp0, $4  }
0x1b: {  	[tilespmem:s0+$0x14230] =	vst v0  }
0x1c: {  	[tilespmem:s0+$0x14240] =	vst v0  }
0x1d: {  	[tilespmem:s0+$0x14250] =	vst v0  }
0x1e: {  	[tilespmem:s0+$0x14260] =	vst v0;
	s0 =	sshra.s32 s2, $0x2;
	s2 =	sadd.s32 $0x200, s2  }
0x1f: {  	[tilespmem:s0+$0x14270] =	vst v0  }
0x20: {  	[tilespmem:s0+$0x14200] =	vst v0  }
0x21: {  	[tilespmem:s0+$0x14210] =	vst v0  }
0x22: {  	[tilespmem:s0+$0x14220] =	vst v0  }
0x23: {  	[tilespmem:s0+$0x14230] =	vst v0  }
0x24: {  	[tilespmem:s0+$0x14240] =	vst v0  }
0x25: {  	[tilespmem:s0+$0x14250] =	vst v0  }
0x26: {  	[tilespmem:s0+$0x14260] =	vst v0  }
0x27: {  	[spmem:s5] =	stream.linear.scatter [tilespmem:s20], [sflag:$0x3], $0x4000, $0x38;
	[tilespmem:$0x1C200] =	vst v63  }
0x28: {  	_ =	swait.ge [sflag:s21], $0x4000  }
0x29: {  	[sflag:s21] =	ssyncset.done $0x0  }
0x2a: {  	s7 =	rddreg [dreg:$0x3];
	[sflag:s21] =	ssyncadd.s32 $0xFFFFC000  }
0x2b: {  	[spmem:s7] =	stream.linear.scatter [tilespmem:s20], [sflag:$0x3], $0x4000, $0x38;
	[tilespmem:$0x1C200] =	vst v63  }
0x2c: {  	_ =	swait.ge [sflag:s21], $0x4000  }
0x2d: {  	[sflag:s21] =	ssyncset.done $0x0  }
0x2e: {  	s2 =	rddreg [dreg:$0x4];
	[sflag:s21] =	ssyncadd.s32 $0xFFFFC000  }
0x2f: {  	[spmem:s2] =	stream.linear.scatter [tilespmem:s20], [sflag:$0x3], $0x4000, $0x38;
	[tilespmem:$0x1C200] =	vst v63  }
0x30: {  	_ =	swait.ge [sflag:s21], $0x4000  }
0x31: {  	[sflag:s21] =	ssyncset.done $0x0  }
0x32: {  	[sflag:s21] =	ssyncadd.s32 $0xFFFFC000  }
0x33: {  	[spmem:s8] =	stream.linear.scatter [tilespmem:s20], [sflag:$0x3], $0x4000, $0x38;
	[tilespmem:$0x1C200] =	vst v63  }
0x34: {  	_ =	swait.ge [sflag:s21], $0x4000  }
0x35: {  	[sflag:s21] =	ssyncset.done $0x0  }
0x36: {  	[sflag:s21] =	ssyncadd.s32 $0xFFFFC000  }
0x37: {  	[spmem:s9] =	stream.linear.scatter [tilespmem:s20], [sflag:$0x3], $0x4000, $0x38;
	[tilespmem:$0x1C200] =	vst v63  }
0x38: {  	_ =	swait.ge [sflag:s21], $0x4000  }
0x39: {  	[sflag:s21] =	ssyncset.done $0x0  }
0x3a: {  	[sflag:s21] =	ssyncadd.s32 $0xFFFFC000  }
0x3b: {  	s6 =	simm.s32 $0x0;
	[bflag:$0x0] =	sbarrier.arrive $0xFFFF  }
0x3c: {  	[tilespmem:s22], [sflag:$0x3] =	stream.linear.gather [hbm4b:s10+s6], $0x80, $0x38;
	[tilespmem:$0x1C200] =	vst v63  }
0x3d: {  	_ =	swait.ge [sflag:s21], $0x80  }
0x3e: {  	[sflag:s21] =	ssyncset.done $0x0  }
0x3f: {  	[sflag:s21] =	ssyncadd.s32 $0xFFFFFF80  }
0x40: {  	[tilespmem:s23], [sflag:$0x3] =	stream.linear.gather [hbm4b:s11+s6], $0x80, $0x38;
	[tilespmem:$0x1C200] =	vst v63  }
0x41: {  	_ =	swait.ge [sflag:s21], $0x80  }
0x42: {  	[sflag:s21] =	ssyncset.done $0x0  }
0x43: {  	[sflag:s21] =	ssyncadd.s32 $0xFFFFFF80  }
0x44: {  	[tilespmem:s24], [sflag:$0x2] =	stream.linear.gather [hbm4b:s12+s6], $0x80, $0x38;
	[tilespmem:$0x1C200] =	vst v63  }
0x45: {  	_ = 	snop  }
0x46: {  	[tilespmem:s25], [sflag:$0x2] =	stream.linear.gather [hbm4b:s13+s6], $0x80, $0x38;
	[tilespmem:$0x1C200] =	vst v63  }
0x47: {  	_ = 	snop  }
0x48: {  	[tilespmem:s20], [sflag:$0x1] =	stream.indirect.gather [hbm4b:s4+s26], $0x80, s22, s26, $0xb8;
	[tilespmem:$0x1C200] =	vst v63  }
0x49: {  	_ =	swait.ge [sflag:s28], $0x4000  }
0x4a: {  	[sflag:s28] =	ssyncset.done $0x0  }
0x4b: {  	[sflag:s28] =	ssyncadd.s32 $0xFFFFC000  }
0x4c: {  	_ =	swait.ge [sflag:s29], $0x80  }
0x4d: {  	[sflag:s29] =	ssyncset.done $0x0  }
0x4e: {  	[sflag:s29] =	ssyncadd.s32 $0xFFFFFF80  }
0x4f: {  	_ =	swait.ge [sflag:s29], $0x80  }
0x50: {  	[sflag:s29] =	ssyncset.done $0x0  }
0x51: {  	[sflag:s29] =	ssyncadd.s32 $0xFFFFFF80  }
0x52: {  	[tilespmem:s30], [sflag:$0x1] =	stream.indirect.gather [hbm4b:s4+s26], $0x80, s24, s26, $0xb8;
	[tilespmem:$0x1C200] =	vst v63  }
0x53: {  	_ = 	snop  }
0x54: {  	[spmem:s1] =	stream.indirect.scatter.add.f32 [tilespmem:s20], [sflag:$0x3], $0x80, s23, s26, $0xb8;
	[tilespmem:$0x1C200] =	vst v63  }
0x55: {  	_ =	swait.ge [sflag:s21], $0x4000  }
0x56: {  	s0 =	sadd.s32 $0x0, s18;
	[sflag:s21] =	ssyncset.done $0x0  }
0x57: {  	s2 =	sadd.s32 $0x20, s0;
	s6 =	sadd.s32 $0x0, s19;
	[sflag:s21] =	ssyncadd.s32 $0xFFFFC000  }
0x58: {  	[tilespmem:s22], [sflag:$0x2] =	stream.linear.gather [hbm4b:s2+s3], $0x80, $0x38;
	[tilespmem:$0x1C200] =	vst v63  }
0x59: {  	s7 =	sadd.s32 $0x20, s6  }
0x5a: {  	[tilespmem:s23], [sflag:$0x2] =	stream.linear.gather [hbm4b:s7+s3], $0x80, $0x38;
	[tilespmem:$0x1C200] =	vst v63  }
0x5b: {  	_ =	swait.ge [sflag:s28], $0x4000  }
0x5c: {  	[sflag:s28] =	ssyncset.done $0x0  }
0x5d: {  	[sflag:s28] =	ssyncadd.s32 $0xFFFFC000  }
0x5e: {  	_ =	swait.ge [sflag:s29], $0x80  }
0x5f: {  	[sflag:s29] =	ssyncset.done $0x0  }
0x60: {  	[sflag:s29] =	ssyncadd.s32 $0xFFFFFF80  }
0x61: {  	_ =	swait.ge [sflag:s29], $0x80  }
0x62: {  	[sflag:s29] =	ssyncset.done $0x0  }
0x63: {  	[sflag:s29] =	ssyncadd.s32 $0xFFFFFF80  }
0x64: {  	[tilespmem:s20], [sflag:$0x1] =	stream.indirect.gather [hbm4b:s4+s26], $0x80, s22, s26, $0xb8;
	[tilespmem:$0x1C200] =	vst v63  }
0x65: {  	_ = 	snop  }
0x66: {  	[spmem:s1] =	stream.indirect.scatter.add.f32 [tilespmem:s30], [sflag:$0x3], $0x80, s25, s26, $0xb8;
	[tilespmem:$0x1C200] =	vst v63  }
0x67: {  	_ =	swait.ge [sflag:s21], $0x4000  }
0x68: {  	[sflag:s21] =	ssyncset.done $0x0  }
0x69: {  	s0 =	sadd.s32 $0x30, s0;
	[sflag:s21] =	ssyncadd.s32 $0xFFFFC000  }
0x6a: {  	[tilespmem:s24], [sflag:$0x2] =	stream.linear.gather [hbm4b:s0+s3], $0x80, $0x38;
	[tilespmem:$0x1C200] =	vst v63  }
0x6b: {  	s2 =	sadd.s32 $0x30, s6;
	s0 =	simm.s32 $0x20  }
.LBB2_4:
0x6c: {  	[tilespmem:s25], [sflag:$0x2] =	stream.linear.gather [hbm4b:s2+s3], $0x80, $0x38;
	[tilespmem:$0x1C200] =	vst v63  }
0x6d: {  	s2 =	smov.u32 s0  }
0x6e: {  	p0 =	sne.s32 s0, $0x4A0;
	s0 =	sadd.s32 $0x20, s0;
	_ =	swait.ge [sflag:s28], $0x4000  }
0x6f: {  	[sflag:s28] =	ssyncset.done $0x0  }
0x70: {  	[sflag:s28] =	ssyncadd.s32 $0xFFFFC000  }
0x71: {  	_ =	swait.ge [sflag:s29], $0x80  }
0x72: {  	[sflag:s29] =	ssyncset.done $0x0  }
0x73: {  	[sflag:s29] =	ssyncadd.s32 $0xFFFFFF80  }
0x74: {  	_ =	swait.ge [sflag:s29], $0x80  }
0x75: {  	[sflag:s29] =	ssyncset.done $0x0  }
0x76: {  	[sflag:s29] =	ssyncadd.s32 $0xFFFFFF80  }
0x77: {  	[tilespmem:s30], [sflag:$0x1] =	stream.indirect.gather [hbm4b:s4+s26], $0x80, s24, s26, $0xb8;
	[tilespmem:$0x1C200] =	vst v63  }
0x78: {  	_ = 	snop  }
0x79: {  	[spmem:s1] =	stream.indirect.scatter.add.f32 [tilespmem:s20], [sflag:$0x3], $0x80, s23, s26, $0xb8;
	[tilespmem:$0x1C200] =	vst v63  }
0x7a: {  	_ =	swait.ge [sflag:s21], $0x4000  }
0x7b: {  	s6 =	sadd.s32 s2, s18;
	[sflag:s21] =	ssyncset.done $0x0  }
0x7c: {  	s2 =	sadd.s32 s2, s19;
	s7 =	sadd.s32 $0x20, s6;
	[sflag:s21] =	ssyncadd.s32 $0xFFFFC000  }
0x7d: {  	[tilespmem:s22], [sflag:$0x2] =	stream.linear.gather [hbm4b:s7+s3], $0x80, $0x38;
	[tilespmem:$0x1C200] =	vst v63  }
0x7e: {  	s7 =	sadd.s32 $0x20, s2  }
0x7f: {  	[tilespmem:s23], [sflag:$0x2] =	stream.linear.gather [hbm4b:s7+s3], $0x80, $0x38;
	[tilespmem:$0x1C200] =	vst v63  }
0x80: {  	_ =	swait.ge [sflag:s28], $0x4000  }
0x81: {  	[sflag:s28] =	ssyncset.done $0x0  }
0x82: {  	[sflag:s28] =	ssyncadd.s32 $0xFFFFC000  }
0x83: {  	_ =	swait.ge [sflag:s29], $0x80  }
0x84: {  	[sflag:s29] =	ssyncset.done $0x0  }
0x85: {  	[sflag:s29] =	ssyncadd.s32 $0xFFFFFF80  }
0x86: {  	_ =	swait.ge [sflag:s29], $0x80  }
0x87: {  	[sflag:s29] =	ssyncset.done $0x0  }
0x88: {  	[sflag:s29] =	ssyncadd.s32 $0xFFFFFF80  }
0x89: {  	[tilespmem:s20], [sflag:$0x1] =	stream.indirect.gather [hbm4b:s4+s26], $0x80, s22, s26, $0xb8;
	[tilespmem:$0x1C200] =	vst v63  }
0x8a: {  	_ = 	snop  }
0x8b: {  	[spmem:s1] =	stream.indirect.scatter.add.f32 [tilespmem:s30], [sflag:$0x3], $0x80, s25, s26, $0xb8;
	[tilespmem:$0x1C200] =	vst v63  }
.Ltmp1:
0x8c: {  	_ =	swait.ge [sflag:s21], $0x4000;
	(pc) =	sbr.rel @p0 .LBB2_4-.Ltmp1, $4  }
0x8d: {  	[sflag:s21] =	ssyncset.done $0x0  }
0x8e: {  	s6 =	sadd.s32 $0x30, s6;
	[sflag:s21] =	ssyncadd.s32 $0xFFFFC000  }
0x8f: {  	[tilespmem:s24], [sflag:$0x2] =	stream.linear.gather [hbm4b:s6+s3], $0x80, $0x38;
	[tilespmem:$0x1C200] =	vst v63  }
0x90: {  	s2 =	sadd.s32 $0x30, s2  }
0x91: {  	[tilespmem:s25], [sflag:$0x2] =	stream.linear.gather [hbm4b:s2+s3], $0x80, $0x38;
	[tilespmem:$0x1C200] =	vst v63  }
0x92: {  	_ =	swait.ge [sflag:s28], $0x4000  }
0x93: {  	[sflag:s28] =	ssyncset.done $0x0  }
0x94: {  	[sflag:s28] =	ssyncadd.s32 $0xFFFFC000  }
0x95: {  	_ =	swait.ge [sflag:s29], $0x80  }
0x96: {  	[sflag:s29] =	ssyncset.done $0x0  }
0x97: {  	[sflag:s29] =	ssyncadd.s32 $0xFFFFFF80  }
0x98: {  	_ =	swait.ge [sflag:s29], $0x80  }
0x99: {  	[sflag:s29] =	ssyncset.done $0x0  }
0x9a: {  	[sflag:s29] =	ssyncadd.s32 $0xFFFFFF80  }
0x9b: {  	[tilespmem:s30], [sflag:$0x1] =	stream.indirect.gather [hbm4b:s4+s26], $0x80, s24, s26, $0xb8;
	[tilespmem:$0x1C200] =	vst v63  }
0x9c: {  	_ = 	snop  }
0x9d: {  	[spmem:s1] =	stream.indirect.scatter.add.f32 [tilespmem:s20], [sflag:$0x3], $0x80, s23, s26, $0xb8;
	[tilespmem:$0x1C200] =	vst v63  }
0x9e: {  	_ =	swait.ge [sflag:s21], $0x4000  }
0x9f: {  	[sflag:s21] =	ssyncset.done $0x0  }
0xa0: {  	[sflag:s21] =	ssyncadd.s32 $0xFFFFC000  }
0xa1: {  	[tilespmem:s22], [sflag:$0x2] =	stream.linear.gather [hbm4b:s16+s3], $0x80, $0x38;
	[tilespmem:$0x1C200] =	vst v63  }
0xa2: {  	_ = 	snop  }
0xa3: {  	[tilespmem:s23], [sflag:$0x2] =	stream.linear.gather [hbm4b:s17+s3], $0x80, $0x38;
	[tilespmem:$0x1C200] =	vst v63  }
0xa4: {  	_ =	swait.ge [sflag:s28], $0x4000  }
0xa5: {  	[sflag:s28] =	ssyncset.done $0x0  }
0xa6: {  	[sflag:s28] =	ssyncadd.s32 $0xFFFFC000  }
0xa7: {  	_ =	swait.ge [sflag:s29], $0x80  }
0xa8: {  	[sflag:s29] =	ssyncset.done $0x0  }
0xa9: {  	[sflag:s29] =	ssyncadd.s32 $0xFFFFFF80  }
0xaa: {  	_ =	swait.ge [sflag:s29], $0x80  }
0xab: {  	[sflag:s29] =	ssyncset.done $0x0  }
0xac: {  	[sflag:s29] =	ssyncadd.s32 $0xFFFFFF80  }
0xad: {  	[tilespmem:s20], [sflag:$0x1] =	stream.indirect.gather [hbm4b:s4+s26], $0x80, s22, s26, $0xb8;
	[tilespmem:$0x1C200] =	vst v63  }
0xae: {  	_ = 	snop  }
0xaf: {  	[spmem:s1] =	stream.indirect.scatter.add.f32 [tilespmem:s30], [sflag:$0x3], $0x80, s25, s26, $0xb8;
	[tilespmem:$0x1C200] =	vst v63  }
0xb0: {  	_ =	swait.ge [sflag:s21], $0x4000  }
0xb1: {  	[sflag:s21] =	ssyncset.done $0x0  }
0xb2: {  	[sflag:s21] =	ssyncadd.s32 $0xFFFFC000  }
0xb3: {  	_ =	swait.ge [sflag:s28], $0x4000  }
0xb4: {  	[sflag:s28] =	ssyncset.done $0x0  }
0xb5: {  	[sflag:s28] =	ssyncadd.s32 $0xFFFFC000  }
0xb6: {  	[spmem:s1] =	stream.indirect.scatter.add.f32 [tilespmem:s20], [sflag:$0x3], $0x80, s23, s26, $0xb8;
	[tilespmem:$0x1C200] =	vst v63  }
0xb7: {  	s0 =	stileid.u32;
	_ =	swait.ge [sflag:s21], $0x4000  }
0xb8: {  	s7 =	sshrl.u32 s5, $0x3;
	s31 =	sadd.s32 $0x1, s31;
	[sflag:s21] =	ssyncset.done $0x0  }
0xb9: {  	s0 =	sshll.u32 s0, $0x6;
	p0 =	sne.s32 s31, s15;
	[sflag:s21] =	ssyncadd.s32 $0xFFFFC000  }
.Ltmp2:
0xba: {  	s0 =	sor.u32 $0x1C03, s0;
	[bflag:$0x0] =	sbarrier.arrive $0xFFFF;
	(pc) =	sbr.rel @p0 .LBB2_1-.Ltmp2, $4  }
0xbb: {  	[hbm:s14], [sflag:s0] =	dma.local [spmem:s7], $0x2800  }
0xbc: {  	_ =	swait.ge [sflag:s21], $0x2800  }
0xbd: {  	[sflag:s21] =	ssyncset.done $0x0  }
0xbe: {  	[sflag:s21] =	ssyncadd.s32 $0xFFFFD800  }
0xbf: {  	_ =	sfence.sel $0x180000  }
0xc0: {  	[bflag:$0x0] =	sbarrier.arrive $0xFFFF  }
0xc1: {  	_ =	strace $0x9000004D  }
0xc2: {  	s0 =	stileid.u32;
	[bflag:$0x2] =	sbarrier.arrive $0xFFFF  }
0xc3: {  	p0 =	sne.s32 s0, $0x0;
	s0 =	rddreg [dreg:$0x2]  }
0xc4: {  	s0 =	sadd.s32 @!p0 $0x100000, s0  }
0xc5: {  	[sflag:s0] =	ssyncadd.tile.s32 @!p0 $0x1;
	_ =	shalt  }
.Lfunc_end2:
_tile_overlayer_lowered:
.L_overlay_start_2:
0xc6: {  	(tag) =	ssettag $0x2  }
0xc7: {  	s0 =	rddreg [dreg:$0x0];
	s2 =	stileid.u32  }
0xc8: {  	s1 =	rddreg [dreg:$0x1];
	p0 =	sne.s32 s2, $0x0  }
0xc9: {  	s3 =	rddreg [dreg:$0x2];
	[bflag:$0x3] =	sbarrier.arrive $0xFFFF;
	s2 =	simm.s32 @!p0 $0x1C03  }
0xca: {  	[timem:s3], [sflag:s2] =	dma.local @!p0 [hbm:s0], s1  }
0xcb: {  	s0 =	simm.s32 @!p0 $0x3  }
0xcc: {  	_ =	swait.ge @!p0 [sflag:s0], s1  }
0xcd: {  	s1 =	ssub.s32 @!p0 $0x0, s1;
	[sflag:s0] =	ssyncset.done @!p0 $0x0  }
0xce: {  	[sflag:s0] =	ssyncadd.s32 @!p0 s1  }
0xcf: {  	[bflag:$0x3] =	sbarrier.arrive $0xFFFF  }
0xd0: {  	_ =	shalt  }

// kernel: kernel.23.cloned.1.call-start
scs
__scs_entry_jumppad:
0x0: {  	(pc) =	sbr.rel $0x88, $3  }
0x1: {  	(tag) =	ssettag $0x0;
	lr =	simm.s32 $0x1  }
0x2: {  	[smem:$0x3F8D] =	sst lr;
	_ =	strace $0xD0000000  }
0x3: {  	_ = 	snop  }
0x4: {  	_ = 	snop  }
0x5: {  	_ = 	snop  }
0x6: {  	_ = 	snop  }
0x7: {  	_ = 	snop  }
__scs_overlays_trampoline_lowered:
0x8: {  	[smem:$0x3F9C] =	sst s0  }
0x9: {  	[smem:$0x3F9D] =	sst s1  }
0xa: {  	[smem:$0x3F9E] =	sst s2  }
0xb: {  	[smem:$0x3F9F] =	sst s3  }
0xc: {  	[smem:$0x3FA0] =	sst s4  }
0xd: {  	[smem:$0x3FA1] =	sst s5  }
0xe: {  	[smem:$0x3FA2] =	sst s6  }
0xf: {  	[smem:$0x3FA3] =	sst s7  }
0x10: {  	[smem:$0x3FA4] =	sst s8  }
0x11: {  	[smem:$0x3FA5] =	sst s9;
	s0 =	simm.s32 @!p0 $0x0  }
0x12: {  	s1 =	sld [smem:$0x3F8B];
	s0 =	simm.s32 @p0 $0x1  }
0x13: {  	[smem:$0x3FA6] =	sst s0;
	s0 =	simm.s32 @!p1 $0x0  }
0x14: {  	s2 =	sld [smem:$0x3F8A];
	s0 =	simm.s32 @p1 $0x1  }
0x15: {  	[smem:$0x3FA7] =	sst s0;
	s0 =	simm.s32 @!p2 $0x0  }
0x16: {  	s3 =	sld [smem:$0x3FDB];
	s0 =	simm.s32 @p2 $0x1  }
0x17: {  	s4 =	simm.s32 $0x1BF5;
	[smem:$0x3FA9] =	sst s0  }
0x18: {  	s0 =	sld [smem:$0x3F8C];
	_ =	swait.ge [sflag:s4], $0x0  }
0x19: {  	s7 =	sld [smem:$0x3F8D]  }
0x1a: {  	s8 =	sadd.s32 $0xFFFFE003, lr  }
0x1b: {  	s9 =	sadd.s32 $0xFFFFFEF7, lr;
	s5 =	simm.s32 $0xFFFFFFFF;
	p2 =	slt.u32 s8, $0xFFFFF086  }
0x1c: {  	p1 =	slt.u32 s9, $0xF7A;
	s5 =	simm.s32 @!p2 $0x0  }
0x1d: {  	s5 =	simm.s32 @p1 $0x1;
	p0 =	seq.s32 s7, s2  }
0x1e: {  	s7 =	smul.u32 @!p0 $0xF7A, s2;
	p2 =	seq.s32 @!p0 s5, $0x0  }
0x1f: {  	s9 =	smul.u32 $0xF7A, s1;
	s8 =	simm.s32 @!p0 $0x1BF5;
	p2 =	por !p2, p0  }
0x20: {  	[sflag:s8] =	ssyncset.s32 @!p0 $0xFFFFF086;
	s6 =	sadd.s32 @!p0 s3, s7;
	s7 =	simm.s32 @!p0 $0x108  }
0x21: {  	s3 =	sadd.s32 s3, s9;
	s6 =	sadd.s32 @!p0 $0x88, s6;
	s7 =	simm.s32 @p2 $0x1082  }
0x22: {  	[simem:s7], [sflag:s8] =	dma.local @!p0 [hbm:s6], $0xF7A  }
0x23: {  	s9 =	sor.u32 $0xD0000000, s2;
	s6 =	simm.s32 $0x108;
	_ =	swait.ge @!p0 [sflag:s8], $0x0  }
0x24: {  	s3 =	sadd.s32 $0x88, s3;
	s6 =	simm.s32 @!p1 $0x1082;
	[sflag:s4] =	ssyncset.s32 $0xFFFFF086  }
0x25: {  	[simem:s6], [sflag:s4] =	dma.local [hbm:s3], $0xF7A  }
0x26: {  	[smem:$0x3F8D] =	sst s1;
	(tag) =	ssettag s2;
	_ =	strace s9  }
0x27: {  	s1 =	sld [smem:$0x3F9D]  }
0x28: {  	s2 =	sld [smem:$0x3F9E]  }
0x29: {  	s4 =	sld [smem:$0x3FA0]  }
0x2a: {  	p0 =	seq.s32 s5, $0x0;
	s5 =	sld [smem:$0x3FA1]  }
0x2b: {  	s6 =	sld [smem:$0x3FA2]  }
0x2c: {  	s7 =	sld [smem:$0x3FA3]  }
0x2d: {  	s3 =	simm.s32 $0x108;
	s8 =	sld [smem:$0x3FA4]  }
0x2e: {  	s3 =	simm.s32 @!p0 $0x1082;
	s9 =	sld [smem:$0x3FA5]  }
0x2f: {  	lr =	sadd.s32 s0, s3;
	s0 =	sld [smem:$0x3F9C]  }
0x30: {  	s3 =	sld [smem:$0x3F9F]  }
0x31: {  	[smem:$0x3FA8] =	sst s10  }
0x32: {  	s10 =	sld [smem:$0x3FA6];
	_ =	sdelay $0x3  }
0x33: {  	p0 =	seq.s32 s10, $0x1;
	s10 =	sld [smem:$0x3FA8];
	_ =	sdelay $0x3  }
0x34: {  	[smem:$0x3FA8] =	sst s10  }
0x35: {  	s10 =	sld [smem:$0x3FA7];
	_ =	sdelay $0x3  }
0x36: {  	p1 =	seq.s32 s10, $0x1;
	s10 =	sld [smem:$0x3FA8];
	_ =	sdelay $0x3  }
0x37: {  	[smem:$0x3FA8] =	sst s10  }
0x38: {  	s10 =	sld [smem:$0x3FA9]  }
0x39: {  	_ = 	snop;
	(pc) =	sbr.ind lr, $3  }
0x3a: {  	_ = 	snop  }
0x3b: {  	_ = 	snop  }
0x3c: {  	p2 =	seq.s32 s10, $0x1;
	s10 =	sld [smem:$0x3FA8]  }
0x3d: {  	_ =	shalt  }
0x3e: {  	_ =	shalt  }
0x3f: {  	_ =	shalt  }
0x40: {  	_ =	shalt  }
0x41: {  	_ =	shalt  }
0x42: {  	_ =	shalt  }
0x43: {  	_ =	shalt  }
0x44: {  	_ =	shalt  }
0x45: {  	_ =	shalt  }
0x46: {  	_ =	shalt  }
0x47: {  	_ =	shalt  }
0x48: {  	_ =	shalt  }
0x49: {  	_ =	shalt  }
0x4a: {  	_ =	shalt  }
0x4b: {  	_ =	shalt  }
0x4c: {  	_ =	shalt  }
0x4d: {  	_ =	shalt  }
0x4e: {  	_ =	shalt  }
0x4f: {  	_ =	shalt  }
0x50: {  	_ =	shalt  }
0x51: {  	_ =	shalt  }
0x52: {  	_ =	shalt  }
0x53: {  	_ =	shalt  }
0x54: {  	_ =	shalt  }
0x55: {  	_ =	shalt  }
0x56: {  	_ =	shalt  }
0x57: {  	_ =	shalt  }
0x58: {  	_ =	shalt  }
0x59: {  	_ =	shalt  }
0x5a: {  	_ =	shalt  }
0x5b: {  	_ =	shalt  }
0x5c: {  	_ =	shalt  }
0x5d: {  	_ =	shalt  }
0x5e: {  	_ =	shalt  }
0x5f: {  	_ =	shalt  }
0x60: {  	_ =	shalt  }
0x61: {  	_ =	shalt  }
0x62: {  	_ =	shalt  }
0x63: {  	_ =	shalt  }
0x64: {  	_ =	shalt  }
0x65: {  	_ =	shalt  }
0x66: {  	_ =	shalt  }
0x67: {  	_ =	shalt  }
0x68: {  	_ =	shalt  }
0x69: {  	_ =	shalt  }
0x6a: {  	_ =	shalt  }
0x6b: {  	_ =	shalt  }
0x6c: {  	_ =	shalt  }
0x6d: {  	_ =	shalt  }
0x6e: {  	_ =	shalt  }
0x6f: {  	_ =	shalt  }
0x70: {  	_ =	shalt  }
0x71: {  	_ =	shalt  }
0x72: {  	_ =	shalt  }
0x73: {  	_ =	shalt  }
0x74: {  	_ =	shalt  }
0x75: {  	_ =	shalt  }
0x76: {  	_ =	shalt  }
0x77: {  	_ =	shalt  }
0x78: {  	_ =	shalt  }
0x79: {  	_ =	shalt  }
0x7a: {  	_ =	shalt  }
0x7b: {  	_ =	shalt  }
0x7c: {  	_ =	shalt  }
0x7d: {  	_ =	shalt  }
0x7e: {  	_ =	shalt  }
0x7f: {  	_ =	shalt  }
0x80: {  	_ =	shalt  }
0x81: {  	_ =	shalt  }
0x82: {  	_ =	shalt  }
0x83: {  	_ =	shalt  }
0x84: {  	_ =	shalt  }
0x85: {  	_ =	shalt  }
0x86: {  	_ =	shalt  }
0x87: {  	_ =	shalt  }
.Lfunc_end0:
.L_simem_size_0:
called_computation.3_lowered:
.L_overlay_start_0:
0x88: {  	s2 =	sld [smem:$0x3FD9]  }
0x89: {  	s3 =	sld [smem:$0x3FFE];
	_ =	sdelay $0x1  }
0x8a: {  	s1 =	srdreg.scid  }
0x8b: {  	s0 =	sand.u32 $0x1, s1  }
0x8c: {  	s16 =	sshll.u32 s0, $0xA;
	s2 =	sadd.s32 s3, s2  }
0x8d: {  	s2 =	sadd.s32 s2, s16  }
0x8e: {  	[smem:$0x3FB4] =	sst s2  }
0x8f: {  	_ = 	snop  }
0x90: {  	(tm) =	ssettm $0x1  }
0x91: {  	s17 =	sld [smem:$0x3FFB];
	_ =	sdelay $0x3  }
0x92: {  	_ =	strace s17  }
0x93: {  	s2 =	sld [smem:$0x3FFC];
	_ =	sdelay $0x3  }
0x94: {  	_ =	strace s2  }
0x95: {  	s2 =	sld [smem:$0x3FFD];
	_ =	sdelay $0x3  }
0x96: {  	_ =	strace s2  }
0x97: {  	_ =	strace $0x8FFFFFFF  }
0x98: {  	s18 =	sld [smem:$0x3FDB];
	_ =	sdelay $0x1  }
0x99: {  	s19 =	simm.s32 $_scs_section_size  }
0x9a: {  	s4 =	simm.s32 $_size__tile_overlayer_lowered;
	s5 =	simm.s32 $_tile_overlayer_lowered  }
0x9b: {  	s22 =	simm.s32 $0x1BFF;
	s21 =	sshll.u32 s5, $0x1;
	s2 =	sadd.s32 s19, s18  }
0x9c: {  	s6 =	simm.s32 $0x0;
	s20 =	sshll.u32 s4, $0x1;
	s4 =	sadd.s32 s21, s2  }
0x9d: {  	[timem:s6], [sflag:s22] =	dma.local [hbm:s4], s20  }
0x9e: {  	_ =	swait.ge [sflag:s22], s20  }
0x9f: {  	s3 =	ssub.s32 $0x0, s20;
	[sflag:s22] =	ssyncset.done $0x0  }
0xa0: {  	[sflag:s22] =	ssyncadd.s32 s3;
	_ =	sdelay $0x1  }
0xa1: {  	s23 =	simm.s32 $0x1B8B  }
0xa2: {  	_ =	swait.ge [sflag:s23], $0x1  }
0xa3: {  	[sflag:s23] =	ssyncset.done $0x0  }
0xa4: {  	s25 =	simm.s32 $0x1B8E;
	s24 =	sld [smem:$0x3FFE];
	[sflag:s23] =	ssyncadd.s32 $0xFFFFFFFF  }
0xa5: {  	s26 =	simm.s32 $execute0_lowered;
	[smem:$0x3FD2] =	sst s25  }
0xa6: {  	s4 =	sshll.u32 s26, $0x1;
	_ =	strace $0x8000004F;
	[dreg:$0x1] =	wrdreg $0xFFFFFFFF  }
0xa7: {  	s28 =	simm.s32 $_size_execute0_lowered;
	s2 =	sadd.s32 s2, s4;
	[dreg:$0x0] =	wrdreg $0x0  }
0xa8: {  	s4 =	sshll.u32 s28, $0x1;
	[dreg:$0x2] =	wrdreg s2  }
0xa9: {  	[dreg:$0x3] =	wrdreg s4  }
0xaa: {  	[dreg:$0x4] =	wrdreg $0xC0  }
0xab: {  	_ =	task [dreg:s6], $0x5FFFF  }
0xac: {  	[dreg:$0x1] =	wrdreg $0xFFFFFFFF  }
0xad: {  	[dreg:$0x0] =	wrdreg $0x60  }
0xae: {  	[dreg:$0x2] =	wrdreg s24  }
0xaf: {  	[dreg:$0x3] =	wrdreg $0x0  }
0xb0: {  	[dreg:$0x4] =	wrdreg $0x9  }
0xb1: {  	_ =	task.clear_ibuf [dreg:s6], $0x5FFFF;
	_ =	strace $0x9000004F  }
0xb2: {  	s29 =	simm.s32 $0x9;
	_ =	strace $0x80000051  }
0xb3: {  	_ =	swait.ge [sflag:s29], $0x1  }
0xb4: {  	[sflag:s29] =	ssyncadd.s32 $0xFFFFFFFF  }
0xb5: {  	_ =	strace $0x90000051  }
0xb6: {  	_ =	sfence  }
0xb7: {  	s30 =	sld [smem:$0x0];
	_ =	sdelay $0x2  }
0xb8: {  	s31 =	sshll.u32 s1, $0xD;
	s1 =	sshrl.u32 s1, $0x2  }
0xb9: {  	s3 =	sand.u32 $0x4000, s31;
	s1 =	sadd.s32 s1, s30  }
0xba: {  	s0 =	sor.u32 s3, s0;
	s1 =	sshll.u32 s1, $0x11  }
0xbb: {  	s0 =	sor.u32 s1, s0  }
0xbc: {  	s0 =	sadd.s32 $0x8F2B, s0  }
0xbd: {  	[sflag:s0] =	ssyncadd.remote.s32 $0x1  }
0xbe: {  	_ =	sfence.sel $0xFFFF  }
0xbf: {  	[dreg:$0x0] =	wrdreg $0xFFFFFFFF;
	(pc) =	sbr.abs _section_cstart, $3  }
0xc0: {  	[dreg:$0x1] =	wrdreg $0xFFFFFFFF  }
0xc1: {  	_ =	task.clear_ibuf [dreg:s6], $0x2FFFF;
	_ =	strace $0x9FFFFFFF  }
0xc2: {  	(tm) =	ssettm $0x7FFFFFFF  }
0xc3: {  	_ =	shalt  }
tec
execute0_lowered:
.L_overlay_start_1:
0x0: {  	(tag) =	ssettag $0x1  }
0x1: {  	s0 =	rddreg [dreg:$0x0]  }
0x2: {  	s1 =	rddreg [dreg:$0x1]  }
0x3: {  	s3 =	simm.s32 $0x0;
	s2 =	srdreg.scid;
	s14 =	stileid.u32  }
0x4: {  	s28 =	simm.s32 $0x1;
	s29 =	simm.s32 $0x2;
	s30 =	simm.s32 $0x18200  }
0x5: {  	s31 =	simm.s32 $0x0;
	[smem:$0x7FF] =	sst s3;
	s5 =	smul.u32 $0x2800, s14  }
0x6: {  	s2 =	sand.u32 $0x1, s2;
	s4 =	sadd.s32 $0x4A00, s0;
	s8 =	smul.u32 $0x50000, s14  }
0x7: {  	s17 =	sadd.s32 $0x2D600, s0;
	s19 =	sadd.s32 $0x37400, s0;
	s20 =	smul.u32 $0x9E0, s14  }
0x8: {  	s7 =	sshll.u32 s14, $0x1;
	_ =	strace $0x80000050;
	s6 =	smul.u32 $0x28000, s2  }
0x9: {  	s21 =	ssub.s32 $0x2, s2;
	s12 =	sor.u32 s2, s7;
	s2 =	smul.u32 $0x4F0, s2  }
0xa: {  	s22 =	sshrl.u32 s21, $0x1;
	s8 =	sshrl.u32 s8, $0x2;
	s9 =	smul.u32 $0x2780, s12  }
0xb: {  	s16 =	smul.u32 $0x4F0, s12;
	s18 =	sadd.s32 s20, s17;
	s26 =	sadd.s32 s20, s19  }
0xc: {  	s20 =	simm.s32 $0x14200;
	s5 =	sadd.s32 s5, s6;
	s15 =	ssub.s32 s21, s22  }
0xd: {  	s18 =	sadd.s32 s2, s18;
	s21 =	simm.s32 $0x3;
	s22 =	simm.s32 $0x14000  }
0xe: {  	s0 =	sadd.s32 s5, s0;
	s5 =	sadd.s32 s8, s1;
	s13 =	sshrl.u32 s9, $0x3  }
0xf: {  	s25 =	sadd.s32 $0x4E0, s16;
	s15 =	smax.u32 s15, $0x1;
	s23 =	sadd.s32 $0x4000, s5  }
0x10: {  	s24 =	sadd.s32 $0x8000, s5;
	s8 =	sadd.s32 $0xC000, s5;
	s9 =	sadd.s32 $0x10000, s5  }
0x11: {  	s10 =	sadd.s32 s17, s13;
	s11 =	sadd.s32 s19, s13;
	s13 =	sadd.s32 $0x10, s13  }
0x12: {  	s14 =	sadd.s32 $0x41200, s0;
	s16 =	sadd.s32 s17, s25;
	[dreg:$0x3] =	wrdreg s23  }
0x13: {  	[dreg:$0x4] =	wrdreg s24;
	s12 =	sadd.s32 s17, s13;
	s13 =	sadd.s32 s19, s13  }
0x14: {  	s17 =	sadd.s32 s19, s25;
	s19 =	sadd.s32 s2, s26;
	s23 =	simm.s32 $0x14080  }
0x15: {  	v0 =	vimm.f32 $0.0e+00;
	s24 =	simm.s32 $0x14100;
	s25 =	simm.s32 $0x14180;
	s26 =	simm.s32 $0x80  }
.LBB2_1:
0x16: {  	s0 =	simm.s32 $0x0;
	s2 =	simm.s32 $0x200  }
.LBB2_2:
0x17: {  	p0 =	sne.s32 s2, $0xFE00;
	[tilespmem:s0+$0x14270] =	vst v0  }
0x18: {  	[tilespmem:s0+$0x14200] =	vst v0  }
0x19: {  	[tilespmem:s0+$0x14210] =	vst v0  }
.Ltmp0:
0x1a: {  	[tilespmem:s0+$0x14220] =	vst v0;
	(pc) =	sbr.rel @p0 .LBB2_2-.Ltmp0, $4  }
0x1b: {  	[tilespmem:s0+$0x14230] =	vst v0  }
0x1c: {  	[tilespmem:s0+$0x14240] =	vst v0  }
0x1d: {  	[tilespmem:s0+$0x14250] =	vst v0  }
0x1e: {  	[tilespmem:s0+$0x14260] =	vst v0;
	s0 =	sshra.s32 s2, $0x2;
	s2 =	sadd.s32 $0x200, s2  }
0x1f: {  	[tilespmem:s0+$0x14270] =	vst v0  }
0x20: {  	[tilespmem:s0+$0x14200] =	vst v0  }
0x21: {  	[tilespmem:s0+$0x14210] =	vst v0  }
0x22: {  	[tilespmem:s0+$0x14220] =	vst v0  }
0x23: {  	[tilespmem:s0+$0x14230] =	vst v0  }
0x24: {  	[tilespmem:s0+$0x14240] =	vst v0  }
0x25: {  	[tilespmem:s0+$0x14250] =	vst v0  }
0x26: {  	[tilespmem:s0+$0x14260] =	vst v0  }
0x27: {  	[spmem:s5] =	stream.linear.scatter [tilespmem:s20], [sflag:$0x3], $0x4000, $0x38;
	[tilespmem:$0x1C200] =	vst v63  }
0x28: {  	_ =	swait.ge [sflag:s21], $0x4000  }
0x29: {  	[sflag:s21] =	ssyncset.done $0x0  }
0x2a: {  	s7 =	rddreg [dreg:$0x3];
	[sflag:s21] =	ssyncadd.s32 $0xFFFFC000  }
0x2b: {  	[spmem:s7] =	stream.linear.scatter [tilespmem:s20], [sflag:$0x3], $0x4000, $0x38;
	[tilespmem:$0x1C200] =	vst v63  }
0x2c: {  	_ =	swait.ge [sflag:s21], $0x4000  }
0x2d: {  	[sflag:s21] =	ssyncset.done $0x0  }
0x2e: {  	s2 =	rddreg [dreg:$0x4];
	[sflag:s21] =	ssyncadd.s32 $0xFFFFC000  }
0x2f: {  	[spmem:s2] =	stream.linear.scatter [tilespmem:s20], [sflag:$0x3], $0x4000, $0x38;
	[tilespmem:$0x1C200] =	vst v63  }
0x30: {  	_ =	swait.ge [sflag:s21], $0x4000  }
0x31: {  	[sflag:s21] =	ssyncset.done $0x0  }
0x32: {  	[sflag:s21] =	ssyncadd.s32 $0xFFFFC000  }
0x33: {  	[spmem:s8] =	stream.linear.scatter [tilespmem:s20], [sflag:$0x3], $0x4000, $0x38;
	[tilespmem:$0x1C200] =	vst v63  }
0x34: {  	_ =	swait.ge [sflag:s21], $0x4000  }
0x35: {  	[sflag:s21] =	ssyncset.done $0x0  }
0x36: {  	[sflag:s21] =	ssyncadd.s32 $0xFFFFC000  }
0x37: {  	[spmem:s9] =	stream.linear.scatter [tilespmem:s20], [sflag:$0x3], $0x4000, $0x38;
	[tilespmem:$0x1C200] =	vst v63  }
0x38: {  	_ =	swait.ge [sflag:s21], $0x4000  }
0x39: {  	[sflag:s21] =	ssyncset.done $0x0  }
0x3a: {  	[sflag:s21] =	ssyncadd.s32 $0xFFFFC000  }
0x3b: {  	s6 =	simm.s32 $0x0;
	[bflag:$0x0] =	sbarrier.arrive $0xFFFF  }
0x3c: {  	[tilespmem:s22], [sflag:$0x3] =	stream.linear.gather [hbm4b:s10+s6], $0x80, $0x38;
	[tilespmem:$0x1C200] =	vst v63  }
0x3d: {  	_ =	swait.ge [sflag:s21], $0x80  }
0x3e: {  	[sflag:s21] =	ssyncset.done $0x0  }
0x3f: {  	[sflag:s21] =	ssyncadd.s32 $0xFFFFFF80  }
0x40: {  	[tilespmem:s23], [sflag:$0x3] =	stream.linear.gather [hbm4b:s11+s6], $0x80, $0x38;
	[tilespmem:$0x1C200] =	vst v63  }
0x41: {  	_ =	swait.ge [sflag:s21], $0x80  }
0x42: {  	[sflag:s21] =	ssyncset.done $0x0  }
0x43: {  	[sflag:s21] =	ssyncadd.s32 $0xFFFFFF80  }
0x44: {  	[tilespmem:s24], [sflag:$0x2] =	stream.linear.gather [hbm4b:s12+s6], $0x80, $0x38;
	[tilespmem:$0x1C200] =	vst v63  }
0x45: {  	_ = 	snop  }
0x46: {  	[tilespmem:s25], [sflag:$0x2] =	stream.linear.gather [hbm4b:s13+s6], $0x80, $0x38;
	[tilespmem:$0x1C200] =	vst v63  }
0x47: {  	_ = 	snop  }
0x48: {  	[tilespmem:s20], [sflag:$0x1] =	stream.indirect.gather [hbm4b:s4+s26], $0x80, s22, s26, $0xb8;
	[tilespmem:$0x1C200] =	vst v63  }
0x49: {  	_ =	swait.ge [sflag:s28], $0x4000  }
0x4a: {  	[sflag:s28] =	ssyncset.done $0x0  }
0x4b: {  	[sflag:s28] =	ssyncadd.s32 $0xFFFFC000  }
0x4c: {  	_ =	swait.ge [sflag:s29], $0x80  }
0x4d: {  	[sflag:s29] =	ssyncset.done $0x0  }
0x4e: {  	[sflag:s29] =	ssyncadd.s32 $0xFFFFFF80  }
0x4f: {  	_ =	swait.ge [sflag:s29], $0x80  }
0x50: {  	[sflag:s29] =	ssyncset.done $0x0  }
0x51: {  	[sflag:s29] =	ssyncadd.s32 $0xFFFFFF80  }
0x52: {  	[tilespmem:s30], [sflag:$0x1] =	stream.indirect.gather [hbm4b:s4+s26], $0x80, s24, s26, $0xb8;
	[tilespmem:$0x1C200] =	vst v63  }
0x53: {  	_ = 	snop  }
0x54: {  	[spmem:s1] =	stream.indirect.scatter.add.f32 [tilespmem:s20], [sflag:$0x3], $0x80, s23, s26, $0xb8;
	[tilespmem:$0x1C200] =	vst v63  }
0x55: {  	_ =	swait.ge [sflag:s21], $0x4000  }
0x56: {  	s0 =	sadd.s32 $0x0, s18;
	[sflag:s21] =	ssyncset.done $0x0  }
0x57: {  	s2 =	sadd.s32 $0x20, s0;
	s6 =	sadd.s32 $0x0, s19;
	[sflag:s21] =	ssyncadd.s32 $0xFFFFC000  }
0x58: {  	[tilespmem:s22], [sflag:$0x2] =	stream.linear.gather [hbm4b:s2+s3], $0x80, $0x38;
	[tilespmem:$0x1C200] =	vst v63  }
0x59: {  	s7 =	sadd.s32 $0x20, s6  }
0x5a: {  	[tilespmem:s23], [sflag:$0x2] =	stream.linear.gather [hbm4b:s7+s3], $0x80, $0x38;
	[tilespmem:$0x1C200] =	vst v63  }
0x5b: {  	_ =	swait.ge [sflag:s28], $0x4000  }
0x5c: {  	[sflag:s28] =	ssyncset.done $0x0  }
0x5d: {  	[sflag:s28] =	ssyncadd.s32 $0xFFFFC000  }
0x5e: {  	_ =	swait.ge [sflag:s29], $0x80  }
0x5f: {  	[sflag:s29] =	ssyncset.done $0x0  }
0x60: {  	[sflag:s29] =	ssyncadd.s32 $0xFFFFFF80  }
0x61: {  	_ =	swait.ge [sflag:s29], $0x80  }
0x62: {  	[sflag:s29] =	ssyncset.done $0x0  }
0x63: {  	[sflag:s29] =	ssyncadd.s32 $0xFFFFFF80  }
0x64: {  	[tilespmem:s20], [sflag:$0x1] =	stream.indirect.gather [hbm4b:s4+s26], $0x80, s22, s26, $0xb8;
	[tilespmem:$0x1C200] =	vst v63  }
0x65: {  	_ = 	snop  }
0x66: {  	[spmem:s1] =	stream.indirect.scatter.add.f32 [tilespmem:s30], [sflag:$0x3], $0x80, s25, s26, $0xb8;
	[tilespmem:$0x1C200] =	vst v63  }
0x67: {  	_ =	swait.ge [sflag:s21], $0x4000  }
0x68: {  	[sflag:s21] =	ssyncset.done $0x0  }
0x69: {  	s0 =	sadd.s32 $0x30, s0;
	[sflag:s21] =	ssyncadd.s32 $0xFFFFC000  }
0x6a: {  	[tilespmem:s24], [sflag:$0x2] =	stream.linear.gather [hbm4b:s0+s3], $0x80, $0x38;
	[tilespmem:$0x1C200] =	vst v63  }
0x6b: {  	s2 =	sadd.s32 $0x30, s6;
	s0 =	simm.s32 $0x20  }
.LBB2_4:
0x6c: {  	[tilespmem:s25], [sflag:$0x2] =	stream.linear.gather [hbm4b:s2+s3], $0x80, $0x38;
	[tilespmem:$0x1C200] =	vst v63  }
0x6d: {  	s2 =	smov.u32 s0  }
0x6e: {  	p0 =	sne.s32 s0, $0x4A0;
	s0 =	sadd.s32 $0x20, s0;
	_ =	swait.ge [sflag:s28], $0x4000  }
0x6f: {  	[sflag:s28] =	ssyncset.done $0x0  }
0x70: {  	[sflag:s28] =	ssyncadd.s32 $0xFFFFC000  }
0x71: {  	_ =	swait.ge [sflag:s29], $0x80  }
0x72: {  	[sflag:s29] =	ssyncset.done $0x0  }
0x73: {  	[sflag:s29] =	ssyncadd.s32 $0xFFFFFF80  }
0x74: {  	_ =	swait.ge [sflag:s29], $0x80  }
0x75: {  	[sflag:s29] =	ssyncset.done $0x0  }
0x76: {  	[sflag:s29] =	ssyncadd.s32 $0xFFFFFF80  }
0x77: {  	[tilespmem:s30], [sflag:$0x1] =	stream.indirect.gather [hbm4b:s4+s26], $0x80, s24, s26, $0xb8;
	[tilespmem:$0x1C200] =	vst v63  }
0x78: {  	_ = 	snop  }
0x79: {  	[spmem:s1] =	stream.indirect.scatter.add.f32 [tilespmem:s20], [sflag:$0x3], $0x80, s23, s26, $0xb8;
	[tilespmem:$0x1C200] =	vst v63  }
0x7a: {  	_ =	swait.ge [sflag:s21], $0x4000  }
0x7b: {  	s6 =	sadd.s32 s2, s18;
	[sflag:s21] =	ssyncset.done $0x0  }
0x7c: {  	s2 =	sadd.s32 s2, s19;
	s7 =	sadd.s32 $0x20, s6;
	[sflag:s21] =	ssyncadd.s32 $0xFFFFC000  }
0x7d: {  	[tilespmem:s22], [sflag:$0x2] =	stream.linear.gather [hbm4b:s7+s3], $0x80, $0x38;
	[tilespmem:$0x1C200] =	vst v63  }
0x7e: {  	s7 =	sadd.s32 $0x20, s2  }
0x7f: {  	[tilespmem:s23], [sflag:$0x2] =	stream.linear.gather [hbm4b:s7+s3], $0x80, $0x38;
	[tilespmem:$0x1C200] =	vst v63  }
0x80: {  	_ =	swait.ge [sflag:s28], $0x4000  }
0x81: {  	[sflag:s28] =	ssyncset.done $0x0  }
0x82: {  	[sflag:s28] =	ssyncadd.s32 $0xFFFFC000  }
0x83: {  	_ =	swait.ge [sflag:s29], $0x80  }
0x84: {  	[sflag:s29] =	ssyncset.done $0x0  }
0x85: {  	[sflag:s29] =	ssyncadd.s32 $0xFFFFFF80  }
0x86: {  	_ =	swait.ge [sflag:s29], $0x80  }
0x87: {  	[sflag:s29] =	ssyncset.done $0x0  }
0x88: {  	[sflag:s29] =	ssyncadd.s32 $0xFFFFFF80  }
0x89: {  	[tilespmem:s20], [sflag:$0x1] =	stream.indirect.gather [hbm4b:s4+s26], $0x80, s22, s26, $0xb8;
	[tilespmem:$0x1C200] =	vst v63  }
0x8a: {  	_ = 	snop  }
0x8b: {  	[spmem:s1] =	stream.indirect.scatter.add.f32 [tilespmem:s30], [sflag:$0x3], $0x80, s25, s26, $0xb8;
	[tilespmem:$0x1C200] =	vst v63  }
.Ltmp1:
0x8c: {  	_ =	swait.ge [sflag:s21], $0x4000;
	(pc) =	sbr.rel @p0 .LBB2_4-.Ltmp1, $4  }
0x8d: {  	[sflag:s21] =	ssyncset.done $0x0  }
0x8e: {  	s6 =	sadd.s32 $0x30, s6;
	[sflag:s21] =	ssyncadd.s32 $0xFFFFC000  }
0x8f: {  	[tilespmem:s24], [sflag:$0x2] =	stream.linear.gather [hbm4b:s6+s3], $0x80, $0x38;
	[tilespmem:$0x1C200] =	vst v63  }
0x90: {  	s2 =	sadd.s32 $0x30, s2  }
0x91: {  	[tilespmem:s25], [sflag:$0x2] =	stream.linear.gather [hbm4b:s2+s3], $0x80, $0x38;
	[tilespmem:$0x1C200] =	vst v63  }
0x92: {  	_ =	swait.ge [sflag:s28], $0x4000  }
0x93: {  	[sflag:s28] =	ssyncset.done $0x0  }
0x94: {  	[sflag:s28] =	ssyncadd.s32 $0xFFFFC000  }
0x95: {  	_ =	swait.ge [sflag:s29], $0x80  }
0x96: {  	[sflag:s29] =	ssyncset.done $0x0  }
0x97: {  	[sflag:s29] =	ssyncadd.s32 $0xFFFFFF80  }
0x98: {  	_ =	swait.ge [sflag:s29], $0x80  }
0x99: {  	[sflag:s29] =	ssyncset.done $0x0  }
0x9a: {  	[sflag:s29] =	ssyncadd.s32 $0xFFFFFF80  }
0x9b: {  	[tilespmem:s30], [sflag:$0x1] =	stream.indirect.gather [hbm4b:s4+s26], $0x80, s24, s26, $0xb8;
	[tilespmem:$0x1C200] =	vst v63  }
0x9c: {  	_ = 	snop  }
0x9d: {  	[spmem:s1] =	stream.indirect.scatter.add.f32 [tilespmem:s20], [sflag:$0x3], $0x80, s23, s26, $0xb8;
	[tilespmem:$0x1C200] =	vst v63  }
0x9e: {  	_ =	swait.ge [sflag:s21], $0x4000  }
0x9f: {  	[sflag:s21] =	ssyncset.done $0x0  }
0xa0: {  	[sflag:s21] =	ssyncadd.s32 $0xFFFFC000  }
0xa1: {  	[tilespmem:s22], [sflag:$0x2] =	stream.linear.gather [hbm4b:s16+s3], $0x80, $0x38;
	[tilespmem:$0x1C200] =	vst v63  }
0xa2: {  	_ = 	snop  }
0xa3: {  	[tilespmem:s23], [sflag:$0x2] =	stream.linear.gather [hbm4b:s17+s3], $0x80, $0x38;
	[tilespmem:$0x1C200] =	vst v63  }
0xa4: {  	_ =	swait.ge [sflag:s28], $0x4000  }
0xa5: {  	[sflag:s28] =	ssyncset.done $0x0  }
0xa6: {  	[sflag:s28] =	ssyncadd.s32 $0xFFFFC000  }
0xa7: {  	_ =	swait.ge [sflag:s29], $0x80  }
0xa8: {  	[sflag:s29] =	ssyncset.done $0x0  }
0xa9: {  	[sflag:s29] =	ssyncadd.s32 $0xFFFFFF80  }
0xaa: {  	_ =	swait.ge [sflag:s29], $0x80  }
0xab: {  	[sflag:s29] =	ssyncset.done $0x0  }
0xac: {  	[sflag:s29] =	ssyncadd.s32 $0xFFFFFF80  }
0xad: {  	[tilespmem:s20], [sflag:$0x1] =	stream.indirect.gather [hbm4b:s4+s26], $0x80, s22, s26, $0xb8;
	[tilespmem:$0x1C200] =	vst v63  }
0xae: {  	_ = 	snop  }
0xaf: {  	[spmem:s1] =	stream.indirect.scatter.add.f32 [tilespmem:s30], [sflag:$0x3], $0x80, s25, s26, $0xb8;
	[tilespmem:$0x1C200] =	vst v63  }
0xb0: {  	_ =	swait.ge [sflag:s21], $0x4000  }
0xb1: {  	[sflag:s21] =	ssyncset.done $0x0  }
0xb2: {  	[sflag:s21] =	ssyncadd.s32 $0xFFFFC000  }
0xb3: {  	_ =	swait.ge [sflag:s28], $0x4000  }
0xb4: {  	[sflag:s28] =	ssyncset.done $0x0  }
0xb5: {  	[sflag:s28] =	ssyncadd.s32 $0xFFFFC000  }
0xb6: {  	[spmem:s1] =	stream.indirect.scatter.add.f32 [tilespmem:s20], [sflag:$0x3], $0x80, s23, s26, $0xb8;
	[tilespmem:$0x1C200] =	vst v63  }
0xb7: {  	s0 =	stileid.u32;
	_ =	swait.ge [sflag:s21], $0x4000  }
0xb8: {  	s7 =	sshrl.u32 s5, $0x3;
	s31 =	sadd.s32 $0x1, s31;
	[sflag:s21] =	ssyncset.done $0x0  }
0xb9: {  	s0 =	sshll.u32 s0, $0x6;
	p0 =	sne.s32 s31, s15;
	[sflag:s21] =	ssyncadd.s32 $0xFFFFC000  }
.Ltmp2:
0xba: {  	s0 =	sor.u32 $0x1C03, s0;
	[bflag:$0x0] =	sbarrier.arrive $0xFFFF;
	(pc) =	sbr.rel @p0 .LBB2_1-.Ltmp2, $4  }
0xbb: {  	[hbm:s14], [sflag:s0] =	dma.local [spmem:s7], $0x2800  }
0xbc: {  	_ =	swait.ge [sflag:s21], $0x2800  }
0xbd: {  	[sflag:s21] =	ssyncset.done $0x0  }
0xbe: {  	[sflag:s21] =	ssyncadd.s32 $0xFFFFD800  }
0xbf: {  	_ =	sfence.sel $0x180000  }
0xc0: {  	[bflag:$0x0] =	sbarrier.arrive $0xFFFF  }
0xc1: {  	_ =	strace $0x90000050  }
0xc2: {  	s0 =	stileid.u32;
	[bflag:$0x2] =	sbarrier.arrive $0xFFFF  }
0xc3: {  	p0 =	sne.s32 s0, $0x0;
	s0 =	rddreg [dreg:$0x2]  }
0xc4: {  	s0 =	sadd.s32 @!p0 $0x100000, s0  }
0xc5: {  	[sflag:s0] =	ssyncadd.tile.s32 @!p0 $0x1;
	_ =	shalt  }
.Lfunc_end2:
_tile_overlayer_lowered:
.L_overlay_start_2:
0xc6: {  	(tag) =	ssettag $0x2  }
0xc7: {  	s0 =	rddreg [dreg:$0x0];
	s2 =	stileid.u32  }
0xc8: {  	s1 =	rddreg [dreg:$0x1];
	p0 =	sne.s32 s2, $0x0  }
0xc9: {  	s3 =	rddreg [dreg:$0x2];
	[bflag:$0x3] =	sbarrier.arrive $0xFFFF;
	s2 =	simm.s32 @!p0 $0x1C03  }
0xca: {  	[timem:s3], [sflag:s2] =	dma.local @!p0 [hbm:s0], s1  }
0xcb: {  	s0 =	simm.s32 @!p0 $0x3  }
0xcc: {  	_ =	swait.ge @!p0 [sflag:s0], s1  }
0xcd: {  	s1 =	ssub.s32 @!p0 $0x0, s1;
	[sflag:s0] =	ssyncset.done @!p0 $0x0  }
0xce: {  	[sflag:s0] =	ssyncadd.s32 @!p0 s1  }
0xcf: {  	[bflag:$0x3] =	sbarrier.arrive $0xFFFF  }
0xd0: {  	_ =	shalt  }

// kernel: kernel.26.cloned.1.call-start
scs
__scs_entry_jumppad:
0x0: {  	(pc) =	sbr.rel $0x88, $3  }
0x1: {  	(tag) =	ssettag $0x0;
	lr =	simm.s32 $0x1  }
0x2: {  	[smem:$0x3F8D] =	sst lr;
	_ =	strace $0xD0000000  }
0x3: {  	_ = 	snop  }
0x4: {  	_ = 	snop  }
0x5: {  	_ = 	snop  }
0x6: {  	_ = 	snop  }
0x7: {  	_ = 	snop  }
__scs_overlays_trampoline_lowered:
0x8: {  	[smem:$0x3F9C] =	sst s0  }
0x9: {  	[smem:$0x3F9D] =	sst s1  }
0xa: {  	[smem:$0x3F9E] =	sst s2  }
0xb: {  	[smem:$0x3F9F] =	sst s3  }
0xc: {  	[smem:$0x3FA0] =	sst s4  }
0xd: {  	[smem:$0x3FA1] =	sst s5  }
0xe: {  	[smem:$0x3FA2] =	sst s6  }
0xf: {  	[smem:$0x3FA3] =	sst s7  }
0x10: {  	[smem:$0x3FA4] =	sst s8  }
0x11: {  	[smem:$0x3FA5] =	sst s9;
	s0 =	simm.s32 @!p0 $0x0  }
0x12: {  	s1 =	sld [smem:$0x3F8B];
	s0 =	simm.s32 @p0 $0x1  }
0x13: {  	[smem:$0x3FA6] =	sst s0;
	s0 =	simm.s32 @!p1 $0x0  }
0x14: {  	s2 =	sld [smem:$0x3F8A];
	s0 =	simm.s32 @p1 $0x1  }
0x15: {  	[smem:$0x3FA7] =	sst s0;
	s0 =	simm.s32 @!p2 $0x0  }
0x16: {  	s3 =	sld [smem:$0x3FDB];
	s0 =	simm.s32 @p2 $0x1  }
0x17: {  	s4 =	simm.s32 $0x1BF5;
	[smem:$0x3FA9] =	sst s0  }
0x18: {  	s0 =	sld [smem:$0x3F8C];
	_ =	swait.ge [sflag:s4], $0x0  }
0x19: {  	s7 =	sld [smem:$0x3F8D]  }
0x1a: {  	s8 =	sadd.s32 $0xFFFFE003, lr  }
0x1b: {  	s9 =	sadd.s32 $0xFFFFFEF7, lr;
	s5 =	simm.s32 $0xFFFFFFFF;
	p2 =	slt.u32 s8, $0xFFFFF086  }
0x1c: {  	p1 =	slt.u32 s9, $0xF7A;
	s5 =	simm.s32 @!p2 $0x0  }
0x1d: {  	s5 =	simm.s32 @p1 $0x1;
	p0 =	seq.s32 s7, s2  }
0x1e: {  	s7 =	smul.u32 @!p0 $0xF7A, s2;
	p2 =	seq.s32 @!p0 s5, $0x0  }
0x1f: {  	s9 =	smul.u32 $0xF7A, s1;
	s8 =	simm.s32 @!p0 $0x1BF5;
	p2 =	por !p2, p0  }
0x20: {  	[sflag:s8] =	ssyncset.s32 @!p0 $0xFFFFF086;
	s6 =	sadd.s32 @!p0 s3, s7;
	s7 =	simm.s32 @!p0 $0x108  }
0x21: {  	s3 =	sadd.s32 s3, s9;
	s6 =	sadd.s32 @!p0 $0x88, s6;
	s7 =	simm.s32 @p2 $0x1082  }
0x22: {  	[simem:s7], [sflag:s8] =	dma.local @!p0 [hbm:s6], $0xF7A  }
0x23: {  	s9 =	sor.u32 $0xD0000000, s2;
	s6 =	simm.s32 $0x108;
	_ =	swait.ge @!p0 [sflag:s8], $0x0  }
0x24: {  	s3 =	sadd.s32 $0x88, s3;
	s6 =	simm.s32 @!p1 $0x1082;
	[sflag:s4] =	ssyncset.s32 $0xFFFFF086  }
0x25: {  	[simem:s6], [sflag:s4] =	dma.local [hbm:s3], $0xF7A  }
0x26: {  	[smem:$0x3F8D] =	sst s1;
	(tag) =	ssettag s2;
	_ =	strace s9  }
0x27: {  	s1 =	sld [smem:$0x3F9D]  }
0x28: {  	s2 =	sld [smem:$0x3F9E]  }
0x29: {  	s4 =	sld [smem:$0x3FA0]  }
0x2a: {  	p0 =	seq.s32 s5, $0x0;
	s5 =	sld [smem:$0x3FA1]  }
0x2b: {  	s6 =	sld [smem:$0x3FA2]  }
0x2c: {  	s7 =	sld [smem:$0x3FA3]  }
0x2d: {  	s3 =	simm.s32 $0x108;
	s8 =	sld [smem:$0x3FA4]  }
0x2e: {  	s3 =	simm.s32 @!p0 $0x1082;
	s9 =	sld [smem:$0x3FA5]  }
0x2f: {  	lr =	sadd.s32 s0, s3;
	s0 =	sld [smem:$0x3F9C]  }
0x30: {  	s3 =	sld [smem:$0x3F9F]  }
0x31: {  	[smem:$0x3FA8] =	sst s10  }
0x32: {  	s10 =	sld [smem:$0x3FA6];
	_ =	sdelay $0x3  }
0x33: {  	p0 =	seq.s32 s10, $0x1;
	s10 =	sld [smem:$0x3FA8];
	_ =	sdelay $0x3  }
0x34: {  	[smem:$0x3FA8] =	sst s10  }
0x35: {  	s10 =	sld [smem:$0x3FA7];
	_ =	sdelay $0x3  }
0x36: {  	p1 =	seq.s32 s10, $0x1;
	s10 =	sld [smem:$0x3FA8];
	_ =	sdelay $0x3  }
0x37: {  	[smem:$0x3FA8] =	sst s10  }
0x38: {  	s10 =	sld [smem:$0x3FA9]  }
0x39: {  	_ = 	snop;
	(pc) =	sbr.ind lr, $3  }
0x3a: {  	_ = 	snop  }
0x3b: {  	_ = 	snop  }
0x3c: {  	p2 =	seq.s32 s10, $0x1;
	s10 =	sld [smem:$0x3FA8]  }
0x3d: {  	_ =	shalt  }
0x3e: {  	_ =	shalt  }
0x3f: {  	_ =	shalt  }
0x40: {  	_ =	shalt  }
0x41: {  	_ =	shalt  }
0x42: {  	_ =	shalt  }
0x43: {  	_ =	shalt  }
0x44: {  	_ =	shalt  }
0x45: {  	_ =	shalt  }
0x46: {  	_ =	shalt  }
0x47: {  	_ =	shalt  }
0x48: {  	_ =	shalt  }
0x49: {  	_ =	shalt  }
0x4a: {  	_ =	shalt  }
0x4b: {  	_ =	shalt  }
0x4c: {  	_ =	shalt  }
0x4d: {  	_ =	shalt  }
0x4e: {  	_ =	shalt  }
0x4f: {  	_ =	shalt  }
0x50: {  	_ =	shalt  }
0x51: {  	_ =	shalt  }
0x52: {  	_ =	shalt  }
0x53: {  	_ =	shalt  }
0x54: {  	_ =	shalt  }
0x55: {  	_ =	shalt  }
0x56: {  	_ =	shalt  }
0x57: {  	_ =	shalt  }
0x58: {  	_ =	shalt  }
0x59: {  	_ =	shalt  }
0x5a: {  	_ =	shalt  }
0x5b: {  	_ =	shalt  }
0x5c: {  	_ =	shalt  }
0x5d: {  	_ =	shalt  }
0x5e: {  	_ =	shalt  }
0x5f: {  	_ =	shalt  }
0x60: {  	_ =	shalt  }
0x61: {  	_ =	shalt  }
0x62: {  	_ =	shalt  }
0x63: {  	_ =	shalt  }
0x64: {  	_ =	shalt  }
0x65: {  	_ =	shalt  }
0x66: {  	_ =	shalt  }
0x67: {  	_ =	shalt  }
0x68: {  	_ =	shalt  }
0x69: {  	_ =	shalt  }
0x6a: {  	_ =	shalt  }
0x6b: {  	_ =	shalt  }
0x6c: {  	_ =	shalt  }
0x6d: {  	_ =	shalt  }
0x6e: {  	_ =	shalt  }
0x6f: {  	_ =	shalt  }
0x70: {  	_ =	shalt  }
0x71: {  	_ =	shalt  }
0x72: {  	_ =	shalt  }
0x73: {  	_ =	shalt  }
0x74: {  	_ =	shalt  }
0x75: {  	_ =	shalt  }
0x76: {  	_ =	shalt  }
0x77: {  	_ =	shalt  }
0x78: {  	_ =	shalt  }
0x79: {  	_ =	shalt  }
0x7a: {  	_ =	shalt  }
0x7b: {  	_ =	shalt  }
0x7c: {  	_ =	shalt  }
0x7d: {  	_ =	shalt  }
0x7e: {  	_ =	shalt  }
0x7f: {  	_ =	shalt  }
0x80: {  	_ =	shalt  }
0x81: {  	_ =	shalt  }
0x82: {  	_ =	shalt  }
0x83: {  	_ =	shalt  }
0x84: {  	_ =	shalt  }
0x85: {  	_ =	shalt  }
0x86: {  	_ =	shalt  }
0x87: {  	_ =	shalt  }
.Lfunc_end0:
.L_simem_size_0:
called_computation.4_lowered:
.L_overlay_start_0:
0x88: {  	s2 =	sld [smem:$0x3FD9]  }
0x89: {  	s3 =	sld [smem:$0x3FFE];
	_ =	sdelay $0x1  }
0x8a: {  	s1 =	srdreg.scid  }
0x8b: {  	s0 =	sand.u32 $0x1, s1  }
0x8c: {  	s16 =	sshll.u32 s0, $0xA;
	s2 =	sadd.s32 s3, s2  }
0x8d: {  	s2 =	sadd.s32 s2, s16  }
0x8e: {  	[smem:$0x3FB4] =	sst s2  }
0x8f: {  	_ = 	snop  }
0x90: {  	(tm) =	ssettm $0x1  }
0x91: {  	s17 =	sld [smem:$0x3FFB];
	_ =	sdelay $0x3  }
0x92: {  	_ =	strace s17  }
0x93: {  	s2 =	sld [smem:$0x3FFC];
	_ =	sdelay $0x3  }
0x94: {  	_ =	strace s2  }
0x95: {  	s2 =	sld [smem:$0x3FFD];
	_ =	sdelay $0x3  }
0x96: {  	_ =	strace s2  }
0x97: {  	_ =	strace $0x8FFFFFFF  }
0x98: {  	s18 =	sld [smem:$0x3FDB];
	_ =	sdelay $0x1  }
0x99: {  	s19 =	simm.s32 $_scs_section_size  }
0x9a: {  	s4 =	simm.s32 $_size__tile_overlayer_lowered;
	s5 =	simm.s32 $_tile_overlayer_lowered  }
0x9b: {  	s22 =	simm.s32 $0x1BFF;
	s21 =	sshll.u32 s5, $0x1;
	s2 =	sadd.s32 s19, s18  }
0x9c: {  	s6 =	simm.s32 $0x0;
	s20 =	sshll.u32 s4, $0x1;
	s4 =	sadd.s32 s21, s2  }
0x9d: {  	[timem:s6], [sflag:s22] =	dma.local [hbm:s4], s20  }
0x9e: {  	_ =	swait.ge [sflag:s22], s20  }
0x9f: {  	s3 =	ssub.s32 $0x0, s20;
	[sflag:s22] =	ssyncset.done $0x0  }
0xa0: {  	[sflag:s22] =	ssyncadd.s32 s3;
	_ =	sdelay $0x1  }
0xa1: {  	s23 =	simm.s32 $0x1B8B  }
0xa2: {  	_ =	swait.ge [sflag:s23], $0x1  }
0xa3: {  	[sflag:s23] =	ssyncset.done $0x0  }
0xa4: {  	s25 =	simm.s32 $0x1B8E;
	s24 =	sld [smem:$0x3FFE];
	[sflag:s23] =	ssyncadd.s32 $0xFFFFFFFF  }
0xa5: {  	s26 =	simm.s32 $execute0_lowered;
	[smem:$0x3FD2] =	sst s25  }
0xa6: {  	s4 =	sshll.u32 s26, $0x1;
	_ =	strace $0x80000052;
	[dreg:$0x1] =	wrdreg $0xFFFFFFFF  }
0xa7: {  	s28 =	simm.s32 $_size_execute0_lowered;
	s2 =	sadd.s32 s2, s4;
	[dreg:$0x0] =	wrdreg $0x0  }
0xa8: {  	s4 =	sshll.u32 s28, $0x1;
	[dreg:$0x2] =	wrdreg s2  }
0xa9: {  	[dreg:$0x3] =	wrdreg s4  }
0xaa: {  	[dreg:$0x4] =	wrdreg $0xC0  }
0xab: {  	_ =	task [dreg:s6], $0x5FFFF  }
0xac: {  	[dreg:$0x1] =	wrdreg $0xFFFFFFFF  }
0xad: {  	[dreg:$0x0] =	wrdreg $0x60  }
0xae: {  	[dreg:$0x2] =	wrdreg s24  }
0xaf: {  	[dreg:$0x3] =	wrdreg $0x0  }
0xb0: {  	[dreg:$0x4] =	wrdreg $0x9  }
0xb1: {  	_ =	task.clear_ibuf [dreg:s6], $0x5FFFF;
	_ =	strace $0x90000052  }
0xb2: {  	s29 =	simm.s32 $0x9;
	_ =	strace $0x80000054  }
0xb3: {  	_ =	swait.ge [sflag:s29], $0x1  }
0xb4: {  	[sflag:s29] =	ssyncadd.s32 $0xFFFFFFFF  }
0xb5: {  	_ =	strace $0x90000054  }
0xb6: {  	_ =	sfence  }
0xb7: {  	s30 =	sld [smem:$0x0];
	_ =	sdelay $0x2  }
0xb8: {  	s31 =	sshll.u32 s1, $0xD;
	s1 =	sshrl.u32 s1, $0x2  }
0xb9: {  	s3 =	sand.u32 $0x4000, s31;
	s1 =	sadd.s32 s1, s30  }
0xba: {  	s0 =	sor.u32 s3, s0;
	s1 =	sshll.u32 s1, $0x11  }
0xbb: {  	s0 =	sor.u32 s1, s0  }
0xbc: {  	s0 =	sadd.s32 $0x8F2B, s0  }
0xbd: {  	[sflag:s0] =	ssyncadd.remote.s32 $0x1  }
0xbe: {  	_ =	sfence.sel $0xFFFF  }
0xbf: {  	[dreg:$0x0] =	wrdreg $0xFFFFFFFF;
	(pc) =	sbr.abs _section_cstart, $3  }
0xc0: {  	[dreg:$0x1] =	wrdreg $0xFFFFFFFF  }
0xc1: {  	_ =	task.clear_ibuf [dreg:s6], $0x2FFFF;
	_ =	strace $0x9FFFFFFF  }
0xc2: {  	(tm) =	ssettm $0x7FFFFFFF  }
0xc3: {  	_ =	shalt  }
tec
execute0_lowered:
.L_overlay_start_1:
0x0: {  	(tag) =	ssettag $0x1  }
0x1: {  	s0 =	rddreg [dreg:$0x0]  }
0x2: {  	s1 =	rddreg [dreg:$0x1]  }
0x3: {  	s3 =	simm.s32 $0x0;
	s2 =	srdreg.scid;
	s14 =	stileid.u32  }
0x4: {  	s28 =	simm.s32 $0x1;
	s29 =	simm.s32 $0x2;
	s30 =	simm.s32 $0x18200  }
0x5: {  	s31 =	simm.s32 $0x0;
	[smem:$0x7FF] =	sst s3;
	s5 =	smul.u32 $0x2800, s14  }
0x6: {  	s2 =	sand.u32 $0x1, s2;
	s4 =	sadd.s32 $0x4A00, s0;
	s8 =	smul.u32 $0x50000, s14  }
0x7: {  	s17 =	sadd.s32 $0x2D600, s0;
	s19 =	sadd.s32 $0x37400, s0;
	s20 =	smul.u32 $0x9E0, s14  }
0x8: {  	s7 =	sshll.u32 s14, $0x1;
	_ =	strace $0x80000053;
	s6 =	smul.u32 $0x28000, s2  }
0x9: {  	s21 =	ssub.s32 $0x2, s2;
	s12 =	sor.u32 s2, s7;
	s2 =	smul.u32 $0x4F0, s2  }
0xa: {  	s22 =	sshrl.u32 s21, $0x1;
	s8 =	sshrl.u32 s8, $0x2;
	s9 =	smul.u32 $0x2780, s12  }
0xb: {  	s16 =	smul.u32 $0x4F0, s12;
	s18 =	sadd.s32 s20, s17;
	s26 =	sadd.s32 s20, s19  }
0xc: {  	s20 =	simm.s32 $0x14200;
	s5 =	sadd.s32 s5, s6;
	s15 =	ssub.s32 s21, s22  }
0xd: {  	s18 =	sadd.s32 s2, s18;
	s21 =	simm.s32 $0x3;
	s22 =	simm.s32 $0x14000  }
0xe: {  	s0 =	sadd.s32 s5, s0;
	s5 =	sadd.s32 s8, s1;
	s13 =	sshrl.u32 s9, $0x3  }
0xf: {  	s25 =	sadd.s32 $0x4E0, s16;
	s15 =	smax.u32 s15, $0x1;
	s23 =	sadd.s32 $0x4000, s5  }
0x10: {  	s24 =	sadd.s32 $0x8000, s5;
	s8 =	sadd.s32 $0xC000, s5;
	s9 =	sadd.s32 $0x10000, s5  }
0x11: {  	s10 =	sadd.s32 s17, s13;
	s11 =	sadd.s32 s19, s13;
	s13 =	sadd.s32 $0x10, s13  }
0x12: {  	s14 =	sadd.s32 $0x41200, s0;
	s16 =	sadd.s32 s17, s25;
	[dreg:$0x3] =	wrdreg s23  }
0x13: {  	[dreg:$0x4] =	wrdreg s24;
	s12 =	sadd.s32 s17, s13;
	s13 =	sadd.s32 s19, s13  }
0x14: {  	s17 =	sadd.s32 s19, s25;
	s19 =	sadd.s32 s2, s26;
	s23 =	simm.s32 $0x14080  }
0x15: {  	v0 =	vimm.f32 $0.0e+00;
	s24 =	simm.s32 $0x14100;
	s25 =	simm.s32 $0x14180;
	s26 =	simm.s32 $0x80  }
.LBB2_1:
0x16: {  	s0 =	simm.s32 $0x0;
	s2 =	simm.s32 $0x200  }
.LBB2_2:
0x17: {  	p0 =	sne.s32 s2, $0xFE00;
	[tilespmem:s0+$0x14270] =	vst v0  }
0x18: {  	[tilespmem:s0+$0x14200] =	vst v0  }
0x19: {  	[tilespmem:s0+$0x14210] =	vst v0  }
.Ltmp0:
0x1a: {  	[tilespmem:s0+$0x14220] =	vst v0;
	(pc) =	sbr.rel @p0 .LBB2_2-.Ltmp0, $4  }
0x1b: {  	[tilespmem:s0+$0x14230] =	vst v0  }
0x1c: {  	[tilespmem:s0+$0x14240] =	vst v0  }
0x1d: {  	[tilespmem:s0+$0x14250] =	vst v0  }
0x1e: {  	[tilespmem:s0+$0x14260] =	vst v0;
	s0 =	sshra.s32 s2, $0x2;
	s2 =	sadd.s32 $0x200, s2  }
0x1f: {  	[tilespmem:s0+$0x14270] =	vst v0  }
0x20: {  	[tilespmem:s0+$0x14200] =	vst v0  }
0x21: {  	[tilespmem:s0+$0x14210] =	vst v0  }
0x22: {  	[tilespmem:s0+$0x14220] =	vst v0  }
0x23: {  	[tilespmem:s0+$0x14230] =	vst v0  }
0x24: {  	[tilespmem:s0+$0x14240] =	vst v0  }
0x25: {  	[tilespmem:s0+$0x14250] =	vst v0  }
0x26: {  	[tilespmem:s0+$0x14260] =	vst v0  }
0x27: {  	[spmem:s5] =	stream.linear.scatter [tilespmem:s20], [sflag:$0x3], $0x4000, $0x38;
	[tilespmem:$0x1C200] =	vst v63  }
0x28: {  	_ =	swait.ge [sflag:s21], $0x4000  }
0x29: {  	[sflag:s21] =	ssyncset.done $0x0  }
0x2a: {  	s7 =	rddreg [dreg:$0x3];
	[sflag:s21] =	ssyncadd.s32 $0xFFFFC000  }
0x2b: {  	[spmem:s7] =	stream.linear.scatter [tilespmem:s20], [sflag:$0x3], $0x4000, $0x38;
	[tilespmem:$0x1C200] =	vst v63  }
0x2c: {  	_ =	swait.ge [sflag:s21], $0x4000  }
0x2d: {  	[sflag:s21] =	ssyncset.done $0x0  }
0x2e: {  	s2 =	rddreg [dreg:$0x4];
	[sflag:s21] =	ssyncadd.s32 $0xFFFFC000  }
0x2f: {  	[spmem:s2] =	stream.linear.scatter [tilespmem:s20], [sflag:$0x3], $0x4000, $0x38;
	[tilespmem:$0x1C200] =	vst v63  }
0x30: {  	_ =	swait.ge [sflag:s21], $0x4000  }
0x31: {  	[sflag:s21] =	ssyncset.done $0x0  }
0x32: {  	[sflag:s21] =	ssyncadd.s32 $0xFFFFC000  }
0x33: {  	[spmem:s8] =	stream.linear.scatter [tilespmem:s20], [sflag:$0x3], $0x4000, $0x38;
	[tilespmem:$0x1C200] =	vst v63  }
0x34: {  	_ =	swait.ge [sflag:s21], $0x4000  }
0x35: {  	[sflag:s21] =	ssyncset.done $0x0  }
0x36: {  	[sflag:s21] =	ssyncadd.s32 $0xFFFFC000  }
0x37: {  	[spmem:s9] =	stream.linear.scatter [tilespmem:s20], [sflag:$0x3], $0x4000, $0x38;
	[tilespmem:$0x1C200] =	vst v63  }
0x38: {  	_ =	swait.ge [sflag:s21], $0x4000  }
0x39: {  	[sflag:s21] =	ssyncset.done $0x0  }
0x3a: {  	[sflag:s21] =	ssyncadd.s32 $0xFFFFC000  }
0x3b: {  	s6 =	simm.s32 $0x0;
	[bflag:$0x0] =	sbarrier.arrive $0xFFFF  }
0x3c: {  	[tilespmem:s22], [sflag:$0x3] =	stream.linear.gather [hbm4b:s10+s6], $0x80, $0x38;
	[tilespmem:$0x1C200] =	vst v63  }
0x3d: {  	_ =	swait.ge [sflag:s21], $0x80  }
0x3e: {  	[sflag:s21] =	ssyncset.done $0x0  }
0x3f: {  	[sflag:s21] =	ssyncadd.s32 $0xFFFFFF80  }
0x40: {  	[tilespmem:s23], [sflag:$0x3] =	stream.linear.gather [hbm4b:s11+s6], $0x80, $0x38;
	[tilespmem:$0x1C200] =	vst v63  }
0x41: {  	_ =	swait.ge [sflag:s21], $0x80  }
0x42: {  	[sflag:s21] =	ssyncset.done $0x0  }
0x43: {  	[sflag:s21] =	ssyncadd.s32 $0xFFFFFF80  }
0x44: {  	[tilespmem:s24], [sflag:$0x2] =	stream.linear.gather [hbm4b:s12+s6], $0x80, $0x38;
	[tilespmem:$0x1C200] =	vst v63  }
0x45: {  	_ = 	snop  }
0x46: {  	[tilespmem:s25], [sflag:$0x2] =	stream.linear.gather [hbm4b:s13+s6], $0x80, $0x38;
	[tilespmem:$0x1C200] =	vst v63  }
0x47: {  	_ = 	snop  }
0x48: {  	[tilespmem:s20], [sflag:$0x1] =	stream.indirect.gather [hbm4b:s4+s26], $0x80, s22, s26, $0xb8;
	[tilespmem:$0x1C200] =	vst v63  }
0x49: {  	_ =	swait.ge [sflag:s28], $0x4000  }
0x4a: {  	[sflag:s28] =	ssyncset.done $0x0  }
0x4b: {  	[sflag:s28] =	ssyncadd.s32 $0xFFFFC000  }
0x4c: {  	_ =	swait.ge [sflag:s29], $0x80  }
0x4d: {  	[sflag:s29] =	ssyncset.done $0x0  }
0x4e: {  	[sflag:s29] =	ssyncadd.s32 $0xFFFFFF80  }
0x4f: {  	_ =	swait.ge [sflag:s29], $0x80  }
0x50: {  	[sflag:s29] =	ssyncset.done $0x0  }
0x51: {  	[sflag:s29] =	ssyncadd.s32 $0xFFFFFF80  }
0x52: {  	[tilespmem:s30], [sflag:$0x1] =	stream.indirect.gather [hbm4b:s4+s26], $0x80, s24, s26, $0xb8;
	[tilespmem:$0x1C200] =	vst v63  }
0x53: {  	_ = 	snop  }
0x54: {  	[spmem:s1] =	stream.indirect.scatter.add.f32 [tilespmem:s20], [sflag:$0x3], $0x80, s23, s26, $0xb8;
	[tilespmem:$0x1C200] =	vst v63  }
0x55: {  	_ =	swait.ge [sflag:s21], $0x4000  }
0x56: {  	s0 =	sadd.s32 $0x0, s18;
	[sflag:s21] =	ssyncset.done $0x0  }
0x57: {  	s2 =	sadd.s32 $0x20, s0;
	s6 =	sadd.s32 $0x0, s19;
	[sflag:s21] =	ssyncadd.s32 $0xFFFFC000  }
0x58: {  	[tilespmem:s22], [sflag:$0x2] =	stream.linear.gather [hbm4b:s2+s3], $0x80, $0x38;
	[tilespmem:$0x1C200] =	vst v63  }
0x59: {  	s7 =	sadd.s32 $0x20, s6  }
0x5a: {  	[tilespmem:s23], [sflag:$0x2] =	stream.linear.gather [hbm4b:s7+s3], $0x80, $0x38;
	[tilespmem:$0x1C200] =	vst v63  }
0x5b: {  	_ =	swait.ge [sflag:s28], $0x4000  }
0x5c: {  	[sflag:s28] =	ssyncset.done $0x0  }
0x5d: {  	[sflag:s28] =	ssyncadd.s32 $0xFFFFC000  }
0x5e: {  	_ =	swait.ge [sflag:s29], $0x80  }
0x5f: {  	[sflag:s29] =	ssyncset.done $0x0  }
0x60: {  	[sflag:s29] =	ssyncadd.s32 $0xFFFFFF80  }
0x61: {  	_ =	swait.ge [sflag:s29], $0x80  }
0x62: {  	[sflag:s29] =	ssyncset.done $0x0  }
0x63: {  	[sflag:s29] =	ssyncadd.s32 $0xFFFFFF80  }
0x64: {  	[tilespmem:s20], [sflag:$0x1] =	stream.indirect.gather [hbm4b:s4+s26], $0x80, s22, s26, $0xb8;
	[tilespmem:$0x1C200] =	vst v63  }
0x65: {  	_ = 	snop  }
0x66: {  	[spmem:s1] =	stream.indirect.scatter.add.f32 [tilespmem:s30], [sflag:$0x3], $0x80, s25, s26, $0xb8;
	[tilespmem:$0x1C200] =	vst v63  }
0x67: {  	_ =	swait.ge [sflag:s21], $0x4000  }
0x68: {  	[sflag:s21] =	ssyncset.done $0x0  }
0x69: {  	s0 =	sadd.s32 $0x30, s0;
	[sflag:s21] =	ssyncadd.s32 $0xFFFFC000  }
0x6a: {  	[tilespmem:s24], [sflag:$0x2] =	stream.linear.gather [hbm4b:s0+s3], $0x80, $0x38;
	[tilespmem:$0x1C200] =	vst v63  }
0x6b: {  	s2 =	sadd.s32 $0x30, s6;
	s0 =	simm.s32 $0x20  }
.LBB2_4:
0x6c: {  	[tilespmem:s25], [sflag:$0x2] =	stream.linear.gather [hbm4b:s2+s3], $0x80, $0x38;
	[tilespmem:$0x1C200] =	vst v63  }
0x6d: {  	s2 =	smov.u32 s0  }
0x6e: {  	p0 =	sne.s32 s0, $0x4A0;
	s0 =	sadd.s32 $0x20, s0;
	_ =	swait.ge [sflag:s28], $0x4000  }
0x6f: {  	[sflag:s28] =	ssyncset.done $0x0  }
0x70: {  	[sflag:s28] =	ssyncadd.s32 $0xFFFFC000  }
0x71: {  	_ =	swait.ge [sflag:s29], $0x80  }
0x72: {  	[sflag:s29] =	ssyncset.done $0x0  }
0x73: {  	[sflag:s29] =	ssyncadd.s32 $0xFFFFFF80  }
0x74: {  	_ =	swait.ge [sflag:s29], $0x80  }
0x75: {  	[sflag:s29] =	ssyncset.done $0x0  }
0x76: {  	[sflag:s29] =	ssyncadd.s32 $0xFFFFFF80  }
0x77: {  	[tilespmem:s30], [sflag:$0x1] =	stream.indirect.gather [hbm4b:s4+s26], $0x80, s24, s26, $0xb8;
	[tilespmem:$0x1C200] =	vst v63  }
0x78: {  	_ = 	snop  }
0x79: {  	[spmem:s1] =	stream.indirect.scatter.add.f32 [tilespmem:s20], [sflag:$0x3], $0x80, s23, s26, $0xb8;
	[tilespmem:$0x1C200] =	vst v63  }
0x7a: {  	_ =	swait.ge [sflag:s21], $0x4000  }
0x7b: {  	s6 =	sadd.s32 s2, s18;
	[sflag:s21] =	ssyncset.done $0x0  }
0x7c: {  	s2 =	sadd.s32 s2, s19;
	s7 =	sadd.s32 $0x20, s6;
	[sflag:s21] =	ssyncadd.s32 $0xFFFFC000  }
0x7d: {  	[tilespmem:s22], [sflag:$0x2] =	stream.linear.gather [hbm4b:s7+s3], $0x80, $0x38;
	[tilespmem:$0x1C200] =	vst v63  }
0x7e: {  	s7 =	sadd.s32 $0x20, s2  }
0x7f: {  	[tilespmem:s23], [sflag:$0x2] =	stream.linear.gather [hbm4b:s7+s3], $0x80, $0x38;
	[tilespmem:$0x1C200] =	vst v63  }
0x80: {  	_ =	swait.ge [sflag:s28], $0x4000  }
0x81: {  	[sflag:s28] =	ssyncset.done $0x0  }
0x82: {  	[sflag:s28] =	ssyncadd.s32 $0xFFFFC000  }
0x83: {  	_ =	swait.ge [sflag:s29], $0x80  }
0x84: {  	[sflag:s29] =	ssyncset.done $0x0  }
0x85: {  	[sflag:s29] =	ssyncadd.s32 $0xFFFFFF80  }
0x86: {  	_ =	swait.ge [sflag:s29], $0x80  }
0x87: {  	[sflag:s29] =	ssyncset.done $0x0  }
0x88: {  	[sflag:s29] =	ssyncadd.s32 $0xFFFFFF80  }
0x89: {  	[tilespmem:s20], [sflag:$0x1] =	stream.indirect.gather [hbm4b:s4+s26], $0x80, s22, s26, $0xb8;
	[tilespmem:$0x1C200] =	vst v63  }
0x8a: {  	_ = 	snop  }
0x8b: {  	[spmem:s1] =	stream.indirect.scatter.add.f32 [tilespmem:s30], [sflag:$0x3], $0x80, s25, s26, $0xb8;
	[tilespmem:$0x1C200] =	vst v63  }
.Ltmp1:
0x8c: {  	_ =	swait.ge [sflag:s21], $0x4000;
	(pc) =	sbr.rel @p0 .LBB2_4-.Ltmp1, $4  }
0x8d: {  	[sflag:s21] =	ssyncset.done $0x0  }
0x8e: {  	s6 =	sadd.s32 $0x30, s6;
	[sflag:s21] =	ssyncadd.s32 $0xFFFFC000  }
0x8f: {  	[tilespmem:s24], [sflag:$0x2] =	stream.linear.gather [hbm4b:s6+s3], $0x80, $0x38;
	[tilespmem:$0x1C200] =	vst v63  }
0x90: {  	s2 =	sadd.s32 $0x30, s2  }
0x91: {  	[tilespmem:s25], [sflag:$0x2] =	stream.linear.gather [hbm4b:s2+s3], $0x80, $0x38;
	[tilespmem:$0x1C200] =	vst v63  }
0x92: {  	_ =	swait.ge [sflag:s28], $0x4000  }
0x93: {  	[sflag:s28] =	ssyncset.done $0x0  }
0x94: {  	[sflag:s28] =	ssyncadd.s32 $0xFFFFC000  }
0x95: {  	_ =	swait.ge [sflag:s29], $0x80  }
0x96: {  	[sflag:s29] =	ssyncset.done $0x0  }
0x97: {  	[sflag:s29] =	ssyncadd.s32 $0xFFFFFF80  }
0x98: {  	_ =	swait.ge [sflag:s29], $0x80  }
0x99: {  	[sflag:s29] =	ssyncset.done $0x0  }
0x9a: {  	[sflag:s29] =	ssyncadd.s32 $0xFFFFFF80  }
0x9b: {  	[tilespmem:s30], [sflag:$0x1] =	stream.indirect.gather [hbm4b:s4+s26], $0x80, s24, s26, $0xb8;
	[tilespmem:$0x1C200] =	vst v63  }
0x9c: {  	_ = 	snop  }
0x9d: {  	[spmem:s1] =	stream.indirect.scatter.add.f32 [tilespmem:s20], [sflag:$0x3], $0x80, s23, s26, $0xb8;
	[tilespmem:$0x1C200] =	vst v63  }
0x9e: {  	_ =	swait.ge [sflag:s21], $0x4000  }
0x9f: {  	[sflag:s21] =	ssyncset.done $0x0  }
0xa0: {  	[sflag:s21] =	ssyncadd.s32 $0xFFFFC000  }
0xa1: {  	[tilespmem:s22], [sflag:$0x2] =	stream.linear.gather [hbm4b:s16+s3], $0x80, $0x38;
	[tilespmem:$0x1C200] =	vst v63  }
0xa2: {  	_ = 	snop  }
0xa3: {  	[tilespmem:s23], [sflag:$0x2] =	stream.linear.gather [hbm4b:s17+s3], $0x80, $0x38;
	[tilespmem:$0x1C200] =	vst v63  }
0xa4: {  	_ =	swait.ge [sflag:s28], $0x4000  }
0xa5: {  	[sflag:s28] =	ssyncset.done $0x0  }
0xa6: {  	[sflag:s28] =	ssyncadd.s32 $0xFFFFC000  }
0xa7: {  	_ =	swait.ge [sflag:s29], $0x80  }
0xa8: {  	[sflag:s29] =	ssyncset.done $0x0  }
0xa9: {  	[sflag:s29] =	ssyncadd.s32 $0xFFFFFF80  }
0xaa: {  	_ =	swait.ge [sflag:s29], $0x80  }
0xab: {  	[sflag:s29] =	ssyncset.done $0x0  }
0xac: {  	[sflag:s29] =	ssyncadd.s32 $0xFFFFFF80  }
0xad: {  	[tilespmem:s20], [sflag:$0x1] =	stream.indirect.gather [hbm4b:s4+s26], $0x80, s22, s26, $0xb8;
	[tilespmem:$0x1C200] =	vst v63  }
0xae: {  	_ = 	snop  }
0xaf: {  	[spmem:s1] =	stream.indirect.scatter.add.f32 [tilespmem:s30], [sflag:$0x3], $0x80, s25, s26, $0xb8;
	[tilespmem:$0x1C200] =	vst v63  }
0xb0: {  	_ =	swait.ge [sflag:s21], $0x4000  }
0xb1: {  	[sflag:s21] =	ssyncset.done $0x0  }
0xb2: {  	[sflag:s21] =	ssyncadd.s32 $0xFFFFC000  }
0xb3: {  	_ =	swait.ge [sflag:s28], $0x4000  }
0xb4: {  	[sflag:s28] =	ssyncset.done $0x0  }
0xb5: {  	[sflag:s28] =	ssyncadd.s32 $0xFFFFC000  }
0xb6: {  	[spmem:s1] =	stream.indirect.scatter.add.f32 [tilespmem:s20], [sflag:$0x3], $0x80, s23, s26, $0xb8;
	[tilespmem:$0x1C200] =	vst v63  }
0xb7: {  	s0 =	stileid.u32;
	_ =	swait.ge [sflag:s21], $0x4000  }
0xb8: {  	s7 =	sshrl.u32 s5, $0x3;
	s31 =	sadd.s32 $0x1, s31;
	[sflag:s21] =	ssyncset.done $0x0  }
0xb9: {  	s0 =	sshll.u32 s0, $0x6;
	p0 =	sne.s32 s31, s15;
	[sflag:s21] =	ssyncadd.s32 $0xFFFFC000  }
.Ltmp2:
0xba: {  	s0 =	sor.u32 $0x1C03, s0;
	[bflag:$0x0] =	sbarrier.arrive $0xFFFF;
	(pc) =	sbr.rel @p0 .LBB2_1-.Ltmp2, $4  }
0xbb: {  	[hbm:s14], [sflag:s0] =	dma.local [spmem:s7], $0x2800  }
0xbc: {  	_ =	swait.ge [sflag:s21], $0x2800  }
0xbd: {  	[sflag:s21] =	ssyncset.done $0x0  }
0xbe: {  	[sflag:s21] =	ssyncadd.s32 $0xFFFFD800  }
0xbf: {  	_ =	sfence.sel $0x180000  }
0xc0: {  	[bflag:$0x0] =	sbarrier.arrive $0xFFFF  }
0xc1: {  	_ =	strace $0x90000053  }
0xc2: {  	s0 =	stileid.u32;
	[bflag:$0x2] =	sbarrier.arrive $0xFFFF  }
0xc3: {  	p0 =	sne.s32 s0, $0x0;
	s0 =	rddreg [dreg:$0x2]  }
0xc4: {  	s0 =	sadd.s32 @!p0 $0x100000, s0  }
0xc5: {  	[sflag:s0] =	ssyncadd.tile.s32 @!p0 $0x1;
	_ =	shalt  }
.Lfunc_end2:
_tile_overlayer_lowered:
.L_overlay_start_2:
0xc6: {  	(tag) =	ssettag $0x2  }
0xc7: {  	s0 =	rddreg [dreg:$0x0];
	s2 =	stileid.u32  }
0xc8: {  	s1 =	rddreg [dreg:$0x1];
	p0 =	sne.s32 s2, $0x0  }
0xc9: {  	s3 =	rddreg [dreg:$0x2];
	[bflag:$0x3] =	sbarrier.arrive $0xFFFF;
	s2 =	simm.s32 @!p0 $0x1C03  }
0xca: {  	[timem:s3], [sflag:s2] =	dma.local @!p0 [hbm:s0], s1  }
0xcb: {  	s0 =	simm.s32 @!p0 $0x3  }
0xcc: {  	_ =	swait.ge @!p0 [sflag:s0], s1  }
0xcd: {  	s1 =	ssub.s32 @!p0 $0x0, s1;
	[sflag:s0] =	ssyncset.done @!p0 $0x0  }
0xce: {  	[sflag:s0] =	ssyncadd.s32 @!p0 s1  }
0xcf: {  	[bflag:$0x3] =	sbarrier.arrive $0xFFFF  }
0xd0: {  	_ =	shalt  }

</sc_bundles>
